<compile_context>
chip_gen: v7x
topology: tpu7x:2x2x1
jax: 0.10.2.dev20260603
libtpu: 0.0.44.dev20260713+nightly
codegen_flags: <defaults>
</compile_context>

<pallas_src>
import functools

import jax
import jax.numpy as jnp
from jax import lax
from jax.experimental import pallas as pl
from jax.experimental.pallas import tpu as pltpu
from jax.experimental.pallas import tpu_sc as plsc

L = 16
NS = 16
BIG = 1e30
BIGI = 1 << 30


def _iota():
  return lax.iota(jnp.int32, L)


def _bcast(x, dtype):
  return jnp.full((L,), x, dtype=dtype)


def _shuf(x, sh):
  perm = jnp.bitwise_xor(_iota(), sh)
  return jnp.take_along_axis(x, perm, axis=0)


def _vmin(x):
  for sh in (1, 2, 4, 8):
    x = jnp.minimum(x, _shuf(x, sh))
  return x


def _vsum(x):
  for sh in (1, 2, 4, 8):
    x = x + _shuf(x, sh)
  return x


def _sc_body(npad, kpad, ngt, gpt, ppt, scale,
             px_h, py_h, ps_h, gx4_h, gy4_h, glab_h,
             ai_h, al_h, loss_h,
             px_v, py_v, ps_v, gx4_v, gy4_v, glab_v,
             gxv, gyv, gwv, ghv, gsv,
             mdrow_v, mirow_v, smd, smi, mdg_v, mig_v,
             ai_v, al_v, loss_v, dmasem1, dmasem2):
  sid = lax.axis_index("s")
  n_chunks = npad // L
  iot = _iota()

  cp_px = pltpu.async_copy(px_h, px_v, dmasem1)
  cp_py = pltpu.async_copy(py_h, py_v, dmasem2)
  pltpu.sync_copy(ps_h, ps_v)
  pltpu.sync_copy(gx4_h, gx4_v)
  pltpu.sync_copy(gy4_h, gy4_v)
  pltpu.sync_copy(glab_h, glab_v)

  def mm_body(c, carry):
    smin, smax = carry
    s = ps_v[pl.ds(sid * ppt + c * L, L)]
    real = s > 0.0
    smin = jnp.minimum(smin, jnp.where(real, s, BIG))
    smax = jnp.maximum(smax, jnp.where(real, s, -BIG))
    return smin, smax

  smin, smax = lax.fori_loop(
      0, ppt // L, mm_body,
      (jnp.full((L,), BIG, jnp.float32), jnp.full((L,), -BIG, jnp.float32)))
  mdrow_v[...] = jnp.where(iot < 8, _vmin(smin), _vmin(jnp.negative(smax)))
  pltpu.sync_copy(mdrow_v, smd.at[sid])
  plsc.subcore_barrier()
  pltpu.sync_copy(smd, mdg_v)
  plsc.subcore_barrier()

  def amerge_body(t, acc):
    row = plsc.load_gather(mdg_v, [_bcast(t, jnp.int32), iot])
    return jnp.minimum(acc, row)

  acc = lax.fori_loop(0, NS, amerge_body, jnp.full((L,), BIG, jnp.float32))
  smin_b = _vmin(jnp.where(iot < 8, acc, BIG))
  smax_b = jnp.negative(_vmin(jnp.where(iot < 8, BIG, acc)))

  for c in range(kpad // L):
    o = c * L
    xs0 = gx4_v[pl.ds(0 * kpad + o, L)]
    xs1 = gx4_v[pl.ds(1 * kpad + o, L)]
    xs2 = gx4_v[pl.ds(2 * kpad + o, L)]
    xs3 = gx4_v[pl.ds(3 * kpad + o, L)]
    ys0 = gy4_v[pl.ds(0 * kpad + o, L)]
    ys1 = gy4_v[pl.ds(1 * kpad + o, L)]
    ys2 = gy4_v[pl.ds(2 * kpad + o, L)]
    ys3 = gy4_v[pl.ds(3 * kpad + o, L)]
    x1 = jnp.minimum(jnp.minimum(xs0, xs1), jnp.minimum(xs2, xs3))
    x2 = jnp.maximum(jnp.maximum(xs0, xs1), jnp.maximum(xs2, xs3))
    y1 = jnp.minimum(jnp.minimum(ys0, ys1), jnp.minimum(ys2, ys3))
    y2 = jnp.maximum(jnp.maximum(ys0, ys1), jnp.maximum(ys2, ys3))
    w = jnp.maximum(x2 - x1, 1e-6)
    h = jnp.maximum(y2 - y1, 1e-6)
    p = (w * h) * (1.0 / (scale * scale))
    glvl = jnp.zeros((L,), jnp.int32)
    thr = 4.0
    for _ in range(12):
      glvl = glvl + jnp.where(p >= thr, 1, 0).astype(jnp.int32)
      thr = thr * 4.0
    gs = (jnp.int32(1) << glvl).astype(jnp.float32)
    gs = jnp.clip(gs, smin_b, smax_b)
    valid = (iot + o) < ngt
    gs = jnp.where(valid, gs, -2.0)
    gxv[pl.ds(o, L)] = (x1 + x2) * 0.5
    gyv[pl.ds(o, L)] = (y1 + y2) * 0.5
    gwv[pl.ds(o, L)] = 1.0 / w
    ghv[pl.ds(o, L)] = 1.0 / h
    gsv[pl.ds(o, L)] = gs

  cp_px.wait()
  cp_py.wait()

  def gt_body(j, carry):
    md_vec, mi_vec = carry
    g = sid * gpt + j
    gsp = _bcast(g, jnp.int32)
    gx_b = plsc.load_gather(gxv, [gsp])
    gy_b = plsc.load_gather(gyv, [gsp])
    gw_b = plsc.load_gather(gwv, [gsp])
    gh_b = plsc.load_gather(ghv, [gsp])
    gs_b = plsc.load_gather(gsv, [gsp])

    half = n_chunks // 2
    init = (jnp.full((L,), BIG, jnp.float32), jnp.zeros((L,), jnp.int32),
            jnp.full((L,), BIG, jnp.float32), jnp.zeros((L,), jnp.int32))

    @plsc.parallel_loop(0, half, 1, unroll=4, carry=init)
    def pt_loop(c, pc):
      d_a, i_a, d_b, i_b = pc
      base_a = c * L
      base_b = (c + half) * L
      pxa = px_v[pl.ds(base_a, L)]
      pya = py_v[pl.ds(base_a, L)]
      psa = ps_v[pl.ds(base_a, L)]
      pxb = px_v[pl.ds(base_b, L)]
      pyb = py_v[pl.ds(base_b, L)]
      psb = ps_v[pl.ds(base_b, L)]
      dxa = (pxa - gx_b) * gw_b
      dya = (pya - gy_b) * gh_b
      d2a = dxa * dxa + dya * dya
      dxb = (pxb - gx_b) * gw_b
      dyb = (pyb - gy_b) * gh_b
      d2b = dxb * dxb + dyb * dyb
      upd_a = (d2a < d_a) & (psa == gs_b)
      upd_b = (d2b < d_b) & (psb == gs_b)
      csp = _bcast(c, jnp.int32)
      d_a = jnp.where(upd_a, d2a, d_a)
      i_a = jnp.where(upd_a, csp, i_a)
      d_b = jnp.where(upd_b, d2b, d_b)
      i_b = jnp.where(upd_b, csp, i_b)
      return d_a, i_a, d_b, i_b

    d_a, i_a, d_b, i_b = pt_loop
    ia_full = i_a * L + iot
    ib_full = (i_b + half) * L + iot
    updm = d_b < d_a
    run_d2 = jnp.where(updm, d_b, d_a)
    run_idx = jnp.where(updm, ib_full, ia_full)
    md_b = _vmin(run_d2)
    cand = jnp.where(run_d2 == md_b, run_idx, BIGI)
    mi_b = _vmin(cand)
    lane = iot == _bcast(j, jnp.int32)
    md_vec = jnp.where(lane, md_b, md_vec)
    mi_vec = jnp.where(lane, mi_b, mi_vec)
    return md_vec, mi_vec

  md_vec, mi_vec = lax.fori_loop(
      0, gpt, gt_body,
      (jnp.full((L,), BIG, jnp.float32), jnp.zeros((L,), jnp.int32)))

  mdrow_v[...] = md_vec
  mirow_v[...] = mi_vec
  pltpu.sync_copy(mdrow_v, smd.at[sid])
  pltpu.sync_copy(mirow_v, smi.at[sid])
  plsc.subcore_barrier()
  pltpu.sync_copy(smd, mdg_v)
  pltpu.sync_copy(smi, mig_v)

  for c in range(ppt // L):
    ai_v[pl.ds(c * L, L)] = jnp.zeros((L,), jnp.int32)
    al_v[pl.ds(c * L, L)] = jnp.zeros((L,), jnp.int32)

  base = sid * ppt
  base_b = _bcast(base, jnp.int32)
  lsum = jnp.zeros((L,), jnp.float32)
  lcnt = jnp.zeros((L,), jnp.float32)
  for r in range(gpt):
    k_vec = iot * gpt + r
    rsp = _bcast(r, jnp.int32)
    md_col = plsc.load_gather(mdg_v, [iot, rsp])
    mi_col = plsc.load_gather(mig_v, [iot, rsp])
    valid_k = md_col < (BIG * 0.5)

    def kill_body(jt, killed):
      jtsp = _bcast(jt, jnp.int32)
      k = killed
      for jj in range(gpt):
        jjsp = _bcast(jj, jnp.int32)
        md_j = plsc.load_gather(mdg_v, [jtsp, jjsp])
        mi_j = plsc.load_gather(mig_v, [jtsp, jjsp])
        g_j = jt * gpt + jj
        g_j_b = _bcast(g_j, jnp.int32)
        better = (md_j < md_col) | ((md_j == md_col) & (g_j_b < k_vec))
        k = k | ((md_j < (BIG * 0.5)) & (mi_j == mi_col) & better)
      return k

    killed = lax.fori_loop(0, NS, kill_body, jnp.zeros((L,), jnp.bool_))
    win = valid_k & jnp.logical_not(killed)

    lsum = lsum + jnp.where(win, md_col, 0.0)
    lcnt = lcnt + jnp.where(win, 1.0, 0.0)

    mine = win & (mi_col >= base_b) & (mi_col < base_b + ppt)
    loc = mi_col - base_b
    loc = jnp.where(mine, loc, 0)
    plsc.store_scatter(ai_v, [loc], k_vec + 1, mask=mine)
    labs = plsc.load_gather(glab_v, [k_vec])
    plsc.store_scatter(al_v, [loc], labs, mask=mine)

  total = _vsum(lsum)
  cnt = _vsum(lcnt)
  loss_v[...] = total / jnp.maximum(cnt, 1.0)

  pltpu.sync_copy(ai_v, ai_h.at[pl.ds(base, ppt)])
  pltpu.sync_copy(al_v, al_h.at[pl.ds(base, ppt)])

  @pl.when(sid == 0)
  def _():
    pltpu.sync_copy(loss_v, loss_h)


@jax.jit
def kernel(points, gt_obboxes, gt_labels):
  n = points.shape[0]
  k = gt_obboxes.shape[0]
  scale = 4.0

  npad = ((n + L * NS - 1) // (L * NS)) * (L * NS)
  ppt = npad // NS
  gpt = (k + NS - 1) // NS
  kpad = gpt * NS

  px = jnp.pad(points[:, 0], (0, npad - n))
  py = jnp.pad(points[:, 1], (0, npad - n))
  ps = jnp.pad(points[:, 2], (0, npad - n), constant_values=-1.0)
  gx4 = jnp.pad(gt_obboxes[:, 0::2].T, ((0, 0), (0, kpad - k)),
                constant_values=1.0).reshape(-1)
  gy4 = jnp.pad(gt_obboxes[:, 1::2].T, ((0, 0), (0, kpad - k)),
                constant_values=1.0).reshape(-1)
  glab = jnp.pad(gt_labels.astype(jnp.int32), (0, kpad - k))

  mesh = plsc.VectorSubcoreMesh(
      core_axis_name="c", subcore_axis_name="s", num_cores=1, num_subcores=NS)

  body = functools.partial(_sc_body, npad, kpad, k, gpt, ppt, scale)
  f = pl.kernel(
      body,
      out_type=[
          jax.ShapeDtypeStruct((npad,), jnp.int32),
          jax.ShapeDtypeStruct((npad,), jnp.int32),
          jax.ShapeDtypeStruct((L,), jnp.float32),
      ],
      mesh=mesh,
      compiler_params=pltpu.CompilerParams(
          needs_layout_passes=False, use_tc_tiling_on_sc=False),
      scratch_types=[
          pltpu.VMEM((npad,), jnp.float32),
          pltpu.VMEM((npad,), jnp.float32),
          pltpu.VMEM((npad,), jnp.float32),
          pltpu.VMEM((4 * kpad,), jnp.float32),
          pltpu.VMEM((4 * kpad,), jnp.float32),
          pltpu.VMEM((kpad,), jnp.int32),
          pltpu.VMEM((kpad,), jnp.float32),
          pltpu.VMEM((kpad,), jnp.float32),
          pltpu.VMEM((kpad,), jnp.float32),
          pltpu.VMEM((kpad,), jnp.float32),
          pltpu.VMEM((kpad,), jnp.float32),
          pltpu.VMEM((L,), jnp.float32),
          pltpu.VMEM((L,), jnp.int32),
          pltpu.VMEM_SHARED((NS, L), jnp.float32),
          pltpu.VMEM_SHARED((NS, L), jnp.int32),
          pltpu.VMEM((NS, L), jnp.float32),
          pltpu.VMEM((NS, L), jnp.int32),
          pltpu.VMEM((ppt,), jnp.int32),
          pltpu.VMEM((ppt,), jnp.int32),
          pltpu.VMEM((L,), jnp.float32),
          pltpu.SemaphoreType.DMA,
          pltpu.SemaphoreType.DMA,
      ],
  )
  ai, al, loss = f(px, py, ps, gx4, gy4, glab)
  return ai[:n], al[:n], loss[0]

# --- scband reference (transcript-rebuilt; emitter-appended) ---
"""Pipeline reference for scband-oriented-rep-points-loss-86174223827190 (READ-ONLY COPY).

The authoritative reference and input builder live on the scoring server;
editing this copy changes nothing except your own understanding.
"""

import jax, jax.numpy as jnp
import numpy as np

N = 20000
K = 100
SCALE = 4.0

def setup_inputs(seed: int = 0):
    key = jax.random.key(seed)
    k1, k2, k3, k4, k5 = jax.random.split(key, 5)
    strides = jnp.array([8.0, 16.0, 32.0, 64.0, 128.0], dtype=jnp.float32)
    lvl = jax.random.randint(k1, (N,), 0, 5)
    stride = strides[lvl]
    xy = jax.random.uniform(k2, (N, 2), dtype=jnp.float32) * 1024.0
    points = jnp.concatenate([xy, stride[:, None]], axis=1)
    ctr = jax.random.uniform(k3, (K, 2), dtype=jnp.float32) * 900.0 + 60.0
    wh = jax.random.uniform(k4, (K, 2), dtype=jnp.float32) * 200.0 + 30.0
    x1 = ctr[:, 0] - wh[:, 0] / 2.0
    x2 = ctr[:, 0] + wh[:, 0] / 2.0
    y1 = ctr[:, 1] - wh[:, 1] / 2.0
    y2 = ctr[:, 1] + wh[:, 1] / 2.0
    gt_obboxes = jnp.stack([x1, y1, x2, y1, x2, y2, x1, y2], axis=1)
    gt_labels = jax.random.randint(k5, (K,), 1, 16)
    return {"points": points, "gt_obboxes": gt_obboxes, "gt_labels": gt_labels}

def _assign(points, gt_obboxes):
    # Faithful jax port of OBBPointAssigner.assign with pos_num=1, scale=4.
    points_xy = points[:, :2]
    points_lvl = jnp.log2(points[:, 2]).astype(jnp.int32)
    lvl_min = points_lvl.min()
    lvl_max = points_lvl.max()
    obb_xs = gt_obboxes[:, 0::2]
    obb_ys = gt_obboxes[:, 1::2]
    gt_bboxes = jnp.stack([obb_xs.min(axis=1), obb_ys.min(axis=1), obb_xs.max(axis=1), obb_ys.max(axis=1)], axis=1)
    gt_xy = (gt_bboxes[:, :2] + gt_bboxes[:, 2:]) / 2.0
    gt_wh = jnp.clip(gt_bboxes[:, 2:] - gt_bboxes[:, :2], 1e-06, None)
    gt_lvl = ((jnp.log2(gt_wh[:, 0] / SCALE) + jnp.log2(gt_wh[:, 1] / SCALE)) / 2.0).astype(jnp.int32)
    gt_lvl = jnp.clip(gt_lvl, lvl_min, lvl_max)
    n_pts = points.shape[0]
    n_gts = gt_obboxes.shape[0]
    init_inds = jnp.zeros((n_pts,), dtype=jnp.int32)
    init_dist = jnp.full((n_pts,), jnp.inf, dtype=points.dtype)
    def body(carry, idx):
        a_inds, a_dist = carry
        diff = (points_xy - gt_xy[idx]) / gt_wh[idx]
        d = jnp.sqrt(jnp.sum(diff * diff, axis=1))
        d = jnp.where(points_lvl == gt_lvl[idx], d, jnp.inf)
        mi = jnp.argmin(d)  # pos_num = 1 -> topk smallest is argmin
        md = d[mi]
        upd = md < a_dist[mi]
        a_inds = a_inds.at[mi].set(jnp.where(upd, idx + 1, a_inds[mi]))
        a_dist = a_dist.at[mi].set(jnp.where(upd, md, a_dist[mi]))
        return (a_inds, a_dist), None
    (a_inds, a_dist), _ = jax.lax.scan(body, (init_inds, init_dist), jnp.arange(n_gts, dtype=jnp.int32))
    return a_inds, a_dist, gt_xy, gt_wh

def reference(points, gt_obboxes, gt_labels):
    a_inds, a_dist, gt_xy, gt_wh = _assign(points, gt_obboxes)
    safe = jnp.maximum(a_inds - 1, 0)
    a_labels = jnp.where(a_inds > 0, gt_labels[safe], 0)
    # positive-sample localization term (normalized center distance of assigned points)
    pos = (a_inds > 0).astype(points.dtype)
    diff = (points[:, :2] - gt_xy[safe]) / gt_wh[safe]
    per_point = jnp.sum(diff * diff, axis=1)
    npos = jnp.maximum(jnp.sum(pos), 1.0)
    loc_loss = jnp.sum(pos * per_point) / npos
    return a_inds, a_labels, loc_loss

if __name__ == "__main__":
    import jax
    _d = setup_inputs()
    print(jax.jit(kernel)(*tuple(_d.values())))

</pallas_src>

<mosaic_0001>
#map = affine_map<(d0, d1) -> (0)>
module attributes {stable_mosaic.version = 14 : i64} {
  func.func @_sc_body(%arg0: i32, %arg1: i32, %arg2: memref<20224xf32, #tpu.memory_space<hbm>>, %arg3: memref<20224xf32, #tpu.memory_space<hbm>>, %arg4: memref<20224xf32, #tpu.memory_space<hbm>>, %arg5: memref<448xf32, #tpu.memory_space<hbm>>, %arg6: memref<448xf32, #tpu.memory_space<hbm>>, %arg7: memref<112xi32, #tpu.memory_space<hbm>>, %arg8: memref<20224xi32, #tpu.memory_space<hbm>>, %arg9: memref<20224xi32, #tpu.memory_space<hbm>>, %arg10: memref<16xf32, #tpu.memory_space<hbm>>, %arg11: memref<20224xf32, #tpu.memory_space<vmem>>, %arg12: memref<20224xf32, #tpu.memory_space<vmem>>, %arg13: memref<20224xf32, #tpu.memory_space<vmem>>, %arg14: memref<448xf32, #tpu.memory_space<vmem>>, %arg15: memref<448xf32, #tpu.memory_space<vmem>>, %arg16: memref<112xi32, #tpu.memory_space<vmem>>, %arg17: memref<112xf32, #tpu.memory_space<vmem>>, %arg18: memref<112xf32, #tpu.memory_space<vmem>>, %arg19: memref<112xf32, #tpu.memory_space<vmem>>, %arg20: memref<112xf32, #tpu.memory_space<vmem>>, %arg21: memref<112xf32, #tpu.memory_space<vmem>>, %arg22: memref<16xf32, #tpu.memory_space<vmem>>, %arg23: memref<16xi32, #tpu.memory_space<vmem>>, %arg24: memref<16x16xf32, #tpu.memory_space<vmem_shared>>, %arg25: memref<16x16xi32, #tpu.memory_space<vmem_shared>>, %arg26: memref<16x16xf32, #tpu.memory_space<vmem>>, %arg27: memref<16x16xi32, #tpu.memory_space<vmem>>, %arg28: memref<1264xi32, #tpu.memory_space<vmem>>, %arg29: memref<1264xi32, #tpu.memory_space<vmem>>, %arg30: memref<16xf32, #tpu.memory_space<vmem>>, %arg31: memref<!tpu.dma_semaphore, #tpu.memory_space<semaphore_mem>>, %arg32: memref<!tpu.dma_semaphore, #tpu.memory_space<semaphore_mem>>) attributes {dimension_semantics = [#tpu.dimension_semantics<core_parallel>, #tpu.dimension_semantics<subcore_parallel>], iteration_bounds = array<i64: 1, 16>, scalar_prefetch = 0 : i64, scratch_operands = 22 : i64, tpu.core_type = #tpu.core_type<sc_vector_subcore>, window_params = [{transform_indices = #map}, {transform_indices = #map}, {transform_indices = #map}, {transform_indices = #map}, {transform_indices = #map}, {transform_indices = #map}, {transform_indices = #map}, {transform_indices = #map}, {transform_indices = #map}]} {
    %iota3A = tpu.iota {dimensions = array<i32: 0>} : vector<16xi32>
    tpu.enqueue_dma source(%arg2 : memref<20224xf32, #tpu.memory_space<hbm>>) target(%arg11 : memref<20224xf32, #tpu.memory_space<vmem>>) target_semaphore(%arg31 : memref<!tpu.dma_semaphore, #tpu.memory_space<semaphore_mem>>)
    tpu.enqueue_dma source(%arg3 : memref<20224xf32, #tpu.memory_space<hbm>>) target(%arg12 : memref<20224xf32, #tpu.memory_space<vmem>>) target_semaphore(%arg32 : memref<!tpu.dma_semaphore, #tpu.memory_space<semaphore_mem>>)
    "tpu.region"() ({
      %run_scoped3A = tpu.sem_alloc : memref<!tpu.dma_semaphore, #tpu.memory_space<semaphore_mem>>
      tpu.enqueue_dma source(%arg4 : memref<20224xf32, #tpu.memory_space<hbm>>) target(%arg13 : memref<20224xf32, #tpu.memory_space<vmem>>) target_semaphore(%run_scoped3A : memref<!tpu.dma_semaphore, #tpu.memory_space<semaphore_mem>>)
      tpu.wait_dma2 semaphore(%run_scoped3A : memref<!tpu.dma_semaphore, #tpu.memory_space<semaphore_mem>>) src(%arg4 : memref<20224xf32, #tpu.memory_space<hbm>>) dst(%arg13 : memref<20224xf32, #tpu.memory_space<vmem>>)
      tpu.yield
    }) : () -> ()
    "tpu.region"() ({
      %run_scoped3A = tpu.sem_alloc : memref<!tpu.dma_semaphore, #tpu.memory_space<semaphore_mem>>
      tpu.enqueue_dma source(%arg5 : memref<448xf32, #tpu.memory_space<hbm>>) target(%arg14 : memref<448xf32, #tpu.memory_space<vmem>>) target_semaphore(%run_scoped3A : memref<!tpu.dma_semaphore, #tpu.memory_space<semaphore_mem>>)
      tpu.wait_dma2 semaphore(%run_scoped3A : memref<!tpu.dma_semaphore, #tpu.memory_space<semaphore_mem>>) src(%arg5 : memref<448xf32, #tpu.memory_space<hbm>>) dst(%arg14 : memref<448xf32, #tpu.memory_space<vmem>>)
      tpu.yield
    }) : () -> ()
    "tpu.region"() ({
      %run_scoped3A = tpu.sem_alloc : memref<!tpu.dma_semaphore, #tpu.memory_space<semaphore_mem>>
      tpu.enqueue_dma source(%arg6 : memref<448xf32, #tpu.memory_space<hbm>>) target(%arg15 : memref<448xf32, #tpu.memory_space<vmem>>) target_semaphore(%run_scoped3A : memref<!tpu.dma_semaphore, #tpu.memory_space<semaphore_mem>>)
      tpu.wait_dma2 semaphore(%run_scoped3A : memref<!tpu.dma_semaphore, #tpu.memory_space<semaphore_mem>>) src(%arg6 : memref<448xf32, #tpu.memory_space<hbm>>) dst(%arg15 : memref<448xf32, #tpu.memory_space<vmem>>)
      tpu.yield
    }) : () -> ()
    "tpu.region"() ({
      %run_scoped3A = tpu.sem_alloc : memref<!tpu.dma_semaphore, #tpu.memory_space<semaphore_mem>>
      tpu.enqueue_dma source(%arg7 : memref<112xi32, #tpu.memory_space<hbm>>) target(%arg16 : memref<112xi32, #tpu.memory_space<vmem>>) target_semaphore(%run_scoped3A : memref<!tpu.dma_semaphore, #tpu.memory_space<semaphore_mem>>)
      tpu.wait_dma2 semaphore(%run_scoped3A : memref<!tpu.dma_semaphore, #tpu.memory_space<semaphore_mem>>) src(%arg7 : memref<112xi32, #tpu.memory_space<hbm>>) dst(%arg16 : memref<112xi32, #tpu.memory_space<vmem>>)
      tpu.yield
    }) : () -> ()
    %broadcast_in_dim3A = arith.constant 1.000000e+30 : f32
    %broadcast_in_dim3A_0 = vector.broadcast %broadcast_in_dim3A : f32 to vector<16xf32>
    %broadcast_in_dim3A_1 = arith.constant -1.000000e+30 : f32
    %broadcast_in_dim3A_2 = vector.broadcast %broadcast_in_dim3A_1 : f32 to vector<16xf32>
    %scan3A = arith.constant 0 : i32
    %scan3A_3 = arith.constant 79 : i32
    %scan3A_4 = arith.addi %scan3A, %scan3A_3 : i32
    %scan3A_5 = arith.constant 1 : i32
    %scan3A_6:2 = scf.for %scan3A_2710 = %scan3A to %scan3A_4 step %scan3A_5 iter_args(%scan3A_2711 = %broadcast_in_dim3A_0, %scan3A_2712 = %broadcast_in_dim3A_2) -> (vector<16xf32>, vector<16xf32>)  : i32 {
      %mul3A_2713 = arith.constant 1264 : i32
      %mul3A_2714 = arith.muli %arg1, %mul3A_2713 : i32
      %mul3A_2715 = arith.constant 16 : i32
      %mul3A_2716 = arith.muli %scan3A_2710, %mul3A_2715 : i32
      %add3A_2717 = arith.addi %mul3A_2714, %mul3A_2716 : i32
      %get3A_2718 = arith.index_cast %add3A_2717 : i32 to index
      %get3A_2719 = tpu.vector_load %arg13[%get3A_2718] {strides = array<i32>} : memref<20224xf32, #tpu.memory_space<vmem>>, vector<16xf32>,
      %gt3A = arith.constant 0.000000e+00 : f32
      %gt3A_2720 = vector.broadcast %gt3A : f32 to vector<16xf32>
      %gt3A_2721 = arith.cmpf ogt, %get3A_2719, %gt3A_2720 : vector<16xf32>
      %jit3A_2722 = arith.constant 1.000000e+30 : f32
      %broadcast_in_dim3A_2723 = vector.broadcast %jit3A_2722 : f32 to vector<16xf32>
      %select_n3A_2724 = arith.select %gt3A_2721, %get3A_2719, %broadcast_in_dim3A_2723 : vector<16xi1>, vector<16xf32>
      %min3A_2725 = arith.minimumf %scan3A_2711, %select_n3A_2724 : vector<16xf32>
      %jit3A_2726 = arith.constant -1.000000e+30 : f32
      %broadcast_in_dim3A_2727 = vector.broadcast %jit3A_2726 : f32 to vector<16xf32>
      %select_n3A_2728 = arith.select %gt3A_2721, %get3A_2719, %broadcast_in_dim3A_2727 : vector<16xi1>, vector<16xf32>
      %max3A_2729 = arith.maximumf %scan3A_2712, %select_n3A_2728 : vector<16xf32>
      scf.yield %min3A_2725, %max3A_2729 : vector<16xf32>, vector<16xf32>
    }
    %scan3A_7 = arith.constant 79 : i32
    %lt3A = arith.constant 8 : i32
    %lt3A_8 = vector.broadcast %lt3A : i32 to vector<16xi32>
    %lt3A_9 = arith.cmpi slt, %iota3A, %lt3A_8 : vector<16xi32>
    %iota3A_10 = tpu.iota {dimensions = array<i32: 0>} : vector<16xi32>
    %xor3A = arith.constant 1 : i32
    %xor3A_11 = vector.broadcast %xor3A : i32 to vector<16xi32>
    %xor3A_12 = arith.xori %iota3A_10, %xor3A_11 : vector<16xi32>
    %lt3A_13 = arith.constant 0 : i32
    %lt3A_14 = vector.broadcast %lt3A_13 : i32 to vector<16xi32>
    %lt3A_15 = arith.cmpi slt, %xor3A_12, %lt3A_14 : vector<16xi32>
    %add3A = arith.constant 16 : i32
    %add3A_16 = vector.broadcast %add3A : i32 to vector<16xi32>
    %add3A_17 = arith.addi %xor3A_12, %add3A_16 : vector<16xi32>
    %select_n3A = arith.select %lt3A_15, %add3A_17, %xor3A_12 : vector<16xi1>, vector<16xi32>
    %reshape3A = vector.shape_cast %select_n3A : vector<16xi32> to vector<16x1xi32>
    %gather3A = vector.shape_cast %reshape3A : vector<16x1xi32> to vector<16xi32>
    %gather3A_18 = tpu.dynamic_gather %scan3A_6#0[%gather3A] in [0] : vector<16xf32>, vector<16xi32> -> vector<16xf32>
    %min3A = arith.minimumf %scan3A_6#0, %gather3A_18 : vector<16xf32>
    %iota3A_19 = tpu.iota {dimensions = array<i32: 0>} : vector<16xi32>
    %xor3A_20 = arith.constant 2 : i32
    %xor3A_21 = vector.broadcast %xor3A_20 : i32 to vector<16xi32>
    %xor3A_22 = arith.xori %iota3A_19, %xor3A_21 : vector<16xi32>
    %lt3A_23 = arith.constant 0 : i32
    %lt3A_24 = vector.broadcast %lt3A_23 : i32 to vector<16xi32>
    %lt3A_25 = arith.cmpi slt, %xor3A_22, %lt3A_24 : vector<16xi32>
    %add3A_26 = arith.constant 16 : i32
    %add3A_27 = vector.broadcast %add3A_26 : i32 to vector<16xi32>
    %add3A_28 = arith.addi %xor3A_22, %add3A_27 : vector<16xi32>
    %select_n3A_29 = arith.select %lt3A_25, %add3A_28, %xor3A_22 : vector<16xi1>, vector<16xi32>
    %reshape3A_30 = vector.shape_cast %select_n3A_29 : vector<16xi32> to vector<16x1xi32>
    %gather3A_31 = vector.shape_cast %reshape3A_30 : vector<16x1xi32> to vector<16xi32>
    %gather3A_32 = tpu.dynamic_gather %min3A[%gather3A_31] in [0] : vector<16xf32>, vector<16xi32> -> vector<16xf32>
    %min3A_33 = arith.minimumf %min3A, %gather3A_32 : vector<16xf32>
    %iota3A_34 = tpu.iota {dimensions = array<i32: 0>} : vector<16xi32>
    %xor3A_35 = arith.constant 4 : i32
    %xor3A_36 = vector.broadcast %xor3A_35 : i32 to vector<16xi32>
    %xor3A_37 = arith.xori %iota3A_34, %xor3A_36 : vector<16xi32>
    %lt3A_38 = arith.constant 0 : i32
    %lt3A_39 = vector.broadcast %lt3A_38 : i32 to vector<16xi32>
    %lt3A_40 = arith.cmpi slt, %xor3A_37, %lt3A_39 : vector<16xi32>
    %add3A_41 = arith.constant 16 : i32
    %add3A_42 = vector.broadcast %add3A_41 : i32 to vector<16xi32>
    %add3A_43 = arith.addi %xor3A_37, %add3A_42 : vector<16xi32>
    %select_n3A_44 = arith.select %lt3A_40, %add3A_43, %xor3A_37 : vector<16xi1>, vector<16xi32>
    %reshape3A_45 = vector.shape_cast %select_n3A_44 : vector<16xi32> to vector<16x1xi32>
    %gather3A_46 = vector.shape_cast %reshape3A_45 : vector<16x1xi32> to vector<16xi32>
    %gather3A_47 = tpu.dynamic_gather %min3A_33[%gather3A_46] in [0] : vector<16xf32>, vector<16xi32> -> vector<16xf32>
    %min3A_48 = arith.minimumf %min3A_33, %gather3A_47 : vector<16xf32>
    %iota3A_49 = tpu.iota {dimensions = array<i32: 0>} : vector<16xi32>
    %xor3A_50 = arith.constant 8 : i32
    %xor3A_51 = vector.broadcast %xor3A_50 : i32 to vector<16xi32>
    %xor3A_52 = arith.xori %iota3A_49, %xor3A_51 : vector<16xi32>
    %lt3A_53 = arith.constant 0 : i32
    %lt3A_54 = vector.broadcast %lt3A_53 : i32 to vector<16xi32>
    %lt3A_55 = arith.cmpi slt, %xor3A_52, %lt3A_54 : vector<16xi32>
    %add3A_56 = arith.constant 16 : i32
    %add3A_57 = vector.broadcast %add3A_56 : i32 to vector<16xi32>
    %add3A_58 = arith.addi %xor3A_52, %add3A_57 : vector<16xi32>
    %select_n3A_59 = arith.select %lt3A_55, %add3A_58, %xor3A_52 : vector<16xi1>, vector<16xi32>
    %reshape3A_60 = vector.shape_cast %select_n3A_59 : vector<16xi32> to vector<16x1xi32>
    %gather3A_61 = vector.shape_cast %reshape3A_60 : vector<16x1xi32> to vector<16xi32>
    %gather3A_62 = tpu.dynamic_gather %min3A_48[%gather3A_61] in [0] : vector<16xf32>, vector<16xi32> -> vector<16xf32>
    %min3A_63 = arith.minimumf %min3A_48, %gather3A_62 : vector<16xf32>
    %neg3A = arith.constant 0.000000e+00 : f32
    %neg3A_64 = vector.broadcast %neg3A : f32 to vector<16xf32>
    %neg3A_65 = arith.subf %neg3A_64, %scan3A_6#1 : vector<16xf32>
    %iota3A_66 = tpu.iota {dimensions = array<i32: 0>} : vector<16xi32>
    %xor3A_67 = arith.constant 1 : i32
    %xor3A_68 = vector.broadcast %xor3A_67 : i32 to vector<16xi32>
    %xor3A_69 = arith.xori %iota3A_66, %xor3A_68 : vector<16xi32>
    %lt3A_70 = arith.constant 0 : i32
    %lt3A_71 = vector.broadcast %lt3A_70 : i32 to vector<16xi32>
    %lt3A_72 = arith.cmpi slt, %xor3A_69, %lt3A_71 : vector<16xi32>
    %add3A_73 = arith.constant 16 : i32
    %add3A_74 = vector.broadcast %add3A_73 : i32 to vector<16xi32>
    %add3A_75 = arith.addi %xor3A_69, %add3A_74 : vector<16xi32>
    %select_n3A_76 = arith.select %lt3A_72, %add3A_75, %xor3A_69 : vector<16xi1>, vector<16xi32>
    %reshape3A_77 = vector.shape_cast %select_n3A_76 : vector<16xi32> to vector<16x1xi32>
    %gather3A_78 = vector.shape_cast %reshape3A_77 : vector<16x1xi32> to vector<16xi32>
    %gather3A_79 = tpu.dynamic_gather %neg3A_65[%gather3A_78] in [0] : vector<16xf32>, vector<16xi32> -> vector<16xf32>
    %min3A_80 = arith.minimumf %neg3A_65, %gather3A_79 : vector<16xf32>
    %iota3A_81 = tpu.iota {dimensions = array<i32: 0>} : vector<16xi32>
    %xor3A_82 = arith.constant 2 : i32
    %xor3A_83 = vector.broadcast %xor3A_82 : i32 to vector<16xi32>
    %xor3A_84 = arith.xori %iota3A_81, %xor3A_83 : vector<16xi32>
    %lt3A_85 = arith.constant 0 : i32
    %lt3A_86 = vector.broadcast %lt3A_85 : i32 to vector<16xi32>
    %lt3A_87 = arith.cmpi slt, %xor3A_84, %lt3A_86 : vector<16xi32>
    %add3A_88 = arith.constant 16 : i32
    %add3A_89 = vector.broadcast %add3A_88 : i32 to vector<16xi32>
    %add3A_90 = arith.addi %xor3A_84, %add3A_89 : vector<16xi32>
    %select_n3A_91 = arith.select %lt3A_87, %add3A_90, %xor3A_84 : vector<16xi1>, vector<16xi32>
    %reshape3A_92 = vector.shape_cast %select_n3A_91 : vector<16xi32> to vector<16x1xi32>
    %gather3A_93 = vector.shape_cast %reshape3A_92 : vector<16x1xi32> to vector<16xi32>
    %gather3A_94 = tpu.dynamic_gather %min3A_80[%gather3A_93] in [0] : vector<16xf32>, vector<16xi32> -> vector<16xf32>
    %min3A_95 = arith.minimumf %min3A_80, %gather3A_94 : vector<16xf32>
    %iota3A_96 = tpu.iota {dimensions = array<i32: 0>} : vector<16xi32>
    %xor3A_97 = arith.constant 4 : i32
    %xor3A_98 = vector.broadcast %xor3A_97 : i32 to vector<16xi32>
    %xor3A_99 = arith.xori %iota3A_96, %xor3A_98 : vector<16xi32>
    %lt3A_100 = arith.constant 0 : i32
    %lt3A_101 = vector.broadcast %lt3A_100 : i32 to vector<16xi32>
    %lt3A_102 = arith.cmpi slt, %xor3A_99, %lt3A_101 : vector<16xi32>
    %add3A_103 = arith.constant 16 : i32
    %add3A_104 = vector.broadcast %add3A_103 : i32 to vector<16xi32>
    %add3A_105 = arith.addi %xor3A_99, %add3A_104 : vector<16xi32>
    %select_n3A_106 = arith.select %lt3A_102, %add3A_105, %xor3A_99 : vector<16xi1>, vector<16xi32>
    %reshape3A_107 = vector.shape_cast %select_n3A_106 : vector<16xi32> to vector<16x1xi32>
    %gather3A_108 = vector.shape_cast %reshape3A_107 : vector<16x1xi32> to vector<16xi32>
    %gather3A_109 = tpu.dynamic_gather %min3A_95[%gather3A_108] in [0] : vector<16xf32>, vector<16xi32> -> vector<16xf32>
    %min3A_110 = arith.minimumf %min3A_95, %gather3A_109 : vector<16xf32>
    %iota3A_111 = tpu.iota {dimensions = array<i32: 0>} : vector<16xi32>
    %xor3A_112 = arith.constant 8 : i32
    %xor3A_113 = vector.broadcast %xor3A_112 : i32 to vector<16xi32>
    %xor3A_114 = arith.xori %iota3A_111, %xor3A_113 : vector<16xi32>
    %lt3A_115 = arith.constant 0 : i32
    %lt3A_116 = vector.broadcast %lt3A_115 : i32 to vector<16xi32>
    %lt3A_117 = arith.cmpi slt, %xor3A_114, %lt3A_116 : vector<16xi32>
    %add3A_118 = arith.constant 16 : i32
    %add3A_119 = vector.broadcast %add3A_118 : i32 to vector<16xi32>
    %add3A_120 = arith.addi %xor3A_114, %add3A_119 : vector<16xi32>
    %select_n3A_121 = arith.select %lt3A_117, %add3A_120, %xor3A_114 : vector<16xi1>, vector<16xi32>
    %reshape3A_122 = vector.shape_cast %select_n3A_121 : vector<16xi32> to vector<16x1xi32>
    %gather3A_123 = vector.shape_cast %reshape3A_122 : vector<16x1xi32> to vector<16xi32>
    %gather3A_124 = tpu.dynamic_gather %min3A_110[%gather3A_123] in [0] : vector<16xf32>, vector<16xi32> -> vector<16xf32>
    %min3A_125 = arith.minimumf %min3A_110, %gather3A_124 : vector<16xf32>
    %select_n3A_126 = arith.select %lt3A_9, %min3A_63, %min3A_125 : vector<16xi1>, vector<16xf32>
    %swap3A = arith.constant 0 : index
    %swap3A_127 = tpu.vector_load %arg22[%swap3A] {strides = array<i32>} : memref<16xf32, #tpu.memory_space<vmem>>, vector<16xf32>,
    tpu.vector_store %arg22[%swap3A], %select_n3A_126 {strides = array<i32>} : memref<16xf32, #tpu.memory_space<vmem>>, vector<16xf32>,
    "tpu.region"() ({
      %run_scoped3A = tpu.sem_alloc : memref<!tpu.dma_semaphore, #tpu.memory_space<semaphore_mem>>
      %dma_start3A = arith.constant 0 : i32
      %dma_start3A_2710 = tpu.memref_slice %arg24[%arg1, %dma_start3A] : memref<16x16xf32, #tpu.memory_space<vmem_shared>> -> memref<1x16xf32, #tpu.memory_space<vmem_shared>>
      %dma_start3A_2711 = tpu.memref_squeeze %dma_start3A_2710 : memref<1x16xf32, #tpu.memory_space<vmem_shared>> -> memref<16xf32, #tpu.memory_space<vmem_shared>>
      %dma_start3A_2712 = arith.constant 0 : i32
      %dma_start3A_2713 = tpu.memref_slice %arg24[%arg1, %dma_start3A_2712] : memref<16x16xf32, #tpu.memory_space<vmem_shared>> -> memref<1x16xf32, #tpu.memory_space<vmem_shared>>
      %dma_start3A_2714 = tpu.memref_squeeze %dma_start3A_2713 : memref<1x16xf32, #tpu.memory_space<vmem_shared>> -> memref<16xf32, #tpu.memory_space<vmem_shared>>
      tpu.enqueue_dma source(%arg22 : memref<16xf32, #tpu.memory_space<vmem>>) target(%dma_start3A_2714 : memref<16xf32, #tpu.memory_space<vmem_shared>>) target_semaphore(%run_scoped3A : memref<!tpu.dma_semaphore, #tpu.memory_space<semaphore_mem>>)
      %dma_wait3A = arith.constant 0 : i32
      %dma_wait3A_2715 = tpu.memref_slice %arg24[%arg1, %dma_wait3A] : memref<16x16xf32, #tpu.memory_space<vmem_shared>> -> memref<1x16xf32, #tpu.memory_space<vmem_shared>>
      %dma_wait3A_2716 = tpu.memref_squeeze %dma_wait3A_2715 : memref<1x16xf32, #tpu.memory_space<vmem_shared>> -> memref<16xf32, #tpu.memory_space<vmem_shared>>
      %dma_wait3A_2717 = arith.constant 0 : i32
      %dma_wait3A_2718 = tpu.memref_slice %arg24[%arg1, %dma_wait3A_2717] : memref<16x16xf32, #tpu.memory_space<vmem_shared>> -> memref<1x16xf32, #tpu.memory_space<vmem_shared>>
      %dma_wait3A_2719 = tpu.memref_squeeze %dma_wait3A_2718 : memref<1x16xf32, #tpu.memory_space<vmem_shared>> -> memref<16xf32, #tpu.memory_space<vmem_shared>>
      tpu.wait_dma2 semaphore(%run_scoped3A : memref<!tpu.dma_semaphore, #tpu.memory_space<semaphore_mem>>) src(%arg22 : memref<16xf32, #tpu.memory_space<vmem>>) dst(%dma_wait3A_2719 : memref<16xf32, #tpu.memory_space<vmem_shared>>)
      tpu.yield
    }) : () -> ()
    %barrier3A = arith.constant 0 : index
    tpu.barrier barrier_id(%barrier3A)
    "tpu.region"() ({
      %run_scoped3A = tpu.sem_alloc : memref<!tpu.dma_semaphore, #tpu.memory_space<semaphore_mem>>
      tpu.enqueue_dma source(%arg24 : memref<16x16xf32, #tpu.memory_space<vmem_shared>>) target(%arg26 : memref<16x16xf32, #tpu.memory_space<vmem>>) target_semaphore(%run_scoped3A : memref<!tpu.dma_semaphore, #tpu.memory_space<semaphore_mem>>)
      tpu.wait_dma2 semaphore(%run_scoped3A : memref<!tpu.dma_semaphore, #tpu.memory_space<semaphore_mem>>) src(%arg24 : memref<16x16xf32, #tpu.memory_space<vmem_shared>>) dst(%arg26 : memref<16x16xf32, #tpu.memory_space<vmem>>)
      tpu.yield
    }) : () -> ()
    %barrier3A_128 = arith.constant 0 : index
    tpu.barrier barrier_id(%barrier3A_128)
    %broadcast_in_dim3A_129 = arith.constant 1.000000e+30 : f32
    %broadcast_in_dim3A_130 = vector.broadcast %broadcast_in_dim3A_129 : f32 to vector<16xf32>
    %scan3A_131 = arith.constant 0 : i32
    %scan3A_132 = arith.constant 16 : i32
    %scan3A_133 = arith.addi %scan3A_131, %scan3A_132 : i32
    %scan3A_134 = arith.constant 1 : i32
    %scan3A_135 = scf.for %scan3A_2710 = %scan3A_131 to %scan3A_133 step %scan3A_134 iter_args(%scan3A_2711 = %broadcast_in_dim3A_130) -> (vector<16xf32>)  : i32 {
      %broadcast_in_dim3A_2712 = vector.broadcast %scan3A_2710 : i32 to vector<16xi32>
      %gather3A_2713 = tpu.vector_load_idx %arg26[%broadcast_in_dim3A_2712, %iota3A] : memref<16x16xf32, #tpu.memory_space<vmem>>[vector<16xi32>, vector<16xi32>], vector<16xf32>,
      %min3A_2714 = arith.minimumf %scan3A_2711, %gather3A_2713 : vector<16xf32>
      scf.yield %min3A_2714 : vector<16xf32>
    }
    %scan3A_136 = arith.constant 16 : i32
    %lt3A_137 = arith.constant 8 : i32
    %lt3A_138 = vector.broadcast %lt3A_137 : i32 to vector<16xi32>
    %lt3A_139 = arith.cmpi slt, %iota3A, %lt3A_138 : vector<16xi32>
    %jit3A = arith.constant 1.000000e+30 : f32
    %broadcast_in_dim3A_140 = vector.broadcast %jit3A : f32 to vector<16xf32>
    %select_n3A_141 = arith.select %lt3A_139, %scan3A_135, %broadcast_in_dim3A_140 : vector<16xi1>, vector<16xf32>
    %iota3A_142 = tpu.iota {dimensions = array<i32: 0>} : vector<16xi32>
    %xor3A_143 = arith.constant 1 : i32
    %xor3A_144 = vector.broadcast %xor3A_143 : i32 to vector<16xi32>
    %xor3A_145 = arith.xori %iota3A_142, %xor3A_144 : vector<16xi32>
    %lt3A_146 = arith.constant 0 : i32
    %lt3A_147 = vector.broadcast %lt3A_146 : i32 to vector<16xi32>
    %lt3A_148 = arith.cmpi slt, %xor3A_145, %lt3A_147 : vector<16xi32>
    %add3A_149 = arith.constant 16 : i32
    %add3A_150 = vector.broadcast %add3A_149 : i32 to vector<16xi32>
    %add3A_151 = arith.addi %xor3A_145, %add3A_150 : vector<16xi32>
    %select_n3A_152 = arith.select %lt3A_148, %add3A_151, %xor3A_145 : vector<16xi1>, vector<16xi32>
    %reshape3A_153 = vector.shape_cast %select_n3A_152 : vector<16xi32> to vector<16x1xi32>
    %gather3A_154 = vector.shape_cast %reshape3A_153 : vector<16x1xi32> to vector<16xi32>
    %gather3A_155 = tpu.dynamic_gather %select_n3A_141[%gather3A_154] in [0] : vector<16xf32>, vector<16xi32> -> vector<16xf32>
    %min3A_156 = arith.minimumf %select_n3A_141, %gather3A_155 : vector<16xf32>
    %iota3A_157 = tpu.iota {dimensions = array<i32: 0>} : vector<16xi32>
    %xor3A_158 = arith.constant 2 : i32
    %xor3A_159 = vector.broadcast %xor3A_158 : i32 to vector<16xi32>
    %xor3A_160 = arith.xori %iota3A_157, %xor3A_159 : vector<16xi32>
    %lt3A_161 = arith.constant 0 : i32
    %lt3A_162 = vector.broadcast %lt3A_161 : i32 to vector<16xi32>
    %lt3A_163 = arith.cmpi slt, %xor3A_160, %lt3A_162 : vector<16xi32>
    %add3A_164 = arith.constant 16 : i32
    %add3A_165 = vector.broadcast %add3A_164 : i32 to vector<16xi32>
    %add3A_166 = arith.addi %xor3A_160, %add3A_165 : vector<16xi32>
    %select_n3A_167 = arith.select %lt3A_163, %add3A_166, %xor3A_160 : vector<16xi1>, vector<16xi32>
    %reshape3A_168 = vector.shape_cast %select_n3A_167 : vector<16xi32> to vector<16x1xi32>
    %gather3A_169 = vector.shape_cast %reshape3A_168 : vector<16x1xi32> to vector<16xi32>
    %gather3A_170 = tpu.dynamic_gather %min3A_156[%gather3A_169] in [0] : vector<16xf32>, vector<16xi32> -> vector<16xf32>
    %min3A_171 = arith.minimumf %min3A_156, %gather3A_170 : vector<16xf32>
    %iota3A_172 = tpu.iota {dimensions = array<i32: 0>} : vector<16xi32>
    %xor3A_173 = arith.constant 4 : i32
    %xor3A_174 = vector.broadcast %xor3A_173 : i32 to vector<16xi32>
    %xor3A_175 = arith.xori %iota3A_172, %xor3A_174 : vector<16xi32>
    %lt3A_176 = arith.constant 0 : i32
    %lt3A_177 = vector.broadcast %lt3A_176 : i32 to vector<16xi32>
    %lt3A_178 = arith.cmpi slt, %xor3A_175, %lt3A_177 : vector<16xi32>
    %add3A_179 = arith.constant 16 : i32
    %add3A_180 = vector.broadcast %add3A_179 : i32 to vector<16xi32>
    %add3A_181 = arith.addi %xor3A_175, %add3A_180 : vector<16xi32>
    %select_n3A_182 = arith.select %lt3A_178, %add3A_181, %xor3A_175 : vector<16xi1>, vector<16xi32>
    %reshape3A_183 = vector.shape_cast %select_n3A_182 : vector<16xi32> to vector<16x1xi32>
    %gather3A_184 = vector.shape_cast %reshape3A_183 : vector<16x1xi32> to vector<16xi32>
    %gather3A_185 = tpu.dynamic_gather %min3A_171[%gather3A_184] in [0] : vector<16xf32>, vector<16xi32> -> vector<16xf32>
    %min3A_186 = arith.minimumf %min3A_171, %gather3A_185 : vector<16xf32>
    %iota3A_187 = tpu.iota {dimensions = array<i32: 0>} : vector<16xi32>
    %xor3A_188 = arith.constant 8 : i32
    %xor3A_189 = vector.broadcast %xor3A_188 : i32 to vector<16xi32>
    %xor3A_190 = arith.xori %iota3A_187, %xor3A_189 : vector<16xi32>
    %lt3A_191 = arith.constant 0 : i32
    %lt3A_192 = vector.broadcast %lt3A_191 : i32 to vector<16xi32>
    %lt3A_193 = arith.cmpi slt, %xor3A_190, %lt3A_192 : vector<16xi32>
    %add3A_194 = arith.constant 16 : i32
    %add3A_195 = vector.broadcast %add3A_194 : i32 to vector<16xi32>
    %add3A_196 = arith.addi %xor3A_190, %add3A_195 : vector<16xi32>
    %select_n3A_197 = arith.select %lt3A_193, %add3A_196, %xor3A_190 : vector<16xi1>, vector<16xi32>
    %reshape3A_198 = vector.shape_cast %select_n3A_197 : vector<16xi32> to vector<16x1xi32>
    %gather3A_199 = vector.shape_cast %reshape3A_198 : vector<16x1xi32> to vector<16xi32>
    %gather3A_200 = tpu.dynamic_gather %min3A_186[%gather3A_199] in [0] : vector<16xf32>, vector<16xi32> -> vector<16xf32>
    %min3A_201 = arith.minimumf %min3A_186, %gather3A_200 : vector<16xf32>
    %lt3A_202 = arith.constant 8 : i32
    %lt3A_203 = vector.broadcast %lt3A_202 : i32 to vector<16xi32>
    %lt3A_204 = arith.cmpi slt, %iota3A, %lt3A_203 : vector<16xi32>
    %jit3A_205 = arith.constant 1.000000e+30 : f32
    %broadcast_in_dim3A_206 = vector.broadcast %jit3A_205 : f32 to vector<16xf32>
    %select_n3A_207 = arith.select %lt3A_204, %broadcast_in_dim3A_206, %scan3A_135 : vector<16xi1>, vector<16xf32>
    %iota3A_208 = tpu.iota {dimensions = array<i32: 0>} : vector<16xi32>
    %xor3A_209 = arith.constant 1 : i32
    %xor3A_210 = vector.broadcast %xor3A_209 : i32 to vector<16xi32>
    %xor3A_211 = arith.xori %iota3A_208, %xor3A_210 : vector<16xi32>
    %lt3A_212 = arith.constant 0 : i32
    %lt3A_213 = vector.broadcast %lt3A_212 : i32 to vector<16xi32>
    %lt3A_214 = arith.cmpi slt, %xor3A_211, %lt3A_213 : vector<16xi32>
    %add3A_215 = arith.constant 16 : i32
    %add3A_216 = vector.broadcast %add3A_215 : i32 to vector<16xi32>
    %add3A_217 = arith.addi %xor3A_211, %add3A_216 : vector<16xi32>
    %select_n3A_218 = arith.select %lt3A_214, %add3A_217, %xor3A_211 : vector<16xi1>, vector<16xi32>
    %reshape3A_219 = vector.shape_cast %select_n3A_218 : vector<16xi32> to vector<16x1xi32>
    %gather3A_220 = vector.shape_cast %reshape3A_219 : vector<16x1xi32> to vector<16xi32>
    %gather3A_221 = tpu.dynamic_gather %select_n3A_207[%gather3A_220] in [0] : vector<16xf32>, vector<16xi32> -> vector<16xf32>
    %min3A_222 = arith.minimumf %select_n3A_207, %gather3A_221 : vector<16xf32>
    %iota3A_223 = tpu.iota {dimensions = array<i32: 0>} : vector<16xi32>
    %xor3A_224 = arith.constant 2 : i32
    %xor3A_225 = vector.broadcast %xor3A_224 : i32 to vector<16xi32>
    %xor3A_226 = arith.xori %iota3A_223, %xor3A_225 : vector<16xi32>
    %lt3A_227 = arith.constant 0 : i32
    %lt3A_228 = vector.broadcast %lt3A_227 : i32 to vector<16xi32>
    %lt3A_229 = arith.cmpi slt, %xor3A_226, %lt3A_228 : vector<16xi32>
    %add3A_230 = arith.constant 16 : i32
    %add3A_231 = vector.broadcast %add3A_230 : i32 to vector<16xi32>
    %add3A_232 = arith.addi %xor3A_226, %add3A_231 : vector<16xi32>
    %select_n3A_233 = arith.select %lt3A_229, %add3A_232, %xor3A_226 : vector<16xi1>, vector<16xi32>
    %reshape3A_234 = vector.shape_cast %select_n3A_233 : vector<16xi32> to vector<16x1xi32>
    %gather3A_235 = vector.shape_cast %reshape3A_234 : vector<16x1xi32> to vector<16xi32>
    %gather3A_236 = tpu.dynamic_gather %min3A_222[%gather3A_235] in [0] : vector<16xf32>, vector<16xi32> -> vector<16xf32>
    %min3A_237 = arith.minimumf %min3A_222, %gather3A_236 : vector<16xf32>
    %iota3A_238 = tpu.iota {dimensions = array<i32: 0>} : vector<16xi32>
    %xor3A_239 = arith.constant 4 : i32
    %xor3A_240 = vector.broadcast %xor3A_239 : i32 to vector<16xi32>
    %xor3A_241 = arith.xori %iota3A_238, %xor3A_240 : vector<16xi32>
    %lt3A_242 = arith.constant 0 : i32
    %lt3A_243 = vector.broadcast %lt3A_242 : i32 to vector<16xi32>
    %lt3A_244 = arith.cmpi slt, %xor3A_241, %lt3A_243 : vector<16xi32>
    %add3A_245 = arith.constant 16 : i32
    %add3A_246 = vector.broadcast %add3A_245 : i32 to vector<16xi32>
    %add3A_247 = arith.addi %xor3A_241, %add3A_246 : vector<16xi32>
    %select_n3A_248 = arith.select %lt3A_244, %add3A_247, %xor3A_241 : vector<16xi1>, vector<16xi32>
    %reshape3A_249 = vector.shape_cast %select_n3A_248 : vector<16xi32> to vector<16x1xi32>
    %gather3A_250 = vector.shape_cast %reshape3A_249 : vector<16x1xi32> to vector<16xi32>
    %gather3A_251 = tpu.dynamic_gather %min3A_237[%gather3A_250] in [0] : vector<16xf32>, vector<16xi32> -> vector<16xf32>
    %min3A_252 = arith.minimumf %min3A_237, %gather3A_251 : vector<16xf32>
    %iota3A_253 = tpu.iota {dimensions = array<i32: 0>} : vector<16xi32>
    %xor3A_254 = arith.constant 8 : i32
    %xor3A_255 = vector.broadcast %xor3A_254 : i32 to vector<16xi32>
    %xor3A_256 = arith.xori %iota3A_253, %xor3A_255 : vector<16xi32>
    %lt3A_257 = arith.constant 0 : i32
    %lt3A_258 = vector.broadcast %lt3A_257 : i32 to vector<16xi32>
    %lt3A_259 = arith.cmpi slt, %xor3A_256, %lt3A_258 : vector<16xi32>
    %add3A_260 = arith.constant 16 : i32
    %add3A_261 = vector.broadcast %add3A_260 : i32 to vector<16xi32>
    %add3A_262 = arith.addi %xor3A_256, %add3A_261 : vector<16xi32>
    %select_n3A_263 = arith.select %lt3A_259, %add3A_262, %xor3A_256 : vector<16xi1>, vector<16xi32>
    %reshape3A_264 = vector.shape_cast %select_n3A_263 : vector<16xi32> to vector<16x1xi32>
    %gather3A_265 = vector.shape_cast %reshape3A_264 : vector<16x1xi32> to vector<16xi32>
    %gather3A_266 = tpu.dynamic_gather %min3A_252[%gather3A_265] in [0] : vector<16xf32>, vector<16xi32> -> vector<16xf32>
    %min3A_267 = arith.minimumf %min3A_252, %gather3A_266 : vector<16xf32>
    %neg3A_268 = arith.constant 0.000000e+00 : f32
    %neg3A_269 = vector.broadcast %neg3A_268 : f32 to vector<16xf32>
    %neg3A_270 = arith.subf %neg3A_269, %min3A_267 : vector<16xf32>
    %get3A = arith.constant 0 : index
    %get3A_271 = tpu.vector_load %arg14[%get3A] {strides = array<i32>} : memref<448xf32, #tpu.memory_space<vmem>>, vector<16xf32>,
    %get3A_272 = arith.constant 112 : index
    %get3A_273 = tpu.vector_load %arg14[%get3A_272] {strides = array<i32>} : memref<448xf32, #tpu.memory_space<vmem>>, vector<16xf32>,
    %get3A_274 = arith.constant 224 : index
    %get3A_275 = tpu.vector_load %arg14[%get3A_274] {strides = array<i32>} : memref<448xf32, #tpu.memory_space<vmem>>, vector<16xf32>,
    %get3A_276 = arith.constant 336 : index
    %get3A_277 = tpu.vector_load %arg14[%get3A_276] {strides = array<i32>} : memref<448xf32, #tpu.memory_space<vmem>>, vector<16xf32>,
    %get3A_278 = arith.constant 0 : index
    %get3A_279 = tpu.vector_load %arg15[%get3A_278] {strides = array<i32>} : memref<448xf32, #tpu.memory_space<vmem>>, vector<16xf32>,
    %get3A_280 = arith.constant 112 : index
    %get3A_281 = tpu.vector_load %arg15[%get3A_280] {strides = array<i32>} : memref<448xf32, #tpu.memory_space<vmem>>, vector<16xf32>,
    %get3A_282 = arith.constant 224 : index
    %get3A_283 = tpu.vector_load %arg15[%get3A_282] {strides = array<i32>} : memref<448xf32, #tpu.memory_space<vmem>>, vector<16xf32>,
    %get3A_284 = arith.constant 336 : index
    %get3A_285 = tpu.vector_load %arg15[%get3A_284] {strides = array<i32>} : memref<448xf32, #tpu.memory_space<vmem>>, vector<16xf32>,
    %min3A_286 = arith.minimumf %get3A_271, %get3A_273 : vector<16xf32>
    %min3A_287 = arith.minimumf %get3A_275, %get3A_277 : vector<16xf32>
    %min3A_288 = arith.minimumf %min3A_286, %min3A_287 : vector<16xf32>
    %max3A = arith.maximumf %get3A_271, %get3A_273 : vector<16xf32>
    %max3A_289 = arith.maximumf %get3A_275, %get3A_277 : vector<16xf32>
    %max3A_290 = arith.maximumf %max3A, %max3A_289 : vector<16xf32>
    %min3A_291 = arith.minimumf %get3A_279, %get3A_281 : vector<16xf32>
    %min3A_292 = arith.minimumf %get3A_283, %get3A_285 : vector<16xf32>
    %min3A_293 = arith.minimumf %min3A_291, %min3A_292 : vector<16xf32>
    %max3A_294 = arith.maximumf %get3A_279, %get3A_281 : vector<16xf32>
    %max3A_295 = arith.maximumf %get3A_283, %get3A_285 : vector<16xf32>
    %max3A_296 = arith.maximumf %max3A_294, %max3A_295 : vector<16xf32>
    %sub3A = arith.subf %max3A_290, %min3A_288 : vector<16xf32>
    %max3A_297 = arith.constant 9.99999997E-7 : f32
    %max3A_298 = vector.broadcast %max3A_297 : f32 to vector<16xf32>
    %max3A_299 = arith.maximumf %sub3A, %max3A_298 : vector<16xf32>
    %sub3A_300 = arith.subf %max3A_296, %min3A_293 : vector<16xf32>
    %max3A_301 = arith.constant 9.99999997E-7 : f32
    %max3A_302 = vector.broadcast %max3A_301 : f32 to vector<16xf32>
    %max3A_303 = arith.maximumf %sub3A_300, %max3A_302 : vector<16xf32>
    %mul3A = arith.mulf %max3A_299, %max3A_303 : vector<16xf32>
    %mul3A_304 = arith.constant 6.250000e-02 : f32
    %mul3A_305 = vector.broadcast %mul3A_304 : f32 to vector<16xf32>
    %mul3A_306 = arith.mulf %mul3A, %mul3A_305 : vector<16xf32>
    %broadcast_in_dim3A_307 = arith.constant 0 : i32
    %broadcast_in_dim3A_308 = vector.broadcast %broadcast_in_dim3A_307 : i32 to vector<16xi32>
    %ge3A = arith.constant 4.000000e+00 : f32
    %ge3A_309 = vector.broadcast %ge3A : f32 to vector<16xf32>
    %ge3A_310 = arith.cmpf oge, %mul3A_306, %ge3A_309 : vector<16xf32>
    %jit3A_311 = arith.constant 1 : i32
    %jit3A_312 = arith.constant 0 : i32
    %broadcast_in_dim3A_313 = vector.broadcast %jit3A_311 : i32 to vector<16xi32>
    %broadcast_in_dim3A_314 = vector.broadcast %jit3A_312 : i32 to vector<16xi32>
    %select_n3A_315 = arith.select %ge3A_310, %broadcast_in_dim3A_313, %broadcast_in_dim3A_314 : vector<16xi1>, vector<16xi32>
    %add3A_316 = arith.addi %broadcast_in_dim3A_308, %select_n3A_315 : vector<16xi32>
    %ge3A_317 = arith.constant 1.600000e+01 : f32
    %ge3A_318 = vector.broadcast %ge3A_317 : f32 to vector<16xf32>
    %ge3A_319 = arith.cmpf oge, %mul3A_306, %ge3A_318 : vector<16xf32>
    %jit3A_320 = arith.constant 1 : i32
    %jit3A_321 = arith.constant 0 : i32
    %broadcast_in_dim3A_322 = vector.broadcast %jit3A_320 : i32 to vector<16xi32>
    %broadcast_in_dim3A_323 = vector.broadcast %jit3A_321 : i32 to vector<16xi32>
    %select_n3A_324 = arith.select %ge3A_319, %broadcast_in_dim3A_322, %broadcast_in_dim3A_323 : vector<16xi1>, vector<16xi32>
    %add3A_325 = arith.addi %add3A_316, %select_n3A_324 : vector<16xi32>
    %ge3A_326 = arith.constant 6.400000e+01 : f32
    %ge3A_327 = vector.broadcast %ge3A_326 : f32 to vector<16xf32>
    %ge3A_328 = arith.cmpf oge, %mul3A_306, %ge3A_327 : vector<16xf32>
    %jit3A_329 = arith.constant 1 : i32
    %jit3A_330 = arith.constant 0 : i32
    %broadcast_in_dim3A_331 = vector.broadcast %jit3A_329 : i32 to vector<16xi32>
    %broadcast_in_dim3A_332 = vector.broadcast %jit3A_330 : i32 to vector<16xi32>
    %select_n3A_333 = arith.select %ge3A_328, %broadcast_in_dim3A_331, %broadcast_in_dim3A_332 : vector<16xi1>, vector<16xi32>
    %add3A_334 = arith.addi %add3A_325, %select_n3A_333 : vector<16xi32>
    %ge3A_335 = arith.constant 2.560000e+02 : f32
    %ge3A_336 = vector.broadcast %ge3A_335 : f32 to vector<16xf32>
    %ge3A_337 = arith.cmpf oge, %mul3A_306, %ge3A_336 : vector<16xf32>
    %jit3A_338 = arith.constant 1 : i32
    %jit3A_339 = arith.constant 0 : i32
    %broadcast_in_dim3A_340 = vector.broadcast %jit3A_338 : i32 to vector<16xi32>
    %broadcast_in_dim3A_341 = vector.broadcast %jit3A_339 : i32 to vector<16xi32>
    %select_n3A_342 = arith.select %ge3A_337, %broadcast_in_dim3A_340, %broadcast_in_dim3A_341 : vector<16xi1>, vector<16xi32>
    %add3A_343 = arith.addi %add3A_334, %select_n3A_342 : vector<16xi32>
    %ge3A_344 = arith.constant 1.024000e+03 : f32
    %ge3A_345 = vector.broadcast %ge3A_344 : f32 to vector<16xf32>
    %ge3A_346 = arith.cmpf oge, %mul3A_306, %ge3A_345 : vector<16xf32>
    %jit3A_347 = arith.constant 1 : i32
    %jit3A_348 = arith.constant 0 : i32
    %broadcast_in_dim3A_349 = vector.broadcast %jit3A_347 : i32 to vector<16xi32>
    %broadcast_in_dim3A_350 = vector.broadcast %jit3A_348 : i32 to vector<16xi32>
    %select_n3A_351 = arith.select %ge3A_346, %broadcast_in_dim3A_349, %broadcast_in_dim3A_350 : vector<16xi1>, vector<16xi32>
    %add3A_352 = arith.addi %add3A_343, %select_n3A_351 : vector<16xi32>
    %ge3A_353 = arith.constant 4.096000e+03 : f32
    %ge3A_354 = vector.broadcast %ge3A_353 : f32 to vector<16xf32>
    %ge3A_355 = arith.cmpf oge, %mul3A_306, %ge3A_354 : vector<16xf32>
    %jit3A_356 = arith.constant 1 : i32
    %jit3A_357 = arith.constant 0 : i32
    %broadcast_in_dim3A_358 = vector.broadcast %jit3A_356 : i32 to vector<16xi32>
    %broadcast_in_dim3A_359 = vector.broadcast %jit3A_357 : i32 to vector<16xi32>
    %select_n3A_360 = arith.select %ge3A_355, %broadcast_in_dim3A_358, %broadcast_in_dim3A_359 : vector<16xi1>, vector<16xi32>
    %add3A_361 = arith.addi %add3A_352, %select_n3A_360 : vector<16xi32>
    %ge3A_362 = arith.constant 1.638400e+04 : f32
    %ge3A_363 = vector.broadcast %ge3A_362 : f32 to vector<16xf32>
    %ge3A_364 = arith.cmpf oge, %mul3A_306, %ge3A_363 : vector<16xf32>
    %jit3A_365 = arith.constant 1 : i32
    %jit3A_366 = arith.constant 0 : i32
    %broadcast_in_dim3A_367 = vector.broadcast %jit3A_365 : i32 to vector<16xi32>
    %broadcast_in_dim3A_368 = vector.broadcast %jit3A_366 : i32 to vector<16xi32>
    %select_n3A_369 = arith.select %ge3A_364, %broadcast_in_dim3A_367, %broadcast_in_dim3A_368 : vector<16xi1>, vector<16xi32>
    %add3A_370 = arith.addi %add3A_361, %select_n3A_369 : vector<16xi32>
    %ge3A_371 = arith.constant 6.553600e+04 : f32
    %ge3A_372 = vector.broadcast %ge3A_371 : f32 to vector<16xf32>
    %ge3A_373 = arith.cmpf oge, %mul3A_306, %ge3A_372 : vector<16xf32>
    %jit3A_374 = arith.constant 1 : i32
    %jit3A_375 = arith.constant 0 : i32
    %broadcast_in_dim3A_376 = vector.broadcast %jit3A_374 : i32 to vector<16xi32>
    %broadcast_in_dim3A_377 = vector.broadcast %jit3A_375 : i32 to vector<16xi32>
    %select_n3A_378 = arith.select %ge3A_373, %broadcast_in_dim3A_376, %broadcast_in_dim3A_377 : vector<16xi1>, vector<16xi32>
    %add3A_379 = arith.addi %add3A_370, %select_n3A_378 : vector<16xi32>
    %ge3A_380 = arith.constant 2.621440e+05 : f32
    %ge3A_381 = vector.broadcast %ge3A_380 : f32 to vector<16xf32>
    %ge3A_382 = arith.cmpf oge, %mul3A_306, %ge3A_381 : vector<16xf32>
    %jit3A_383 = arith.constant 1 : i32
    %jit3A_384 = arith.constant 0 : i32
    %broadcast_in_dim3A_385 = vector.broadcast %jit3A_383 : i32 to vector<16xi32>
    %broadcast_in_dim3A_386 = vector.broadcast %jit3A_384 : i32 to vector<16xi32>
    %select_n3A_387 = arith.select %ge3A_382, %broadcast_in_dim3A_385, %broadcast_in_dim3A_386 : vector<16xi1>, vector<16xi32>
    %add3A_388 = arith.addi %add3A_379, %select_n3A_387 : vector<16xi32>
    %ge3A_389 = arith.constant 0x49800000 : f32
    %ge3A_390 = vector.broadcast %ge3A_389 : f32 to vector<16xf32>
    %ge3A_391 = arith.cmpf oge, %mul3A_306, %ge3A_390 : vector<16xf32>
    %jit3A_392 = arith.constant 1 : i32
    %jit3A_393 = arith.constant 0 : i32
    %broadcast_in_dim3A_394 = vector.broadcast %jit3A_392 : i32 to vector<16xi32>
    %broadcast_in_dim3A_395 = vector.broadcast %jit3A_393 : i32 to vector<16xi32>
    %select_n3A_396 = arith.select %ge3A_391, %broadcast_in_dim3A_394, %broadcast_in_dim3A_395 : vector<16xi1>, vector<16xi32>
    %add3A_397 = arith.addi %add3A_388, %select_n3A_396 : vector<16xi32>
    %ge3A_398 = arith.constant 0x4A800000 : f32
    %ge3A_399 = vector.broadcast %ge3A_398 : f32 to vector<16xf32>
    %ge3A_400 = arith.cmpf oge, %mul3A_306, %ge3A_399 : vector<16xf32>
    %jit3A_401 = arith.constant 1 : i32
    %jit3A_402 = arith.constant 0 : i32
    %broadcast_in_dim3A_403 = vector.broadcast %jit3A_401 : i32 to vector<16xi32>
    %broadcast_in_dim3A_404 = vector.broadcast %jit3A_402 : i32 to vector<16xi32>
    %select_n3A_405 = arith.select %ge3A_400, %broadcast_in_dim3A_403, %broadcast_in_dim3A_404 : vector<16xi1>, vector<16xi32>
    %add3A_406 = arith.addi %add3A_397, %select_n3A_405 : vector<16xi32>
    %ge3A_407 = arith.constant 0x4B800000 : f32
    %ge3A_408 = vector.broadcast %ge3A_407 : f32 to vector<16xf32>
    %ge3A_409 = arith.cmpf oge, %mul3A_306, %ge3A_408 : vector<16xf32>
    %jit3A_410 = arith.constant 1 : i32
    %jit3A_411 = arith.constant 0 : i32
    %broadcast_in_dim3A_412 = vector.broadcast %jit3A_410 : i32 to vector<16xi32>
    %broadcast_in_dim3A_413 = vector.broadcast %jit3A_411 : i32 to vector<16xi32>
    %select_n3A_414 = arith.select %ge3A_409, %broadcast_in_dim3A_412, %broadcast_in_dim3A_413 : vector<16xi1>, vector<16xi32>
    %add3A_415 = arith.addi %add3A_406, %select_n3A_414 : vector<16xi32>
    %shift_left3A = arith.constant 1 : i32
    %shift_left3A_416 = vector.broadcast %shift_left3A : i32 to vector<16xi32>
    %shift_left3A_417 = arith.shli %shift_left3A_416, %add3A_415 : vector<16xi32>
    %convert_element_type3A = arith.sitofp %shift_left3A_417 : vector<16xi32> to vector<16xf32>
    %max3A_418 = arith.maximumf %min3A_201, %convert_element_type3A : vector<16xf32>
    %min3A_419 = arith.minimumf %neg3A_270, %max3A_418 : vector<16xf32>
    %add3A_420 = arith.constant 0 : i32
    %add3A_421 = vector.broadcast %add3A_420 : i32 to vector<16xi32>
    %add3A_422 = arith.addi %iota3A, %add3A_421 : vector<16xi32>
    %lt3A_423 = arith.constant 100 : i32
    %lt3A_424 = vector.broadcast %lt3A_423 : i32 to vector<16xi32>
    %lt3A_425 = arith.cmpi slt, %add3A_422, %lt3A_424 : vector<16xi32>
    %jit3A_426 = arith.constant -2.000000e+00 : f32
    %broadcast_in_dim3A_427 = vector.broadcast %jit3A_426 : f32 to vector<16xf32>
    %select_n3A_428 = arith.select %lt3A_425, %min3A_419, %broadcast_in_dim3A_427 : vector<16xi1>, vector<16xf32>
    %add3A_429 = arith.addf %min3A_288, %max3A_290 : vector<16xf32>
    %mul3A_430 = arith.constant 5.000000e-01 : f32
    %mul3A_431 = vector.broadcast %mul3A_430 : f32 to vector<16xf32>
    %mul3A_432 = arith.mulf %add3A_429, %mul3A_431 : vector<16xf32>
    %swap3A_433 = arith.constant 0 : index
    %swap3A_434 = tpu.vector_load %arg17[%swap3A_433] {strides = array<i32>} : memref<112xf32, #tpu.memory_space<vmem>>, vector<16xf32>,
    tpu.vector_store %arg17[%swap3A_433], %mul3A_432 {strides = array<i32>} : memref<112xf32, #tpu.memory_space<vmem>>, vector<16xf32>,
    %add3A_435 = arith.addf %min3A_293, %max3A_296 : vector<16xf32>
    %mul3A_436 = arith.constant 5.000000e-01 : f32
    %mul3A_437 = vector.broadcast %mul3A_436 : f32 to vector<16xf32>
    %mul3A_438 = arith.mulf %add3A_435, %mul3A_437 : vector<16xf32>
    %swap3A_439 = arith.constant 0 : index
    %swap3A_440 = tpu.vector_load %arg18[%swap3A_439] {strides = array<i32>} : memref<112xf32, #tpu.memory_space<vmem>>, vector<16xf32>,
    tpu.vector_store %arg18[%swap3A_439], %mul3A_438 {strides = array<i32>} : memref<112xf32, #tpu.memory_space<vmem>>, vector<16xf32>,
    %div3A = arith.constant 1.000000e+00 : f32
    %div3A_441 = vector.broadcast %div3A : f32 to vector<16xf32>
    %div3A_442 = arith.divf %div3A_441, %max3A_299 : vector<16xf32>
    %swap3A_443 = arith.constant 0 : index
    %swap3A_444 = tpu.vector_load %arg19[%swap3A_443] {strides = array<i32>} : memref<112xf32, #tpu.memory_space<vmem>>, vector<16xf32>,
    tpu.vector_store %arg19[%swap3A_443], %div3A_442 {strides = array<i32>} : memref<112xf32, #tpu.memory_space<vmem>>, vector<16xf32>,
    %div3A_445 = arith.constant 1.000000e+00 : f32
    %div3A_446 = vector.broadcast %div3A_445 : f32 to vector<16xf32>
    %div3A_447 = arith.divf %div3A_446, %max3A_303 : vector<16xf32>
    %swap3A_448 = arith.constant 0 : index
    %swap3A_449 = tpu.vector_load %arg20[%swap3A_448] {strides = array<i32>} : memref<112xf32, #tpu.memory_space<vmem>>, vector<16xf32>,
    tpu.vector_store %arg20[%swap3A_448], %div3A_447 {strides = array<i32>} : memref<112xf32, #tpu.memory_space<vmem>>, vector<16xf32>,
    %swap3A_450 = arith.constant 0 : index
    %swap3A_451 = tpu.vector_load %arg21[%swap3A_450] {strides = array<i32>} : memref<112xf32, #tpu.memory_space<vmem>>, vector<16xf32>,
    tpu.vector_store %arg21[%swap3A_450], %select_n3A_428 {strides = array<i32>} : memref<112xf32, #tpu.memory_space<vmem>>, vector<16xf32>,
    %get3A_452 = arith.constant 16 : index
    %get3A_453 = tpu.vector_load %arg14[%get3A_452] {strides = array<i32>} : memref<448xf32, #tpu.memory_space<vmem>>, vector<16xf32>,
    %get3A_454 = arith.constant 128 : index
    %get3A_455 = tpu.vector_load %arg14[%get3A_454] {strides = array<i32>} : memref<448xf32, #tpu.memory_space<vmem>>, vector<16xf32>,
    %get3A_456 = arith.constant 240 : index
    %get3A_457 = tpu.vector_load %arg14[%get3A_456] {strides = array<i32>} : memref<448xf32, #tpu.memory_space<vmem>>, vector<16xf32>,
    %get3A_458 = arith.constant 352 : index
    %get3A_459 = tpu.vector_load %arg14[%get3A_458] {strides = array<i32>} : memref<448xf32, #tpu.memory_space<vmem>>, vector<16xf32>,
    %get3A_460 = arith.constant 16 : index
    %get3A_461 = tpu.vector_load %arg15[%get3A_460] {strides = array<i32>} : memref<448xf32, #tpu.memory_space<vmem>>, vector<16xf32>,
    %get3A_462 = arith.constant 128 : index
    %get3A_463 = tpu.vector_load %arg15[%get3A_462] {strides = array<i32>} : memref<448xf32, #tpu.memory_space<vmem>>, vector<16xf32>,
    %get3A_464 = arith.constant 240 : index
    %get3A_465 = tpu.vector_load %arg15[%get3A_464] {strides = array<i32>} : memref<448xf32, #tpu.memory_space<vmem>>, vector<16xf32>,
    %get3A_466 = arith.constant 352 : index
    %get3A_467 = tpu.vector_load %arg15[%get3A_466] {strides = array<i32>} : memref<448xf32, #tpu.memory_space<vmem>>, vector<16xf32>,
    %min3A_468 = arith.minimumf %get3A_453, %get3A_455 : vector<16xf32>
    %min3A_469 = arith.minimumf %get3A_457, %get3A_459 : vector<16xf32>
    %min3A_470 = arith.minimumf %min3A_468, %min3A_469 : vector<16xf32>
    %max3A_471 = arith.maximumf %get3A_453, %get3A_455 : vector<16xf32>
    %max3A_472 = arith.maximumf %get3A_457, %get3A_459 : vector<16xf32>
    %max3A_473 = arith.maximumf %max3A_471, %max3A_472 : vector<16xf32>
    %min3A_474 = arith.minimumf %get3A_461, %get3A_463 : vector<16xf32>
    %min3A_475 = arith.minimumf %get3A_465, %get3A_467 : vector<16xf32>
    %min3A_476 = arith.minimumf %min3A_474, %min3A_475 : vector<16xf32>
    %max3A_477 = arith.maximumf %get3A_461, %get3A_463 : vector<16xf32>
    %max3A_478 = arith.maximumf %get3A_465, %get3A_467 : vector<16xf32>
    %max3A_479 = arith.maximumf %max3A_477, %max3A_478 : vector<16xf32>
    %sub3A_480 = arith.subf %max3A_473, %min3A_470 : vector<16xf32>
    %max3A_481 = arith.constant 9.99999997E-7 : f32
    %max3A_482 = vector.broadcast %max3A_481 : f32 to vector<16xf32>
    %max3A_483 = arith.maximumf %sub3A_480, %max3A_482 : vector<16xf32>
    %sub3A_484 = arith.subf %max3A_479, %min3A_476 : vector<16xf32>
    %max3A_485 = arith.constant 9.99999997E-7 : f32
    %max3A_486 = vector.broadcast %max3A_485 : f32 to vector<16xf32>
    %max3A_487 = arith.maximumf %sub3A_484, %max3A_486 : vector<16xf32>
    %mul3A_488 = arith.mulf %max3A_483, %max3A_487 : vector<16xf32>
    %mul3A_489 = arith.constant 6.250000e-02 : f32
    %mul3A_490 = vector.broadcast %mul3A_489 : f32 to vector<16xf32>
    %mul3A_491 = arith.mulf %mul3A_488, %mul3A_490 : vector<16xf32>
    %broadcast_in_dim3A_492 = arith.constant 0 : i32
    %broadcast_in_dim3A_493 = vector.broadcast %broadcast_in_dim3A_492 : i32 to vector<16xi32>
    %ge3A_494 = arith.constant 4.000000e+00 : f32
    %ge3A_495 = vector.broadcast %ge3A_494 : f32 to vector<16xf32>
    %ge3A_496 = arith.cmpf oge, %mul3A_491, %ge3A_495 : vector<16xf32>
    %jit3A_497 = arith.constant 1 : i32
    %jit3A_498 = arith.constant 0 : i32
    %broadcast_in_dim3A_499 = vector.broadcast %jit3A_497 : i32 to vector<16xi32>
    %broadcast_in_dim3A_500 = vector.broadcast %jit3A_498 : i32 to vector<16xi32>
    %select_n3A_501 = arith.select %ge3A_496, %broadcast_in_dim3A_499, %broadcast_in_dim3A_500 : vector<16xi1>, vector<16xi32>
    %add3A_502 = arith.addi %broadcast_in_dim3A_493, %select_n3A_501 : vector<16xi32>
    %ge3A_503 = arith.constant 1.600000e+01 : f32
    %ge3A_504 = vector.broadcast %ge3A_503 : f32 to vector<16xf32>
    %ge3A_505 = arith.cmpf oge, %mul3A_491, %ge3A_504 : vector<16xf32>
    %jit3A_506 = arith.constant 1 : i32
    %jit3A_507 = arith.constant 0 : i32
    %broadcast_in_dim3A_508 = vector.broadcast %jit3A_506 : i32 to vector<16xi32>
    %broadcast_in_dim3A_509 = vector.broadcast %jit3A_507 : i32 to vector<16xi32>
    %select_n3A_510 = arith.select %ge3A_505, %broadcast_in_dim3A_508, %broadcast_in_dim3A_509 : vector<16xi1>, vector<16xi32>
    %add3A_511 = arith.addi %add3A_502, %select_n3A_510 : vector<16xi32>
    %ge3A_512 = arith.constant 6.400000e+01 : f32
    %ge3A_513 = vector.broadcast %ge3A_512 : f32 to vector<16xf32>
    %ge3A_514 = arith.cmpf oge, %mul3A_491, %ge3A_513 : vector<16xf32>
    %jit3A_515 = arith.constant 1 : i32
    %jit3A_516 = arith.constant 0 : i32
    %broadcast_in_dim3A_517 = vector.broadcast %jit3A_515 : i32 to vector<16xi32>
    %broadcast_in_dim3A_518 = vector.broadcast %jit3A_516 : i32 to vector<16xi32>
    %select_n3A_519 = arith.select %ge3A_514, %broadcast_in_dim3A_517, %broadcast_in_dim3A_518 : vector<16xi1>, vector<16xi32>
    %add3A_520 = arith.addi %add3A_511, %select_n3A_519 : vector<16xi32>
    %ge3A_521 = arith.constant 2.560000e+02 : f32
    %ge3A_522 = vector.broadcast %ge3A_521 : f32 to vector<16xf32>
    %ge3A_523 = arith.cmpf oge, %mul3A_491, %ge3A_522 : vector<16xf32>
    %jit3A_524 = arith.constant 1 : i32
    %jit3A_525 = arith.constant 0 : i32
    %broadcast_in_dim3A_526 = vector.broadcast %jit3A_524 : i32 to vector<16xi32>
    %broadcast_in_dim3A_527 = vector.broadcast %jit3A_525 : i32 to vector<16xi32>
    %select_n3A_528 = arith.select %ge3A_523, %broadcast_in_dim3A_526, %broadcast_in_dim3A_527 : vector<16xi1>, vector<16xi32>
    %add3A_529 = arith.addi %add3A_520, %select_n3A_528 : vector<16xi32>
    %ge3A_530 = arith.constant 1.024000e+03 : f32
    %ge3A_531 = vector.broadcast %ge3A_530 : f32 to vector<16xf32>
    %ge3A_532 = arith.cmpf oge, %mul3A_491, %ge3A_531 : vector<16xf32>
    %jit3A_533 = arith.constant 1 : i32
    %jit3A_534 = arith.constant 0 : i32
    %broadcast_in_dim3A_535 = vector.broadcast %jit3A_533 : i32 to vector<16xi32>
    %broadcast_in_dim3A_536 = vector.broadcast %jit3A_534 : i32 to vector<16xi32>
    %select_n3A_537 = arith.select %ge3A_532, %broadcast_in_dim3A_535, %broadcast_in_dim3A_536 : vector<16xi1>, vector<16xi32>
    %add3A_538 = arith.addi %add3A_529, %select_n3A_537 : vector<16xi32>
    %ge3A_539 = arith.constant 4.096000e+03 : f32
    %ge3A_540 = vector.broadcast %ge3A_539 : f32 to vector<16xf32>
    %ge3A_541 = arith.cmpf oge, %mul3A_491, %ge3A_540 : vector<16xf32>
    %jit3A_542 = arith.constant 1 : i32
    %jit3A_543 = arith.constant 0 : i32
    %broadcast_in_dim3A_544 = vector.broadcast %jit3A_542 : i32 to vector<16xi32>
    %broadcast_in_dim3A_545 = vector.broadcast %jit3A_543 : i32 to vector<16xi32>
    %select_n3A_546 = arith.select %ge3A_541, %broadcast_in_dim3A_544, %broadcast_in_dim3A_545 : vector<16xi1>, vector<16xi32>
    %add3A_547 = arith.addi %add3A_538, %select_n3A_546 : vector<16xi32>
    %ge3A_548 = arith.constant 1.638400e+04 : f32
    %ge3A_549 = vector.broadcast %ge3A_548 : f32 to vector<16xf32>
    %ge3A_550 = arith.cmpf oge, %mul3A_491, %ge3A_549 : vector<16xf32>
    %jit3A_551 = arith.constant 1 : i32
    %jit3A_552 = arith.constant 0 : i32
    %broadcast_in_dim3A_553 = vector.broadcast %jit3A_551 : i32 to vector<16xi32>
    %broadcast_in_dim3A_554 = vector.broadcast %jit3A_552 : i32 to vector<16xi32>
    %select_n3A_555 = arith.select %ge3A_550, %broadcast_in_dim3A_553, %broadcast_in_dim3A_554 : vector<16xi1>, vector<16xi32>
    %add3A_556 = arith.addi %add3A_547, %select_n3A_555 : vector<16xi32>
    %ge3A_557 = arith.constant 6.553600e+04 : f32
    %ge3A_558 = vector.broadcast %ge3A_557 : f32 to vector<16xf32>
    %ge3A_559 = arith.cmpf oge, %mul3A_491, %ge3A_558 : vector<16xf32>
    %jit3A_560 = arith.constant 1 : i32
    %jit3A_561 = arith.constant 0 : i32
    %broadcast_in_dim3A_562 = vector.broadcast %jit3A_560 : i32 to vector<16xi32>
    %broadcast_in_dim3A_563 = vector.broadcast %jit3A_561 : i32 to vector<16xi32>
    %select_n3A_564 = arith.select %ge3A_559, %broadcast_in_dim3A_562, %broadcast_in_dim3A_563 : vector<16xi1>, vector<16xi32>
    %add3A_565 = arith.addi %add3A_556, %select_n3A_564 : vector<16xi32>
    %ge3A_566 = arith.constant 2.621440e+05 : f32
    %ge3A_567 = vector.broadcast %ge3A_566 : f32 to vector<16xf32>
    %ge3A_568 = arith.cmpf oge, %mul3A_491, %ge3A_567 : vector<16xf32>
    %jit3A_569 = arith.constant 1 : i32
    %jit3A_570 = arith.constant 0 : i32
    %broadcast_in_dim3A_571 = vector.broadcast %jit3A_569 : i32 to vector<16xi32>
    %broadcast_in_dim3A_572 = vector.broadcast %jit3A_570 : i32 to vector<16xi32>
    %select_n3A_573 = arith.select %ge3A_568, %broadcast_in_dim3A_571, %broadcast_in_dim3A_572 : vector<16xi1>, vector<16xi32>
    %add3A_574 = arith.addi %add3A_565, %select_n3A_573 : vector<16xi32>
    %ge3A_575 = arith.constant 0x49800000 : f32
    %ge3A_576 = vector.broadcast %ge3A_575 : f32 to vector<16xf32>
    %ge3A_577 = arith.cmpf oge, %mul3A_491, %ge3A_576 : vector<16xf32>
    %jit3A_578 = arith.constant 1 : i32
    %jit3A_579 = arith.constant 0 : i32
    %broadcast_in_dim3A_580 = vector.broadcast %jit3A_578 : i32 to vector<16xi32>
    %broadcast_in_dim3A_581 = vector.broadcast %jit3A_579 : i32 to vector<16xi32>
    %select_n3A_582 = arith.select %ge3A_577, %broadcast_in_dim3A_580, %broadcast_in_dim3A_581 : vector<16xi1>, vector<16xi32>
    %add3A_583 = arith.addi %add3A_574, %select_n3A_582 : vector<16xi32>
    %ge3A_584 = arith.constant 0x4A800000 : f32
    %ge3A_585 = vector.broadcast %ge3A_584 : f32 to vector<16xf32>
    %ge3A_586 = arith.cmpf oge, %mul3A_491, %ge3A_585 : vector<16xf32>
    %jit3A_587 = arith.constant 1 : i32
    %jit3A_588 = arith.constant 0 : i32
    %broadcast_in_dim3A_589 = vector.broadcast %jit3A_587 : i32 to vector<16xi32>
    %broadcast_in_dim3A_590 = vector.broadcast %jit3A_588 : i32 to vector<16xi32>
    %select_n3A_591 = arith.select %ge3A_586, %broadcast_in_dim3A_589, %broadcast_in_dim3A_590 : vector<16xi1>, vector<16xi32>
    %add3A_592 = arith.addi %add3A_583, %select_n3A_591 : vector<16xi32>
    %ge3A_593 = arith.constant 0x4B800000 : f32
    %ge3A_594 = vector.broadcast %ge3A_593 : f32 to vector<16xf32>
    %ge3A_595 = arith.cmpf oge, %mul3A_491, %ge3A_594 : vector<16xf32>
    %jit3A_596 = arith.constant 1 : i32
    %jit3A_597 = arith.constant 0 : i32
    %broadcast_in_dim3A_598 = vector.broadcast %jit3A_596 : i32 to vector<16xi32>
    %broadcast_in_dim3A_599 = vector.broadcast %jit3A_597 : i32 to vector<16xi32>
    %select_n3A_600 = arith.select %ge3A_595, %broadcast_in_dim3A_598, %broadcast_in_dim3A_599 : vector<16xi1>, vector<16xi32>
    %add3A_601 = arith.addi %add3A_592, %select_n3A_600 : vector<16xi32>
    %shift_left3A_602 = arith.constant 1 : i32
    %shift_left3A_603 = vector.broadcast %shift_left3A_602 : i32 to vector<16xi32>
    %shift_left3A_604 = arith.shli %shift_left3A_603, %add3A_601 : vector<16xi32>
    %convert_element_type3A_605 = arith.sitofp %shift_left3A_604 : vector<16xi32> to vector<16xf32>
    %max3A_606 = arith.maximumf %min3A_201, %convert_element_type3A_605 : vector<16xf32>
    %min3A_607 = arith.minimumf %neg3A_270, %max3A_606 : vector<16xf32>
    %add3A_608 = arith.constant 16 : i32
    %add3A_609 = vector.broadcast %add3A_608 : i32 to vector<16xi32>
    %add3A_610 = arith.addi %iota3A, %add3A_609 : vector<16xi32>
    %lt3A_611 = arith.constant 100 : i32
    %lt3A_612 = vector.broadcast %lt3A_611 : i32 to vector<16xi32>
    %lt3A_613 = arith.cmpi slt, %add3A_610, %lt3A_612 : vector<16xi32>
    %jit3A_614 = arith.constant -2.000000e+00 : f32
    %broadcast_in_dim3A_615 = vector.broadcast %jit3A_614 : f32 to vector<16xf32>
    %select_n3A_616 = arith.select %lt3A_613, %min3A_607, %broadcast_in_dim3A_615 : vector<16xi1>, vector<16xf32>
    %add3A_617 = arith.addf %min3A_470, %max3A_473 : vector<16xf32>
    %mul3A_618 = arith.constant 5.000000e-01 : f32
    %mul3A_619 = vector.broadcast %mul3A_618 : f32 to vector<16xf32>
    %mul3A_620 = arith.mulf %add3A_617, %mul3A_619 : vector<16xf32>
    %swap3A_621 = arith.constant 16 : index
    %swap3A_622 = tpu.vector_load %arg17[%swap3A_621] {strides = array<i32>} : memref<112xf32, #tpu.memory_space<vmem>>, vector<16xf32>,
    tpu.vector_store %arg17[%swap3A_621], %mul3A_620 {strides = array<i32>} : memref<112xf32, #tpu.memory_space<vmem>>, vector<16xf32>,
    %add3A_623 = arith.addf %min3A_476, %max3A_479 : vector<16xf32>
    %mul3A_624 = arith.constant 5.000000e-01 : f32
    %mul3A_625 = vector.broadcast %mul3A_624 : f32 to vector<16xf32>
    %mul3A_626 = arith.mulf %add3A_623, %mul3A_625 : vector<16xf32>
    %swap3A_627 = arith.constant 16 : index
    %swap3A_628 = tpu.vector_load %arg18[%swap3A_627] {strides = array<i32>} : memref<112xf32, #tpu.memory_space<vmem>>, vector<16xf32>,
    tpu.vector_store %arg18[%swap3A_627], %mul3A_626 {strides = array<i32>} : memref<112xf32, #tpu.memory_space<vmem>>, vector<16xf32>,
    %div3A_629 = arith.constant 1.000000e+00 : f32
    %div3A_630 = vector.broadcast %div3A_629 : f32 to vector<16xf32>
    %div3A_631 = arith.divf %div3A_630, %max3A_483 : vector<16xf32>
    %swap3A_632 = arith.constant 16 : index
    %swap3A_633 = tpu.vector_load %arg19[%swap3A_632] {strides = array<i32>} : memref<112xf32, #tpu.memory_space<vmem>>, vector<16xf32>,
    tpu.vector_store %arg19[%swap3A_632], %div3A_631 {strides = array<i32>} : memref<112xf32, #tpu.memory_space<vmem>>, vector<16xf32>,
    %div3A_634 = arith.constant 1.000000e+00 : f32
    %div3A_635 = vector.broadcast %div3A_634 : f32 to vector<16xf32>
    %div3A_636 = arith.divf %div3A_635, %max3A_487 : vector<16xf32>
    %swap3A_637 = arith.constant 16 : index
    %swap3A_638 = tpu.vector_load %arg20[%swap3A_637] {strides = array<i32>} : memref<112xf32, #tpu.memory_space<vmem>>, vector<16xf32>,
    tpu.vector_store %arg20[%swap3A_637], %div3A_636 {strides = array<i32>} : memref<112xf32, #tpu.memory_space<vmem>>, vector<16xf32>,
    %swap3A_639 = arith.constant 16 : index
    %swap3A_640 = tpu.vector_load %arg21[%swap3A_639] {strides = array<i32>} : memref<112xf32, #tpu.memory_space<vmem>>, vector<16xf32>,
    tpu.vector_store %arg21[%swap3A_639], %select_n3A_616 {strides = array<i32>} : memref<112xf32, #tpu.memory_space<vmem>>, vector<16xf32>,
    %get3A_641 = arith.constant 32 : index
    %get3A_642 = tpu.vector_load %arg14[%get3A_641] {strides = array<i32>} : memref<448xf32, #tpu.memory_space<vmem>>, vector<16xf32>,
    %get3A_643 = arith.constant 144 : index
    %get3A_644 = tpu.vector_load %arg14[%get3A_643] {strides = array<i32>} : memref<448xf32, #tpu.memory_space<vmem>>, vector<16xf32>,
    %get3A_645 = arith.constant 256 : index
    %get3A_646 = tpu.vector_load %arg14[%get3A_645] {strides = array<i32>} : memref<448xf32, #tpu.memory_space<vmem>>, vector<16xf32>,
    %get3A_647 = arith.constant 368 : index
    %get3A_648 = tpu.vector_load %arg14[%get3A_647] {strides = array<i32>} : memref<448xf32, #tpu.memory_space<vmem>>, vector<16xf32>,
    %get3A_649 = arith.constant 32 : index
    %get3A_650 = tpu.vector_load %arg15[%get3A_649] {strides = array<i32>} : memref<448xf32, #tpu.memory_space<vmem>>, vector<16xf32>,
    %get3A_651 = arith.constant 144 : index
    %get3A_652 = tpu.vector_load %arg15[%get3A_651] {strides = array<i32>} : memref<448xf32, #tpu.memory_space<vmem>>, vector<16xf32>,
    %get3A_653 = arith.constant 256 : index
    %get3A_654 = tpu.vector_load %arg15[%get3A_653] {strides = array<i32>} : memref<448xf32, #tpu.memory_space<vmem>>, vector<16xf32>,
    %get3A_655 = arith.constant 368 : index
    %get3A_656 = tpu.vector_load %arg15[%get3A_655] {strides = array<i32>} : memref<448xf32, #tpu.memory_space<vmem>>, vector<16xf32>,
    %min3A_657 = arith.minimumf %get3A_642, %get3A_644 : vector<16xf32>
    %min3A_658 = arith.minimumf %get3A_646, %get3A_648 : vector<16xf32>
    %min3A_659 = arith.minimumf %min3A_657, %min3A_658 : vector<16xf32>
    %max3A_660 = arith.maximumf %get3A_642, %get3A_644 : vector<16xf32>
    %max3A_661 = arith.maximumf %get3A_646, %get3A_648 : vector<16xf32>
    %max3A_662 = arith.maximumf %max3A_660, %max3A_661 : vector<16xf32>
    %min3A_663 = arith.minimumf %get3A_650, %get3A_652 : vector<16xf32>
    %min3A_664 = arith.minimumf %get3A_654, %get3A_656 : vector<16xf32>
    %min3A_665 = arith.minimumf %min3A_663, %min3A_664 : vector<16xf32>
    %max3A_666 = arith.maximumf %get3A_650, %get3A_652 : vector<16xf32>
    %max3A_667 = arith.maximumf %get3A_654, %get3A_656 : vector<16xf32>
    %max3A_668 = arith.maximumf %max3A_666, %max3A_667 : vector<16xf32>
    %sub3A_669 = arith.subf %max3A_662, %min3A_659 : vector<16xf32>
    %max3A_670 = arith.constant 9.99999997E-7 : f32
    %max3A_671 = vector.broadcast %max3A_670 : f32 to vector<16xf32>
    %max3A_672 = arith.maximumf %sub3A_669, %max3A_671 : vector<16xf32>
    %sub3A_673 = arith.subf %max3A_668, %min3A_665 : vector<16xf32>
    %max3A_674 = arith.constant 9.99999997E-7 : f32
    %max3A_675 = vector.broadcast %max3A_674 : f32 to vector<16xf32>
    %max3A_676 = arith.maximumf %sub3A_673, %max3A_675 : vector<16xf32>
    %mul3A_677 = arith.mulf %max3A_672, %max3A_676 : vector<16xf32>
    %mul3A_678 = arith.constant 6.250000e-02 : f32
    %mul3A_679 = vector.broadcast %mul3A_678 : f32 to vector<16xf32>
    %mul3A_680 = arith.mulf %mul3A_677, %mul3A_679 : vector<16xf32>
    %broadcast_in_dim3A_681 = arith.constant 0 : i32
    %broadcast_in_dim3A_682 = vector.broadcast %broadcast_in_dim3A_681 : i32 to vector<16xi32>
    %ge3A_683 = arith.constant 4.000000e+00 : f32
    %ge3A_684 = vector.broadcast %ge3A_683 : f32 to vector<16xf32>
    %ge3A_685 = arith.cmpf oge, %mul3A_680, %ge3A_684 : vector<16xf32>
    %jit3A_686 = arith.constant 1 : i32
    %jit3A_687 = arith.constant 0 : i32
    %broadcast_in_dim3A_688 = vector.broadcast %jit3A_686 : i32 to vector<16xi32>
    %broadcast_in_dim3A_689 = vector.broadcast %jit3A_687 : i32 to vector<16xi32>
    %select_n3A_690 = arith.select %ge3A_685, %broadcast_in_dim3A_688, %broadcast_in_dim3A_689 : vector<16xi1>, vector<16xi32>
    %add3A_691 = arith.addi %broadcast_in_dim3A_682, %select_n3A_690 : vector<16xi32>
    %ge3A_692 = arith.constant 1.600000e+01 : f32
    %ge3A_693 = vector.broadcast %ge3A_692 : f32 to vector<16xf32>
    %ge3A_694 = arith.cmpf oge, %mul3A_680, %ge3A_693 : vector<16xf32>
    %jit3A_695 = arith.constant 1 : i32
    %jit3A_696 = arith.constant 0 : i32
    %broadcast_in_dim3A_697 = vector.broadcast %jit3A_695 : i32 to vector<16xi32>
    %broadcast_in_dim3A_698 = vector.broadcast %jit3A_696 : i32 to vector<16xi32>
    %select_n3A_699 = arith.select %ge3A_694, %broadcast_in_dim3A_697, %broadcast_in_dim3A_698 : vector<16xi1>, vector<16xi32>
    %add3A_700 = arith.addi %add3A_691, %select_n3A_699 : vector<16xi32>
    %ge3A_701 = arith.constant 6.400000e+01 : f32
    %ge3A_702 = vector.broadcast %ge3A_701 : f32 to vector<16xf32>
    %ge3A_703 = arith.cmpf oge, %mul3A_680, %ge3A_702 : vector<16xf32>
    %jit3A_704 = arith.constant 1 : i32
    %jit3A_705 = arith.constant 0 : i32
    %broadcast_in_dim3A_706 = vector.broadcast %jit3A_704 : i32 to vector<16xi32>
    %broadcast_in_dim3A_707 = vector.broadcast %jit3A_705 : i32 to vector<16xi32>
    %select_n3A_708 = arith.select %ge3A_703, %broadcast_in_dim3A_706, %broadcast_in_dim3A_707 : vector<16xi1>, vector<16xi32>
    %add3A_709 = arith.addi %add3A_700, %select_n3A_708 : vector<16xi32>
    %ge3A_710 = arith.constant 2.560000e+02 : f32
    %ge3A_711 = vector.broadcast %ge3A_710 : f32 to vector<16xf32>
    %ge3A_712 = arith.cmpf oge, %mul3A_680, %ge3A_711 : vector<16xf32>
    %jit3A_713 = arith.constant 1 : i32
    %jit3A_714 = arith.constant 0 : i32
    %broadcast_in_dim3A_715 = vector.broadcast %jit3A_713 : i32 to vector<16xi32>
    %broadcast_in_dim3A_716 = vector.broadcast %jit3A_714 : i32 to vector<16xi32>
    %select_n3A_717 = arith.select %ge3A_712, %broadcast_in_dim3A_715, %broadcast_in_dim3A_716 : vector<16xi1>, vector<16xi32>
    %add3A_718 = arith.addi %add3A_709, %select_n3A_717 : vector<16xi32>
    %ge3A_719 = arith.constant 1.024000e+03 : f32
    %ge3A_720 = vector.broadcast %ge3A_719 : f32 to vector<16xf32>
    %ge3A_721 = arith.cmpf oge, %mul3A_680, %ge3A_720 : vector<16xf32>
    %jit3A_722 = arith.constant 1 : i32
    %jit3A_723 = arith.constant 0 : i32
    %broadcast_in_dim3A_724 = vector.broadcast %jit3A_722 : i32 to vector<16xi32>
    %broadcast_in_dim3A_725 = vector.broadcast %jit3A_723 : i32 to vector<16xi32>
    %select_n3A_726 = arith.select %ge3A_721, %broadcast_in_dim3A_724, %broadcast_in_dim3A_725 : vector<16xi1>, vector<16xi32>
    %add3A_727 = arith.addi %add3A_718, %select_n3A_726 : vector<16xi32>
    %ge3A_728 = arith.constant 4.096000e+03 : f32
    %ge3A_729 = vector.broadcast %ge3A_728 : f32 to vector<16xf32>
    %ge3A_730 = arith.cmpf oge, %mul3A_680, %ge3A_729 : vector<16xf32>
    %jit3A_731 = arith.constant 1 : i32
    %jit3A_732 = arith.constant 0 : i32
    %broadcast_in_dim3A_733 = vector.broadcast %jit3A_731 : i32 to vector<16xi32>
    %broadcast_in_dim3A_734 = vector.broadcast %jit3A_732 : i32 to vector<16xi32>
    %select_n3A_735 = arith.select %ge3A_730, %broadcast_in_dim3A_733, %broadcast_in_dim3A_734 : vector<16xi1>, vector<16xi32>
    %add3A_736 = arith.addi %add3A_727, %select_n3A_735 : vector<16xi32>
    %ge3A_737 = arith.constant 1.638400e+04 : f32
    %ge3A_738 = vector.broadcast %ge3A_737 : f32 to vector<16xf32>
    %ge3A_739 = arith.cmpf oge, %mul3A_680, %ge3A_738 : vector<16xf32>
    %jit3A_740 = arith.constant 1 : i32
    %jit3A_741 = arith.constant 0 : i32
    %broadcast_in_dim3A_742 = vector.broadcast %jit3A_740 : i32 to vector<16xi32>
    %broadcast_in_dim3A_743 = vector.broadcast %jit3A_741 : i32 to vector<16xi32>
    %select_n3A_744 = arith.select %ge3A_739, %broadcast_in_dim3A_742, %broadcast_in_dim3A_743 : vector<16xi1>, vector<16xi32>
    %add3A_745 = arith.addi %add3A_736, %select_n3A_744 : vector<16xi32>
    %ge3A_746 = arith.constant 6.553600e+04 : f32
    %ge3A_747 = vector.broadcast %ge3A_746 : f32 to vector<16xf32>
    %ge3A_748 = arith.cmpf oge, %mul3A_680, %ge3A_747 : vector<16xf32>
    %jit3A_749 = arith.constant 1 : i32
    %jit3A_750 = arith.constant 0 : i32
    %broadcast_in_dim3A_751 = vector.broadcast %jit3A_749 : i32 to vector<16xi32>
    %broadcast_in_dim3A_752 = vector.broadcast %jit3A_750 : i32 to vector<16xi32>
    %select_n3A_753 = arith.select %ge3A_748, %broadcast_in_dim3A_751, %broadcast_in_dim3A_752 : vector<16xi1>, vector<16xi32>
    %add3A_754 = arith.addi %add3A_745, %select_n3A_753 : vector<16xi32>
    %ge3A_755 = arith.constant 2.621440e+05 : f32
    %ge3A_756 = vector.broadcast %ge3A_755 : f32 to vector<16xf32>
    %ge3A_757 = arith.cmpf oge, %mul3A_680, %ge3A_756 : vector<16xf32>
    %jit3A_758 = arith.constant 1 : i32
    %jit3A_759 = arith.constant 0 : i32
    %broadcast_in_dim3A_760 = vector.broadcast %jit3A_758 : i32 to vector<16xi32>
    %broadcast_in_dim3A_761 = vector.broadcast %jit3A_759 : i32 to vector<16xi32>
    %select_n3A_762 = arith.select %ge3A_757, %broadcast_in_dim3A_760, %broadcast_in_dim3A_761 : vector<16xi1>, vector<16xi32>
    %add3A_763 = arith.addi %add3A_754, %select_n3A_762 : vector<16xi32>
    %ge3A_764 = arith.constant 0x49800000 : f32
    %ge3A_765 = vector.broadcast %ge3A_764 : f32 to vector<16xf32>
    %ge3A_766 = arith.cmpf oge, %mul3A_680, %ge3A_765 : vector<16xf32>
    %jit3A_767 = arith.constant 1 : i32
    %jit3A_768 = arith.constant 0 : i32
    %broadcast_in_dim3A_769 = vector.broadcast %jit3A_767 : i32 to vector<16xi32>
    %broadcast_in_dim3A_770 = vector.broadcast %jit3A_768 : i32 to vector<16xi32>
    %select_n3A_771 = arith.select %ge3A_766, %broadcast_in_dim3A_769, %broadcast_in_dim3A_770 : vector<16xi1>, vector<16xi32>
    %add3A_772 = arith.addi %add3A_763, %select_n3A_771 : vector<16xi32>
    %ge3A_773 = arith.constant 0x4A800000 : f32
    %ge3A_774 = vector.broadcast %ge3A_773 : f32 to vector<16xf32>
    %ge3A_775 = arith.cmpf oge, %mul3A_680, %ge3A_774 : vector<16xf32>
    %jit3A_776 = arith.constant 1 : i32
    %jit3A_777 = arith.constant 0 : i32
    %broadcast_in_dim3A_778 = vector.broadcast %jit3A_776 : i32 to vector<16xi32>
    %broadcast_in_dim3A_779 = vector.broadcast %jit3A_777 : i32 to vector<16xi32>
    %select_n3A_780 = arith.select %ge3A_775, %broadcast_in_dim3A_778, %broadcast_in_dim3A_779 : vector<16xi1>, vector<16xi32>
    %add3A_781 = arith.addi %add3A_772, %select_n3A_780 : vector<16xi32>
    %ge3A_782 = arith.constant 0x4B800000 : f32
    %ge3A_783 = vector.broadcast %ge3A_782 : f32 to vector<16xf32>
    %ge3A_784 = arith.cmpf oge, %mul3A_680, %ge3A_783 : vector<16xf32>
    %jit3A_785 = arith.constant 1 : i32
    %jit3A_786 = arith.constant 0 : i32
    %broadcast_in_dim3A_787 = vector.broadcast %jit3A_785 : i32 to vector<16xi32>
    %broadcast_in_dim3A_788 = vector.broadcast %jit3A_786 : i32 to vector<16xi32>
    %select_n3A_789 = arith.select %ge3A_784, %broadcast_in_dim3A_787, %broadcast_in_dim3A_788 : vector<16xi1>, vector<16xi32>
    %add3A_790 = arith.addi %add3A_781, %select_n3A_789 : vector<16xi32>
    %shift_left3A_791 = arith.constant 1 : i32
    %shift_left3A_792 = vector.broadcast %shift_left3A_791 : i32 to vector<16xi32>
    %shift_left3A_793 = arith.shli %shift_left3A_792, %add3A_790 : vector<16xi32>
    %convert_element_type3A_794 = arith.sitofp %shift_left3A_793 : vector<16xi32> to vector<16xf32>
    %max3A_795 = arith.maximumf %min3A_201, %convert_element_type3A_794 : vector<16xf32>
    %min3A_796 = arith.minimumf %neg3A_270, %max3A_795 : vector<16xf32>
    %add3A_797 = arith.constant 32 : i32
    %add3A_798 = vector.broadcast %add3A_797 : i32 to vector<16xi32>
    %add3A_799 = arith.addi %iota3A, %add3A_798 : vector<16xi32>
    %lt3A_800 = arith.constant 100 : i32
    %lt3A_801 = vector.broadcast %lt3A_800 : i32 to vector<16xi32>
    %lt3A_802 = arith.cmpi slt, %add3A_799, %lt3A_801 : vector<16xi32>
    %jit3A_803 = arith.constant -2.000000e+00 : f32
    %broadcast_in_dim3A_804 = vector.broadcast %jit3A_803 : f32 to vector<16xf32>
    %select_n3A_805 = arith.select %lt3A_802, %min3A_796, %broadcast_in_dim3A_804 : vector<16xi1>, vector<16xf32>
    %add3A_806 = arith.addf %min3A_659, %max3A_662 : vector<16xf32>
    %mul3A_807 = arith.constant 5.000000e-01 : f32
    %mul3A_808 = vector.broadcast %mul3A_807 : f32 to vector<16xf32>
    %mul3A_809 = arith.mulf %add3A_806, %mul3A_808 : vector<16xf32>
    %swap3A_810 = arith.constant 32 : index
    %swap3A_811 = tpu.vector_load %arg17[%swap3A_810] {strides = array<i32>} : memref<112xf32, #tpu.memory_space<vmem>>, vector<16xf32>,
    tpu.vector_store %arg17[%swap3A_810], %mul3A_809 {strides = array<i32>} : memref<112xf32, #tpu.memory_space<vmem>>, vector<16xf32>,
    %add3A_812 = arith.addf %min3A_665, %max3A_668 : vector<16xf32>
    %mul3A_813 = arith.constant 5.000000e-01 : f32
    %mul3A_814 = vector.broadcast %mul3A_813 : f32 to vector<16xf32>
    %mul3A_815 = arith.mulf %add3A_812, %mul3A_814 : vector<16xf32>
    %swap3A_816 = arith.constant 32 : index
    %swap3A_817 = tpu.vector_load %arg18[%swap3A_816] {strides = array<i32>} : memref<112xf32, #tpu.memory_space<vmem>>, vector<16xf32>,
    tpu.vector_store %arg18[%swap3A_816], %mul3A_815 {strides = array<i32>} : memref<112xf32, #tpu.memory_space<vmem>>, vector<16xf32>,
    %div3A_818 = arith.constant 1.000000e+00 : f32
    %div3A_819 = vector.broadcast %div3A_818 : f32 to vector<16xf32>
    %div3A_820 = arith.divf %div3A_819, %max3A_672 : vector<16xf32>
    %swap3A_821 = arith.constant 32 : index
    %swap3A_822 = tpu.vector_load %arg19[%swap3A_821] {strides = array<i32>} : memref<112xf32, #tpu.memory_space<vmem>>, vector<16xf32>,
    tpu.vector_store %arg19[%swap3A_821], %div3A_820 {strides = array<i32>} : memref<112xf32, #tpu.memory_space<vmem>>, vector<16xf32>,
    %div3A_823 = arith.constant 1.000000e+00 : f32
    %div3A_824 = vector.broadcast %div3A_823 : f32 to vector<16xf32>
    %div3A_825 = arith.divf %div3A_824, %max3A_676 : vector<16xf32>
    %swap3A_826 = arith.constant 32 : index
    %swap3A_827 = tpu.vector_load %arg20[%swap3A_826] {strides = array<i32>} : memref<112xf32, #tpu.memory_space<vmem>>, vector<16xf32>,
    tpu.vector_store %arg20[%swap3A_826], %div3A_825 {strides = array<i32>} : memref<112xf32, #tpu.memory_space<vmem>>, vector<16xf32>,
    %swap3A_828 = arith.constant 32 : index
    %swap3A_829 = tpu.vector_load %arg21[%swap3A_828] {strides = array<i32>} : memref<112xf32, #tpu.memory_space<vmem>>, vector<16xf32>,
    tpu.vector_store %arg21[%swap3A_828], %select_n3A_805 {strides = array<i32>} : memref<112xf32, #tpu.memory_space<vmem>>, vector<16xf32>,
    %get3A_830 = arith.constant 48 : index
    %get3A_831 = tpu.vector_load %arg14[%get3A_830] {strides = array<i32>} : memref<448xf32, #tpu.memory_space<vmem>>, vector<16xf32>,
    %get3A_832 = arith.constant 160 : index
    %get3A_833 = tpu.vector_load %arg14[%get3A_832] {strides = array<i32>} : memref<448xf32, #tpu.memory_space<vmem>>, vector<16xf32>,
    %get3A_834 = arith.constant 272 : index
    %get3A_835 = tpu.vector_load %arg14[%get3A_834] {strides = array<i32>} : memref<448xf32, #tpu.memory_space<vmem>>, vector<16xf32>,
    %get3A_836 = arith.constant 384 : index
    %get3A_837 = tpu.vector_load %arg14[%get3A_836] {strides = array<i32>} : memref<448xf32, #tpu.memory_space<vmem>>, vector<16xf32>,
    %get3A_838 = arith.constant 48 : index
    %get3A_839 = tpu.vector_load %arg15[%get3A_838] {strides = array<i32>} : memref<448xf32, #tpu.memory_space<vmem>>, vector<16xf32>,
    %get3A_840 = arith.constant 160 : index
    %get3A_841 = tpu.vector_load %arg15[%get3A_840] {strides = array<i32>} : memref<448xf32, #tpu.memory_space<vmem>>, vector<16xf32>,
    %get3A_842 = arith.constant 272 : index
    %get3A_843 = tpu.vector_load %arg15[%get3A_842] {strides = array<i32>} : memref<448xf32, #tpu.memory_space<vmem>>, vector<16xf32>,
    %get3A_844 = arith.constant 384 : index
    %get3A_845 = tpu.vector_load %arg15[%get3A_844] {strides = array<i32>} : memref<448xf32, #tpu.memory_space<vmem>>, vector<16xf32>,
    %min3A_846 = arith.minimumf %get3A_831, %get3A_833 : vector<16xf32>
    %min3A_847 = arith.minimumf %get3A_835, %get3A_837 : vector<16xf32>
    %min3A_848 = arith.minimumf %min3A_846, %min3A_847 : vector<16xf32>
    %max3A_849 = arith.maximumf %get3A_831, %get3A_833 : vector<16xf32>
    %max3A_850 = arith.maximumf %get3A_835, %get3A_837 : vector<16xf32>
    %max3A_851 = arith.maximumf %max3A_849, %max3A_850 : vector<16xf32>
    %min3A_852 = arith.minimumf %get3A_839, %get3A_841 : vector<16xf32>
    %min3A_853 = arith.minimumf %get3A_843, %get3A_845 : vector<16xf32>
    %min3A_854 = arith.minimumf %min3A_852, %min3A_853 : vector<16xf32>
    %max3A_855 = arith.maximumf %get3A_839, %get3A_841 : vector<16xf32>
    %max3A_856 = arith.maximumf %get3A_843, %get3A_845 : vector<16xf32>
    %max3A_857 = arith.maximumf %max3A_855, %max3A_856 : vector<16xf32>
    %sub3A_858 = arith.subf %max3A_851, %min3A_848 : vector<16xf32>
    %max3A_859 = arith.constant 9.99999997E-7 : f32
    %max3A_860 = vector.broadcast %max3A_859 : f32 to vector<16xf32>
    %max3A_861 = arith.maximumf %sub3A_858, %max3A_860 : vector<16xf32>
    %sub3A_862 = arith.subf %max3A_857, %min3A_854 : vector<16xf32>
    %max3A_863 = arith.constant 9.99999997E-7 : f32
    %max3A_864 = vector.broadcast %max3A_863 : f32 to vector<16xf32>
    %max3A_865 = arith.maximumf %sub3A_862, %max3A_864 : vector<16xf32>
    %mul3A_866 = arith.mulf %max3A_861, %max3A_865 : vector<16xf32>
    %mul3A_867 = arith.constant 6.250000e-02 : f32
    %mul3A_868 = vector.broadcast %mul3A_867 : f32 to vector<16xf32>
    %mul3A_869 = arith.mulf %mul3A_866, %mul3A_868 : vector<16xf32>
    %broadcast_in_dim3A_870 = arith.constant 0 : i32
    %broadcast_in_dim3A_871 = vector.broadcast %broadcast_in_dim3A_870 : i32 to vector<16xi32>
    %ge3A_872 = arith.constant 4.000000e+00 : f32
    %ge3A_873 = vector.broadcast %ge3A_872 : f32 to vector<16xf32>
    %ge3A_874 = arith.cmpf oge, %mul3A_869, %ge3A_873 : vector<16xf32>
    %jit3A_875 = arith.constant 1 : i32
    %jit3A_876 = arith.constant 0 : i32
    %broadcast_in_dim3A_877 = vector.broadcast %jit3A_875 : i32 to vector<16xi32>
    %broadcast_in_dim3A_878 = vector.broadcast %jit3A_876 : i32 to vector<16xi32>
    %select_n3A_879 = arith.select %ge3A_874, %broadcast_in_dim3A_877, %broadcast_in_dim3A_878 : vector<16xi1>, vector<16xi32>
    %add3A_880 = arith.addi %broadcast_in_dim3A_871, %select_n3A_879 : vector<16xi32>
    %ge3A_881 = arith.constant 1.600000e+01 : f32
    %ge3A_882 = vector.broadcast %ge3A_881 : f32 to vector<16xf32>
    %ge3A_883 = arith.cmpf oge, %mul3A_869, %ge3A_882 : vector<16xf32>
    %jit3A_884 = arith.constant 1 : i32
    %jit3A_885 = arith.constant 0 : i32
    %broadcast_in_dim3A_886 = vector.broadcast %jit3A_884 : i32 to vector<16xi32>
    %broadcast_in_dim3A_887 = vector.broadcast %jit3A_885 : i32 to vector<16xi32>
    %select_n3A_888 = arith.select %ge3A_883, %broadcast_in_dim3A_886, %broadcast_in_dim3A_887 : vector<16xi1>, vector<16xi32>
    %add3A_889 = arith.addi %add3A_880, %select_n3A_888 : vector<16xi32>
    %ge3A_890 = arith.constant 6.400000e+01 : f32
    %ge3A_891 = vector.broadcast %ge3A_890 : f32 to vector<16xf32>
    %ge3A_892 = arith.cmpf oge, %mul3A_869, %ge3A_891 : vector<16xf32>
    %jit3A_893 = arith.constant 1 : i32
    %jit3A_894 = arith.constant 0 : i32
    %broadcast_in_dim3A_895 = vector.broadcast %jit3A_893 : i32 to vector<16xi32>
    %broadcast_in_dim3A_896 = vector.broadcast %jit3A_894 : i32 to vector<16xi32>
    %select_n3A_897 = arith.select %ge3A_892, %broadcast_in_dim3A_895, %broadcast_in_dim3A_896 : vector<16xi1>, vector<16xi32>
    %add3A_898 = arith.addi %add3A_889, %select_n3A_897 : vector<16xi32>
    %ge3A_899 = arith.constant 2.560000e+02 : f32
    %ge3A_900 = vector.broadcast %ge3A_899 : f32 to vector<16xf32>
    %ge3A_901 = arith.cmpf oge, %mul3A_869, %ge3A_900 : vector<16xf32>
    %jit3A_902 = arith.constant 1 : i32
    %jit3A_903 = arith.constant 0 : i32
    %broadcast_in_dim3A_904 = vector.broadcast %jit3A_902 : i32 to vector<16xi32>
    %broadcast_in_dim3A_905 = vector.broadcast %jit3A_903 : i32 to vector<16xi32>
    %select_n3A_906 = arith.select %ge3A_901, %broadcast_in_dim3A_904, %broadcast_in_dim3A_905 : vector<16xi1>, vector<16xi32>
    %add3A_907 = arith.addi %add3A_898, %select_n3A_906 : vector<16xi32>
    %ge3A_908 = arith.constant 1.024000e+03 : f32
    %ge3A_909 = vector.broadcast %ge3A_908 : f32 to vector<16xf32>
    %ge3A_910 = arith.cmpf oge, %mul3A_869, %ge3A_909 : vector<16xf32>
    %jit3A_911 = arith.constant 1 : i32
    %jit3A_912 = arith.constant 0 : i32
    %broadcast_in_dim3A_913 = vector.broadcast %jit3A_911 : i32 to vector<16xi32>
    %broadcast_in_dim3A_914 = vector.broadcast %jit3A_912 : i32 to vector<16xi32>
    %select_n3A_915 = arith.select %ge3A_910, %broadcast_in_dim3A_913, %broadcast_in_dim3A_914 : vector<16xi1>, vector<16xi32>
    %add3A_916 = arith.addi %add3A_907, %select_n3A_915 : vector<16xi32>
    %ge3A_917 = arith.constant 4.096000e+03 : f32
    %ge3A_918 = vector.broadcast %ge3A_917 : f32 to vector<16xf32>
    %ge3A_919 = arith.cmpf oge, %mul3A_869, %ge3A_918 : vector<16xf32>
    %jit3A_920 = arith.constant 1 : i32
    %jit3A_921 = arith.constant 0 : i32
    %broadcast_in_dim3A_922 = vector.broadcast %jit3A_920 : i32 to vector<16xi32>
    %broadcast_in_dim3A_923 = vector.broadcast %jit3A_921 : i32 to vector<16xi32>
    %select_n3A_924 = arith.select %ge3A_919, %broadcast_in_dim3A_922, %broadcast_in_dim3A_923 : vector<16xi1>, vector<16xi32>
    %add3A_925 = arith.addi %add3A_916, %select_n3A_924 : vector<16xi32>
    %ge3A_926 = arith.constant 1.638400e+04 : f32
    %ge3A_927 = vector.broadcast %ge3A_926 : f32 to vector<16xf32>
    %ge3A_928 = arith.cmpf oge, %mul3A_869, %ge3A_927 : vector<16xf32>
    %jit3A_929 = arith.constant 1 : i32
    %jit3A_930 = arith.constant 0 : i32
    %broadcast_in_dim3A_931 = vector.broadcast %jit3A_929 : i32 to vector<16xi32>
    %broadcast_in_dim3A_932 = vector.broadcast %jit3A_930 : i32 to vector<16xi32>
    %select_n3A_933 = arith.select %ge3A_928, %broadcast_in_dim3A_931, %broadcast_in_dim3A_932 : vector<16xi1>, vector<16xi32>
    %add3A_934 = arith.addi %add3A_925, %select_n3A_933 : vector<16xi32>
    %ge3A_935 = arith.constant 6.553600e+04 : f32
    %ge3A_936 = vector.broadcast %ge3A_935 : f32 to vector<16xf32>
    %ge3A_937 = arith.cmpf oge, %mul3A_869, %ge3A_936 : vector<16xf32>
    %jit3A_938 = arith.constant 1 : i32
    %jit3A_939 = arith.constant 0 : i32
    %broadcast_in_dim3A_940 = vector.broadcast %jit3A_938 : i32 to vector<16xi32>
    %broadcast_in_dim3A_941 = vector.broadcast %jit3A_939 : i32 to vector<16xi32>
    %select_n3A_942 = arith.select %ge3A_937, %broadcast_in_dim3A_940, %broadcast_in_dim3A_941 : vector<16xi1>, vector<16xi32>
    %add3A_943 = arith.addi %add3A_934, %select_n3A_942 : vector<16xi32>
    %ge3A_944 = arith.constant 2.621440e+05 : f32
    %ge3A_945 = vector.broadcast %ge3A_944 : f32 to vector<16xf32>
    %ge3A_946 = arith.cmpf oge, %mul3A_869, %ge3A_945 : vector<16xf32>
    %jit3A_947 = arith.constant 1 : i32
    %jit3A_948 = arith.constant 0 : i32
    %broadcast_in_dim3A_949 = vector.broadcast %jit3A_947 : i32 to vector<16xi32>
    %broadcast_in_dim3A_950 = vector.broadcast %jit3A_948 : i32 to vector<16xi32>
    %select_n3A_951 = arith.select %ge3A_946, %broadcast_in_dim3A_949, %broadcast_in_dim3A_950 : vector<16xi1>, vector<16xi32>
    %add3A_952 = arith.addi %add3A_943, %select_n3A_951 : vector<16xi32>
    %ge3A_953 = arith.constant 0x49800000 : f32
    %ge3A_954 = vector.broadcast %ge3A_953 : f32 to vector<16xf32>
    %ge3A_955 = arith.cmpf oge, %mul3A_869, %ge3A_954 : vector<16xf32>
    %jit3A_956 = arith.constant 1 : i32
    %jit3A_957 = arith.constant 0 : i32
    %broadcast_in_dim3A_958 = vector.broadcast %jit3A_956 : i32 to vector<16xi32>
    %broadcast_in_dim3A_959 = vector.broadcast %jit3A_957 : i32 to vector<16xi32>
    %select_n3A_960 = arith.select %ge3A_955, %broadcast_in_dim3A_958, %broadcast_in_dim3A_959 : vector<16xi1>, vector<16xi32>
    %add3A_961 = arith.addi %add3A_952, %select_n3A_960 : vector<16xi32>
    %ge3A_962 = arith.constant 0x4A800000 : f32
    %ge3A_963 = vector.broadcast %ge3A_962 : f32 to vector<16xf32>
    %ge3A_964 = arith.cmpf oge, %mul3A_869, %ge3A_963 : vector<16xf32>
    %jit3A_965 = arith.constant 1 : i32
    %jit3A_966 = arith.constant 0 : i32
    %broadcast_in_dim3A_967 = vector.broadcast %jit3A_965 : i32 to vector<16xi32>
    %broadcast_in_dim3A_968 = vector.broadcast %jit3A_966 : i32 to vector<16xi32>
    %select_n3A_969 = arith.select %ge3A_964, %broadcast_in_dim3A_967, %broadcast_in_dim3A_968 : vector<16xi1>, vector<16xi32>
    %add3A_970 = arith.addi %add3A_961, %select_n3A_969 : vector<16xi32>
    %ge3A_971 = arith.constant 0x4B800000 : f32
    %ge3A_972 = vector.broadcast %ge3A_971 : f32 to vector<16xf32>
    %ge3A_973 = arith.cmpf oge, %mul3A_869, %ge3A_972 : vector<16xf32>
    %jit3A_974 = arith.constant 1 : i32
    %jit3A_975 = arith.constant 0 : i32
    %broadcast_in_dim3A_976 = vector.broadcast %jit3A_974 : i32 to vector<16xi32>
    %broadcast_in_dim3A_977 = vector.broadcast %jit3A_975 : i32 to vector<16xi32>
    %select_n3A_978 = arith.select %ge3A_973, %broadcast_in_dim3A_976, %broadcast_in_dim3A_977 : vector<16xi1>, vector<16xi32>
    %add3A_979 = arith.addi %add3A_970, %select_n3A_978 : vector<16xi32>
    %shift_left3A_980 = arith.constant 1 : i32
    %shift_left3A_981 = vector.broadcast %shift_left3A_980 : i32 to vector<16xi32>
    %shift_left3A_982 = arith.shli %shift_left3A_981, %add3A_979 : vector<16xi32>
    %convert_element_type3A_983 = arith.sitofp %shift_left3A_982 : vector<16xi32> to vector<16xf32>
    %max3A_984 = arith.maximumf %min3A_201, %convert_element_type3A_983 : vector<16xf32>
    %min3A_985 = arith.minimumf %neg3A_270, %max3A_984 : vector<16xf32>
    %add3A_986 = arith.constant 48 : i32
    %add3A_987 = vector.broadcast %add3A_986 : i32 to vector<16xi32>
    %add3A_988 = arith.addi %iota3A, %add3A_987 : vector<16xi32>
    %lt3A_989 = arith.constant 100 : i32
    %lt3A_990 = vector.broadcast %lt3A_989 : i32 to vector<16xi32>
    %lt3A_991 = arith.cmpi slt, %add3A_988, %lt3A_990 : vector<16xi32>
    %jit3A_992 = arith.constant -2.000000e+00 : f32
    %broadcast_in_dim3A_993 = vector.broadcast %jit3A_992 : f32 to vector<16xf32>
    %select_n3A_994 = arith.select %lt3A_991, %min3A_985, %broadcast_in_dim3A_993 : vector<16xi1>, vector<16xf32>
    %add3A_995 = arith.addf %min3A_848, %max3A_851 : vector<16xf32>
    %mul3A_996 = arith.constant 5.000000e-01 : f32
    %mul3A_997 = vector.broadcast %mul3A_996 : f32 to vector<16xf32>
    %mul3A_998 = arith.mulf %add3A_995, %mul3A_997 : vector<16xf32>
    %swap3A_999 = arith.constant 48 : index
    %swap3A_1000 = tpu.vector_load %arg17[%swap3A_999] {strides = array<i32>} : memref<112xf32, #tpu.memory_space<vmem>>, vector<16xf32>,
    tpu.vector_store %arg17[%swap3A_999], %mul3A_998 {strides = array<i32>} : memref<112xf32, #tpu.memory_space<vmem>>, vector<16xf32>,
    %add3A_1001 = arith.addf %min3A_854, %max3A_857 : vector<16xf32>
    %mul3A_1002 = arith.constant 5.000000e-01 : f32
    %mul3A_1003 = vector.broadcast %mul3A_1002 : f32 to vector<16xf32>
    %mul3A_1004 = arith.mulf %add3A_1001, %mul3A_1003 : vector<16xf32>
    %swap3A_1005 = arith.constant 48 : index
    %swap3A_1006 = tpu.vector_load %arg18[%swap3A_1005] {strides = array<i32>} : memref<112xf32, #tpu.memory_space<vmem>>, vector<16xf32>,
    tpu.vector_store %arg18[%swap3A_1005], %mul3A_1004 {strides = array<i32>} : memref<112xf32, #tpu.memory_space<vmem>>, vector<16xf32>,
    %div3A_1007 = arith.constant 1.000000e+00 : f32
    %div3A_1008 = vector.broadcast %div3A_1007 : f32 to vector<16xf32>
    %div3A_1009 = arith.divf %div3A_1008, %max3A_861 : vector<16xf32>
    %swap3A_1010 = arith.constant 48 : index
    %swap3A_1011 = tpu.vector_load %arg19[%swap3A_1010] {strides = array<i32>} : memref<112xf32, #tpu.memory_space<vmem>>, vector<16xf32>,
    tpu.vector_store %arg19[%swap3A_1010], %div3A_1009 {strides = array<i32>} : memref<112xf32, #tpu.memory_space<vmem>>, vector<16xf32>,
    %div3A_1012 = arith.constant 1.000000e+00 : f32
    %div3A_1013 = vector.broadcast %div3A_1012 : f32 to vector<16xf32>
    %div3A_1014 = arith.divf %div3A_1013, %max3A_865 : vector<16xf32>
    %swap3A_1015 = arith.constant 48 : index
    %swap3A_1016 = tpu.vector_load %arg20[%swap3A_1015] {strides = array<i32>} : memref<112xf32, #tpu.memory_space<vmem>>, vector<16xf32>,
    tpu.vector_store %arg20[%swap3A_1015], %div3A_1014 {strides = array<i32>} : memref<112xf32, #tpu.memory_space<vmem>>, vector<16xf32>,
    %swap3A_1017 = arith.constant 48 : index
    %swap3A_1018 = tpu.vector_load %arg21[%swap3A_1017] {strides = array<i32>} : memref<112xf32, #tpu.memory_space<vmem>>, vector<16xf32>,
    tpu.vector_store %arg21[%swap3A_1017], %select_n3A_994 {strides = array<i32>} : memref<112xf32, #tpu.memory_space<vmem>>, vector<16xf32>,
    %get3A_1019 = arith.constant 64 : index
    %get3A_1020 = tpu.vector_load %arg14[%get3A_1019] {strides = array<i32>} : memref<448xf32, #tpu.memory_space<vmem>>, vector<16xf32>,
    %get3A_1021 = arith.constant 176 : index
    %get3A_1022 = tpu.vector_load %arg14[%get3A_1021] {strides = array<i32>} : memref<448xf32, #tpu.memory_space<vmem>>, vector<16xf32>,
    %get3A_1023 = arith.constant 288 : index
    %get3A_1024 = tpu.vector_load %arg14[%get3A_1023] {strides = array<i32>} : memref<448xf32, #tpu.memory_space<vmem>>, vector<16xf32>,
    %get3A_1025 = arith.constant 400 : index
    %get3A_1026 = tpu.vector_load %arg14[%get3A_1025] {strides = array<i32>} : memref<448xf32, #tpu.memory_space<vmem>>, vector<16xf32>,
    %get3A_1027 = arith.constant 64 : index
    %get3A_1028 = tpu.vector_load %arg15[%get3A_1027] {strides = array<i32>} : memref<448xf32, #tpu.memory_space<vmem>>, vector<16xf32>,
    %get3A_1029 = arith.constant 176 : index
    %get3A_1030 = tpu.vector_load %arg15[%get3A_1029] {strides = array<i32>} : memref<448xf32, #tpu.memory_space<vmem>>, vector<16xf32>,
    %get3A_1031 = arith.constant 288 : index
    %get3A_1032 = tpu.vector_load %arg15[%get3A_1031] {strides = array<i32>} : memref<448xf32, #tpu.memory_space<vmem>>, vector<16xf32>,
    %get3A_1033 = arith.constant 400 : index
    %get3A_1034 = tpu.vector_load %arg15[%get3A_1033] {strides = array<i32>} : memref<448xf32, #tpu.memory_space<vmem>>, vector<16xf32>,
    %min3A_1035 = arith.minimumf %get3A_1020, %get3A_1022 : vector<16xf32>
    %min3A_1036 = arith.minimumf %get3A_1024, %get3A_1026 : vector<16xf32>
    %min3A_1037 = arith.minimumf %min3A_1035, %min3A_1036 : vector<16xf32>
    %max3A_1038 = arith.maximumf %get3A_1020, %get3A_1022 : vector<16xf32>
    %max3A_1039 = arith.maximumf %get3A_1024, %get3A_1026 : vector<16xf32>
    %max3A_1040 = arith.maximumf %max3A_1038, %max3A_1039 : vector<16xf32>
    %min3A_1041 = arith.minimumf %get3A_1028, %get3A_1030 : vector<16xf32>
    %min3A_1042 = arith.minimumf %get3A_1032, %get3A_1034 : vector<16xf32>
    %min3A_1043 = arith.minimumf %min3A_1041, %min3A_1042 : vector<16xf32>
    %max3A_1044 = arith.maximumf %get3A_1028, %get3A_1030 : vector<16xf32>
    %max3A_1045 = arith.maximumf %get3A_1032, %get3A_1034 : vector<16xf32>
    %max3A_1046 = arith.maximumf %max3A_1044, %max3A_1045 : vector<16xf32>
    %sub3A_1047 = arith.subf %max3A_1040, %min3A_1037 : vector<16xf32>
    %max3A_1048 = arith.constant 9.99999997E-7 : f32
    %max3A_1049 = vector.broadcast %max3A_1048 : f32 to vector<16xf32>
    %max3A_1050 = arith.maximumf %sub3A_1047, %max3A_1049 : vector<16xf32>
    %sub3A_1051 = arith.subf %max3A_1046, %min3A_1043 : vector<16xf32>
    %max3A_1052 = arith.constant 9.99999997E-7 : f32
    %max3A_1053 = vector.broadcast %max3A_1052 : f32 to vector<16xf32>
    %max3A_1054 = arith.maximumf %sub3A_1051, %max3A_1053 : vector<16xf32>
    %mul3A_1055 = arith.mulf %max3A_1050, %max3A_1054 : vector<16xf32>
    %mul3A_1056 = arith.constant 6.250000e-02 : f32
    %mul3A_1057 = vector.broadcast %mul3A_1056 : f32 to vector<16xf32>
    %mul3A_1058 = arith.mulf %mul3A_1055, %mul3A_1057 : vector<16xf32>
    %broadcast_in_dim3A_1059 = arith.constant 0 : i32
    %broadcast_in_dim3A_1060 = vector.broadcast %broadcast_in_dim3A_1059 : i32 to vector<16xi32>
    %ge3A_1061 = arith.constant 4.000000e+00 : f32
    %ge3A_1062 = vector.broadcast %ge3A_1061 : f32 to vector<16xf32>
    %ge3A_1063 = arith.cmpf oge, %mul3A_1058, %ge3A_1062 : vector<16xf32>
    %jit3A_1064 = arith.constant 1 : i32
    %jit3A_1065 = arith.constant 0 : i32
    %broadcast_in_dim3A_1066 = vector.broadcast %jit3A_1064 : i32 to vector<16xi32>
    %broadcast_in_dim3A_1067 = vector.broadcast %jit3A_1065 : i32 to vector<16xi32>
    %select_n3A_1068 = arith.select %ge3A_1063, %broadcast_in_dim3A_1066, %broadcast_in_dim3A_1067 : vector<16xi1>, vector<16xi32>
    %add3A_1069 = arith.addi %broadcast_in_dim3A_1060, %select_n3A_1068 : vector<16xi32>
    %ge3A_1070 = arith.constant 1.600000e+01 : f32
    %ge3A_1071 = vector.broadcast %ge3A_1070 : f32 to vector<16xf32>
    %ge3A_1072 = arith.cmpf oge, %mul3A_1058, %ge3A_1071 : vector<16xf32>
    %jit3A_1073 = arith.constant 1 : i32
    %jit3A_1074 = arith.constant 0 : i32
    %broadcast_in_dim3A_1075 = vector.broadcast %jit3A_1073 : i32 to vector<16xi32>
    %broadcast_in_dim3A_1076 = vector.broadcast %jit3A_1074 : i32 to vector<16xi32>
    %select_n3A_1077 = arith.select %ge3A_1072, %broadcast_in_dim3A_1075, %broadcast_in_dim3A_1076 : vector<16xi1>, vector<16xi32>
    %add3A_1078 = arith.addi %add3A_1069, %select_n3A_1077 : vector<16xi32>
    %ge3A_1079 = arith.constant 6.400000e+01 : f32
    %ge3A_1080 = vector.broadcast %ge3A_1079 : f32 to vector<16xf32>
    %ge3A_1081 = arith.cmpf oge, %mul3A_1058, %ge3A_1080 : vector<16xf32>
    %jit3A_1082 = arith.constant 1 : i32
    %jit3A_1083 = arith.constant 0 : i32
    %broadcast_in_dim3A_1084 = vector.broadcast %jit3A_1082 : i32 to vector<16xi32>
    %broadcast_in_dim3A_1085 = vector.broadcast %jit3A_1083 : i32 to vector<16xi32>
    %select_n3A_1086 = arith.select %ge3A_1081, %broadcast_in_dim3A_1084, %broadcast_in_dim3A_1085 : vector<16xi1>, vector<16xi32>
    %add3A_1087 = arith.addi %add3A_1078, %select_n3A_1086 : vector<16xi32>
    %ge3A_1088 = arith.constant 2.560000e+02 : f32
    %ge3A_1089 = vector.broadcast %ge3A_1088 : f32 to vector<16xf32>
    %ge3A_1090 = arith.cmpf oge, %mul3A_1058, %ge3A_1089 : vector<16xf32>
    %jit3A_1091 = arith.constant 1 : i32
    %jit3A_1092 = arith.constant 0 : i32
    %broadcast_in_dim3A_1093 = vector.broadcast %jit3A_1091 : i32 to vector<16xi32>
    %broadcast_in_dim3A_1094 = vector.broadcast %jit3A_1092 : i32 to vector<16xi32>
    %select_n3A_1095 = arith.select %ge3A_1090, %broadcast_in_dim3A_1093, %broadcast_in_dim3A_1094 : vector<16xi1>, vector<16xi32>
    %add3A_1096 = arith.addi %add3A_1087, %select_n3A_1095 : vector<16xi32>
    %ge3A_1097 = arith.constant 1.024000e+03 : f32
    %ge3A_1098 = vector.broadcast %ge3A_1097 : f32 to vector<16xf32>
    %ge3A_1099 = arith.cmpf oge, %mul3A_1058, %ge3A_1098 : vector<16xf32>
    %jit3A_1100 = arith.constant 1 : i32
    %jit3A_1101 = arith.constant 0 : i32
    %broadcast_in_dim3A_1102 = vector.broadcast %jit3A_1100 : i32 to vector<16xi32>
    %broadcast_in_dim3A_1103 = vector.broadcast %jit3A_1101 : i32 to vector<16xi32>
    %select_n3A_1104 = arith.select %ge3A_1099, %broadcast_in_dim3A_1102, %broadcast_in_dim3A_1103 : vector<16xi1>, vector<16xi32>
    %add3A_1105 = arith.addi %add3A_1096, %select_n3A_1104 : vector<16xi32>
    %ge3A_1106 = arith.constant 4.096000e+03 : f32
    %ge3A_1107 = vector.broadcast %ge3A_1106 : f32 to vector<16xf32>
    %ge3A_1108 = arith.cmpf oge, %mul3A_1058, %ge3A_1107 : vector<16xf32>
    %jit3A_1109 = arith.constant 1 : i32
    %jit3A_1110 = arith.constant 0 : i32
    %broadcast_in_dim3A_1111 = vector.broadcast %jit3A_1109 : i32 to vector<16xi32>
    %broadcast_in_dim3A_1112 = vector.broadcast %jit3A_1110 : i32 to vector<16xi32>
    %select_n3A_1113 = arith.select %ge3A_1108, %broadcast_in_dim3A_1111, %broadcast_in_dim3A_1112 : vector<16xi1>, vector<16xi32>
    %add3A_1114 = arith.addi %add3A_1105, %select_n3A_1113 : vector<16xi32>
    %ge3A_1115 = arith.constant 1.638400e+04 : f32
    %ge3A_1116 = vector.broadcast %ge3A_1115 : f32 to vector<16xf32>
    %ge3A_1117 = arith.cmpf oge, %mul3A_1058, %ge3A_1116 : vector<16xf32>
    %jit3A_1118 = arith.constant 1 : i32
    %jit3A_1119 = arith.constant 0 : i32
    %broadcast_in_dim3A_1120 = vector.broadcast %jit3A_1118 : i32 to vector<16xi32>
    %broadcast_in_dim3A_1121 = vector.broadcast %jit3A_1119 : i32 to vector<16xi32>
    %select_n3A_1122 = arith.select %ge3A_1117, %broadcast_in_dim3A_1120, %broadcast_in_dim3A_1121 : vector<16xi1>, vector<16xi32>
    %add3A_1123 = arith.addi %add3A_1114, %select_n3A_1122 : vector<16xi32>
    %ge3A_1124 = arith.constant 6.553600e+04 : f32
    %ge3A_1125 = vector.broadcast %ge3A_1124 : f32 to vector<16xf32>
    %ge3A_1126 = arith.cmpf oge, %mul3A_1058, %ge3A_1125 : vector<16xf32>
    %jit3A_1127 = arith.constant 1 : i32
    %jit3A_1128 = arith.constant 0 : i32
    %broadcast_in_dim3A_1129 = vector.broadcast %jit3A_1127 : i32 to vector<16xi32>
    %broadcast_in_dim3A_1130 = vector.broadcast %jit3A_1128 : i32 to vector<16xi32>
    %select_n3A_1131 = arith.select %ge3A_1126, %broadcast_in_dim3A_1129, %broadcast_in_dim3A_1130 : vector<16xi1>, vector<16xi32>
    %add3A_1132 = arith.addi %add3A_1123, %select_n3A_1131 : vector<16xi32>
    %ge3A_1133 = arith.constant 2.621440e+05 : f32
    %ge3A_1134 = vector.broadcast %ge3A_1133 : f32 to vector<16xf32>
    %ge3A_1135 = arith.cmpf oge, %mul3A_1058, %ge3A_1134 : vector<16xf32>
    %jit3A_1136 = arith.constant 1 : i32
    %jit3A_1137 = arith.constant 0 : i32
    %broadcast_in_dim3A_1138 = vector.broadcast %jit3A_1136 : i32 to vector<16xi32>
    %broadcast_in_dim3A_1139 = vector.broadcast %jit3A_1137 : i32 to vector<16xi32>
    %select_n3A_1140 = arith.select %ge3A_1135, %broadcast_in_dim3A_1138, %broadcast_in_dim3A_1139 : vector<16xi1>, vector<16xi32>
    %add3A_1141 = arith.addi %add3A_1132, %select_n3A_1140 : vector<16xi32>
    %ge3A_1142 = arith.constant 0x49800000 : f32
    %ge3A_1143 = vector.broadcast %ge3A_1142 : f32 to vector<16xf32>
    %ge3A_1144 = arith.cmpf oge, %mul3A_1058, %ge3A_1143 : vector<16xf32>
    %jit3A_1145 = arith.constant 1 : i32
    %jit3A_1146 = arith.constant 0 : i32
    %broadcast_in_dim3A_1147 = vector.broadcast %jit3A_1145 : i32 to vector<16xi32>
    %broadcast_in_dim3A_1148 = vector.broadcast %jit3A_1146 : i32 to vector<16xi32>
    %select_n3A_1149 = arith.select %ge3A_1144, %broadcast_in_dim3A_1147, %broadcast_in_dim3A_1148 : vector<16xi1>, vector<16xi32>
    %add3A_1150 = arith.addi %add3A_1141, %select_n3A_1149 : vector<16xi32>
    %ge3A_1151 = arith.constant 0x4A800000 : f32
    %ge3A_1152 = vector.broadcast %ge3A_1151 : f32 to vector<16xf32>
    %ge3A_1153 = arith.cmpf oge, %mul3A_1058, %ge3A_1152 : vector<16xf32>
    %jit3A_1154 = arith.constant 1 : i32
    %jit3A_1155 = arith.constant 0 : i32
    %broadcast_in_dim3A_1156 = vector.broadcast %jit3A_1154 : i32 to vector<16xi32>
    %broadcast_in_dim3A_1157 = vector.broadcast %jit3A_1155 : i32 to vector<16xi32>
    %select_n3A_1158 = arith.select %ge3A_1153, %broadcast_in_dim3A_1156, %broadcast_in_dim3A_1157 : vector<16xi1>, vector<16xi32>
    %add3A_1159 = arith.addi %add3A_1150, %select_n3A_1158 : vector<16xi32>
    %ge3A_1160 = arith.constant 0x4B800000 : f32
    %ge3A_1161 = vector.broadcast %ge3A_1160 : f32 to vector<16xf32>
    %ge3A_1162 = arith.cmpf oge, %mul3A_1058, %ge3A_1161 : vector<16xf32>
    %jit3A_1163 = arith.constant 1 : i32
    %jit3A_1164 = arith.constant 0 : i32
    %broadcast_in_dim3A_1165 = vector.broadcast %jit3A_1163 : i32 to vector<16xi32>
    %broadcast_in_dim3A_1166 = vector.broadcast %jit3A_1164 : i32 to vector<16xi32>
    %select_n3A_1167 = arith.select %ge3A_1162, %broadcast_in_dim3A_1165, %broadcast_in_dim3A_1166 : vector<16xi1>, vector<16xi32>
    %add3A_1168 = arith.addi %add3A_1159, %select_n3A_1167 : vector<16xi32>
    %shift_left3A_1169 = arith.constant 1 : i32
    %shift_left3A_1170 = vector.broadcast %shift_left3A_1169 : i32 to vector<16xi32>
    %shift_left3A_1171 = arith.shli %shift_left3A_1170, %add3A_1168 : vector<16xi32>
    %convert_element_type3A_1172 = arith.sitofp %shift_left3A_1171 : vector<16xi32> to vector<16xf32>
    %max3A_1173 = arith.maximumf %min3A_201, %convert_element_type3A_1172 : vector<16xf32>
    %min3A_1174 = arith.minimumf %neg3A_270, %max3A_1173 : vector<16xf32>
    %add3A_1175 = arith.constant 64 : i32
    %add3A_1176 = vector.broadcast %add3A_1175 : i32 to vector<16xi32>
    %add3A_1177 = arith.addi %iota3A, %add3A_1176 : vector<16xi32>
    %lt3A_1178 = arith.constant 100 : i32
    %lt3A_1179 = vector.broadcast %lt3A_1178 : i32 to vector<16xi32>
    %lt3A_1180 = arith.cmpi slt, %add3A_1177, %lt3A_1179 : vector<16xi32>
    %jit3A_1181 = arith.constant -2.000000e+00 : f32
    %broadcast_in_dim3A_1182 = vector.broadcast %jit3A_1181 : f32 to vector<16xf32>
    %select_n3A_1183 = arith.select %lt3A_1180, %min3A_1174, %broadcast_in_dim3A_1182 : vector<16xi1>, vector<16xf32>
    %add3A_1184 = arith.addf %min3A_1037, %max3A_1040 : vector<16xf32>
    %mul3A_1185 = arith.constant 5.000000e-01 : f32
    %mul3A_1186 = vector.broadcast %mul3A_1185 : f32 to vector<16xf32>
    %mul3A_1187 = arith.mulf %add3A_1184, %mul3A_1186 : vector<16xf32>
    %swap3A_1188 = arith.constant 64 : index
    %swap3A_1189 = tpu.vector_load %arg17[%swap3A_1188] {strides = array<i32>} : memref<112xf32, #tpu.memory_space<vmem>>, vector<16xf32>,
    tpu.vector_store %arg17[%swap3A_1188], %mul3A_1187 {strides = array<i32>} : memref<112xf32, #tpu.memory_space<vmem>>, vector<16xf32>,
    %add3A_1190 = arith.addf %min3A_1043, %max3A_1046 : vector<16xf32>
    %mul3A_1191 = arith.constant 5.000000e-01 : f32
    %mul3A_1192 = vector.broadcast %mul3A_1191 : f32 to vector<16xf32>
    %mul3A_1193 = arith.mulf %add3A_1190, %mul3A_1192 : vector<16xf32>
    %swap3A_1194 = arith.constant 64 : index
    %swap3A_1195 = tpu.vector_load %arg18[%swap3A_1194] {strides = array<i32>} : memref<112xf32, #tpu.memory_space<vmem>>, vector<16xf32>,
    tpu.vector_store %arg18[%swap3A_1194], %mul3A_1193 {strides = array<i32>} : memref<112xf32, #tpu.memory_space<vmem>>, vector<16xf32>,
    %div3A_1196 = arith.constant 1.000000e+00 : f32
    %div3A_1197 = vector.broadcast %div3A_1196 : f32 to vector<16xf32>
    %div3A_1198 = arith.divf %div3A_1197, %max3A_1050 : vector<16xf32>
    %swap3A_1199 = arith.constant 64 : index
    %swap3A_1200 = tpu.vector_load %arg19[%swap3A_1199] {strides = array<i32>} : memref<112xf32, #tpu.memory_space<vmem>>, vector<16xf32>,
    tpu.vector_store %arg19[%swap3A_1199], %div3A_1198 {strides = array<i32>} : memref<112xf32, #tpu.memory_space<vmem>>, vector<16xf32>,
    %div3A_1201 = arith.constant 1.000000e+00 : f32
    %div3A_1202 = vector.broadcast %div3A_1201 : f32 to vector<16xf32>
    %div3A_1203 = arith.divf %div3A_1202, %max3A_1054 : vector<16xf32>
    %swap3A_1204 = arith.constant 64 : index
    %swap3A_1205 = tpu.vector_load %arg20[%swap3A_1204] {strides = array<i32>} : memref<112xf32, #tpu.memory_space<vmem>>, vector<16xf32>,
    tpu.vector_store %arg20[%swap3A_1204], %div3A_1203 {strides = array<i32>} : memref<112xf32, #tpu.memory_space<vmem>>, vector<16xf32>,
    %swap3A_1206 = arith.constant 64 : index
    %swap3A_1207 = tpu.vector_load %arg21[%swap3A_1206] {strides = array<i32>} : memref<112xf32, #tpu.memory_space<vmem>>, vector<16xf32>,
    tpu.vector_store %arg21[%swap3A_1206], %select_n3A_1183 {strides = array<i32>} : memref<112xf32, #tpu.memory_space<vmem>>, vector<16xf32>,
    %get3A_1208 = arith.constant 80 : index
    %get3A_1209 = tpu.vector_load %arg14[%get3A_1208] {strides = array<i32>} : memref<448xf32, #tpu.memory_space<vmem>>, vector<16xf32>,
    %get3A_1210 = arith.constant 192 : index
    %get3A_1211 = tpu.vector_load %arg14[%get3A_1210] {strides = array<i32>} : memref<448xf32, #tpu.memory_space<vmem>>, vector<16xf32>,
    %get3A_1212 = arith.constant 304 : index
    %get3A_1213 = tpu.vector_load %arg14[%get3A_1212] {strides = array<i32>} : memref<448xf32, #tpu.memory_space<vmem>>, vector<16xf32>,
    %get3A_1214 = arith.constant 416 : index
    %get3A_1215 = tpu.vector_load %arg14[%get3A_1214] {strides = array<i32>} : memref<448xf32, #tpu.memory_space<vmem>>, vector<16xf32>,
    %get3A_1216 = arith.constant 80 : index
    %get3A_1217 = tpu.vector_load %arg15[%get3A_1216] {strides = array<i32>} : memref<448xf32, #tpu.memory_space<vmem>>, vector<16xf32>,
    %get3A_1218 = arith.constant 192 : index
    %get3A_1219 = tpu.vector_load %arg15[%get3A_1218] {strides = array<i32>} : memref<448xf32, #tpu.memory_space<vmem>>, vector<16xf32>,
    %get3A_1220 = arith.constant 304 : index
    %get3A_1221 = tpu.vector_load %arg15[%get3A_1220] {strides = array<i32>} : memref<448xf32, #tpu.memory_space<vmem>>, vector<16xf32>,
    %get3A_1222 = arith.constant 416 : index
    %get3A_1223 = tpu.vector_load %arg15[%get3A_1222] {strides = array<i32>} : memref<448xf32, #tpu.memory_space<vmem>>, vector<16xf32>,
    %min3A_1224 = arith.minimumf %get3A_1209, %get3A_1211 : vector<16xf32>
    %min3A_1225 = arith.minimumf %get3A_1213, %get3A_1215 : vector<16xf32>
    %min3A_1226 = arith.minimumf %min3A_1224, %min3A_1225 : vector<16xf32>
    %max3A_1227 = arith.maximumf %get3A_1209, %get3A_1211 : vector<16xf32>
    %max3A_1228 = arith.maximumf %get3A_1213, %get3A_1215 : vector<16xf32>
    %max3A_1229 = arith.maximumf %max3A_1227, %max3A_1228 : vector<16xf32>
    %min3A_1230 = arith.minimumf %get3A_1217, %get3A_1219 : vector<16xf32>
    %min3A_1231 = arith.minimumf %get3A_1221, %get3A_1223 : vector<16xf32>
    %min3A_1232 = arith.minimumf %min3A_1230, %min3A_1231 : vector<16xf32>
    %max3A_1233 = arith.maximumf %get3A_1217, %get3A_1219 : vector<16xf32>
    %max3A_1234 = arith.maximumf %get3A_1221, %get3A_1223 : vector<16xf32>
    %max3A_1235 = arith.maximumf %max3A_1233, %max3A_1234 : vector<16xf32>
    %sub3A_1236 = arith.subf %max3A_1229, %min3A_1226 : vector<16xf32>
    %max3A_1237 = arith.constant 9.99999997E-7 : f32
    %max3A_1238 = vector.broadcast %max3A_1237 : f32 to vector<16xf32>
    %max3A_1239 = arith.maximumf %sub3A_1236, %max3A_1238 : vector<16xf32>
    %sub3A_1240 = arith.subf %max3A_1235, %min3A_1232 : vector<16xf32>
    %max3A_1241 = arith.constant 9.99999997E-7 : f32
    %max3A_1242 = vector.broadcast %max3A_1241 : f32 to vector<16xf32>
    %max3A_1243 = arith.maximumf %sub3A_1240, %max3A_1242 : vector<16xf32>
    %mul3A_1244 = arith.mulf %max3A_1239, %max3A_1243 : vector<16xf32>
    %mul3A_1245 = arith.constant 6.250000e-02 : f32
    %mul3A_1246 = vector.broadcast %mul3A_1245 : f32 to vector<16xf32>
    %mul3A_1247 = arith.mulf %mul3A_1244, %mul3A_1246 : vector<16xf32>
    %broadcast_in_dim3A_1248 = arith.constant 0 : i32
    %broadcast_in_dim3A_1249 = vector.broadcast %broadcast_in_dim3A_1248 : i32 to vector<16xi32>
    %ge3A_1250 = arith.constant 4.000000e+00 : f32
    %ge3A_1251 = vector.broadcast %ge3A_1250 : f32 to vector<16xf32>
    %ge3A_1252 = arith.cmpf oge, %mul3A_1247, %ge3A_1251 : vector<16xf32>
    %jit3A_1253 = arith.constant 1 : i32
    %jit3A_1254 = arith.constant 0 : i32
    %broadcast_in_dim3A_1255 = vector.broadcast %jit3A_1253 : i32 to vector<16xi32>
    %broadcast_in_dim3A_1256 = vector.broadcast %jit3A_1254 : i32 to vector<16xi32>
    %select_n3A_1257 = arith.select %ge3A_1252, %broadcast_in_dim3A_1255, %broadcast_in_dim3A_1256 : vector<16xi1>, vector<16xi32>
    %add3A_1258 = arith.addi %broadcast_in_dim3A_1249, %select_n3A_1257 : vector<16xi32>
    %ge3A_1259 = arith.constant 1.600000e+01 : f32
    %ge3A_1260 = vector.broadcast %ge3A_1259 : f32 to vector<16xf32>
    %ge3A_1261 = arith.cmpf oge, %mul3A_1247, %ge3A_1260 : vector<16xf32>
    %jit3A_1262 = arith.constant 1 : i32
    %jit3A_1263 = arith.constant 0 : i32
    %broadcast_in_dim3A_1264 = vector.broadcast %jit3A_1262 : i32 to vector<16xi32>
    %broadcast_in_dim3A_1265 = vector.broadcast %jit3A_1263 : i32 to vector<16xi32>
    %select_n3A_1266 = arith.select %ge3A_1261, %broadcast_in_dim3A_1264, %broadcast_in_dim3A_1265 : vector<16xi1>, vector<16xi32>
    %add3A_1267 = arith.addi %add3A_1258, %select_n3A_1266 : vector<16xi32>
    %ge3A_1268 = arith.constant 6.400000e+01 : f32
    %ge3A_1269 = vector.broadcast %ge3A_1268 : f32 to vector<16xf32>
    %ge3A_1270 = arith.cmpf oge, %mul3A_1247, %ge3A_1269 : vector<16xf32>
    %jit3A_1271 = arith.constant 1 : i32
    %jit3A_1272 = arith.constant 0 : i32
    %broadcast_in_dim3A_1273 = vector.broadcast %jit3A_1271 : i32 to vector<16xi32>
    %broadcast_in_dim3A_1274 = vector.broadcast %jit3A_1272 : i32 to vector<16xi32>
    %select_n3A_1275 = arith.select %ge3A_1270, %broadcast_in_dim3A_1273, %broadcast_in_dim3A_1274 : vector<16xi1>, vector<16xi32>
    %add3A_1276 = arith.addi %add3A_1267, %select_n3A_1275 : vector<16xi32>
    %ge3A_1277 = arith.constant 2.560000e+02 : f32
    %ge3A_1278 = vector.broadcast %ge3A_1277 : f32 to vector<16xf32>
    %ge3A_1279 = arith.cmpf oge, %mul3A_1247, %ge3A_1278 : vector<16xf32>
    %jit3A_1280 = arith.constant 1 : i32
    %jit3A_1281 = arith.constant 0 : i32
    %broadcast_in_dim3A_1282 = vector.broadcast %jit3A_1280 : i32 to vector<16xi32>
    %broadcast_in_dim3A_1283 = vector.broadcast %jit3A_1281 : i32 to vector<16xi32>
    %select_n3A_1284 = arith.select %ge3A_1279, %broadcast_in_dim3A_1282, %broadcast_in_dim3A_1283 : vector<16xi1>, vector<16xi32>
    %add3A_1285 = arith.addi %add3A_1276, %select_n3A_1284 : vector<16xi32>
    %ge3A_1286 = arith.constant 1.024000e+03 : f32
    %ge3A_1287 = vector.broadcast %ge3A_1286 : f32 to vector<16xf32>
    %ge3A_1288 = arith.cmpf oge, %mul3A_1247, %ge3A_1287 : vector<16xf32>
    %jit3A_1289 = arith.constant 1 : i32
    %jit3A_1290 = arith.constant 0 : i32
    %broadcast_in_dim3A_1291 = vector.broadcast %jit3A_1289 : i32 to vector<16xi32>
    %broadcast_in_dim3A_1292 = vector.broadcast %jit3A_1290 : i32 to vector<16xi32>
    %select_n3A_1293 = arith.select %ge3A_1288, %broadcast_in_dim3A_1291, %broadcast_in_dim3A_1292 : vector<16xi1>, vector<16xi32>
    %add3A_1294 = arith.addi %add3A_1285, %select_n3A_1293 : vector<16xi32>
    %ge3A_1295 = arith.constant 4.096000e+03 : f32
    %ge3A_1296 = vector.broadcast %ge3A_1295 : f32 to vector<16xf32>
    %ge3A_1297 = arith.cmpf oge, %mul3A_1247, %ge3A_1296 : vector<16xf32>
    %jit3A_1298 = arith.constant 1 : i32
    %jit3A_1299 = arith.constant 0 : i32
    %broadcast_in_dim3A_1300 = vector.broadcast %jit3A_1298 : i32 to vector<16xi32>
    %broadcast_in_dim3A_1301 = vector.broadcast %jit3A_1299 : i32 to vector<16xi32>
    %select_n3A_1302 = arith.select %ge3A_1297, %broadcast_in_dim3A_1300, %broadcast_in_dim3A_1301 : vector<16xi1>, vector<16xi32>
    %add3A_1303 = arith.addi %add3A_1294, %select_n3A_1302 : vector<16xi32>
    %ge3A_1304 = arith.constant 1.638400e+04 : f32
    %ge3A_1305 = vector.broadcast %ge3A_1304 : f32 to vector<16xf32>
    %ge3A_1306 = arith.cmpf oge, %mul3A_1247, %ge3A_1305 : vector<16xf32>
    %jit3A_1307 = arith.constant 1 : i32
    %jit3A_1308 = arith.constant 0 : i32
    %broadcast_in_dim3A_1309 = vector.broadcast %jit3A_1307 : i32 to vector<16xi32>
    %broadcast_in_dim3A_1310 = vector.broadcast %jit3A_1308 : i32 to vector<16xi32>
    %select_n3A_1311 = arith.select %ge3A_1306, %broadcast_in_dim3A_1309, %broadcast_in_dim3A_1310 : vector<16xi1>, vector<16xi32>
    %add3A_1312 = arith.addi %add3A_1303, %select_n3A_1311 : vector<16xi32>
    %ge3A_1313 = arith.constant 6.553600e+04 : f32
    %ge3A_1314 = vector.broadcast %ge3A_1313 : f32 to vector<16xf32>
    %ge3A_1315 = arith.cmpf oge, %mul3A_1247, %ge3A_1314 : vector<16xf32>
    %jit3A_1316 = arith.constant 1 : i32
    %jit3A_1317 = arith.constant 0 : i32
    %broadcast_in_dim3A_1318 = vector.broadcast %jit3A_1316 : i32 to vector<16xi32>
    %broadcast_in_dim3A_1319 = vector.broadcast %jit3A_1317 : i32 to vector<16xi32>
    %select_n3A_1320 = arith.select %ge3A_1315, %broadcast_in_dim3A_1318, %broadcast_in_dim3A_1319 : vector<16xi1>, vector<16xi32>
    %add3A_1321 = arith.addi %add3A_1312, %select_n3A_1320 : vector<16xi32>
    %ge3A_1322 = arith.constant 2.621440e+05 : f32
    %ge3A_1323 = vector.broadcast %ge3A_1322 : f32 to vector<16xf32>
    %ge3A_1324 = arith.cmpf oge, %mul3A_1247, %ge3A_1323 : vector<16xf32>
    %jit3A_1325 = arith.constant 1 : i32
    %jit3A_1326 = arith.constant 0 : i32
    %broadcast_in_dim3A_1327 = vector.broadcast %jit3A_1325 : i32 to vector<16xi32>
    %broadcast_in_dim3A_1328 = vector.broadcast %jit3A_1326 : i32 to vector<16xi32>
    %select_n3A_1329 = arith.select %ge3A_1324, %broadcast_in_dim3A_1327, %broadcast_in_dim3A_1328 : vector<16xi1>, vector<16xi32>
    %add3A_1330 = arith.addi %add3A_1321, %select_n3A_1329 : vector<16xi32>
    %ge3A_1331 = arith.constant 0x49800000 : f32
    %ge3A_1332 = vector.broadcast %ge3A_1331 : f32 to vector<16xf32>
    %ge3A_1333 = arith.cmpf oge, %mul3A_1247, %ge3A_1332 : vector<16xf32>
    %jit3A_1334 = arith.constant 1 : i32
    %jit3A_1335 = arith.constant 0 : i32
    %broadcast_in_dim3A_1336 = vector.broadcast %jit3A_1334 : i32 to vector<16xi32>
    %broadcast_in_dim3A_1337 = vector.broadcast %jit3A_1335 : i32 to vector<16xi32>
    %select_n3A_1338 = arith.select %ge3A_1333, %broadcast_in_dim3A_1336, %broadcast_in_dim3A_1337 : vector<16xi1>, vector<16xi32>
    %add3A_1339 = arith.addi %add3A_1330, %select_n3A_1338 : vector<16xi32>
    %ge3A_1340 = arith.constant 0x4A800000 : f32
    %ge3A_1341 = vector.broadcast %ge3A_1340 : f32 to vector<16xf32>
    %ge3A_1342 = arith.cmpf oge, %mul3A_1247, %ge3A_1341 : vector<16xf32>
    %jit3A_1343 = arith.constant 1 : i32
    %jit3A_1344 = arith.constant 0 : i32
    %broadcast_in_dim3A_1345 = vector.broadcast %jit3A_1343 : i32 to vector<16xi32>
    %broadcast_in_dim3A_1346 = vector.broadcast %jit3A_1344 : i32 to vector<16xi32>
    %select_n3A_1347 = arith.select %ge3A_1342, %broadcast_in_dim3A_1345, %broadcast_in_dim3A_1346 : vector<16xi1>, vector<16xi32>
    %add3A_1348 = arith.addi %add3A_1339, %select_n3A_1347 : vector<16xi32>
    %ge3A_1349 = arith.constant 0x4B800000 : f32
    %ge3A_1350 = vector.broadcast %ge3A_1349 : f32 to vector<16xf32>
    %ge3A_1351 = arith.cmpf oge, %mul3A_1247, %ge3A_1350 : vector<16xf32>
    %jit3A_1352 = arith.constant 1 : i32
    %jit3A_1353 = arith.constant 0 : i32
    %broadcast_in_dim3A_1354 = vector.broadcast %jit3A_1352 : i32 to vector<16xi32>
    %broadcast_in_dim3A_1355 = vector.broadcast %jit3A_1353 : i32 to vector<16xi32>
    %select_n3A_1356 = arith.select %ge3A_1351, %broadcast_in_dim3A_1354, %broadcast_in_dim3A_1355 : vector<16xi1>, vector<16xi32>
    %add3A_1357 = arith.addi %add3A_1348, %select_n3A_1356 : vector<16xi32>
    %shift_left3A_1358 = arith.constant 1 : i32
    %shift_left3A_1359 = vector.broadcast %shift_left3A_1358 : i32 to vector<16xi32>
    %shift_left3A_1360 = arith.shli %shift_left3A_1359, %add3A_1357 : vector<16xi32>
    %convert_element_type3A_1361 = arith.sitofp %shift_left3A_1360 : vector<16xi32> to vector<16xf32>
    %max3A_1362 = arith.maximumf %min3A_201, %convert_element_type3A_1361 : vector<16xf32>
    %min3A_1363 = arith.minimumf %neg3A_270, %max3A_1362 : vector<16xf32>
    %add3A_1364 = arith.constant 80 : i32
    %add3A_1365 = vector.broadcast %add3A_1364 : i32 to vector<16xi32>
    %add3A_1366 = arith.addi %iota3A, %add3A_1365 : vector<16xi32>
    %lt3A_1367 = arith.constant 100 : i32
    %lt3A_1368 = vector.broadcast %lt3A_1367 : i32 to vector<16xi32>
    %lt3A_1369 = arith.cmpi slt, %add3A_1366, %lt3A_1368 : vector<16xi32>
    %jit3A_1370 = arith.constant -2.000000e+00 : f32
    %broadcast_in_dim3A_1371 = vector.broadcast %jit3A_1370 : f32 to vector<16xf32>
    %select_n3A_1372 = arith.select %lt3A_1369, %min3A_1363, %broadcast_in_dim3A_1371 : vector<16xi1>, vector<16xf32>
    %add3A_1373 = arith.addf %min3A_1226, %max3A_1229 : vector<16xf32>
    %mul3A_1374 = arith.constant 5.000000e-01 : f32
    %mul3A_1375 = vector.broadcast %mul3A_1374 : f32 to vector<16xf32>
    %mul3A_1376 = arith.mulf %add3A_1373, %mul3A_1375 : vector<16xf32>
    %swap3A_1377 = arith.constant 80 : index
    %swap3A_1378 = tpu.vector_load %arg17[%swap3A_1377] {strides = array<i32>} : memref<112xf32, #tpu.memory_space<vmem>>, vector<16xf32>,
    tpu.vector_store %arg17[%swap3A_1377], %mul3A_1376 {strides = array<i32>} : memref<112xf32, #tpu.memory_space<vmem>>, vector<16xf32>,
    %add3A_1379 = arith.addf %min3A_1232, %max3A_1235 : vector<16xf32>
    %mul3A_1380 = arith.constant 5.000000e-01 : f32
    %mul3A_1381 = vector.broadcast %mul3A_1380 : f32 to vector<16xf32>
    %mul3A_1382 = arith.mulf %add3A_1379, %mul3A_1381 : vector<16xf32>
    %swap3A_1383 = arith.constant 80 : index
    %swap3A_1384 = tpu.vector_load %arg18[%swap3A_1383] {strides = array<i32>} : memref<112xf32, #tpu.memory_space<vmem>>, vector<16xf32>,
    tpu.vector_store %arg18[%swap3A_1383], %mul3A_1382 {strides = array<i32>} : memref<112xf32, #tpu.memory_space<vmem>>, vector<16xf32>,
    %div3A_1385 = arith.constant 1.000000e+00 : f32
    %div3A_1386 = vector.broadcast %div3A_1385 : f32 to vector<16xf32>
    %div3A_1387 = arith.divf %div3A_1386, %max3A_1239 : vector<16xf32>
    %swap3A_1388 = arith.constant 80 : index
    %swap3A_1389 = tpu.vector_load %arg19[%swap3A_1388] {strides = array<i32>} : memref<112xf32, #tpu.memory_space<vmem>>, vector<16xf32>,
    tpu.vector_store %arg19[%swap3A_1388], %div3A_1387 {strides = array<i32>} : memref<112xf32, #tpu.memory_space<vmem>>, vector<16xf32>,
    %div3A_1390 = arith.constant 1.000000e+00 : f32
    %div3A_1391 = vector.broadcast %div3A_1390 : f32 to vector<16xf32>
    %div3A_1392 = arith.divf %div3A_1391, %max3A_1243 : vector<16xf32>
    %swap3A_1393 = arith.constant 80 : index
    %swap3A_1394 = tpu.vector_load %arg20[%swap3A_1393] {strides = array<i32>} : memref<112xf32, #tpu.memory_space<vmem>>, vector<16xf32>,
    tpu.vector_store %arg20[%swap3A_1393], %div3A_1392 {strides = array<i32>} : memref<112xf32, #tpu.memory_space<vmem>>, vector<16xf32>,
    %swap3A_1395 = arith.constant 80 : index
    %swap3A_1396 = tpu.vector_load %arg21[%swap3A_1395] {strides = array<i32>} : memref<112xf32, #tpu.memory_space<vmem>>, vector<16xf32>,
    tpu.vector_store %arg21[%swap3A_1395], %select_n3A_1372 {strides = array<i32>} : memref<112xf32, #tpu.memory_space<vmem>>, vector<16xf32>,
    %get3A_1397 = arith.constant 96 : index
    %get3A_1398 = tpu.vector_load %arg14[%get3A_1397] {strides = array<i32>} : memref<448xf32, #tpu.memory_space<vmem>>, vector<16xf32>,
    %get3A_1399 = arith.constant 208 : index
    %get3A_1400 = tpu.vector_load %arg14[%get3A_1399] {strides = array<i32>} : memref<448xf32, #tpu.memory_space<vmem>>, vector<16xf32>,
    %get3A_1401 = arith.constant 320 : index
    %get3A_1402 = tpu.vector_load %arg14[%get3A_1401] {strides = array<i32>} : memref<448xf32, #tpu.memory_space<vmem>>, vector<16xf32>,
    %get3A_1403 = arith.constant 432 : index
    %get3A_1404 = tpu.vector_load %arg14[%get3A_1403] {strides = array<i32>} : memref<448xf32, #tpu.memory_space<vmem>>, vector<16xf32>,
    %get3A_1405 = arith.constant 96 : index
    %get3A_1406 = tpu.vector_load %arg15[%get3A_1405] {strides = array<i32>} : memref<448xf32, #tpu.memory_space<vmem>>, vector<16xf32>,
    %get3A_1407 = arith.constant 208 : index
    %get3A_1408 = tpu.vector_load %arg15[%get3A_1407] {strides = array<i32>} : memref<448xf32, #tpu.memory_space<vmem>>, vector<16xf32>,
    %get3A_1409 = arith.constant 320 : index
    %get3A_1410 = tpu.vector_load %arg15[%get3A_1409] {strides = array<i32>} : memref<448xf32, #tpu.memory_space<vmem>>, vector<16xf32>,
    %get3A_1411 = arith.constant 432 : index
    %get3A_1412 = tpu.vector_load %arg15[%get3A_1411] {strides = array<i32>} : memref<448xf32, #tpu.memory_space<vmem>>, vector<16xf32>,
    %min3A_1413 = arith.minimumf %get3A_1398, %get3A_1400 : vector<16xf32>
    %min3A_1414 = arith.minimumf %get3A_1402, %get3A_1404 : vector<16xf32>
    %min3A_1415 = arith.minimumf %min3A_1413, %min3A_1414 : vector<16xf32>
    %max3A_1416 = arith.maximumf %get3A_1398, %get3A_1400 : vector<16xf32>
    %max3A_1417 = arith.maximumf %get3A_1402, %get3A_1404 : vector<16xf32>
    %max3A_1418 = arith.maximumf %max3A_1416, %max3A_1417 : vector<16xf32>
    %min3A_1419 = arith.minimumf %get3A_1406, %get3A_1408 : vector<16xf32>
    %min3A_1420 = arith.minimumf %get3A_1410, %get3A_1412 : vector<16xf32>
    %min3A_1421 = arith.minimumf %min3A_1419, %min3A_1420 : vector<16xf32>
    %max3A_1422 = arith.maximumf %get3A_1406, %get3A_1408 : vector<16xf32>
    %max3A_1423 = arith.maximumf %get3A_1410, %get3A_1412 : vector<16xf32>
    %max3A_1424 = arith.maximumf %max3A_1422, %max3A_1423 : vector<16xf32>
    %sub3A_1425 = arith.subf %max3A_1418, %min3A_1415 : vector<16xf32>
    %max3A_1426 = arith.constant 9.99999997E-7 : f32
    %max3A_1427 = vector.broadcast %max3A_1426 : f32 to vector<16xf32>
    %max3A_1428 = arith.maximumf %sub3A_1425, %max3A_1427 : vector<16xf32>
    %sub3A_1429 = arith.subf %max3A_1424, %min3A_1421 : vector<16xf32>
    %max3A_1430 = arith.constant 9.99999997E-7 : f32
    %max3A_1431 = vector.broadcast %max3A_1430 : f32 to vector<16xf32>
    %max3A_1432 = arith.maximumf %sub3A_1429, %max3A_1431 : vector<16xf32>
    %mul3A_1433 = arith.mulf %max3A_1428, %max3A_1432 : vector<16xf32>
    %mul3A_1434 = arith.constant 6.250000e-02 : f32
    %mul3A_1435 = vector.broadcast %mul3A_1434 : f32 to vector<16xf32>
    %mul3A_1436 = arith.mulf %mul3A_1433, %mul3A_1435 : vector<16xf32>
    %broadcast_in_dim3A_1437 = arith.constant 0 : i32
    %broadcast_in_dim3A_1438 = vector.broadcast %broadcast_in_dim3A_1437 : i32 to vector<16xi32>
    %ge3A_1439 = arith.constant 4.000000e+00 : f32
    %ge3A_1440 = vector.broadcast %ge3A_1439 : f32 to vector<16xf32>
    %ge3A_1441 = arith.cmpf oge, %mul3A_1436, %ge3A_1440 : vector<16xf32>
    %jit3A_1442 = arith.constant 1 : i32
    %jit3A_1443 = arith.constant 0 : i32
    %broadcast_in_dim3A_1444 = vector.broadcast %jit3A_1442 : i32 to vector<16xi32>
    %broadcast_in_dim3A_1445 = vector.broadcast %jit3A_1443 : i32 to vector<16xi32>
    %select_n3A_1446 = arith.select %ge3A_1441, %broadcast_in_dim3A_1444, %broadcast_in_dim3A_1445 : vector<16xi1>, vector<16xi32>
    %add3A_1447 = arith.addi %broadcast_in_dim3A_1438, %select_n3A_1446 : vector<16xi32>
    %ge3A_1448 = arith.constant 1.600000e+01 : f32
    %ge3A_1449 = vector.broadcast %ge3A_1448 : f32 to vector<16xf32>
    %ge3A_1450 = arith.cmpf oge, %mul3A_1436, %ge3A_1449 : vector<16xf32>
    %jit3A_1451 = arith.constant 1 : i32
    %jit3A_1452 = arith.constant 0 : i32
    %broadcast_in_dim3A_1453 = vector.broadcast %jit3A_1451 : i32 to vector<16xi32>
    %broadcast_in_dim3A_1454 = vector.broadcast %jit3A_1452 : i32 to vector<16xi32>
    %select_n3A_1455 = arith.select %ge3A_1450, %broadcast_in_dim3A_1453, %broadcast_in_dim3A_1454 : vector<16xi1>, vector<16xi32>
    %add3A_1456 = arith.addi %add3A_1447, %select_n3A_1455 : vector<16xi32>
    %ge3A_1457 = arith.constant 6.400000e+01 : f32
    %ge3A_1458 = vector.broadcast %ge3A_1457 : f32 to vector<16xf32>
    %ge3A_1459 = arith.cmpf oge, %mul3A_1436, %ge3A_1458 : vector<16xf32>
    %jit3A_1460 = arith.constant 1 : i32
    %jit3A_1461 = arith.constant 0 : i32
    %broadcast_in_dim3A_1462 = vector.broadcast %jit3A_1460 : i32 to vector<16xi32>
    %broadcast_in_dim3A_1463 = vector.broadcast %jit3A_1461 : i32 to vector<16xi32>
    %select_n3A_1464 = arith.select %ge3A_1459, %broadcast_in_dim3A_1462, %broadcast_in_dim3A_1463 : vector<16xi1>, vector<16xi32>
    %add3A_1465 = arith.addi %add3A_1456, %select_n3A_1464 : vector<16xi32>
    %ge3A_1466 = arith.constant 2.560000e+02 : f32
    %ge3A_1467 = vector.broadcast %ge3A_1466 : f32 to vector<16xf32>
    %ge3A_1468 = arith.cmpf oge, %mul3A_1436, %ge3A_1467 : vector<16xf32>
    %jit3A_1469 = arith.constant 1 : i32
    %jit3A_1470 = arith.constant 0 : i32
    %broadcast_in_dim3A_1471 = vector.broadcast %jit3A_1469 : i32 to vector<16xi32>
    %broadcast_in_dim3A_1472 = vector.broadcast %jit3A_1470 : i32 to vector<16xi32>
    %select_n3A_1473 = arith.select %ge3A_1468, %broadcast_in_dim3A_1471, %broadcast_in_dim3A_1472 : vector<16xi1>, vector<16xi32>
    %add3A_1474 = arith.addi %add3A_1465, %select_n3A_1473 : vector<16xi32>
    %ge3A_1475 = arith.constant 1.024000e+03 : f32
    %ge3A_1476 = vector.broadcast %ge3A_1475 : f32 to vector<16xf32>
    %ge3A_1477 = arith.cmpf oge, %mul3A_1436, %ge3A_1476 : vector<16xf32>
    %jit3A_1478 = arith.constant 1 : i32
    %jit3A_1479 = arith.constant 0 : i32
    %broadcast_in_dim3A_1480 = vector.broadcast %jit3A_1478 : i32 to vector<16xi32>
    %broadcast_in_dim3A_1481 = vector.broadcast %jit3A_1479 : i32 to vector<16xi32>
    %select_n3A_1482 = arith.select %ge3A_1477, %broadcast_in_dim3A_1480, %broadcast_in_dim3A_1481 : vector<16xi1>, vector<16xi32>
    %add3A_1483 = arith.addi %add3A_1474, %select_n3A_1482 : vector<16xi32>
    %ge3A_1484 = arith.constant 4.096000e+03 : f32
    %ge3A_1485 = vector.broadcast %ge3A_1484 : f32 to vector<16xf32>
    %ge3A_1486 = arith.cmpf oge, %mul3A_1436, %ge3A_1485 : vector<16xf32>
    %jit3A_1487 = arith.constant 1 : i32
    %jit3A_1488 = arith.constant 0 : i32
    %broadcast_in_dim3A_1489 = vector.broadcast %jit3A_1487 : i32 to vector<16xi32>
    %broadcast_in_dim3A_1490 = vector.broadcast %jit3A_1488 : i32 to vector<16xi32>
    %select_n3A_1491 = arith.select %ge3A_1486, %broadcast_in_dim3A_1489, %broadcast_in_dim3A_1490 : vector<16xi1>, vector<16xi32>
    %add3A_1492 = arith.addi %add3A_1483, %select_n3A_1491 : vector<16xi32>
    %ge3A_1493 = arith.constant 1.638400e+04 : f32
    %ge3A_1494 = vector.broadcast %ge3A_1493 : f32 to vector<16xf32>
    %ge3A_1495 = arith.cmpf oge, %mul3A_1436, %ge3A_1494 : vector<16xf32>
    %jit3A_1496 = arith.constant 1 : i32
    %jit3A_1497 = arith.constant 0 : i32
    %broadcast_in_dim3A_1498 = vector.broadcast %jit3A_1496 : i32 to vector<16xi32>
    %broadcast_in_dim3A_1499 = vector.broadcast %jit3A_1497 : i32 to vector<16xi32>
    %select_n3A_1500 = arith.select %ge3A_1495, %broadcast_in_dim3A_1498, %broadcast_in_dim3A_1499 : vector<16xi1>, vector<16xi32>
    %add3A_1501 = arith.addi %add3A_1492, %select_n3A_1500 : vector<16xi32>
    %ge3A_1502 = arith.constant 6.553600e+04 : f32
    %ge3A_1503 = vector.broadcast %ge3A_1502 : f32 to vector<16xf32>
    %ge3A_1504 = arith.cmpf oge, %mul3A_1436, %ge3A_1503 : vector<16xf32>
    %jit3A_1505 = arith.constant 1 : i32
    %jit3A_1506 = arith.constant 0 : i32
    %broadcast_in_dim3A_1507 = vector.broadcast %jit3A_1505 : i32 to vector<16xi32>
    %broadcast_in_dim3A_1508 = vector.broadcast %jit3A_1506 : i32 to vector<16xi32>
    %select_n3A_1509 = arith.select %ge3A_1504, %broadcast_in_dim3A_1507, %broadcast_in_dim3A_1508 : vector<16xi1>, vector<16xi32>
    %add3A_1510 = arith.addi %add3A_1501, %select_n3A_1509 : vector<16xi32>
    %ge3A_1511 = arith.constant 2.621440e+05 : f32
    %ge3A_1512 = vector.broadcast %ge3A_1511 : f32 to vector<16xf32>
    %ge3A_1513 = arith.cmpf oge, %mul3A_1436, %ge3A_1512 : vector<16xf32>
    %jit3A_1514 = arith.constant 1 : i32
    %jit3A_1515 = arith.constant 0 : i32
    %broadcast_in_dim3A_1516 = vector.broadcast %jit3A_1514 : i32 to vector<16xi32>
    %broadcast_in_dim3A_1517 = vector.broadcast %jit3A_1515 : i32 to vector<16xi32>
    %select_n3A_1518 = arith.select %ge3A_1513, %broadcast_in_dim3A_1516, %broadcast_in_dim3A_1517 : vector<16xi1>, vector<16xi32>
    %add3A_1519 = arith.addi %add3A_1510, %select_n3A_1518 : vector<16xi32>
    %ge3A_1520 = arith.constant 0x49800000 : f32
    %ge3A_1521 = vector.broadcast %ge3A_1520 : f32 to vector<16xf32>
    %ge3A_1522 = arith.cmpf oge, %mul3A_1436, %ge3A_1521 : vector<16xf32>
    %jit3A_1523 = arith.constant 1 : i32
    %jit3A_1524 = arith.constant 0 : i32
    %broadcast_in_dim3A_1525 = vector.broadcast %jit3A_1523 : i32 to vector<16xi32>
    %broadcast_in_dim3A_1526 = vector.broadcast %jit3A_1524 : i32 to vector<16xi32>
    %select_n3A_1527 = arith.select %ge3A_1522, %broadcast_in_dim3A_1525, %broadcast_in_dim3A_1526 : vector<16xi1>, vector<16xi32>
    %add3A_1528 = arith.addi %add3A_1519, %select_n3A_1527 : vector<16xi32>
    %ge3A_1529 = arith.constant 0x4A800000 : f32
    %ge3A_1530 = vector.broadcast %ge3A_1529 : f32 to vector<16xf32>
    %ge3A_1531 = arith.cmpf oge, %mul3A_1436, %ge3A_1530 : vector<16xf32>
    %jit3A_1532 = arith.constant 1 : i32
    %jit3A_1533 = arith.constant 0 : i32
    %broadcast_in_dim3A_1534 = vector.broadcast %jit3A_1532 : i32 to vector<16xi32>
    %broadcast_in_dim3A_1535 = vector.broadcast %jit3A_1533 : i32 to vector<16xi32>
    %select_n3A_1536 = arith.select %ge3A_1531, %broadcast_in_dim3A_1534, %broadcast_in_dim3A_1535 : vector<16xi1>, vector<16xi32>
    %add3A_1537 = arith.addi %add3A_1528, %select_n3A_1536 : vector<16xi32>
    %ge3A_1538 = arith.constant 0x4B800000 : f32
    %ge3A_1539 = vector.broadcast %ge3A_1538 : f32 to vector<16xf32>
    %ge3A_1540 = arith.cmpf oge, %mul3A_1436, %ge3A_1539 : vector<16xf32>
    %jit3A_1541 = arith.constant 1 : i32
    %jit3A_1542 = arith.constant 0 : i32
    %broadcast_in_dim3A_1543 = vector.broadcast %jit3A_1541 : i32 to vector<16xi32>
    %broadcast_in_dim3A_1544 = vector.broadcast %jit3A_1542 : i32 to vector<16xi32>
    %select_n3A_1545 = arith.select %ge3A_1540, %broadcast_in_dim3A_1543, %broadcast_in_dim3A_1544 : vector<16xi1>, vector<16xi32>
    %add3A_1546 = arith.addi %add3A_1537, %select_n3A_1545 : vector<16xi32>
    %shift_left3A_1547 = arith.constant 1 : i32
    %shift_left3A_1548 = vector.broadcast %shift_left3A_1547 : i32 to vector<16xi32>
    %shift_left3A_1549 = arith.shli %shift_left3A_1548, %add3A_1546 : vector<16xi32>
    %convert_element_type3A_1550 = arith.sitofp %shift_left3A_1549 : vector<16xi32> to vector<16xf32>
    %max3A_1551 = arith.maximumf %min3A_201, %convert_element_type3A_1550 : vector<16xf32>
    %min3A_1552 = arith.minimumf %neg3A_270, %max3A_1551 : vector<16xf32>
    %add3A_1553 = arith.constant 96 : i32
    %add3A_1554 = vector.broadcast %add3A_1553 : i32 to vector<16xi32>
    %add3A_1555 = arith.addi %iota3A, %add3A_1554 : vector<16xi32>
    %lt3A_1556 = arith.constant 100 : i32
    %lt3A_1557 = vector.broadcast %lt3A_1556 : i32 to vector<16xi32>
    %lt3A_1558 = arith.cmpi slt, %add3A_1555, %lt3A_1557 : vector<16xi32>
    %jit3A_1559 = arith.constant -2.000000e+00 : f32
    %broadcast_in_dim3A_1560 = vector.broadcast %jit3A_1559 : f32 to vector<16xf32>
    %select_n3A_1561 = arith.select %lt3A_1558, %min3A_1552, %broadcast_in_dim3A_1560 : vector<16xi1>, vector<16xf32>
    %add3A_1562 = arith.addf %min3A_1415, %max3A_1418 : vector<16xf32>
    %mul3A_1563 = arith.constant 5.000000e-01 : f32
    %mul3A_1564 = vector.broadcast %mul3A_1563 : f32 to vector<16xf32>
    %mul3A_1565 = arith.mulf %add3A_1562, %mul3A_1564 : vector<16xf32>
    %swap3A_1566 = arith.constant 96 : index
    %swap3A_1567 = tpu.vector_load %arg17[%swap3A_1566] {strides = array<i32>} : memref<112xf32, #tpu.memory_space<vmem>>, vector<16xf32>,
    tpu.vector_store %arg17[%swap3A_1566], %mul3A_1565 {strides = array<i32>} : memref<112xf32, #tpu.memory_space<vmem>>, vector<16xf32>,
    %add3A_1568 = arith.addf %min3A_1421, %max3A_1424 : vector<16xf32>
    %mul3A_1569 = arith.constant 5.000000e-01 : f32
    %mul3A_1570 = vector.broadcast %mul3A_1569 : f32 to vector<16xf32>
    %mul3A_1571 = arith.mulf %add3A_1568, %mul3A_1570 : vector<16xf32>
    %swap3A_1572 = arith.constant 96 : index
    %swap3A_1573 = tpu.vector_load %arg18[%swap3A_1572] {strides = array<i32>} : memref<112xf32, #tpu.memory_space<vmem>>, vector<16xf32>,
    tpu.vector_store %arg18[%swap3A_1572], %mul3A_1571 {strides = array<i32>} : memref<112xf32, #tpu.memory_space<vmem>>, vector<16xf32>,
    %div3A_1574 = arith.constant 1.000000e+00 : f32
    %div3A_1575 = vector.broadcast %div3A_1574 : f32 to vector<16xf32>
    %div3A_1576 = arith.divf %div3A_1575, %max3A_1428 : vector<16xf32>
    %swap3A_1577 = arith.constant 96 : index
    %swap3A_1578 = tpu.vector_load %arg19[%swap3A_1577] {strides = array<i32>} : memref<112xf32, #tpu.memory_space<vmem>>, vector<16xf32>,
    tpu.vector_store %arg19[%swap3A_1577], %div3A_1576 {strides = array<i32>} : memref<112xf32, #tpu.memory_space<vmem>>, vector<16xf32>,
    %div3A_1579 = arith.constant 1.000000e+00 : f32
    %div3A_1580 = vector.broadcast %div3A_1579 : f32 to vector<16xf32>
    %div3A_1581 = arith.divf %div3A_1580, %max3A_1432 : vector<16xf32>
    %swap3A_1582 = arith.constant 96 : index
    %swap3A_1583 = tpu.vector_load %arg20[%swap3A_1582] {strides = array<i32>} : memref<112xf32, #tpu.memory_space<vmem>>, vector<16xf32>,
    tpu.vector_store %arg20[%swap3A_1582], %div3A_1581 {strides = array<i32>} : memref<112xf32, #tpu.memory_space<vmem>>, vector<16xf32>,
    %swap3A_1584 = arith.constant 96 : index
    %swap3A_1585 = tpu.vector_load %arg21[%swap3A_1584] {strides = array<i32>} : memref<112xf32, #tpu.memory_space<vmem>>, vector<16xf32>,
    tpu.vector_store %arg21[%swap3A_1584], %select_n3A_1561 {strides = array<i32>} : memref<112xf32, #tpu.memory_space<vmem>>, vector<16xf32>,
    tpu.wait_dma2 semaphore(%arg31 : memref<!tpu.dma_semaphore, #tpu.memory_space<semaphore_mem>>) src(%arg2 : memref<20224xf32, #tpu.memory_space<hbm>>) dst(%arg11 : memref<20224xf32, #tpu.memory_space<vmem>>)
    tpu.wait_dma2 semaphore(%arg32 : memref<!tpu.dma_semaphore, #tpu.memory_space<semaphore_mem>>) src(%arg3 : memref<20224xf32, #tpu.memory_space<hbm>>) dst(%arg12 : memref<20224xf32, #tpu.memory_space<vmem>>)
    %broadcast_in_dim3A_1586 = arith.constant 1.000000e+30 : f32
    %broadcast_in_dim3A_1587 = vector.broadcast %broadcast_in_dim3A_1586 : f32 to vector<16xf32>
    %broadcast_in_dim3A_1588 = arith.constant 0 : i32
    %broadcast_in_dim3A_1589 = vector.broadcast %broadcast_in_dim3A_1588 : i32 to vector<16xi32>
    %scan3A_1590 = arith.constant 0 : i32
    %scan3A_1591 = arith.constant 7 : i32
    %scan3A_1592 = arith.addi %scan3A_1590, %scan3A_1591 : i32
    %scan3A_1593 = arith.constant 1 : i32
    %scan3A_1594:2 = scf.for %scan3A_2710 = %scan3A_1590 to %scan3A_1592 step %scan3A_1593 iter_args(%scan3A_2711 = %broadcast_in_dim3A_1587, %scan3A_2712 = %broadcast_in_dim3A_1589) -> (vector<16xf32>, vector<16xi32>)  : i32 {
      %mul3A_2713 = arith.constant 7 : i32
      %mul3A_2714 = arith.muli %arg1, %mul3A_2713 : i32
      %add3A_2715 = arith.addi %mul3A_2714, %scan3A_2710 : i32
      %broadcast_in_dim3A_2716 = vector.broadcast %add3A_2715 : i32 to vector<16xi32>
      %gather3A_2717 = tpu.vector_load_idx %arg17[%broadcast_in_dim3A_2716] : memref<112xf32, #tpu.memory_space<vmem>>[vector<16xi32>], vector<16xf32>,
      %gather3A_2718 = tpu.vector_load_idx %arg18[%broadcast_in_dim3A_2716] : memref<112xf32, #tpu.memory_space<vmem>>[vector<16xi32>], vector<16xf32>,
      %gather3A_2719 = tpu.vector_load_idx %arg19[%broadcast_in_dim3A_2716] : memref<112xf32, #tpu.memory_space<vmem>>[vector<16xi32>], vector<16xf32>,
      %gather3A_2720 = tpu.vector_load_idx %arg20[%broadcast_in_dim3A_2716] : memref<112xf32, #tpu.memory_space<vmem>>[vector<16xi32>], vector<16xf32>,
      %gather3A_2721 = tpu.vector_load_idx %arg21[%broadcast_in_dim3A_2716] : memref<112xf32, #tpu.memory_space<vmem>>[vector<16xi32>], vector<16xf32>,
      %broadcast_in_dim3A_2722 = arith.constant 1.000000e+30 : f32
      %broadcast_in_dim3A_2723 = vector.broadcast %broadcast_in_dim3A_2722 : f32 to vector<16xf32>
      %broadcast_in_dim3A_2724 = arith.constant 0 : i32
      %broadcast_in_dim3A_2725 = vector.broadcast %broadcast_in_dim3A_2724 : i32 to vector<16xi32>
      %broadcast_in_dim3A_2726 = arith.constant 1.000000e+30 : f32
      %broadcast_in_dim3A_2727 = vector.broadcast %broadcast_in_dim3A_2726 : f32 to vector<16xf32>
      %broadcast_in_dim3A_2728 = arith.constant 0 : i32
      %broadcast_in_dim3A_2729 = vector.broadcast %broadcast_in_dim3A_2728 : i32 to vector<16xi32>
      %parallel_loop3A = arith.constant 0 : i32
      %parallel_loop3A_2730 = arith.constant 632 : i32
      %parallel_loop3A_2731 = arith.constant 1 : i32
      %parallel_loop3A_2732:4 = scf.for %parallel_loop3A_2875 = %parallel_loop3A to %parallel_loop3A_2730 step %parallel_loop3A_2731 iter_args(%parallel_loop3A_2876 = %broadcast_in_dim3A_2723, %parallel_loop3A_2877 = %broadcast_in_dim3A_2725, %parallel_loop3A_2878 = %broadcast_in_dim3A_2727, %parallel_loop3A_2879 = %broadcast_in_dim3A_2729) -> (vector<16xf32>, vector<16xi32>, vector<16xf32>, vector<16xi32>)  : i32 {
        %parallel_loop3A_2880 = arith.constant 16 : i32
        %parallel_loop3A_2881 = arith.muli %parallel_loop3A_2875, %parallel_loop3A_2880 : i32
        %parallel_loop3A_2882 = arith.constant 632 : i32
        %parallel_loop3A_2883 = arith.addi %parallel_loop3A_2875, %parallel_loop3A_2882 : i32
        %parallel_loop3A_2884 = arith.constant 16 : i32
        %parallel_loop3A_2885 = arith.muli %parallel_loop3A_2883, %parallel_loop3A_2884 : i32
        %parallel_loop3A_2886 = arith.index_cast %parallel_loop3A_2881 : i32 to index
        %parallel_loop3A_2887 = tpu.vector_load %arg11[%parallel_loop3A_2886] {strides = array<i32>} : memref<20224xf32, #tpu.memory_space<vmem>>, vector<16xf32>,
        %parallel_loop3A_2888 = arith.index_cast %parallel_loop3A_2881 : i32 to index
        %parallel_loop3A_2889 = tpu.vector_load %arg12[%parallel_loop3A_2888] {strides = array<i32>} : memref<20224xf32, #tpu.memory_space<vmem>>, vector<16xf32>,
        %parallel_loop3A_2890 = arith.index_cast %parallel_loop3A_2881 : i32 to index
        %parallel_loop3A_2891 = tpu.vector_load %arg13[%parallel_loop3A_2890] {strides = array<i32>} : memref<20224xf32, #tpu.memory_space<vmem>>, vector<16xf32>,
        %parallel_loop3A_2892 = arith.index_cast %parallel_loop3A_2885 : i32 to index
        %parallel_loop3A_2893 = tpu.vector_load %arg11[%parallel_loop3A_2892] {strides = array<i32>} : memref<20224xf32, #tpu.memory_space<vmem>>, vector<16xf32>,
        %parallel_loop3A_2894 = arith.index_cast %parallel_loop3A_2885 : i32 to index
        %parallel_loop3A_2895 = tpu.vector_load %arg12[%parallel_loop3A_2894] {strides = array<i32>} : memref<20224xf32, #tpu.memory_space<vmem>>, vector<16xf32>,
        %parallel_loop3A_2896 = arith.index_cast %parallel_loop3A_2885 : i32 to index
        %parallel_loop3A_2897 = tpu.vector_load %arg13[%parallel_loop3A_2896] {strides = array<i32>} : memref<20224xf32, #tpu.memory_space<vmem>>, vector<16xf32>,
        %parallel_loop3A_2898 = arith.subf %parallel_loop3A_2887, %gather3A_2717 : vector<16xf32>
        %parallel_loop3A_2899 = arith.mulf %parallel_loop3A_2898, %gather3A_2719 : vector<16xf32>
        %parallel_loop3A_2900 = arith.subf %parallel_loop3A_2889, %gather3A_2718 : vector<16xf32>
        %parallel_loop3A_2901 = arith.mulf %parallel_loop3A_2900, %gather3A_2720 : vector<16xf32>
        %parallel_loop3A_2902 = arith.mulf %parallel_loop3A_2899, %parallel_loop3A_2899 : vector<16xf32>
        %parallel_loop3A_2903 = arith.mulf %parallel_loop3A_2901, %parallel_loop3A_2901 : vector<16xf32>
        %parallel_loop3A_2904 = arith.addf %parallel_loop3A_2902, %parallel_loop3A_2903 : vector<16xf32>
        %parallel_loop3A_2905 = arith.subf %parallel_loop3A_2893, %gather3A_2717 : vector<16xf32>
        %parallel_loop3A_2906 = arith.mulf %parallel_loop3A_2905, %gather3A_2719 : vector<16xf32>
        %parallel_loop3A_2907 = arith.subf %parallel_loop3A_2895, %gather3A_2718 : vector<16xf32>
        %parallel_loop3A_2908 = arith.mulf %parallel_loop3A_2907, %gather3A_2720 : vector<16xf32>
        %parallel_loop3A_2909 = arith.mulf %parallel_loop3A_2906, %parallel_loop3A_2906 : vector<16xf32>
        %parallel_loop3A_2910 = arith.mulf %parallel_loop3A_2908, %parallel_loop3A_2908 : vector<16xf32>
        %parallel_loop3A_2911 = arith.addf %parallel_loop3A_2909, %parallel_loop3A_2910 : vector<16xf32>
        %parallel_loop3A_2912 = arith.cmpf olt, %parallel_loop3A_2904, %parallel_loop3A_2876 : vector<16xf32>
        %parallel_loop3A_2913 = arith.cmpf oeq, %parallel_loop3A_2891, %gather3A_2721 : vector<16xf32>
        %parallel_loop3A_2914 = arith.andi %parallel_loop3A_2912, %parallel_loop3A_2913 : vector<16xi1>
        %parallel_loop3A_2915 = arith.cmpf olt, %parallel_loop3A_2911, %parallel_loop3A_2878 : vector<16xf32>
        %parallel_loop3A_2916 = arith.cmpf oeq, %parallel_loop3A_2897, %gather3A_2721 : vector<16xf32>
        %parallel_loop3A_2917 = arith.andi %parallel_loop3A_2915, %parallel_loop3A_2916 : vector<16xi1>
        %parallel_loop3A_2918 = vector.broadcast %parallel_loop3A_2875 : i32 to vector<16xi32>
        %parallel_loop3A_2919 = arith.select %parallel_loop3A_2914, %parallel_loop3A_2904, %parallel_loop3A_2876 : vector<16xi1>, vector<16xf32>
        %parallel_loop3A_2920 = arith.select %parallel_loop3A_2914, %parallel_loop3A_2918, %parallel_loop3A_2877 : vector<16xi1>, vector<16xi32>
        %parallel_loop3A_2921 = arith.select %parallel_loop3A_2917, %parallel_loop3A_2911, %parallel_loop3A_2878 : vector<16xi1>, vector<16xf32>
        %parallel_loop3A_2922 = arith.select %parallel_loop3A_2917, %parallel_loop3A_2918, %parallel_loop3A_2879 : vector<16xi1>, vector<16xi32>
        scf.yield %parallel_loop3A_2919, %parallel_loop3A_2920, %parallel_loop3A_2921, %parallel_loop3A_2922 : vector<16xf32>, vector<16xi32>, vector<16xf32>, vector<16xi32>
      } {sc.loop_unroll_factor = 4 : i64, sc.parallel_access}
      %mul3A_2733 = arith.constant 16 : i32
      %mul3A_2734 = vector.broadcast %mul3A_2733 : i32 to vector<16xi32>
      %mul3A_2735 = arith.muli %parallel_loop3A_2732#1, %mul3A_2734 : vector<16xi32>
      %add3A_2736 = arith.addi %mul3A_2735, %iota3A : vector<16xi32>
      %add3A_2737 = arith.constant 632 : i32
      %add3A_2738 = vector.broadcast %add3A_2737 : i32 to vector<16xi32>
      %add3A_2739 = arith.addi %parallel_loop3A_2732#3, %add3A_2738 : vector<16xi32>
      %mul3A_2740 = arith.constant 16 : i32
      %mul3A_2741 = vector.broadcast %mul3A_2740 : i32 to vector<16xi32>
      %mul3A_2742 = arith.muli %add3A_2739, %mul3A_2741 : vector<16xi32>
      %add3A_2743 = arith.addi %mul3A_2742, %iota3A : vector<16xi32>
      %lt3A_2744 = arith.cmpf olt, %parallel_loop3A_2732#2, %parallel_loop3A_2732#0 : vector<16xf32>
      %select_n3A_2745 = arith.select %lt3A_2744, %parallel_loop3A_2732#2, %parallel_loop3A_2732#0 : vector<16xi1>, vector<16xf32>
      %select_n3A_2746 = arith.select %lt3A_2744, %add3A_2743, %add3A_2736 : vector<16xi1>, vector<16xi32>
      %iota3A_2747 = tpu.iota {dimensions = array<i32: 0>} : vector<16xi32>
      %xor3A_2748 = arith.constant 1 : i32
      %xor3A_2749 = vector.broadcast %xor3A_2748 : i32 to vector<16xi32>
      %xor3A_2750 = arith.xori %iota3A_2747, %xor3A_2749 : vector<16xi32>
      %lt3A_2751 = arith.constant 0 : i32
      %lt3A_2752 = vector.broadcast %lt3A_2751 : i32 to vector<16xi32>
      %lt3A_2753 = arith.cmpi slt, %xor3A_2750, %lt3A_2752 : vector<16xi32>
      %add3A_2754 = arith.constant 16 : i32
      %add3A_2755 = vector.broadcast %add3A_2754 : i32 to vector<16xi32>
      %add3A_2756 = arith.addi %xor3A_2750, %add3A_2755 : vector<16xi32>
      %select_n3A_2757 = arith.select %lt3A_2753, %add3A_2756, %xor3A_2750 : vector<16xi1>, vector<16xi32>
      %reshape3A_2758 = vector.shape_cast %select_n3A_2757 : vector<16xi32> to vector<16x1xi32>
      %gather3A_2759 = vector.shape_cast %reshape3A_2758 : vector<16x1xi32> to vector<16xi32>
      %gather3A_2760 = tpu.dynamic_gather %select_n3A_2745[%gather3A_2759] in [0] : vector<16xf32>, vector<16xi32> -> vector<16xf32>
      %min3A_2761 = arith.minimumf %select_n3A_2745, %gather3A_2760 : vector<16xf32>
      %iota3A_2762 = tpu.iota {dimensions = array<i32: 0>} : vector<16xi32>
      %xor3A_2763 = arith.constant 2 : i32
      %xor3A_2764 = vector.broadcast %xor3A_2763 : i32 to vector<16xi32>
      %xor3A_2765 = arith.xori %iota3A_2762, %xor3A_2764 : vector<16xi32>
      %lt3A_2766 = arith.constant 0 : i32
      %lt3A_2767 = vector.broadcast %lt3A_2766 : i32 to vector<16xi32>
      %lt3A_2768 = arith.cmpi slt, %xor3A_2765, %lt3A_2767 : vector<16xi32>
      %add3A_2769 = arith.constant 16 : i32
      %add3A_2770 = vector.broadcast %add3A_2769 : i32 to vector<16xi32>
      %add3A_2771 = arith.addi %xor3A_2765, %add3A_2770 : vector<16xi32>
      %select_n3A_2772 = arith.select %lt3A_2768, %add3A_2771, %xor3A_2765 : vector<16xi1>, vector<16xi32>
      %reshape3A_2773 = vector.shape_cast %select_n3A_2772 : vector<16xi32> to vector<16x1xi32>
      %gather3A_2774 = vector.shape_cast %reshape3A_2773 : vector<16x1xi32> to vector<16xi32>
      %gather3A_2775 = tpu.dynamic_gather %min3A_2761[%gather3A_2774] in [0] : vector<16xf32>, vector<16xi32> -> vector<16xf32>
      %min3A_2776 = arith.minimumf %min3A_2761, %gather3A_2775 : vector<16xf32>
      %iota3A_2777 = tpu.iota {dimensions = array<i32: 0>} : vector<16xi32>
      %xor3A_2778 = arith.constant 4 : i32
      %xor3A_2779 = vector.broadcast %xor3A_2778 : i32 to vector<16xi32>
      %xor3A_2780 = arith.xori %iota3A_2777, %xor3A_2779 : vector<16xi32>
      %lt3A_2781 = arith.constant 0 : i32
      %lt3A_2782 = vector.broadcast %lt3A_2781 : i32 to vector<16xi32>
      %lt3A_2783 = arith.cmpi slt, %xor3A_2780, %lt3A_2782 : vector<16xi32>
      %add3A_2784 = arith.constant 16 : i32
      %add3A_2785 = vector.broadcast %add3A_2784 : i32 to vector<16xi32>
      %add3A_2786 = arith.addi %xor3A_2780, %add3A_2785 : vector<16xi32>
      %select_n3A_2787 = arith.select %lt3A_2783, %add3A_2786, %xor3A_2780 : vector<16xi1>, vector<16xi32>
      %reshape3A_2788 = vector.shape_cast %select_n3A_2787 : vector<16xi32> to vector<16x1xi32>
      %gather3A_2789 = vector.shape_cast %reshape3A_2788 : vector<16x1xi32> to vector<16xi32>
      %gather3A_2790 = tpu.dynamic_gather %min3A_2776[%gather3A_2789] in [0] : vector<16xf32>, vector<16xi32> -> vector<16xf32>
      %min3A_2791 = arith.minimumf %min3A_2776, %gather3A_2790 : vector<16xf32>
      %iota3A_2792 = tpu.iota {dimensions = array<i32: 0>} : vector<16xi32>
      %xor3A_2793 = arith.constant 8 : i32
      %xor3A_2794 = vector.broadcast %xor3A_2793 : i32 to vector<16xi32>
      %xor3A_2795 = arith.xori %iota3A_2792, %xor3A_2794 : vector<16xi32>
      %lt3A_2796 = arith.constant 0 : i32
      %lt3A_2797 = vector.broadcast %lt3A_2796 : i32 to vector<16xi32>
      %lt3A_2798 = arith.cmpi slt, %xor3A_2795, %lt3A_2797 : vector<16xi32>
      %add3A_2799 = arith.constant 16 : i32
      %add3A_2800 = vector.broadcast %add3A_2799 : i32 to vector<16xi32>
      %add3A_2801 = arith.addi %xor3A_2795, %add3A_2800 : vector<16xi32>
      %select_n3A_2802 = arith.select %lt3A_2798, %add3A_2801, %xor3A_2795 : vector<16xi1>, vector<16xi32>
      %reshape3A_2803 = vector.shape_cast %select_n3A_2802 : vector<16xi32> to vector<16x1xi32>
      %gather3A_2804 = vector.shape_cast %reshape3A_2803 : vector<16x1xi32> to vector<16xi32>
      %gather3A_2805 = tpu.dynamic_gather %min3A_2791[%gather3A_2804] in [0] : vector<16xf32>, vector<16xi32> -> vector<16xf32>
      %min3A_2806 = arith.minimumf %min3A_2791, %gather3A_2805 : vector<16xf32>
      %eq3A_2807 = arith.cmpf oeq, %select_n3A_2745, %min3A_2806 : vector<16xf32>
      %jit3A_2808 = arith.constant 1073741824 : i32
      %broadcast_in_dim3A_2809 = vector.broadcast %jit3A_2808 : i32 to vector<16xi32>
      %select_n3A_2810 = arith.select %eq3A_2807, %select_n3A_2746, %broadcast_in_dim3A_2809 : vector<16xi1>, vector<16xi32>
      %iota3A_2811 = tpu.iota {dimensions = array<i32: 0>} : vector<16xi32>
      %xor3A_2812 = arith.constant 1 : i32
      %xor3A_2813 = vector.broadcast %xor3A_2812 : i32 to vector<16xi32>
      %xor3A_2814 = arith.xori %iota3A_2811, %xor3A_2813 : vector<16xi32>
      %lt3A_2815 = arith.constant 0 : i32
      %lt3A_2816 = vector.broadcast %lt3A_2815 : i32 to vector<16xi32>
      %lt3A_2817 = arith.cmpi slt, %xor3A_2814, %lt3A_2816 : vector<16xi32>
      %add3A_2818 = arith.constant 16 : i32
      %add3A_2819 = vector.broadcast %add3A_2818 : i32 to vector<16xi32>
      %add3A_2820 = arith.addi %xor3A_2814, %add3A_2819 : vector<16xi32>
      %select_n3A_2821 = arith.select %lt3A_2817, %add3A_2820, %xor3A_2814 : vector<16xi1>, vector<16xi32>
      %reshape3A_2822 = vector.shape_cast %select_n3A_2821 : vector<16xi32> to vector<16x1xi32>
      %gather3A_2823 = vector.shape_cast %reshape3A_2822 : vector<16x1xi32> to vector<16xi32>
      %gather3A_2824 = tpu.dynamic_gather %select_n3A_2810[%gather3A_2823] in [0] : vector<16xi32>, vector<16xi32> -> vector<16xi32>
      %min3A_2825 = arith.minsi %select_n3A_2810, %gather3A_2824 : vector<16xi32>
      %iota3A_2826 = tpu.iota {dimensions = array<i32: 0>} : vector<16xi32>
      %xor3A_2827 = arith.constant 2 : i32
      %xor3A_2828 = vector.broadcast %xor3A_2827 : i32 to vector<16xi32>
      %xor3A_2829 = arith.xori %iota3A_2826, %xor3A_2828 : vector<16xi32>
      %lt3A_2830 = arith.constant 0 : i32
      %lt3A_2831 = vector.broadcast %lt3A_2830 : i32 to vector<16xi32>
      %lt3A_2832 = arith.cmpi slt, %xor3A_2829, %lt3A_2831 : vector<16xi32>
      %add3A_2833 = arith.constant 16 : i32
      %add3A_2834 = vector.broadcast %add3A_2833 : i32 to vector<16xi32>
      %add3A_2835 = arith.addi %xor3A_2829, %add3A_2834 : vector<16xi32>
      %select_n3A_2836 = arith.select %lt3A_2832, %add3A_2835, %xor3A_2829 : vector<16xi1>, vector<16xi32>
      %reshape3A_2837 = vector.shape_cast %select_n3A_2836 : vector<16xi32> to vector<16x1xi32>
      %gather3A_2838 = vector.shape_cast %reshape3A_2837 : vector<16x1xi32> to vector<16xi32>
      %gather3A_2839 = tpu.dynamic_gather %min3A_2825[%gather3A_2838] in [0] : vector<16xi32>, vector<16xi32> -> vector<16xi32>
      %min3A_2840 = arith.minsi %min3A_2825, %gather3A_2839 : vector<16xi32>
      %iota3A_2841 = tpu.iota {dimensions = array<i32: 0>} : vector<16xi32>
      %xor3A_2842 = arith.constant 4 : i32
      %xor3A_2843 = vector.broadcast %xor3A_2842 : i32 to vector<16xi32>
      %xor3A_2844 = arith.xori %iota3A_2841, %xor3A_2843 : vector<16xi32>
      %lt3A_2845 = arith.constant 0 : i32
      %lt3A_2846 = vector.broadcast %lt3A_2845 : i32 to vector<16xi32>
      %lt3A_2847 = arith.cmpi slt, %xor3A_2844, %lt3A_2846 : vector<16xi32>
      %add3A_2848 = arith.constant 16 : i32
      %add3A_2849 = vector.broadcast %add3A_2848 : i32 to vector<16xi32>
      %add3A_2850 = arith.addi %xor3A_2844, %add3A_2849 : vector<16xi32>
      %select_n3A_2851 = arith.select %lt3A_2847, %add3A_2850, %xor3A_2844 : vector<16xi1>, vector<16xi32>
      %reshape3A_2852 = vector.shape_cast %select_n3A_2851 : vector<16xi32> to vector<16x1xi32>
      %gather3A_2853 = vector.shape_cast %reshape3A_2852 : vector<16x1xi32> to vector<16xi32>
      %gather3A_2854 = tpu.dynamic_gather %min3A_2840[%gather3A_2853] in [0] : vector<16xi32>, vector<16xi32> -> vector<16xi32>
      %min3A_2855 = arith.minsi %min3A_2840, %gather3A_2854 : vector<16xi32>
      %iota3A_2856 = tpu.iota {dimensions = array<i32: 0>} : vector<16xi32>
      %xor3A_2857 = arith.constant 8 : i32
      %xor3A_2858 = vector.broadcast %xor3A_2857 : i32 to vector<16xi32>
      %xor3A_2859 = arith.xori %iota3A_2856, %xor3A_2858 : vector<16xi32>
      %lt3A_2860 = arith.constant 0 : i32
      %lt3A_2861 = vector.broadcast %lt3A_2860 : i32 to vector<16xi32>
      %lt3A_2862 = arith.cmpi slt, %xor3A_2859, %lt3A_2861 : vector<16xi32>
      %add3A_2863 = arith.constant 16 : i32
      %add3A_2864 = vector.broadcast %add3A_2863 : i32 to vector<16xi32>
      %add3A_2865 = arith.addi %xor3A_2859, %add3A_2864 : vector<16xi32>
      %select_n3A_2866 = arith.select %lt3A_2862, %add3A_2865, %xor3A_2859 : vector<16xi1>, vector<16xi32>
      %reshape3A_2867 = vector.shape_cast %select_n3A_2866 : vector<16xi32> to vector<16x1xi32>
      %gather3A_2868 = vector.shape_cast %reshape3A_2867 : vector<16x1xi32> to vector<16xi32>
      %gather3A_2869 = tpu.dynamic_gather %min3A_2855[%gather3A_2868] in [0] : vector<16xi32>, vector<16xi32> -> vector<16xi32>
      %min3A_2870 = arith.minsi %min3A_2855, %gather3A_2869 : vector<16xi32>
      %broadcast_in_dim3A_2871 = vector.broadcast %scan3A_2710 : i32 to vector<16xi32>
      %eq3A_2872 = arith.cmpi eq, %iota3A, %broadcast_in_dim3A_2871 : vector<16xi32>
      %select_n3A_2873 = arith.select %eq3A_2872, %min3A_2806, %scan3A_2711 : vector<16xi1>, vector<16xf32>
      %select_n3A_2874 = arith.select %eq3A_2872, %min3A_2870, %scan3A_2712 : vector<16xi1>, vector<16xi32>
      scf.yield %select_n3A_2873, %select_n3A_2874 : vector<16xf32>, vector<16xi32>
    }
    %scan3A_1595 = arith.constant 7 : i32
    %swap3A_1596 = arith.constant 0 : index
    %swap3A_1597 = tpu.vector_load %arg22[%swap3A_1596] {strides = array<i32>} : memref<16xf32, #tpu.memory_space<vmem>>, vector<16xf32>,
    tpu.vector_store %arg22[%swap3A_1596], %scan3A_1594#0 {strides = array<i32>} : memref<16xf32, #tpu.memory_space<vmem>>, vector<16xf32>,
    %swap3A_1598 = arith.constant 0 : index
    %swap3A_1599 = tpu.vector_load %arg23[%swap3A_1598] {strides = array<i32>} : memref<16xi32, #tpu.memory_space<vmem>>, vector<16xi32>,
    tpu.vector_store %arg23[%swap3A_1598], %scan3A_1594#1 {strides = array<i32>} : memref<16xi32, #tpu.memory_space<vmem>>, vector<16xi32>,
    "tpu.region"() ({
      %run_scoped3A = tpu.sem_alloc : memref<!tpu.dma_semaphore, #tpu.memory_space<semaphore_mem>>
      %dma_start3A = arith.constant 0 : i32
      %dma_start3A_2710 = tpu.memref_slice %arg24[%arg1, %dma_start3A] : memref<16x16xf32, #tpu.memory_space<vmem_shared>> -> memref<1x16xf32, #tpu.memory_space<vmem_shared>>
      %dma_start3A_2711 = tpu.memref_squeeze %dma_start3A_2710 : memref<1x16xf32, #tpu.memory_space<vmem_shared>> -> memref<16xf32, #tpu.memory_space<vmem_shared>>
      %dma_start3A_2712 = arith.constant 0 : i32
      %dma_start3A_2713 = tpu.memref_slice %arg24[%arg1, %dma_start3A_2712] : memref<16x16xf32, #tpu.memory_space<vmem_shared>> -> memref<1x16xf32, #tpu.memory_space<vmem_shared>>
      %dma_start3A_2714 = tpu.memref_squeeze %dma_start3A_2713 : memref<1x16xf32, #tpu.memory_space<vmem_shared>> -> memref<16xf32, #tpu.memory_space<vmem_shared>>
      tpu.enqueue_dma source(%arg22 : memref<16xf32, #tpu.memory_space<vmem>>) target(%dma_start3A_2714 : memref<16xf32, #tpu.memory_space<vmem_shared>>) target_semaphore(%run_scoped3A : memref<!tpu.dma_semaphore, #tpu.memory_space<semaphore_mem>>)
      %dma_wait3A = arith.constant 0 : i32
      %dma_wait3A_2715 = tpu.memref_slice %arg24[%arg1, %dma_wait3A] : memref<16x16xf32, #tpu.memory_space<vmem_shared>> -> memref<1x16xf32, #tpu.memory_space<vmem_shared>>
      %dma_wait3A_2716 = tpu.memref_squeeze %dma_wait3A_2715 : memref<1x16xf32, #tpu.memory_space<vmem_shared>> -> memref<16xf32, #tpu.memory_space<vmem_shared>>
      %dma_wait3A_2717 = arith.constant 0 : i32
      %dma_wait3A_2718 = tpu.memref_slice %arg24[%arg1, %dma_wait3A_2717] : memref<16x16xf32, #tpu.memory_space<vmem_shared>> -> memref<1x16xf32, #tpu.memory_space<vmem_shared>>
      %dma_wait3A_2719 = tpu.memref_squeeze %dma_wait3A_2718 : memref<1x16xf32, #tpu.memory_space<vmem_shared>> -> memref<16xf32, #tpu.memory_space<vmem_shared>>
      tpu.wait_dma2 semaphore(%run_scoped3A : memref<!tpu.dma_semaphore, #tpu.memory_space<semaphore_mem>>) src(%arg22 : memref<16xf32, #tpu.memory_space<vmem>>) dst(%dma_wait3A_2719 : memref<16xf32, #tpu.memory_space<vmem_shared>>)
      tpu.yield
    }) : () -> ()
    "tpu.region"() ({
      %run_scoped3A = tpu.sem_alloc : memref<!tpu.dma_semaphore, #tpu.memory_space<semaphore_mem>>
      %dma_start3A = arith.constant 0 : i32
      %dma_start3A_2710 = tpu.memref_slice %arg25[%arg1, %dma_start3A] : memref<16x16xi32, #tpu.memory_space<vmem_shared>> -> memref<1x16xi32, #tpu.memory_space<vmem_shared>>
      %dma_start3A_2711 = tpu.memref_squeeze %dma_start3A_2710 : memref<1x16xi32, #tpu.memory_space<vmem_shared>> -> memref<16xi32, #tpu.memory_space<vmem_shared>>
      %dma_start3A_2712 = arith.constant 0 : i32
      %dma_start3A_2713 = tpu.memref_slice %arg25[%arg1, %dma_start3A_2712] : memref<16x16xi32, #tpu.memory_space<vmem_shared>> -> memref<1x16xi32, #tpu.memory_space<vmem_shared>>
      %dma_start3A_2714 = tpu.memref_squeeze %dma_start3A_2713 : memref<1x16xi32, #tpu.memory_space<vmem_shared>> -> memref<16xi32, #tpu.memory_space<vmem_shared>>
      tpu.enqueue_dma source(%arg23 : memref<16xi32, #tpu.memory_space<vmem>>) target(%dma_start3A_2714 : memref<16xi32, #tpu.memory_space<vmem_shared>>) target_semaphore(%run_scoped3A : memref<!tpu.dma_semaphore, #tpu.memory_space<semaphore_mem>>)
      %dma_wait3A = arith.constant 0 : i32
      %dma_wait3A_2715 = tpu.memref_slice %arg25[%arg1, %dma_wait3A] : memref<16x16xi32, #tpu.memory_space<vmem_shared>> -> memref<1x16xi32, #tpu.memory_space<vmem_shared>>
      %dma_wait3A_2716 = tpu.memref_squeeze %dma_wait3A_2715 : memref<1x16xi32, #tpu.memory_space<vmem_shared>> -> memref<16xi32, #tpu.memory_space<vmem_shared>>
      %dma_wait3A_2717 = arith.constant 0 : i32
      %dma_wait3A_2718 = tpu.memref_slice %arg25[%arg1, %dma_wait3A_2717] : memref<16x16xi32, #tpu.memory_space<vmem_shared>> -> memref<1x16xi32, #tpu.memory_space<vmem_shared>>
      %dma_wait3A_2719 = tpu.memref_squeeze %dma_wait3A_2718 : memref<1x16xi32, #tpu.memory_space<vmem_shared>> -> memref<16xi32, #tpu.memory_space<vmem_shared>>
      tpu.wait_dma2 semaphore(%run_scoped3A : memref<!tpu.dma_semaphore, #tpu.memory_space<semaphore_mem>>) src(%arg23 : memref<16xi32, #tpu.memory_space<vmem>>) dst(%dma_wait3A_2719 : memref<16xi32, #tpu.memory_space<vmem_shared>>)
      tpu.yield
    }) : () -> ()
    %barrier3A_1600 = arith.constant 0 : index
    tpu.barrier barrier_id(%barrier3A_1600)
    "tpu.region"() ({
      %run_scoped3A = tpu.sem_alloc : memref<!tpu.dma_semaphore, #tpu.memory_space<semaphore_mem>>
      tpu.enqueue_dma source(%arg24 : memref<16x16xf32, #tpu.memory_space<vmem_shared>>) target(%arg26 : memref<16x16xf32, #tpu.memory_space<vmem>>) target_semaphore(%run_scoped3A : memref<!tpu.dma_semaphore, #tpu.memory_space<semaphore_mem>>)
      tpu.wait_dma2 semaphore(%run_scoped3A : memref<!tpu.dma_semaphore, #tpu.memory_space<semaphore_mem>>) src(%arg24 : memref<16x16xf32, #tpu.memory_space<vmem_shared>>) dst(%arg26 : memref<16x16xf32, #tpu.memory_space<vmem>>)
      tpu.yield
    }) : () -> ()
    "tpu.region"() ({
      %run_scoped3A = tpu.sem_alloc : memref<!tpu.dma_semaphore, #tpu.memory_space<semaphore_mem>>
      tpu.enqueue_dma source(%arg25 : memref<16x16xi32, #tpu.memory_space<vmem_shared>>) target(%arg27 : memref<16x16xi32, #tpu.memory_space<vmem>>) target_semaphore(%run_scoped3A : memref<!tpu.dma_semaphore, #tpu.memory_space<semaphore_mem>>)
      tpu.wait_dma2 semaphore(%run_scoped3A : memref<!tpu.dma_semaphore, #tpu.memory_space<semaphore_mem>>) src(%arg25 : memref<16x16xi32, #tpu.memory_space<vmem_shared>>) dst(%arg27 : memref<16x16xi32, #tpu.memory_space<vmem>>)
      tpu.yield
    }) : () -> ()
    %broadcast_in_dim3A_1601 = arith.constant 0 : i32
    %broadcast_in_dim3A_1602 = vector.broadcast %broadcast_in_dim3A_1601 : i32 to vector<16xi32>
    %swap3A_1603 = arith.constant 0 : index
    %swap3A_1604 = tpu.vector_load %arg28[%swap3A_1603] {strides = array<i32>} : memref<1264xi32, #tpu.memory_space<vmem>>, vector<16xi32>,
    tpu.vector_store %arg28[%swap3A_1603], %broadcast_in_dim3A_1602 {strides = array<i32>} : memref<1264xi32, #tpu.memory_space<vmem>>, vector<16xi32>,
    %broadcast_in_dim3A_1605 = arith.constant 0 : i32
    %broadcast_in_dim3A_1606 = vector.broadcast %broadcast_in_dim3A_1605 : i32 to vector<16xi32>
    %swap3A_1607 = arith.constant 0 : index
    %swap3A_1608 = tpu.vector_load %arg29[%swap3A_1607] {strides = array<i32>} : memref<1264xi32, #tpu.memory_space<vmem>>, vector<16xi32>,
    tpu.vector_store %arg29[%swap3A_1607], %broadcast_in_dim3A_1606 {strides = array<i32>} : memref<1264xi32, #tpu.memory_space<vmem>>, vector<16xi32>,
    %broadcast_in_dim3A_1609 = arith.constant 0 : i32
    %broadcast_in_dim3A_1610 = vector.broadcast %broadcast_in_dim3A_1609 : i32 to vector<16xi32>
    %swap3A_1611 = arith.constant 16 : index
    %swap3A_1612 = tpu.vector_load %arg28[%swap3A_1611] {strides = array<i32>} : memref<1264xi32, #tpu.memory_space<vmem>>, vector<16xi32>,
    tpu.vector_store %arg28[%swap3A_1611], %broadcast_in_dim3A_1610 {strides = array<i32>} : memref<1264xi32, #tpu.memory_space<vmem>>, vector<16xi32>,
    %broadcast_in_dim3A_1613 = arith.constant 0 : i32
    %broadcast_in_dim3A_1614 = vector.broadcast %broadcast_in_dim3A_1613 : i32 to vector<16xi32>
    %swap3A_1615 = arith.constant 16 : index
    %swap3A_1616 = tpu.vector_load %arg29[%swap3A_1615] {strides = array<i32>} : memref<1264xi32, #tpu.memory_space<vmem>>, vector<16xi32>,
    tpu.vector_store %arg29[%swap3A_1615], %broadcast_in_dim3A_1614 {strides = array<i32>} : memref<1264xi32, #tpu.memory_space<vmem>>, vector<16xi32>,
    %broadcast_in_dim3A_1617 = arith.constant 0 : i32
    %broadcast_in_dim3A_1618 = vector.broadcast %broadcast_in_dim3A_1617 : i32 to vector<16xi32>
    %swap3A_1619 = arith.constant 32 : index
    %swap3A_1620 = tpu.vector_load %arg28[%swap3A_1619] {strides = array<i32>} : memref<1264xi32, #tpu.memory_space<vmem>>, vector<16xi32>,
    tpu.vector_store %arg28[%swap3A_1619], %broadcast_in_dim3A_1618 {strides = array<i32>} : memref<1264xi32, #tpu.memory_space<vmem>>, vector<16xi32>,
    %broadcast_in_dim3A_1621 = arith.constant 0 : i32
    %broadcast_in_dim3A_1622 = vector.broadcast %broadcast_in_dim3A_1621 : i32 to vector<16xi32>
    %swap3A_1623 = arith.constant 32 : index
    %swap3A_1624 = tpu.vector_load %arg29[%swap3A_1623] {strides = array<i32>} : memref<1264xi32, #tpu.memory_space<vmem>>, vector<16xi32>,
    tpu.vector_store %arg29[%swap3A_1623], %broadcast_in_dim3A_1622 {strides = array<i32>} : memref<1264xi32, #tpu.memory_space<vmem>>, vector<16xi32>,
    %broadcast_in_dim3A_1625 = arith.constant 0 : i32
    %broadcast_in_dim3A_1626 = vector.broadcast %broadcast_in_dim3A_1625 : i32 to vector<16xi32>
    %swap3A_1627 = arith.constant 48 : index
    %swap3A_1628 = tpu.vector_load %arg28[%swap3A_1627] {strides = array<i32>} : memref<1264xi32, #tpu.memory_space<vmem>>, vector<16xi32>,
    tpu.vector_store %arg28[%swap3A_1627], %broadcast_in_dim3A_1626 {strides = array<i32>} : memref<1264xi32, #tpu.memory_space<vmem>>, vector<16xi32>,
    %broadcast_in_dim3A_1629 = arith.constant 0 : i32
    %broadcast_in_dim3A_1630 = vector.broadcast %broadcast_in_dim3A_1629 : i32 to vector<16xi32>
    %swap3A_1631 = arith.constant 48 : index
    %swap3A_1632 = tpu.vector_load %arg29[%swap3A_1631] {strides = array<i32>} : memref<1264xi32, #tpu.memory_space<vmem>>, vector<16xi32>,
    tpu.vector_store %arg29[%swap3A_1631], %broadcast_in_dim3A_1630 {strides = array<i32>} : memref<1264xi32, #tpu.memory_space<vmem>>, vector<16xi32>,
    %broadcast_in_dim3A_1633 = arith.constant 0 : i32
    %broadcast_in_dim3A_1634 = vector.broadcast %broadcast_in_dim3A_1633 : i32 to vector<16xi32>
    %swap3A_1635 = arith.constant 64 : index
    %swap3A_1636 = tpu.vector_load %arg28[%swap3A_1635] {strides = array<i32>} : memref<1264xi32, #tpu.memory_space<vmem>>, vector<16xi32>,
    tpu.vector_store %arg28[%swap3A_1635], %broadcast_in_dim3A_1634 {strides = array<i32>} : memref<1264xi32, #tpu.memory_space<vmem>>, vector<16xi32>,
    %broadcast_in_dim3A_1637 = arith.constant 0 : i32
    %broadcast_in_dim3A_1638 = vector.broadcast %broadcast_in_dim3A_1637 : i32 to vector<16xi32>
    %swap3A_1639 = arith.constant 64 : index
    %swap3A_1640 = tpu.vector_load %arg29[%swap3A_1639] {strides = array<i32>} : memref<1264xi32, #tpu.memory_space<vmem>>, vector<16xi32>,
    tpu.vector_store %arg29[%swap3A_1639], %broadcast_in_dim3A_1638 {strides = array<i32>} : memref<1264xi32, #tpu.memory_space<vmem>>, vector<16xi32>,
    %broadcast_in_dim3A_1641 = arith.constant 0 : i32
    %broadcast_in_dim3A_1642 = vector.broadcast %broadcast_in_dim3A_1641 : i32 to vector<16xi32>
    %swap3A_1643 = arith.constant 80 : index
    %swap3A_1644 = tpu.vector_load %arg28[%swap3A_1643] {strides = array<i32>} : memref<1264xi32, #tpu.memory_space<vmem>>, vector<16xi32>,
    tpu.vector_store %arg28[%swap3A_1643], %broadcast_in_dim3A_1642 {strides = array<i32>} : memref<1264xi32, #tpu.memory_space<vmem>>, vector<16xi32>,
    %broadcast_in_dim3A_1645 = arith.constant 0 : i32
    %broadcast_in_dim3A_1646 = vector.broadcast %broadcast_in_dim3A_1645 : i32 to vector<16xi32>
    %swap3A_1647 = arith.constant 80 : index
    %swap3A_1648 = tpu.vector_load %arg29[%swap3A_1647] {strides = array<i32>} : memref<1264xi32, #tpu.memory_space<vmem>>, vector<16xi32>,
    tpu.vector_store %arg29[%swap3A_1647], %broadcast_in_dim3A_1646 {strides = array<i32>} : memref<1264xi32, #tpu.memory_space<vmem>>, vector<16xi32>,
    %broadcast_in_dim3A_1649 = arith.constant 0 : i32
    %broadcast_in_dim3A_1650 = vector.broadcast %broadcast_in_dim3A_1649 : i32 to vector<16xi32>
    %swap3A_1651 = arith.constant 96 : index
    %swap3A_1652 = tpu.vector_load %arg28[%swap3A_1651] {strides = array<i32>} : memref<1264xi32, #tpu.memory_space<vmem>>, vector<16xi32>,
    tpu.vector_store %arg28[%swap3A_1651], %broadcast_in_dim3A_1650 {strides = array<i32>} : memref<1264xi32, #tpu.memory_space<vmem>>, vector<16xi32>,
    %broadcast_in_dim3A_1653 = arith.constant 0 : i32
    %broadcast_in_dim3A_1654 = vector.broadcast %broadcast_in_dim3A_1653 : i32 to vector<16xi32>
    %swap3A_1655 = arith.constant 96 : index
    %swap3A_1656 = tpu.vector_load %arg29[%swap3A_1655] {strides = array<i32>} : memref<1264xi32, #tpu.memory_space<vmem>>, vector<16xi32>,
    tpu.vector_store %arg29[%swap3A_1655], %broadcast_in_dim3A_1654 {strides = array<i32>} : memref<1264xi32, #tpu.memory_space<vmem>>, vector<16xi32>,
    %broadcast_in_dim3A_1657 = arith.constant 0 : i32
    %broadcast_in_dim3A_1658 = vector.broadcast %broadcast_in_dim3A_1657 : i32 to vector<16xi32>
    %swap3A_1659 = arith.constant 112 : index
    %swap3A_1660 = tpu.vector_load %arg28[%swap3A_1659] {strides = array<i32>} : memref<1264xi32, #tpu.memory_space<vmem>>, vector<16xi32>,
    tpu.vector_store %arg28[%swap3A_1659], %broadcast_in_dim3A_1658 {strides = array<i32>} : memref<1264xi32, #tpu.memory_space<vmem>>, vector<16xi32>,
    %broadcast_in_dim3A_1661 = arith.constant 0 : i32
    %broadcast_in_dim3A_1662 = vector.broadcast %broadcast_in_dim3A_1661 : i32 to vector<16xi32>
    %swap3A_1663 = arith.constant 112 : index
    %swap3A_1664 = tpu.vector_load %arg29[%swap3A_1663] {strides = array<i32>} : memref<1264xi32, #tpu.memory_space<vmem>>, vector<16xi32>,
    tpu.vector_store %arg29[%swap3A_1663], %broadcast_in_dim3A_1662 {strides = array<i32>} : memref<1264xi32, #tpu.memory_space<vmem>>, vector<16xi32>,
    %broadcast_in_dim3A_1665 = arith.constant 0 : i32
    %broadcast_in_dim3A_1666 = vector.broadcast %broadcast_in_dim3A_1665 : i32 to vector<16xi32>
    %swap3A_1667 = arith.constant 128 : index
    %swap3A_1668 = tpu.vector_load %arg28[%swap3A_1667] {strides = array<i32>} : memref<1264xi32, #tpu.memory_space<vmem>>, vector<16xi32>,
    tpu.vector_store %arg28[%swap3A_1667], %broadcast_in_dim3A_1666 {strides = array<i32>} : memref<1264xi32, #tpu.memory_space<vmem>>, vector<16xi32>,
    %broadcast_in_dim3A_1669 = arith.constant 0 : i32
    %broadcast_in_dim3A_1670 = vector.broadcast %broadcast_in_dim3A_1669 : i32 to vector<16xi32>
    %swap3A_1671 = arith.constant 128 : index
    %swap3A_1672 = tpu.vector_load %arg29[%swap3A_1671] {strides = array<i32>} : memref<1264xi32, #tpu.memory_space<vmem>>, vector<16xi32>,
    tpu.vector_store %arg29[%swap3A_1671], %broadcast_in_dim3A_1670 {strides = array<i32>} : memref<1264xi32, #tpu.memory_space<vmem>>, vector<16xi32>,
    %broadcast_in_dim3A_1673 = arith.constant 0 : i32
    %broadcast_in_dim3A_1674 = vector.broadcast %broadcast_in_dim3A_1673 : i32 to vector<16xi32>
    %swap3A_1675 = arith.constant 144 : index
    %swap3A_1676 = tpu.vector_load %arg28[%swap3A_1675] {strides = array<i32>} : memref<1264xi32, #tpu.memory_space<vmem>>, vector<16xi32>,
    tpu.vector_store %arg28[%swap3A_1675], %broadcast_in_dim3A_1674 {strides = array<i32>} : memref<1264xi32, #tpu.memory_space<vmem>>, vector<16xi32>,
    %broadcast_in_dim3A_1677 = arith.constant 0 : i32
    %broadcast_in_dim3A_1678 = vector.broadcast %broadcast_in_dim3A_1677 : i32 to vector<16xi32>
    %swap3A_1679 = arith.constant 144 : index
    %swap3A_1680 = tpu.vector_load %arg29[%swap3A_1679] {strides = array<i32>} : memref<1264xi32, #tpu.memory_space<vmem>>, vector<16xi32>,
    tpu.vector_store %arg29[%swap3A_1679], %broadcast_in_dim3A_1678 {strides = array<i32>} : memref<1264xi32, #tpu.memory_space<vmem>>, vector<16xi32>,
    %broadcast_in_dim3A_1681 = arith.constant 0 : i32
    %broadcast_in_dim3A_1682 = vector.broadcast %broadcast_in_dim3A_1681 : i32 to vector<16xi32>
    %swap3A_1683 = arith.constant 160 : index
    %swap3A_1684 = tpu.vector_load %arg28[%swap3A_1683] {strides = array<i32>} : memref<1264xi32, #tpu.memory_space<vmem>>, vector<16xi32>,
    tpu.vector_store %arg28[%swap3A_1683], %broadcast_in_dim3A_1682 {strides = array<i32>} : memref<1264xi32, #tpu.memory_space<vmem>>, vector<16xi32>,
    %broadcast_in_dim3A_1685 = arith.constant 0 : i32
    %broadcast_in_dim3A_1686 = vector.broadcast %broadcast_in_dim3A_1685 : i32 to vector<16xi32>
    %swap3A_1687 = arith.constant 160 : index
    %swap3A_1688 = tpu.vector_load %arg29[%swap3A_1687] {strides = array<i32>} : memref<1264xi32, #tpu.memory_space<vmem>>, vector<16xi32>,
    tpu.vector_store %arg29[%swap3A_1687], %broadcast_in_dim3A_1686 {strides = array<i32>} : memref<1264xi32, #tpu.memory_space<vmem>>, vector<16xi32>,
    %broadcast_in_dim3A_1689 = arith.constant 0 : i32
    %broadcast_in_dim3A_1690 = vector.broadcast %broadcast_in_dim3A_1689 : i32 to vector<16xi32>
    %swap3A_1691 = arith.constant 176 : index
    %swap3A_1692 = tpu.vector_load %arg28[%swap3A_1691] {strides = array<i32>} : memref<1264xi32, #tpu.memory_space<vmem>>, vector<16xi32>,
    tpu.vector_store %arg28[%swap3A_1691], %broadcast_in_dim3A_1690 {strides = array<i32>} : memref<1264xi32, #tpu.memory_space<vmem>>, vector<16xi32>,
    %broadcast_in_dim3A_1693 = arith.constant 0 : i32
    %broadcast_in_dim3A_1694 = vector.broadcast %broadcast_in_dim3A_1693 : i32 to vector<16xi32>
    %swap3A_1695 = arith.constant 176 : index
    %swap3A_1696 = tpu.vector_load %arg29[%swap3A_1695] {strides = array<i32>} : memref<1264xi32, #tpu.memory_space<vmem>>, vector<16xi32>,
    tpu.vector_store %arg29[%swap3A_1695], %broadcast_in_dim3A_1694 {strides = array<i32>} : memref<1264xi32, #tpu.memory_space<vmem>>, vector<16xi32>,
    %broadcast_in_dim3A_1697 = arith.constant 0 : i32
    %broadcast_in_dim3A_1698 = vector.broadcast %broadcast_in_dim3A_1697 : i32 to vector<16xi32>
    %swap3A_1699 = arith.constant 192 : index
    %swap3A_1700 = tpu.vector_load %arg28[%swap3A_1699] {strides = array<i32>} : memref<1264xi32, #tpu.memory_space<vmem>>, vector<16xi32>,
    tpu.vector_store %arg28[%swap3A_1699], %broadcast_in_dim3A_1698 {strides = array<i32>} : memref<1264xi32, #tpu.memory_space<vmem>>, vector<16xi32>,
    %broadcast_in_dim3A_1701 = arith.constant 0 : i32
    %broadcast_in_dim3A_1702 = vector.broadcast %broadcast_in_dim3A_1701 : i32 to vector<16xi32>
    %swap3A_1703 = arith.constant 192 : index
    %swap3A_1704 = tpu.vector_load %arg29[%swap3A_1703] {strides = array<i32>} : memref<1264xi32, #tpu.memory_space<vmem>>, vector<16xi32>,
    tpu.vector_store %arg29[%swap3A_1703], %broadcast_in_dim3A_1702 {strides = array<i32>} : memref<1264xi32, #tpu.memory_space<vmem>>, vector<16xi32>,
    %broadcast_in_dim3A_1705 = arith.constant 0 : i32
    %broadcast_in_dim3A_1706 = vector.broadcast %broadcast_in_dim3A_1705 : i32 to vector<16xi32>
    %swap3A_1707 = arith.constant 208 : index
    %swap3A_1708 = tpu.vector_load %arg28[%swap3A_1707] {strides = array<i32>} : memref<1264xi32, #tpu.memory_space<vmem>>, vector<16xi32>,
    tpu.vector_store %arg28[%swap3A_1707], %broadcast_in_dim3A_1706 {strides = array<i32>} : memref<1264xi32, #tpu.memory_space<vmem>>, vector<16xi32>,
    %broadcast_in_dim3A_1709 = arith.constant 0 : i32
    %broadcast_in_dim3A_1710 = vector.broadcast %broadcast_in_dim3A_1709 : i32 to vector<16xi32>
    %swap3A_1711 = arith.constant 208 : index
    %swap3A_1712 = tpu.vector_load %arg29[%swap3A_1711] {strides = array<i32>} : memref<1264xi32, #tpu.memory_space<vmem>>, vector<16xi32>,
    tpu.vector_store %arg29[%swap3A_1711], %broadcast_in_dim3A_1710 {strides = array<i32>} : memref<1264xi32, #tpu.memory_space<vmem>>, vector<16xi32>,
    %broadcast_in_dim3A_1713 = arith.constant 0 : i32
    %broadcast_in_dim3A_1714 = vector.broadcast %broadcast_in_dim3A_1713 : i32 to vector<16xi32>
    %swap3A_1715 = arith.constant 224 : index
    %swap3A_1716 = tpu.vector_load %arg28[%swap3A_1715] {strides = array<i32>} : memref<1264xi32, #tpu.memory_space<vmem>>, vector<16xi32>,
    tpu.vector_store %arg28[%swap3A_1715], %broadcast_in_dim3A_1714 {strides = array<i32>} : memref<1264xi32, #tpu.memory_space<vmem>>, vector<16xi32>,
    %broadcast_in_dim3A_1717 = arith.constant 0 : i32
    %broadcast_in_dim3A_1718 = vector.broadcast %broadcast_in_dim3A_1717 : i32 to vector<16xi32>
    %swap3A_1719 = arith.constant 224 : index
    %swap3A_1720 = tpu.vector_load %arg29[%swap3A_1719] {strides = array<i32>} : memref<1264xi32, #tpu.memory_space<vmem>>, vector<16xi32>,
    tpu.vector_store %arg29[%swap3A_1719], %broadcast_in_dim3A_1718 {strides = array<i32>} : memref<1264xi32, #tpu.memory_space<vmem>>, vector<16xi32>,
    %broadcast_in_dim3A_1721 = arith.constant 0 : i32
    %broadcast_in_dim3A_1722 = vector.broadcast %broadcast_in_dim3A_1721 : i32 to vector<16xi32>
    %swap3A_1723 = arith.constant 240 : index
    %swap3A_1724 = tpu.vector_load %arg28[%swap3A_1723] {strides = array<i32>} : memref<1264xi32, #tpu.memory_space<vmem>>, vector<16xi32>,
    tpu.vector_store %arg28[%swap3A_1723], %broadcast_in_dim3A_1722 {strides = array<i32>} : memref<1264xi32, #tpu.memory_space<vmem>>, vector<16xi32>,
    %broadcast_in_dim3A_1725 = arith.constant 0 : i32
    %broadcast_in_dim3A_1726 = vector.broadcast %broadcast_in_dim3A_1725 : i32 to vector<16xi32>
    %swap3A_1727 = arith.constant 240 : index
    %swap3A_1728 = tpu.vector_load %arg29[%swap3A_1727] {strides = array<i32>} : memref<1264xi32, #tpu.memory_space<vmem>>, vector<16xi32>,
    tpu.vector_store %arg29[%swap3A_1727], %broadcast_in_dim3A_1726 {strides = array<i32>} : memref<1264xi32, #tpu.memory_space<vmem>>, vector<16xi32>,
    %broadcast_in_dim3A_1729 = arith.constant 0 : i32
    %broadcast_in_dim3A_1730 = vector.broadcast %broadcast_in_dim3A_1729 : i32 to vector<16xi32>
    %swap3A_1731 = arith.constant 256 : index
    %swap3A_1732 = tpu.vector_load %arg28[%swap3A_1731] {strides = array<i32>} : memref<1264xi32, #tpu.memory_space<vmem>>, vector<16xi32>,
    tpu.vector_store %arg28[%swap3A_1731], %broadcast_in_dim3A_1730 {strides = array<i32>} : memref<1264xi32, #tpu.memory_space<vmem>>, vector<16xi32>,
    %broadcast_in_dim3A_1733 = arith.constant 0 : i32
    %broadcast_in_dim3A_1734 = vector.broadcast %broadcast_in_dim3A_1733 : i32 to vector<16xi32>
    %swap3A_1735 = arith.constant 256 : index
    %swap3A_1736 = tpu.vector_load %arg29[%swap3A_1735] {strides = array<i32>} : memref<1264xi32, #tpu.memory_space<vmem>>, vector<16xi32>,
    tpu.vector_store %arg29[%swap3A_1735], %broadcast_in_dim3A_1734 {strides = array<i32>} : memref<1264xi32, #tpu.memory_space<vmem>>, vector<16xi32>,
    %broadcast_in_dim3A_1737 = arith.constant 0 : i32
    %broadcast_in_dim3A_1738 = vector.broadcast %broadcast_in_dim3A_1737 : i32 to vector<16xi32>
    %swap3A_1739 = arith.constant 272 : index
    %swap3A_1740 = tpu.vector_load %arg28[%swap3A_1739] {strides = array<i32>} : memref<1264xi32, #tpu.memory_space<vmem>>, vector<16xi32>,
    tpu.vector_store %arg28[%swap3A_1739], %broadcast_in_dim3A_1738 {strides = array<i32>} : memref<1264xi32, #tpu.memory_space<vmem>>, vector<16xi32>,
    %broadcast_in_dim3A_1741 = arith.constant 0 : i32
    %broadcast_in_dim3A_1742 = vector.broadcast %broadcast_in_dim3A_1741 : i32 to vector<16xi32>
    %swap3A_1743 = arith.constant 272 : index
    %swap3A_1744 = tpu.vector_load %arg29[%swap3A_1743] {strides = array<i32>} : memref<1264xi32, #tpu.memory_space<vmem>>, vector<16xi32>,
    tpu.vector_store %arg29[%swap3A_1743], %broadcast_in_dim3A_1742 {strides = array<i32>} : memref<1264xi32, #tpu.memory_space<vmem>>, vector<16xi32>,
    %broadcast_in_dim3A_1745 = arith.constant 0 : i32
    %broadcast_in_dim3A_1746 = vector.broadcast %broadcast_in_dim3A_1745 : i32 to vector<16xi32>
    %swap3A_1747 = arith.constant 288 : index
    %swap3A_1748 = tpu.vector_load %arg28[%swap3A_1747] {strides = array<i32>} : memref<1264xi32, #tpu.memory_space<vmem>>, vector<16xi32>,
    tpu.vector_store %arg28[%swap3A_1747], %broadcast_in_dim3A_1746 {strides = array<i32>} : memref<1264xi32, #tpu.memory_space<vmem>>, vector<16xi32>,
    %broadcast_in_dim3A_1749 = arith.constant 0 : i32
    %broadcast_in_dim3A_1750 = vector.broadcast %broadcast_in_dim3A_1749 : i32 to vector<16xi32>
    %swap3A_1751 = arith.constant 288 : index
    %swap3A_1752 = tpu.vector_load %arg29[%swap3A_1751] {strides = array<i32>} : memref<1264xi32, #tpu.memory_space<vmem>>, vector<16xi32>,
    tpu.vector_store %arg29[%swap3A_1751], %broadcast_in_dim3A_1750 {strides = array<i32>} : memref<1264xi32, #tpu.memory_space<vmem>>, vector<16xi32>,
    %broadcast_in_dim3A_1753 = arith.constant 0 : i32
    %broadcast_in_dim3A_1754 = vector.broadcast %broadcast_in_dim3A_1753 : i32 to vector<16xi32>
    %swap3A_1755 = arith.constant 304 : index
    %swap3A_1756 = tpu.vector_load %arg28[%swap3A_1755] {strides = array<i32>} : memref<1264xi32, #tpu.memory_space<vmem>>, vector<16xi32>,
    tpu.vector_store %arg28[%swap3A_1755], %broadcast_in_dim3A_1754 {strides = array<i32>} : memref<1264xi32, #tpu.memory_space<vmem>>, vector<16xi32>,
    %broadcast_in_dim3A_1757 = arith.constant 0 : i32
    %broadcast_in_dim3A_1758 = vector.broadcast %broadcast_in_dim3A_1757 : i32 to vector<16xi32>
    %swap3A_1759 = arith.constant 304 : index
    %swap3A_1760 = tpu.vector_load %arg29[%swap3A_1759] {strides = array<i32>} : memref<1264xi32, #tpu.memory_space<vmem>>, vector<16xi32>,
    tpu.vector_store %arg29[%swap3A_1759], %broadcast_in_dim3A_1758 {strides = array<i32>} : memref<1264xi32, #tpu.memory_space<vmem>>, vector<16xi32>,
    %broadcast_in_dim3A_1761 = arith.constant 0 : i32
    %broadcast_in_dim3A_1762 = vector.broadcast %broadcast_in_dim3A_1761 : i32 to vector<16xi32>
    %swap3A_1763 = arith.constant 320 : index
    %swap3A_1764 = tpu.vector_load %arg28[%swap3A_1763] {strides = array<i32>} : memref<1264xi32, #tpu.memory_space<vmem>>, vector<16xi32>,
    tpu.vector_store %arg28[%swap3A_1763], %broadcast_in_dim3A_1762 {strides = array<i32>} : memref<1264xi32, #tpu.memory_space<vmem>>, vector<16xi32>,
    %broadcast_in_dim3A_1765 = arith.constant 0 : i32
    %broadcast_in_dim3A_1766 = vector.broadcast %broadcast_in_dim3A_1765 : i32 to vector<16xi32>
    %swap3A_1767 = arith.constant 320 : index
    %swap3A_1768 = tpu.vector_load %arg29[%swap3A_1767] {strides = array<i32>} : memref<1264xi32, #tpu.memory_space<vmem>>, vector<16xi32>,
    tpu.vector_store %arg29[%swap3A_1767], %broadcast_in_dim3A_1766 {strides = array<i32>} : memref<1264xi32, #tpu.memory_space<vmem>>, vector<16xi32>,
    %broadcast_in_dim3A_1769 = arith.constant 0 : i32
    %broadcast_in_dim3A_1770 = vector.broadcast %broadcast_in_dim3A_1769 : i32 to vector<16xi32>
    %swap3A_1771 = arith.constant 336 : index
    %swap3A_1772 = tpu.vector_load %arg28[%swap3A_1771] {strides = array<i32>} : memref<1264xi32, #tpu.memory_space<vmem>>, vector<16xi32>,
    tpu.vector_store %arg28[%swap3A_1771], %broadcast_in_dim3A_1770 {strides = array<i32>} : memref<1264xi32, #tpu.memory_space<vmem>>, vector<16xi32>,
    %broadcast_in_dim3A_1773 = arith.constant 0 : i32
    %broadcast_in_dim3A_1774 = vector.broadcast %broadcast_in_dim3A_1773 : i32 to vector<16xi32>
    %swap3A_1775 = arith.constant 336 : index
    %swap3A_1776 = tpu.vector_load %arg29[%swap3A_1775] {strides = array<i32>} : memref<1264xi32, #tpu.memory_space<vmem>>, vector<16xi32>,
    tpu.vector_store %arg29[%swap3A_1775], %broadcast_in_dim3A_1774 {strides = array<i32>} : memref<1264xi32, #tpu.memory_space<vmem>>, vector<16xi32>,
    %broadcast_in_dim3A_1777 = arith.constant 0 : i32
    %broadcast_in_dim3A_1778 = vector.broadcast %broadcast_in_dim3A_1777 : i32 to vector<16xi32>
    %swap3A_1779 = arith.constant 352 : index
    %swap3A_1780 = tpu.vector_load %arg28[%swap3A_1779] {strides = array<i32>} : memref<1264xi32, #tpu.memory_space<vmem>>, vector<16xi32>,
    tpu.vector_store %arg28[%swap3A_1779], %broadcast_in_dim3A_1778 {strides = array<i32>} : memref<1264xi32, #tpu.memory_space<vmem>>, vector<16xi32>,
    %broadcast_in_dim3A_1781 = arith.constant 0 : i32
    %broadcast_in_dim3A_1782 = vector.broadcast %broadcast_in_dim3A_1781 : i32 to vector<16xi32>
    %swap3A_1783 = arith.constant 352 : index
    %swap3A_1784 = tpu.vector_load %arg29[%swap3A_1783] {strides = array<i32>} : memref<1264xi32, #tpu.memory_space<vmem>>, vector<16xi32>,
    tpu.vector_store %arg29[%swap3A_1783], %broadcast_in_dim3A_1782 {strides = array<i32>} : memref<1264xi32, #tpu.memory_space<vmem>>, vector<16xi32>,
    %broadcast_in_dim3A_1785 = arith.constant 0 : i32
    %broadcast_in_dim3A_1786 = vector.broadcast %broadcast_in_dim3A_1785 : i32 to vector<16xi32>
    %swap3A_1787 = arith.constant 368 : index
    %swap3A_1788 = tpu.vector_load %arg28[%swap3A_1787] {strides = array<i32>} : memref<1264xi32, #tpu.memory_space<vmem>>, vector<16xi32>,
    tpu.vector_store %arg28[%swap3A_1787], %broadcast_in_dim3A_1786 {strides = array<i32>} : memref<1264xi32, #tpu.memory_space<vmem>>, vector<16xi32>,
    %broadcast_in_dim3A_1789 = arith.constant 0 : i32
    %broadcast_in_dim3A_1790 = vector.broadcast %broadcast_in_dim3A_1789 : i32 to vector<16xi32>
    %swap3A_1791 = arith.constant 368 : index
    %swap3A_1792 = tpu.vector_load %arg29[%swap3A_1791] {strides = array<i32>} : memref<1264xi32, #tpu.memory_space<vmem>>, vector<16xi32>,
    tpu.vector_store %arg29[%swap3A_1791], %broadcast_in_dim3A_1790 {strides = array<i32>} : memref<1264xi32, #tpu.memory_space<vmem>>, vector<16xi32>,
    %broadcast_in_dim3A_1793 = arith.constant 0 : i32
    %broadcast_in_dim3A_1794 = vector.broadcast %broadcast_in_dim3A_1793 : i32 to vector<16xi32>
    %swap3A_1795 = arith.constant 384 : index
    %swap3A_1796 = tpu.vector_load %arg28[%swap3A_1795] {strides = array<i32>} : memref<1264xi32, #tpu.memory_space<vmem>>, vector<16xi32>,
    tpu.vector_store %arg28[%swap3A_1795], %broadcast_in_dim3A_1794 {strides = array<i32>} : memref<1264xi32, #tpu.memory_space<vmem>>, vector<16xi32>,
    %broadcast_in_dim3A_1797 = arith.constant 0 : i32
    %broadcast_in_dim3A_1798 = vector.broadcast %broadcast_in_dim3A_1797 : i32 to vector<16xi32>
    %swap3A_1799 = arith.constant 384 : index
    %swap3A_1800 = tpu.vector_load %arg29[%swap3A_1799] {strides = array<i32>} : memref<1264xi32, #tpu.memory_space<vmem>>, vector<16xi32>,
    tpu.vector_store %arg29[%swap3A_1799], %broadcast_in_dim3A_1798 {strides = array<i32>} : memref<1264xi32, #tpu.memory_space<vmem>>, vector<16xi32>,
    %broadcast_in_dim3A_1801 = arith.constant 0 : i32
    %broadcast_in_dim3A_1802 = vector.broadcast %broadcast_in_dim3A_1801 : i32 to vector<16xi32>
    %swap3A_1803 = arith.constant 400 : index
    %swap3A_1804 = tpu.vector_load %arg28[%swap3A_1803] {strides = array<i32>} : memref<1264xi32, #tpu.memory_space<vmem>>, vector<16xi32>,
    tpu.vector_store %arg28[%swap3A_1803], %broadcast_in_dim3A_1802 {strides = array<i32>} : memref<1264xi32, #tpu.memory_space<vmem>>, vector<16xi32>,
    %broadcast_in_dim3A_1805 = arith.constant 0 : i32
    %broadcast_in_dim3A_1806 = vector.broadcast %broadcast_in_dim3A_1805 : i32 to vector<16xi32>
    %swap3A_1807 = arith.constant 400 : index
    %swap3A_1808 = tpu.vector_load %arg29[%swap3A_1807] {strides = array<i32>} : memref<1264xi32, #tpu.memory_space<vmem>>, vector<16xi32>,
    tpu.vector_store %arg29[%swap3A_1807], %broadcast_in_dim3A_1806 {strides = array<i32>} : memref<1264xi32, #tpu.memory_space<vmem>>, vector<16xi32>,
    %broadcast_in_dim3A_1809 = arith.constant 0 : i32
    %broadcast_in_dim3A_1810 = vector.broadcast %broadcast_in_dim3A_1809 : i32 to vector<16xi32>
    %swap3A_1811 = arith.constant 416 : index
    %swap3A_1812 = tpu.vector_load %arg28[%swap3A_1811] {strides = array<i32>} : memref<1264xi32, #tpu.memory_space<vmem>>, vector<16xi32>,
    tpu.vector_store %arg28[%swap3A_1811], %broadcast_in_dim3A_1810 {strides = array<i32>} : memref<1264xi32, #tpu.memory_space<vmem>>, vector<16xi32>,
    %broadcast_in_dim3A_1813 = arith.constant 0 : i32
    %broadcast_in_dim3A_1814 = vector.broadcast %broadcast_in_dim3A_1813 : i32 to vector<16xi32>
    %swap3A_1815 = arith.constant 416 : index
    %swap3A_1816 = tpu.vector_load %arg29[%swap3A_1815] {strides = array<i32>} : memref<1264xi32, #tpu.memory_space<vmem>>, vector<16xi32>,
    tpu.vector_store %arg29[%swap3A_1815], %broadcast_in_dim3A_1814 {strides = array<i32>} : memref<1264xi32, #tpu.memory_space<vmem>>, vector<16xi32>,
    %broadcast_in_dim3A_1817 = arith.constant 0 : i32
    %broadcast_in_dim3A_1818 = vector.broadcast %broadcast_in_dim3A_1817 : i32 to vector<16xi32>
    %swap3A_1819 = arith.constant 432 : index
    %swap3A_1820 = tpu.vector_load %arg28[%swap3A_1819] {strides = array<i32>} : memref<1264xi32, #tpu.memory_space<vmem>>, vector<16xi32>,
    tpu.vector_store %arg28[%swap3A_1819], %broadcast_in_dim3A_1818 {strides = array<i32>} : memref<1264xi32, #tpu.memory_space<vmem>>, vector<16xi32>,
    %broadcast_in_dim3A_1821 = arith.constant 0 : i32
    %broadcast_in_dim3A_1822 = vector.broadcast %broadcast_in_dim3A_1821 : i32 to vector<16xi32>
    %swap3A_1823 = arith.constant 432 : index
    %swap3A_1824 = tpu.vector_load %arg29[%swap3A_1823] {strides = array<i32>} : memref<1264xi32, #tpu.memory_space<vmem>>, vector<16xi32>,
    tpu.vector_store %arg29[%swap3A_1823], %broadcast_in_dim3A_1822 {strides = array<i32>} : memref<1264xi32, #tpu.memory_space<vmem>>, vector<16xi32>,
    %broadcast_in_dim3A_1825 = arith.constant 0 : i32
    %broadcast_in_dim3A_1826 = vector.broadcast %broadcast_in_dim3A_1825 : i32 to vector<16xi32>
    %swap3A_1827 = arith.constant 448 : index
    %swap3A_1828 = tpu.vector_load %arg28[%swap3A_1827] {strides = array<i32>} : memref<1264xi32, #tpu.memory_space<vmem>>, vector<16xi32>,
    tpu.vector_store %arg28[%swap3A_1827], %broadcast_in_dim3A_1826 {strides = array<i32>} : memref<1264xi32, #tpu.memory_space<vmem>>, vector<16xi32>,
    %broadcast_in_dim3A_1829 = arith.constant 0 : i32
    %broadcast_in_dim3A_1830 = vector.broadcast %broadcast_in_dim3A_1829 : i32 to vector<16xi32>
    %swap3A_1831 = arith.constant 448 : index
    %swap3A_1832 = tpu.vector_load %arg29[%swap3A_1831] {strides = array<i32>} : memref<1264xi32, #tpu.memory_space<vmem>>, vector<16xi32>,
    tpu.vector_store %arg29[%swap3A_1831], %broadcast_in_dim3A_1830 {strides = array<i32>} : memref<1264xi32, #tpu.memory_space<vmem>>, vector<16xi32>,
    %broadcast_in_dim3A_1833 = arith.constant 0 : i32
    %broadcast_in_dim3A_1834 = vector.broadcast %broadcast_in_dim3A_1833 : i32 to vector<16xi32>
    %swap3A_1835 = arith.constant 464 : index
    %swap3A_1836 = tpu.vector_load %arg28[%swap3A_1835] {strides = array<i32>} : memref<1264xi32, #tpu.memory_space<vmem>>, vector<16xi32>,
    tpu.vector_store %arg28[%swap3A_1835], %broadcast_in_dim3A_1834 {strides = array<i32>} : memref<1264xi32, #tpu.memory_space<vmem>>, vector<16xi32>,
    %broadcast_in_dim3A_1837 = arith.constant 0 : i32
    %broadcast_in_dim3A_1838 = vector.broadcast %broadcast_in_dim3A_1837 : i32 to vector<16xi32>
    %swap3A_1839 = arith.constant 464 : index
    %swap3A_1840 = tpu.vector_load %arg29[%swap3A_1839] {strides = array<i32>} : memref<1264xi32, #tpu.memory_space<vmem>>, vector<16xi32>,
    tpu.vector_store %arg29[%swap3A_1839], %broadcast_in_dim3A_1838 {strides = array<i32>} : memref<1264xi32, #tpu.memory_space<vmem>>, vector<16xi32>,
    %broadcast_in_dim3A_1841 = arith.constant 0 : i32
    %broadcast_in_dim3A_1842 = vector.broadcast %broadcast_in_dim3A_1841 : i32 to vector<16xi32>
    %swap3A_1843 = arith.constant 480 : index
    %swap3A_1844 = tpu.vector_load %arg28[%swap3A_1843] {strides = array<i32>} : memref<1264xi32, #tpu.memory_space<vmem>>, vector<16xi32>,
    tpu.vector_store %arg28[%swap3A_1843], %broadcast_in_dim3A_1842 {strides = array<i32>} : memref<1264xi32, #tpu.memory_space<vmem>>, vector<16xi32>,
    %broadcast_in_dim3A_1845 = arith.constant 0 : i32
    %broadcast_in_dim3A_1846 = vector.broadcast %broadcast_in_dim3A_1845 : i32 to vector<16xi32>
    %swap3A_1847 = arith.constant 480 : index
    %swap3A_1848 = tpu.vector_load %arg29[%swap3A_1847] {strides = array<i32>} : memref<1264xi32, #tpu.memory_space<vmem>>, vector<16xi32>,
    tpu.vector_store %arg29[%swap3A_1847], %broadcast_in_dim3A_1846 {strides = array<i32>} : memref<1264xi32, #tpu.memory_space<vmem>>, vector<16xi32>,
    %broadcast_in_dim3A_1849 = arith.constant 0 : i32
    %broadcast_in_dim3A_1850 = vector.broadcast %broadcast_in_dim3A_1849 : i32 to vector<16xi32>
    %swap3A_1851 = arith.constant 496 : index
    %swap3A_1852 = tpu.vector_load %arg28[%swap3A_1851] {strides = array<i32>} : memref<1264xi32, #tpu.memory_space<vmem>>, vector<16xi32>,
    tpu.vector_store %arg28[%swap3A_1851], %broadcast_in_dim3A_1850 {strides = array<i32>} : memref<1264xi32, #tpu.memory_space<vmem>>, vector<16xi32>,
    %broadcast_in_dim3A_1853 = arith.constant 0 : i32
    %broadcast_in_dim3A_1854 = vector.broadcast %broadcast_in_dim3A_1853 : i32 to vector<16xi32>
    %swap3A_1855 = arith.constant 496 : index
    %swap3A_1856 = tpu.vector_load %arg29[%swap3A_1855] {strides = array<i32>} : memref<1264xi32, #tpu.memory_space<vmem>>, vector<16xi32>,
    tpu.vector_store %arg29[%swap3A_1855], %broadcast_in_dim3A_1854 {strides = array<i32>} : memref<1264xi32, #tpu.memory_space<vmem>>, vector<16xi32>,
    %broadcast_in_dim3A_1857 = arith.constant 0 : i32
    %broadcast_in_dim3A_1858 = vector.broadcast %broadcast_in_dim3A_1857 : i32 to vector<16xi32>
    %swap3A_1859 = arith.constant 512 : index
    %swap3A_1860 = tpu.vector_load %arg28[%swap3A_1859] {strides = array<i32>} : memref<1264xi32, #tpu.memory_space<vmem>>, vector<16xi32>,
    tpu.vector_store %arg28[%swap3A_1859], %broadcast_in_dim3A_1858 {strides = array<i32>} : memref<1264xi32, #tpu.memory_space<vmem>>, vector<16xi32>,
    %broadcast_in_dim3A_1861 = arith.constant 0 : i32
    %broadcast_in_dim3A_1862 = vector.broadcast %broadcast_in_dim3A_1861 : i32 to vector<16xi32>
    %swap3A_1863 = arith.constant 512 : index
    %swap3A_1864 = tpu.vector_load %arg29[%swap3A_1863] {strides = array<i32>} : memref<1264xi32, #tpu.memory_space<vmem>>, vector<16xi32>,
    tpu.vector_store %arg29[%swap3A_1863], %broadcast_in_dim3A_1862 {strides = array<i32>} : memref<1264xi32, #tpu.memory_space<vmem>>, vector<16xi32>,
    %broadcast_in_dim3A_1865 = arith.constant 0 : i32
    %broadcast_in_dim3A_1866 = vector.broadcast %broadcast_in_dim3A_1865 : i32 to vector<16xi32>
    %swap3A_1867 = arith.constant 528 : index
    %swap3A_1868 = tpu.vector_load %arg28[%swap3A_1867] {strides = array<i32>} : memref<1264xi32, #tpu.memory_space<vmem>>, vector<16xi32>,
    tpu.vector_store %arg28[%swap3A_1867], %broadcast_in_dim3A_1866 {strides = array<i32>} : memref<1264xi32, #tpu.memory_space<vmem>>, vector<16xi32>,
    %broadcast_in_dim3A_1869 = arith.constant 0 : i32
    %broadcast_in_dim3A_1870 = vector.broadcast %broadcast_in_dim3A_1869 : i32 to vector<16xi32>
    %swap3A_1871 = arith.constant 528 : index
    %swap3A_1872 = tpu.vector_load %arg29[%swap3A_1871] {strides = array<i32>} : memref<1264xi32, #tpu.memory_space<vmem>>, vector<16xi32>,
    tpu.vector_store %arg29[%swap3A_1871], %broadcast_in_dim3A_1870 {strides = array<i32>} : memref<1264xi32, #tpu.memory_space<vmem>>, vector<16xi32>,
    %broadcast_in_dim3A_1873 = arith.constant 0 : i32
    %broadcast_in_dim3A_1874 = vector.broadcast %broadcast_in_dim3A_1873 : i32 to vector<16xi32>
    %swap3A_1875 = arith.constant 544 : index
    %swap3A_1876 = tpu.vector_load %arg28[%swap3A_1875] {strides = array<i32>} : memref<1264xi32, #tpu.memory_space<vmem>>, vector<16xi32>,
    tpu.vector_store %arg28[%swap3A_1875], %broadcast_in_dim3A_1874 {strides = array<i32>} : memref<1264xi32, #tpu.memory_space<vmem>>, vector<16xi32>,
    %broadcast_in_dim3A_1877 = arith.constant 0 : i32
    %broadcast_in_dim3A_1878 = vector.broadcast %broadcast_in_dim3A_1877 : i32 to vector<16xi32>
    %swap3A_1879 = arith.constant 544 : index
    %swap3A_1880 = tpu.vector_load %arg29[%swap3A_1879] {strides = array<i32>} : memref<1264xi32, #tpu.memory_space<vmem>>, vector<16xi32>,
    tpu.vector_store %arg29[%swap3A_1879], %broadcast_in_dim3A_1878 {strides = array<i32>} : memref<1264xi32, #tpu.memory_space<vmem>>, vector<16xi32>,
    %broadcast_in_dim3A_1881 = arith.constant 0 : i32
    %broadcast_in_dim3A_1882 = vector.broadcast %broadcast_in_dim3A_1881 : i32 to vector<16xi32>
    %swap3A_1883 = arith.constant 560 : index
    %swap3A_1884 = tpu.vector_load %arg28[%swap3A_1883] {strides = array<i32>} : memref<1264xi32, #tpu.memory_space<vmem>>, vector<16xi32>,
    tpu.vector_store %arg28[%swap3A_1883], %broadcast_in_dim3A_1882 {strides = array<i32>} : memref<1264xi32, #tpu.memory_space<vmem>>, vector<16xi32>,
    %broadcast_in_dim3A_1885 = arith.constant 0 : i32
    %broadcast_in_dim3A_1886 = vector.broadcast %broadcast_in_dim3A_1885 : i32 to vector<16xi32>
    %swap3A_1887 = arith.constant 560 : index
    %swap3A_1888 = tpu.vector_load %arg29[%swap3A_1887] {strides = array<i32>} : memref<1264xi32, #tpu.memory_space<vmem>>, vector<16xi32>,
    tpu.vector_store %arg29[%swap3A_1887], %broadcast_in_dim3A_1886 {strides = array<i32>} : memref<1264xi32, #tpu.memory_space<vmem>>, vector<16xi32>,
    %broadcast_in_dim3A_1889 = arith.constant 0 : i32
    %broadcast_in_dim3A_1890 = vector.broadcast %broadcast_in_dim3A_1889 : i32 to vector<16xi32>
    %swap3A_1891 = arith.constant 576 : index
    %swap3A_1892 = tpu.vector_load %arg28[%swap3A_1891] {strides = array<i32>} : memref<1264xi32, #tpu.memory_space<vmem>>, vector<16xi32>,
    tpu.vector_store %arg28[%swap3A_1891], %broadcast_in_dim3A_1890 {strides = array<i32>} : memref<1264xi32, #tpu.memory_space<vmem>>, vector<16xi32>,
    %broadcast_in_dim3A_1893 = arith.constant 0 : i32
    %broadcast_in_dim3A_1894 = vector.broadcast %broadcast_in_dim3A_1893 : i32 to vector<16xi32>
    %swap3A_1895 = arith.constant 576 : index
    %swap3A_1896 = tpu.vector_load %arg29[%swap3A_1895] {strides = array<i32>} : memref<1264xi32, #tpu.memory_space<vmem>>, vector<16xi32>,
    tpu.vector_store %arg29[%swap3A_1895], %broadcast_in_dim3A_1894 {strides = array<i32>} : memref<1264xi32, #tpu.memory_space<vmem>>, vector<16xi32>,
    %broadcast_in_dim3A_1897 = arith.constant 0 : i32
    %broadcast_in_dim3A_1898 = vector.broadcast %broadcast_in_dim3A_1897 : i32 to vector<16xi32>
    %swap3A_1899 = arith.constant 592 : index
    %swap3A_1900 = tpu.vector_load %arg28[%swap3A_1899] {strides = array<i32>} : memref<1264xi32, #tpu.memory_space<vmem>>, vector<16xi32>,
    tpu.vector_store %arg28[%swap3A_1899], %broadcast_in_dim3A_1898 {strides = array<i32>} : memref<1264xi32, #tpu.memory_space<vmem>>, vector<16xi32>,
    %broadcast_in_dim3A_1901 = arith.constant 0 : i32
    %broadcast_in_dim3A_1902 = vector.broadcast %broadcast_in_dim3A_1901 : i32 to vector<16xi32>
    %swap3A_1903 = arith.constant 592 : index
    %swap3A_1904 = tpu.vector_load %arg29[%swap3A_1903] {strides = array<i32>} : memref<1264xi32, #tpu.memory_space<vmem>>, vector<16xi32>,
    tpu.vector_store %arg29[%swap3A_1903], %broadcast_in_dim3A_1902 {strides = array<i32>} : memref<1264xi32, #tpu.memory_space<vmem>>, vector<16xi32>,
    %broadcast_in_dim3A_1905 = arith.constant 0 : i32
    %broadcast_in_dim3A_1906 = vector.broadcast %broadcast_in_dim3A_1905 : i32 to vector<16xi32>
    %swap3A_1907 = arith.constant 608 : index
    %swap3A_1908 = tpu.vector_load %arg28[%swap3A_1907] {strides = array<i32>} : memref<1264xi32, #tpu.memory_space<vmem>>, vector<16xi32>,
    tpu.vector_store %arg28[%swap3A_1907], %broadcast_in_dim3A_1906 {strides = array<i32>} : memref<1264xi32, #tpu.memory_space<vmem>>, vector<16xi32>,
    %broadcast_in_dim3A_1909 = arith.constant 0 : i32
    %broadcast_in_dim3A_1910 = vector.broadcast %broadcast_in_dim3A_1909 : i32 to vector<16xi32>
    %swap3A_1911 = arith.constant 608 : index
    %swap3A_1912 = tpu.vector_load %arg29[%swap3A_1911] {strides = array<i32>} : memref<1264xi32, #tpu.memory_space<vmem>>, vector<16xi32>,
    tpu.vector_store %arg29[%swap3A_1911], %broadcast_in_dim3A_1910 {strides = array<i32>} : memref<1264xi32, #tpu.memory_space<vmem>>, vector<16xi32>,
    %broadcast_in_dim3A_1913 = arith.constant 0 : i32
    %broadcast_in_dim3A_1914 = vector.broadcast %broadcast_in_dim3A_1913 : i32 to vector<16xi32>
    %swap3A_1915 = arith.constant 624 : index
    %swap3A_1916 = tpu.vector_load %arg28[%swap3A_1915] {strides = array<i32>} : memref<1264xi32, #tpu.memory_space<vmem>>, vector<16xi32>,
    tpu.vector_store %arg28[%swap3A_1915], %broadcast_in_dim3A_1914 {strides = array<i32>} : memref<1264xi32, #tpu.memory_space<vmem>>, vector<16xi32>,
    %broadcast_in_dim3A_1917 = arith.constant 0 : i32
    %broadcast_in_dim3A_1918 = vector.broadcast %broadcast_in_dim3A_1917 : i32 to vector<16xi32>
    %swap3A_1919 = arith.constant 624 : index
    %swap3A_1920 = tpu.vector_load %arg29[%swap3A_1919] {strides = array<i32>} : memref<1264xi32, #tpu.memory_space<vmem>>, vector<16xi32>,
    tpu.vector_store %arg29[%swap3A_1919], %broadcast_in_dim3A_1918 {strides = array<i32>} : memref<1264xi32, #tpu.memory_space<vmem>>, vector<16xi32>,
    %broadcast_in_dim3A_1921 = arith.constant 0 : i32
    %broadcast_in_dim3A_1922 = vector.broadcast %broadcast_in_dim3A_1921 : i32 to vector<16xi32>
    %swap3A_1923 = arith.constant 640 : index
    %swap3A_1924 = tpu.vector_load %arg28[%swap3A_1923] {strides = array<i32>} : memref<1264xi32, #tpu.memory_space<vmem>>, vector<16xi32>,
    tpu.vector_store %arg28[%swap3A_1923], %broadcast_in_dim3A_1922 {strides = array<i32>} : memref<1264xi32, #tpu.memory_space<vmem>>, vector<16xi32>,
    %broadcast_in_dim3A_1925 = arith.constant 0 : i32
    %broadcast_in_dim3A_1926 = vector.broadcast %broadcast_in_dim3A_1925 : i32 to vector<16xi32>
    %swap3A_1927 = arith.constant 640 : index
    %swap3A_1928 = tpu.vector_load %arg29[%swap3A_1927] {strides = array<i32>} : memref<1264xi32, #tpu.memory_space<vmem>>, vector<16xi32>,
    tpu.vector_store %arg29[%swap3A_1927], %broadcast_in_dim3A_1926 {strides = array<i32>} : memref<1264xi32, #tpu.memory_space<vmem>>, vector<16xi32>,
    %broadcast_in_dim3A_1929 = arith.constant 0 : i32
    %broadcast_in_dim3A_1930 = vector.broadcast %broadcast_in_dim3A_1929 : i32 to vector<16xi32>
    %swap3A_1931 = arith.constant 656 : index
    %swap3A_1932 = tpu.vector_load %arg28[%swap3A_1931] {strides = array<i32>} : memref<1264xi32, #tpu.memory_space<vmem>>, vector<16xi32>,
    tpu.vector_store %arg28[%swap3A_1931], %broadcast_in_dim3A_1930 {strides = array<i32>} : memref<1264xi32, #tpu.memory_space<vmem>>, vector<16xi32>,
    %broadcast_in_dim3A_1933 = arith.constant 0 : i32
    %broadcast_in_dim3A_1934 = vector.broadcast %broadcast_in_dim3A_1933 : i32 to vector<16xi32>
    %swap3A_1935 = arith.constant 656 : index
    %swap3A_1936 = tpu.vector_load %arg29[%swap3A_1935] {strides = array<i32>} : memref<1264xi32, #tpu.memory_space<vmem>>, vector<16xi32>,
    tpu.vector_store %arg29[%swap3A_1935], %broadcast_in_dim3A_1934 {strides = array<i32>} : memref<1264xi32, #tpu.memory_space<vmem>>, vector<16xi32>,
    %broadcast_in_dim3A_1937 = arith.constant 0 : i32
    %broadcast_in_dim3A_1938 = vector.broadcast %broadcast_in_dim3A_1937 : i32 to vector<16xi32>
    %swap3A_1939 = arith.constant 672 : index
    %swap3A_1940 = tpu.vector_load %arg28[%swap3A_1939] {strides = array<i32>} : memref<1264xi32, #tpu.memory_space<vmem>>, vector<16xi32>,
    tpu.vector_store %arg28[%swap3A_1939], %broadcast_in_dim3A_1938 {strides = array<i32>} : memref<1264xi32, #tpu.memory_space<vmem>>, vector<16xi32>,
    %broadcast_in_dim3A_1941 = arith.constant 0 : i32
    %broadcast_in_dim3A_1942 = vector.broadcast %broadcast_in_dim3A_1941 : i32 to vector<16xi32>
    %swap3A_1943 = arith.constant 672 : index
    %swap3A_1944 = tpu.vector_load %arg29[%swap3A_1943] {strides = array<i32>} : memref<1264xi32, #tpu.memory_space<vmem>>, vector<16xi32>,
    tpu.vector_store %arg29[%swap3A_1943], %broadcast_in_dim3A_1942 {strides = array<i32>} : memref<1264xi32, #tpu.memory_space<vmem>>, vector<16xi32>,
    %broadcast_in_dim3A_1945 = arith.constant 0 : i32
    %broadcast_in_dim3A_1946 = vector.broadcast %broadcast_in_dim3A_1945 : i32 to vector<16xi32>
    %swap3A_1947 = arith.constant 688 : index
    %swap3A_1948 = tpu.vector_load %arg28[%swap3A_1947] {strides = array<i32>} : memref<1264xi32, #tpu.memory_space<vmem>>, vector<16xi32>,
    tpu.vector_store %arg28[%swap3A_1947], %broadcast_in_dim3A_1946 {strides = array<i32>} : memref<1264xi32, #tpu.memory_space<vmem>>, vector<16xi32>,
    %broadcast_in_dim3A_1949 = arith.constant 0 : i32
    %broadcast_in_dim3A_1950 = vector.broadcast %broadcast_in_dim3A_1949 : i32 to vector<16xi32>
    %swap3A_1951 = arith.constant 688 : index
    %swap3A_1952 = tpu.vector_load %arg29[%swap3A_1951] {strides = array<i32>} : memref<1264xi32, #tpu.memory_space<vmem>>, vector<16xi32>,
    tpu.vector_store %arg29[%swap3A_1951], %broadcast_in_dim3A_1950 {strides = array<i32>} : memref<1264xi32, #tpu.memory_space<vmem>>, vector<16xi32>,
    %broadcast_in_dim3A_1953 = arith.constant 0 : i32
    %broadcast_in_dim3A_1954 = vector.broadcast %broadcast_in_dim3A_1953 : i32 to vector<16xi32>
    %swap3A_1955 = arith.constant 704 : index
    %swap3A_1956 = tpu.vector_load %arg28[%swap3A_1955] {strides = array<i32>} : memref<1264xi32, #tpu.memory_space<vmem>>, vector<16xi32>,
    tpu.vector_store %arg28[%swap3A_1955], %broadcast_in_dim3A_1954 {strides = array<i32>} : memref<1264xi32, #tpu.memory_space<vmem>>, vector<16xi32>,
    %broadcast_in_dim3A_1957 = arith.constant 0 : i32
    %broadcast_in_dim3A_1958 = vector.broadcast %broadcast_in_dim3A_1957 : i32 to vector<16xi32>
    %swap3A_1959 = arith.constant 704 : index
    %swap3A_1960 = tpu.vector_load %arg29[%swap3A_1959] {strides = array<i32>} : memref<1264xi32, #tpu.memory_space<vmem>>, vector<16xi32>,
    tpu.vector_store %arg29[%swap3A_1959], %broadcast_in_dim3A_1958 {strides = array<i32>} : memref<1264xi32, #tpu.memory_space<vmem>>, vector<16xi32>,
    %broadcast_in_dim3A_1961 = arith.constant 0 : i32
    %broadcast_in_dim3A_1962 = vector.broadcast %broadcast_in_dim3A_1961 : i32 to vector<16xi32>
    %swap3A_1963 = arith.constant 720 : index
    %swap3A_1964 = tpu.vector_load %arg28[%swap3A_1963] {strides = array<i32>} : memref<1264xi32, #tpu.memory_space<vmem>>, vector<16xi32>,
    tpu.vector_store %arg28[%swap3A_1963], %broadcast_in_dim3A_1962 {strides = array<i32>} : memref<1264xi32, #tpu.memory_space<vmem>>, vector<16xi32>,
    %broadcast_in_dim3A_1965 = arith.constant 0 : i32
    %broadcast_in_dim3A_1966 = vector.broadcast %broadcast_in_dim3A_1965 : i32 to vector<16xi32>
    %swap3A_1967 = arith.constant 720 : index
    %swap3A_1968 = tpu.vector_load %arg29[%swap3A_1967] {strides = array<i32>} : memref<1264xi32, #tpu.memory_space<vmem>>, vector<16xi32>,
    tpu.vector_store %arg29[%swap3A_1967], %broadcast_in_dim3A_1966 {strides = array<i32>} : memref<1264xi32, #tpu.memory_space<vmem>>, vector<16xi32>,
    %broadcast_in_dim3A_1969 = arith.constant 0 : i32
    %broadcast_in_dim3A_1970 = vector.broadcast %broadcast_in_dim3A_1969 : i32 to vector<16xi32>
    %swap3A_1971 = arith.constant 736 : index
    %swap3A_1972 = tpu.vector_load %arg28[%swap3A_1971] {strides = array<i32>} : memref<1264xi32, #tpu.memory_space<vmem>>, vector<16xi32>,
    tpu.vector_store %arg28[%swap3A_1971], %broadcast_in_dim3A_1970 {strides = array<i32>} : memref<1264xi32, #tpu.memory_space<vmem>>, vector<16xi32>,
    %broadcast_in_dim3A_1973 = arith.constant 0 : i32
    %broadcast_in_dim3A_1974 = vector.broadcast %broadcast_in_dim3A_1973 : i32 to vector<16xi32>
    %swap3A_1975 = arith.constant 736 : index
    %swap3A_1976 = tpu.vector_load %arg29[%swap3A_1975] {strides = array<i32>} : memref<1264xi32, #tpu.memory_space<vmem>>, vector<16xi32>,
    tpu.vector_store %arg29[%swap3A_1975], %broadcast_in_dim3A_1974 {strides = array<i32>} : memref<1264xi32, #tpu.memory_space<vmem>>, vector<16xi32>,
    %broadcast_in_dim3A_1977 = arith.constant 0 : i32
    %broadcast_in_dim3A_1978 = vector.broadcast %broadcast_in_dim3A_1977 : i32 to vector<16xi32>
    %swap3A_1979 = arith.constant 752 : index
    %swap3A_1980 = tpu.vector_load %arg28[%swap3A_1979] {strides = array<i32>} : memref<1264xi32, #tpu.memory_space<vmem>>, vector<16xi32>,
    tpu.vector_store %arg28[%swap3A_1979], %broadcast_in_dim3A_1978 {strides = array<i32>} : memref<1264xi32, #tpu.memory_space<vmem>>, vector<16xi32>,
    %broadcast_in_dim3A_1981 = arith.constant 0 : i32
    %broadcast_in_dim3A_1982 = vector.broadcast %broadcast_in_dim3A_1981 : i32 to vector<16xi32>
    %swap3A_1983 = arith.constant 752 : index
    %swap3A_1984 = tpu.vector_load %arg29[%swap3A_1983] {strides = array<i32>} : memref<1264xi32, #tpu.memory_space<vmem>>, vector<16xi32>,
    tpu.vector_store %arg29[%swap3A_1983], %broadcast_in_dim3A_1982 {strides = array<i32>} : memref<1264xi32, #tpu.memory_space<vmem>>, vector<16xi32>,
    %broadcast_in_dim3A_1985 = arith.constant 0 : i32
    %broadcast_in_dim3A_1986 = vector.broadcast %broadcast_in_dim3A_1985 : i32 to vector<16xi32>
    %swap3A_1987 = arith.constant 768 : index
    %swap3A_1988 = tpu.vector_load %arg28[%swap3A_1987] {strides = array<i32>} : memref<1264xi32, #tpu.memory_space<vmem>>, vector<16xi32>,
    tpu.vector_store %arg28[%swap3A_1987], %broadcast_in_dim3A_1986 {strides = array<i32>} : memref<1264xi32, #tpu.memory_space<vmem>>, vector<16xi32>,
    %broadcast_in_dim3A_1989 = arith.constant 0 : i32
    %broadcast_in_dim3A_1990 = vector.broadcast %broadcast_in_dim3A_1989 : i32 to vector<16xi32>
    %swap3A_1991 = arith.constant 768 : index
    %swap3A_1992 = tpu.vector_load %arg29[%swap3A_1991] {strides = array<i32>} : memref<1264xi32, #tpu.memory_space<vmem>>, vector<16xi32>,
    tpu.vector_store %arg29[%swap3A_1991], %broadcast_in_dim3A_1990 {strides = array<i32>} : memref<1264xi32, #tpu.memory_space<vmem>>, vector<16xi32>,
    %broadcast_in_dim3A_1993 = arith.constant 0 : i32
    %broadcast_in_dim3A_1994 = vector.broadcast %broadcast_in_dim3A_1993 : i32 to vector<16xi32>
    %swap3A_1995 = arith.constant 784 : index
    %swap3A_1996 = tpu.vector_load %arg28[%swap3A_1995] {strides = array<i32>} : memref<1264xi32, #tpu.memory_space<vmem>>, vector<16xi32>,
    tpu.vector_store %arg28[%swap3A_1995], %broadcast_in_dim3A_1994 {strides = array<i32>} : memref<1264xi32, #tpu.memory_space<vmem>>, vector<16xi32>,
    %broadcast_in_dim3A_1997 = arith.constant 0 : i32
    %broadcast_in_dim3A_1998 = vector.broadcast %broadcast_in_dim3A_1997 : i32 to vector<16xi32>
    %swap3A_1999 = arith.constant 784 : index
    %swap3A_2000 = tpu.vector_load %arg29[%swap3A_1999] {strides = array<i32>} : memref<1264xi32, #tpu.memory_space<vmem>>, vector<16xi32>,
    tpu.vector_store %arg29[%swap3A_1999], %broadcast_in_dim3A_1998 {strides = array<i32>} : memref<1264xi32, #tpu.memory_space<vmem>>, vector<16xi32>,
    %broadcast_in_dim3A_2001 = arith.constant 0 : i32
    %broadcast_in_dim3A_2002 = vector.broadcast %broadcast_in_dim3A_2001 : i32 to vector<16xi32>
    %swap3A_2003 = arith.constant 800 : index
    %swap3A_2004 = tpu.vector_load %arg28[%swap3A_2003] {strides = array<i32>} : memref<1264xi32, #tpu.memory_space<vmem>>, vector<16xi32>,
    tpu.vector_store %arg28[%swap3A_2003], %broadcast_in_dim3A_2002 {strides = array<i32>} : memref<1264xi32, #tpu.memory_space<vmem>>, vector<16xi32>,
    %broadcast_in_dim3A_2005 = arith.constant 0 : i32
    %broadcast_in_dim3A_2006 = vector.broadcast %broadcast_in_dim3A_2005 : i32 to vector<16xi32>
    %swap3A_2007 = arith.constant 800 : index
    %swap3A_2008 = tpu.vector_load %arg29[%swap3A_2007] {strides = array<i32>} : memref<1264xi32, #tpu.memory_space<vmem>>, vector<16xi32>,
    tpu.vector_store %arg29[%swap3A_2007], %broadcast_in_dim3A_2006 {strides = array<i32>} : memref<1264xi32, #tpu.memory_space<vmem>>, vector<16xi32>,
    %broadcast_in_dim3A_2009 = arith.constant 0 : i32
    %broadcast_in_dim3A_2010 = vector.broadcast %broadcast_in_dim3A_2009 : i32 to vector<16xi32>
    %swap3A_2011 = arith.constant 816 : index
    %swap3A_2012 = tpu.vector_load %arg28[%swap3A_2011] {strides = array<i32>} : memref<1264xi32, #tpu.memory_space<vmem>>, vector<16xi32>,
    tpu.vector_store %arg28[%swap3A_2011], %broadcast_in_dim3A_2010 {strides = array<i32>} : memref<1264xi32, #tpu.memory_space<vmem>>, vector<16xi32>,
    %broadcast_in_dim3A_2013 = arith.constant 0 : i32
    %broadcast_in_dim3A_2014 = vector.broadcast %broadcast_in_dim3A_2013 : i32 to vector<16xi32>
    %swap3A_2015 = arith.constant 816 : index
    %swap3A_2016 = tpu.vector_load %arg29[%swap3A_2015] {strides = array<i32>} : memref<1264xi32, #tpu.memory_space<vmem>>, vector<16xi32>,
    tpu.vector_store %arg29[%swap3A_2015], %broadcast_in_dim3A_2014 {strides = array<i32>} : memref<1264xi32, #tpu.memory_space<vmem>>, vector<16xi32>,
    %broadcast_in_dim3A_2017 = arith.constant 0 : i32
    %broadcast_in_dim3A_2018 = vector.broadcast %broadcast_in_dim3A_2017 : i32 to vector<16xi32>
    %swap3A_2019 = arith.constant 832 : index
    %swap3A_2020 = tpu.vector_load %arg28[%swap3A_2019] {strides = array<i32>} : memref<1264xi32, #tpu.memory_space<vmem>>, vector<16xi32>,
    tpu.vector_store %arg28[%swap3A_2019], %broadcast_in_dim3A_2018 {strides = array<i32>} : memref<1264xi32, #tpu.memory_space<vmem>>, vector<16xi32>,
    %broadcast_in_dim3A_2021 = arith.constant 0 : i32
    %broadcast_in_dim3A_2022 = vector.broadcast %broadcast_in_dim3A_2021 : i32 to vector<16xi32>
    %swap3A_2023 = arith.constant 832 : index
    %swap3A_2024 = tpu.vector_load %arg29[%swap3A_2023] {strides = array<i32>} : memref<1264xi32, #tpu.memory_space<vmem>>, vector<16xi32>,
    tpu.vector_store %arg29[%swap3A_2023], %broadcast_in_dim3A_2022 {strides = array<i32>} : memref<1264xi32, #tpu.memory_space<vmem>>, vector<16xi32>,
    %broadcast_in_dim3A_2025 = arith.constant 0 : i32
    %broadcast_in_dim3A_2026 = vector.broadcast %broadcast_in_dim3A_2025 : i32 to vector<16xi32>
    %swap3A_2027 = arith.constant 848 : index
    %swap3A_2028 = tpu.vector_load %arg28[%swap3A_2027] {strides = array<i32>} : memref<1264xi32, #tpu.memory_space<vmem>>, vector<16xi32>,
    tpu.vector_store %arg28[%swap3A_2027], %broadcast_in_dim3A_2026 {strides = array<i32>} : memref<1264xi32, #tpu.memory_space<vmem>>, vector<16xi32>,
    %broadcast_in_dim3A_2029 = arith.constant 0 : i32
    %broadcast_in_dim3A_2030 = vector.broadcast %broadcast_in_dim3A_2029 : i32 to vector<16xi32>
    %swap3A_2031 = arith.constant 848 : index
    %swap3A_2032 = tpu.vector_load %arg29[%swap3A_2031] {strides = array<i32>} : memref<1264xi32, #tpu.memory_space<vmem>>, vector<16xi32>,
    tpu.vector_store %arg29[%swap3A_2031], %broadcast_in_dim3A_2030 {strides = array<i32>} : memref<1264xi32, #tpu.memory_space<vmem>>, vector<16xi32>,
    %broadcast_in_dim3A_2033 = arith.constant 0 : i32
    %broadcast_in_dim3A_2034 = vector.broadcast %broadcast_in_dim3A_2033 : i32 to vector<16xi32>
    %swap3A_2035 = arith.constant 864 : index
    %swap3A_2036 = tpu.vector_load %arg28[%swap3A_2035] {strides = array<i32>} : memref<1264xi32, #tpu.memory_space<vmem>>, vector<16xi32>,
    tpu.vector_store %arg28[%swap3A_2035], %broadcast_in_dim3A_2034 {strides = array<i32>} : memref<1264xi32, #tpu.memory_space<vmem>>, vector<16xi32>,
    %broadcast_in_dim3A_2037 = arith.constant 0 : i32
    %broadcast_in_dim3A_2038 = vector.broadcast %broadcast_in_dim3A_2037 : i32 to vector<16xi32>
    %swap3A_2039 = arith.constant 864 : index
    %swap3A_2040 = tpu.vector_load %arg29[%swap3A_2039] {strides = array<i32>} : memref<1264xi32, #tpu.memory_space<vmem>>, vector<16xi32>,
    tpu.vector_store %arg29[%swap3A_2039], %broadcast_in_dim3A_2038 {strides = array<i32>} : memref<1264xi32, #tpu.memory_space<vmem>>, vector<16xi32>,
    %broadcast_in_dim3A_2041 = arith.constant 0 : i32
    %broadcast_in_dim3A_2042 = vector.broadcast %broadcast_in_dim3A_2041 : i32 to vector<16xi32>
    %swap3A_2043 = arith.constant 880 : index
    %swap3A_2044 = tpu.vector_load %arg28[%swap3A_2043] {strides = array<i32>} : memref<1264xi32, #tpu.memory_space<vmem>>, vector<16xi32>,
    tpu.vector_store %arg28[%swap3A_2043], %broadcast_in_dim3A_2042 {strides = array<i32>} : memref<1264xi32, #tpu.memory_space<vmem>>, vector<16xi32>,
    %broadcast_in_dim3A_2045 = arith.constant 0 : i32
    %broadcast_in_dim3A_2046 = vector.broadcast %broadcast_in_dim3A_2045 : i32 to vector<16xi32>
    %swap3A_2047 = arith.constant 880 : index
    %swap3A_2048 = tpu.vector_load %arg29[%swap3A_2047] {strides = array<i32>} : memref<1264xi32, #tpu.memory_space<vmem>>, vector<16xi32>,
    tpu.vector_store %arg29[%swap3A_2047], %broadcast_in_dim3A_2046 {strides = array<i32>} : memref<1264xi32, #tpu.memory_space<vmem>>, vector<16xi32>,
    %broadcast_in_dim3A_2049 = arith.constant 0 : i32
    %broadcast_in_dim3A_2050 = vector.broadcast %broadcast_in_dim3A_2049 : i32 to vector<16xi32>
    %swap3A_2051 = arith.constant 896 : index
    %swap3A_2052 = tpu.vector_load %arg28[%swap3A_2051] {strides = array<i32>} : memref<1264xi32, #tpu.memory_space<vmem>>, vector<16xi32>,
    tpu.vector_store %arg28[%swap3A_2051], %broadcast_in_dim3A_2050 {strides = array<i32>} : memref<1264xi32, #tpu.memory_space<vmem>>, vector<16xi32>,
    %broadcast_in_dim3A_2053 = arith.constant 0 : i32
    %broadcast_in_dim3A_2054 = vector.broadcast %broadcast_in_dim3A_2053 : i32 to vector<16xi32>
    %swap3A_2055 = arith.constant 896 : index
    %swap3A_2056 = tpu.vector_load %arg29[%swap3A_2055] {strides = array<i32>} : memref<1264xi32, #tpu.memory_space<vmem>>, vector<16xi32>,
    tpu.vector_store %arg29[%swap3A_2055], %broadcast_in_dim3A_2054 {strides = array<i32>} : memref<1264xi32, #tpu.memory_space<vmem>>, vector<16xi32>,
    %broadcast_in_dim3A_2057 = arith.constant 0 : i32
    %broadcast_in_dim3A_2058 = vector.broadcast %broadcast_in_dim3A_2057 : i32 to vector<16xi32>
    %swap3A_2059 = arith.constant 912 : index
    %swap3A_2060 = tpu.vector_load %arg28[%swap3A_2059] {strides = array<i32>} : memref<1264xi32, #tpu.memory_space<vmem>>, vector<16xi32>,
    tpu.vector_store %arg28[%swap3A_2059], %broadcast_in_dim3A_2058 {strides = array<i32>} : memref<1264xi32, #tpu.memory_space<vmem>>, vector<16xi32>,
    %broadcast_in_dim3A_2061 = arith.constant 0 : i32
    %broadcast_in_dim3A_2062 = vector.broadcast %broadcast_in_dim3A_2061 : i32 to vector<16xi32>
    %swap3A_2063 = arith.constant 912 : index
    %swap3A_2064 = tpu.vector_load %arg29[%swap3A_2063] {strides = array<i32>} : memref<1264xi32, #tpu.memory_space<vmem>>, vector<16xi32>,
    tpu.vector_store %arg29[%swap3A_2063], %broadcast_in_dim3A_2062 {strides = array<i32>} : memref<1264xi32, #tpu.memory_space<vmem>>, vector<16xi32>,
    %broadcast_in_dim3A_2065 = arith.constant 0 : i32
    %broadcast_in_dim3A_2066 = vector.broadcast %broadcast_in_dim3A_2065 : i32 to vector<16xi32>
    %swap3A_2067 = arith.constant 928 : index
    %swap3A_2068 = tpu.vector_load %arg28[%swap3A_2067] {strides = array<i32>} : memref<1264xi32, #tpu.memory_space<vmem>>, vector<16xi32>,
    tpu.vector_store %arg28[%swap3A_2067], %broadcast_in_dim3A_2066 {strides = array<i32>} : memref<1264xi32, #tpu.memory_space<vmem>>, vector<16xi32>,
    %broadcast_in_dim3A_2069 = arith.constant 0 : i32
    %broadcast_in_dim3A_2070 = vector.broadcast %broadcast_in_dim3A_2069 : i32 to vector<16xi32>
    %swap3A_2071 = arith.constant 928 : index
    %swap3A_2072 = tpu.vector_load %arg29[%swap3A_2071] {strides = array<i32>} : memref<1264xi32, #tpu.memory_space<vmem>>, vector<16xi32>,
    tpu.vector_store %arg29[%swap3A_2071], %broadcast_in_dim3A_2070 {strides = array<i32>} : memref<1264xi32, #tpu.memory_space<vmem>>, vector<16xi32>,
    %broadcast_in_dim3A_2073 = arith.constant 0 : i32
    %broadcast_in_dim3A_2074 = vector.broadcast %broadcast_in_dim3A_2073 : i32 to vector<16xi32>
    %swap3A_2075 = arith.constant 944 : index
    %swap3A_2076 = tpu.vector_load %arg28[%swap3A_2075] {strides = array<i32>} : memref<1264xi32, #tpu.memory_space<vmem>>, vector<16xi32>,
    tpu.vector_store %arg28[%swap3A_2075], %broadcast_in_dim3A_2074 {strides = array<i32>} : memref<1264xi32, #tpu.memory_space<vmem>>, vector<16xi32>,
    %broadcast_in_dim3A_2077 = arith.constant 0 : i32
    %broadcast_in_dim3A_2078 = vector.broadcast %broadcast_in_dim3A_2077 : i32 to vector<16xi32>
    %swap3A_2079 = arith.constant 944 : index
    %swap3A_2080 = tpu.vector_load %arg29[%swap3A_2079] {strides = array<i32>} : memref<1264xi32, #tpu.memory_space<vmem>>, vector<16xi32>,
    tpu.vector_store %arg29[%swap3A_2079], %broadcast_in_dim3A_2078 {strides = array<i32>} : memref<1264xi32, #tpu.memory_space<vmem>>, vector<16xi32>,
    %broadcast_in_dim3A_2081 = arith.constant 0 : i32
    %broadcast_in_dim3A_2082 = vector.broadcast %broadcast_in_dim3A_2081 : i32 to vector<16xi32>
    %swap3A_2083 = arith.constant 960 : index
    %swap3A_2084 = tpu.vector_load %arg28[%swap3A_2083] {strides = array<i32>} : memref<1264xi32, #tpu.memory_space<vmem>>, vector<16xi32>,
    tpu.vector_store %arg28[%swap3A_2083], %broadcast_in_dim3A_2082 {strides = array<i32>} : memref<1264xi32, #tpu.memory_space<vmem>>, vector<16xi32>,
    %broadcast_in_dim3A_2085 = arith.constant 0 : i32
    %broadcast_in_dim3A_2086 = vector.broadcast %broadcast_in_dim3A_2085 : i32 to vector<16xi32>
    %swap3A_2087 = arith.constant 960 : index
    %swap3A_2088 = tpu.vector_load %arg29[%swap3A_2087] {strides = array<i32>} : memref<1264xi32, #tpu.memory_space<vmem>>, vector<16xi32>,
    tpu.vector_store %arg29[%swap3A_2087], %broadcast_in_dim3A_2086 {strides = array<i32>} : memref<1264xi32, #tpu.memory_space<vmem>>, vector<16xi32>,
    %broadcast_in_dim3A_2089 = arith.constant 0 : i32
    %broadcast_in_dim3A_2090 = vector.broadcast %broadcast_in_dim3A_2089 : i32 to vector<16xi32>
    %swap3A_2091 = arith.constant 976 : index
    %swap3A_2092 = tpu.vector_load %arg28[%swap3A_2091] {strides = array<i32>} : memref<1264xi32, #tpu.memory_space<vmem>>, vector<16xi32>,
    tpu.vector_store %arg28[%swap3A_2091], %broadcast_in_dim3A_2090 {strides = array<i32>} : memref<1264xi32, #tpu.memory_space<vmem>>, vector<16xi32>,
    %broadcast_in_dim3A_2093 = arith.constant 0 : i32
    %broadcast_in_dim3A_2094 = vector.broadcast %broadcast_in_dim3A_2093 : i32 to vector<16xi32>
    %swap3A_2095 = arith.constant 976 : index
    %swap3A_2096 = tpu.vector_load %arg29[%swap3A_2095] {strides = array<i32>} : memref<1264xi32, #tpu.memory_space<vmem>>, vector<16xi32>,
    tpu.vector_store %arg29[%swap3A_2095], %broadcast_in_dim3A_2094 {strides = array<i32>} : memref<1264xi32, #tpu.memory_space<vmem>>, vector<16xi32>,
    %broadcast_in_dim3A_2097 = arith.constant 0 : i32
    %broadcast_in_dim3A_2098 = vector.broadcast %broadcast_in_dim3A_2097 : i32 to vector<16xi32>
    %swap3A_2099 = arith.constant 992 : index
    %swap3A_2100 = tpu.vector_load %arg28[%swap3A_2099] {strides = array<i32>} : memref<1264xi32, #tpu.memory_space<vmem>>, vector<16xi32>,
    tpu.vector_store %arg28[%swap3A_2099], %broadcast_in_dim3A_2098 {strides = array<i32>} : memref<1264xi32, #tpu.memory_space<vmem>>, vector<16xi32>,
    %broadcast_in_dim3A_2101 = arith.constant 0 : i32
    %broadcast_in_dim3A_2102 = vector.broadcast %broadcast_in_dim3A_2101 : i32 to vector<16xi32>
    %swap3A_2103 = arith.constant 992 : index
    %swap3A_2104 = tpu.vector_load %arg29[%swap3A_2103] {strides = array<i32>} : memref<1264xi32, #tpu.memory_space<vmem>>, vector<16xi32>,
    tpu.vector_store %arg29[%swap3A_2103], %broadcast_in_dim3A_2102 {strides = array<i32>} : memref<1264xi32, #tpu.memory_space<vmem>>, vector<16xi32>,
    %broadcast_in_dim3A_2105 = arith.constant 0 : i32
    %broadcast_in_dim3A_2106 = vector.broadcast %broadcast_in_dim3A_2105 : i32 to vector<16xi32>
    %swap3A_2107 = arith.constant 1008 : index
    %swap3A_2108 = tpu.vector_load %arg28[%swap3A_2107] {strides = array<i32>} : memref<1264xi32, #tpu.memory_space<vmem>>, vector<16xi32>,
    tpu.vector_store %arg28[%swap3A_2107], %broadcast_in_dim3A_2106 {strides = array<i32>} : memref<1264xi32, #tpu.memory_space<vmem>>, vector<16xi32>,
    %broadcast_in_dim3A_2109 = arith.constant 0 : i32
    %broadcast_in_dim3A_2110 = vector.broadcast %broadcast_in_dim3A_2109 : i32 to vector<16xi32>
    %swap3A_2111 = arith.constant 1008 : index
    %swap3A_2112 = tpu.vector_load %arg29[%swap3A_2111] {strides = array<i32>} : memref<1264xi32, #tpu.memory_space<vmem>>, vector<16xi32>,
    tpu.vector_store %arg29[%swap3A_2111], %broadcast_in_dim3A_2110 {strides = array<i32>} : memref<1264xi32, #tpu.memory_space<vmem>>, vector<16xi32>,
    %broadcast_in_dim3A_2113 = arith.constant 0 : i32
    %broadcast_in_dim3A_2114 = vector.broadcast %broadcast_in_dim3A_2113 : i32 to vector<16xi32>
    %swap3A_2115 = arith.constant 1024 : index
    %swap3A_2116 = tpu.vector_load %arg28[%swap3A_2115] {strides = array<i32>} : memref<1264xi32, #tpu.memory_space<vmem>>, vector<16xi32>,
    tpu.vector_store %arg28[%swap3A_2115], %broadcast_in_dim3A_2114 {strides = array<i32>} : memref<1264xi32, #tpu.memory_space<vmem>>, vector<16xi32>,
    %broadcast_in_dim3A_2117 = arith.constant 0 : i32
    %broadcast_in_dim3A_2118 = vector.broadcast %broadcast_in_dim3A_2117 : i32 to vector<16xi32>
    %swap3A_2119 = arith.constant 1024 : index
    %swap3A_2120 = tpu.vector_load %arg29[%swap3A_2119] {strides = array<i32>} : memref<1264xi32, #tpu.memory_space<vmem>>, vector<16xi32>,
    tpu.vector_store %arg29[%swap3A_2119], %broadcast_in_dim3A_2118 {strides = array<i32>} : memref<1264xi32, #tpu.memory_space<vmem>>, vector<16xi32>,
    %broadcast_in_dim3A_2121 = arith.constant 0 : i32
    %broadcast_in_dim3A_2122 = vector.broadcast %broadcast_in_dim3A_2121 : i32 to vector<16xi32>
    %swap3A_2123 = arith.constant 1040 : index
    %swap3A_2124 = tpu.vector_load %arg28[%swap3A_2123] {strides = array<i32>} : memref<1264xi32, #tpu.memory_space<vmem>>, vector<16xi32>,
    tpu.vector_store %arg28[%swap3A_2123], %broadcast_in_dim3A_2122 {strides = array<i32>} : memref<1264xi32, #tpu.memory_space<vmem>>, vector<16xi32>,
    %broadcast_in_dim3A_2125 = arith.constant 0 : i32
    %broadcast_in_dim3A_2126 = vector.broadcast %broadcast_in_dim3A_2125 : i32 to vector<16xi32>
    %swap3A_2127 = arith.constant 1040 : index
    %swap3A_2128 = tpu.vector_load %arg29[%swap3A_2127] {strides = array<i32>} : memref<1264xi32, #tpu.memory_space<vmem>>, vector<16xi32>,
    tpu.vector_store %arg29[%swap3A_2127], %broadcast_in_dim3A_2126 {strides = array<i32>} : memref<1264xi32, #tpu.memory_space<vmem>>, vector<16xi32>,
    %broadcast_in_dim3A_2129 = arith.constant 0 : i32
    %broadcast_in_dim3A_2130 = vector.broadcast %broadcast_in_dim3A_2129 : i32 to vector<16xi32>
    %swap3A_2131 = arith.constant 1056 : index
    %swap3A_2132 = tpu.vector_load %arg28[%swap3A_2131] {strides = array<i32>} : memref<1264xi32, #tpu.memory_space<vmem>>, vector<16xi32>,
    tpu.vector_store %arg28[%swap3A_2131], %broadcast_in_dim3A_2130 {strides = array<i32>} : memref<1264xi32, #tpu.memory_space<vmem>>, vector<16xi32>,
    %broadcast_in_dim3A_2133 = arith.constant 0 : i32
    %broadcast_in_dim3A_2134 = vector.broadcast %broadcast_in_dim3A_2133 : i32 to vector<16xi32>
    %swap3A_2135 = arith.constant 1056 : index
    %swap3A_2136 = tpu.vector_load %arg29[%swap3A_2135] {strides = array<i32>} : memref<1264xi32, #tpu.memory_space<vmem>>, vector<16xi32>,
    tpu.vector_store %arg29[%swap3A_2135], %broadcast_in_dim3A_2134 {strides = array<i32>} : memref<1264xi32, #tpu.memory_space<vmem>>, vector<16xi32>,
    %broadcast_in_dim3A_2137 = arith.constant 0 : i32
    %broadcast_in_dim3A_2138 = vector.broadcast %broadcast_in_dim3A_2137 : i32 to vector<16xi32>
    %swap3A_2139 = arith.constant 1072 : index
    %swap3A_2140 = tpu.vector_load %arg28[%swap3A_2139] {strides = array<i32>} : memref<1264xi32, #tpu.memory_space<vmem>>, vector<16xi32>,
    tpu.vector_store %arg28[%swap3A_2139], %broadcast_in_dim3A_2138 {strides = array<i32>} : memref<1264xi32, #tpu.memory_space<vmem>>, vector<16xi32>,
    %broadcast_in_dim3A_2141 = arith.constant 0 : i32
    %broadcast_in_dim3A_2142 = vector.broadcast %broadcast_in_dim3A_2141 : i32 to vector<16xi32>
    %swap3A_2143 = arith.constant 1072 : index
    %swap3A_2144 = tpu.vector_load %arg29[%swap3A_2143] {strides = array<i32>} : memref<1264xi32, #tpu.memory_space<vmem>>, vector<16xi32>,
    tpu.vector_store %arg29[%swap3A_2143], %broadcast_in_dim3A_2142 {strides = array<i32>} : memref<1264xi32, #tpu.memory_space<vmem>>, vector<16xi32>,
    %broadcast_in_dim3A_2145 = arith.constant 0 : i32
    %broadcast_in_dim3A_2146 = vector.broadcast %broadcast_in_dim3A_2145 : i32 to vector<16xi32>
    %swap3A_2147 = arith.constant 1088 : index
    %swap3A_2148 = tpu.vector_load %arg28[%swap3A_2147] {strides = array<i32>} : memref<1264xi32, #tpu.memory_space<vmem>>, vector<16xi32>,
    tpu.vector_store %arg28[%swap3A_2147], %broadcast_in_dim3A_2146 {strides = array<i32>} : memref<1264xi32, #tpu.memory_space<vmem>>, vector<16xi32>,
    %broadcast_in_dim3A_2149 = arith.constant 0 : i32
    %broadcast_in_dim3A_2150 = vector.broadcast %broadcast_in_dim3A_2149 : i32 to vector<16xi32>
    %swap3A_2151 = arith.constant 1088 : index
    %swap3A_2152 = tpu.vector_load %arg29[%swap3A_2151] {strides = array<i32>} : memref<1264xi32, #tpu.memory_space<vmem>>, vector<16xi32>,
    tpu.vector_store %arg29[%swap3A_2151], %broadcast_in_dim3A_2150 {strides = array<i32>} : memref<1264xi32, #tpu.memory_space<vmem>>, vector<16xi32>,
    %broadcast_in_dim3A_2153 = arith.constant 0 : i32
    %broadcast_in_dim3A_2154 = vector.broadcast %broadcast_in_dim3A_2153 : i32 to vector<16xi32>
    %swap3A_2155 = arith.constant 1104 : index
    %swap3A_2156 = tpu.vector_load %arg28[%swap3A_2155] {strides = array<i32>} : memref<1264xi32, #tpu.memory_space<vmem>>, vector<16xi32>,
    tpu.vector_store %arg28[%swap3A_2155], %broadcast_in_dim3A_2154 {strides = array<i32>} : memref<1264xi32, #tpu.memory_space<vmem>>, vector<16xi32>,
    %broadcast_in_dim3A_2157 = arith.constant 0 : i32
    %broadcast_in_dim3A_2158 = vector.broadcast %broadcast_in_dim3A_2157 : i32 to vector<16xi32>
    %swap3A_2159 = arith.constant 1104 : index
    %swap3A_2160 = tpu.vector_load %arg29[%swap3A_2159] {strides = array<i32>} : memref<1264xi32, #tpu.memory_space<vmem>>, vector<16xi32>,
    tpu.vector_store %arg29[%swap3A_2159], %broadcast_in_dim3A_2158 {strides = array<i32>} : memref<1264xi32, #tpu.memory_space<vmem>>, vector<16xi32>,
    %broadcast_in_dim3A_2161 = arith.constant 0 : i32
    %broadcast_in_dim3A_2162 = vector.broadcast %broadcast_in_dim3A_2161 : i32 to vector<16xi32>
    %swap3A_2163 = arith.constant 1120 : index
    %swap3A_2164 = tpu.vector_load %arg28[%swap3A_2163] {strides = array<i32>} : memref<1264xi32, #tpu.memory_space<vmem>>, vector<16xi32>,
    tpu.vector_store %arg28[%swap3A_2163], %broadcast_in_dim3A_2162 {strides = array<i32>} : memref<1264xi32, #tpu.memory_space<vmem>>, vector<16xi32>,
    %broadcast_in_dim3A_2165 = arith.constant 0 : i32
    %broadcast_in_dim3A_2166 = vector.broadcast %broadcast_in_dim3A_2165 : i32 to vector<16xi32>
    %swap3A_2167 = arith.constant 1120 : index
    %swap3A_2168 = tpu.vector_load %arg29[%swap3A_2167] {strides = array<i32>} : memref<1264xi32, #tpu.memory_space<vmem>>, vector<16xi32>,
    tpu.vector_store %arg29[%swap3A_2167], %broadcast_in_dim3A_2166 {strides = array<i32>} : memref<1264xi32, #tpu.memory_space<vmem>>, vector<16xi32>,
    %broadcast_in_dim3A_2169 = arith.constant 0 : i32
    %broadcast_in_dim3A_2170 = vector.broadcast %broadcast_in_dim3A_2169 : i32 to vector<16xi32>
    %swap3A_2171 = arith.constant 1136 : index
    %swap3A_2172 = tpu.vector_load %arg28[%swap3A_2171] {strides = array<i32>} : memref<1264xi32, #tpu.memory_space<vmem>>, vector<16xi32>,
    tpu.vector_store %arg28[%swap3A_2171], %broadcast_in_dim3A_2170 {strides = array<i32>} : memref<1264xi32, #tpu.memory_space<vmem>>, vector<16xi32>,
    %broadcast_in_dim3A_2173 = arith.constant 0 : i32
    %broadcast_in_dim3A_2174 = vector.broadcast %broadcast_in_dim3A_2173 : i32 to vector<16xi32>
    %swap3A_2175 = arith.constant 1136 : index
    %swap3A_2176 = tpu.vector_load %arg29[%swap3A_2175] {strides = array<i32>} : memref<1264xi32, #tpu.memory_space<vmem>>, vector<16xi32>,
    tpu.vector_store %arg29[%swap3A_2175], %broadcast_in_dim3A_2174 {strides = array<i32>} : memref<1264xi32, #tpu.memory_space<vmem>>, vector<16xi32>,
    %broadcast_in_dim3A_2177 = arith.constant 0 : i32
    %broadcast_in_dim3A_2178 = vector.broadcast %broadcast_in_dim3A_2177 : i32 to vector<16xi32>
    %swap3A_2179 = arith.constant 1152 : index
    %swap3A_2180 = tpu.vector_load %arg28[%swap3A_2179] {strides = array<i32>} : memref<1264xi32, #tpu.memory_space<vmem>>, vector<16xi32>,
    tpu.vector_store %arg28[%swap3A_2179], %broadcast_in_dim3A_2178 {strides = array<i32>} : memref<1264xi32, #tpu.memory_space<vmem>>, vector<16xi32>,
    %broadcast_in_dim3A_2181 = arith.constant 0 : i32
    %broadcast_in_dim3A_2182 = vector.broadcast %broadcast_in_dim3A_2181 : i32 to vector<16xi32>
    %swap3A_2183 = arith.constant 1152 : index
    %swap3A_2184 = tpu.vector_load %arg29[%swap3A_2183] {strides = array<i32>} : memref<1264xi32, #tpu.memory_space<vmem>>, vector<16xi32>,
    tpu.vector_store %arg29[%swap3A_2183], %broadcast_in_dim3A_2182 {strides = array<i32>} : memref<1264xi32, #tpu.memory_space<vmem>>, vector<16xi32>,
    %broadcast_in_dim3A_2185 = arith.constant 0 : i32
    %broadcast_in_dim3A_2186 = vector.broadcast %broadcast_in_dim3A_2185 : i32 to vector<16xi32>
    %swap3A_2187 = arith.constant 1168 : index
    %swap3A_2188 = tpu.vector_load %arg28[%swap3A_2187] {strides = array<i32>} : memref<1264xi32, #tpu.memory_space<vmem>>, vector<16xi32>,
    tpu.vector_store %arg28[%swap3A_2187], %broadcast_in_dim3A_2186 {strides = array<i32>} : memref<1264xi32, #tpu.memory_space<vmem>>, vector<16xi32>,
    %broadcast_in_dim3A_2189 = arith.constant 0 : i32
    %broadcast_in_dim3A_2190 = vector.broadcast %broadcast_in_dim3A_2189 : i32 to vector<16xi32>
    %swap3A_2191 = arith.constant 1168 : index
    %swap3A_2192 = tpu.vector_load %arg29[%swap3A_2191] {strides = array<i32>} : memref<1264xi32, #tpu.memory_space<vmem>>, vector<16xi32>,
    tpu.vector_store %arg29[%swap3A_2191], %broadcast_in_dim3A_2190 {strides = array<i32>} : memref<1264xi32, #tpu.memory_space<vmem>>, vector<16xi32>,
    %broadcast_in_dim3A_2193 = arith.constant 0 : i32
    %broadcast_in_dim3A_2194 = vector.broadcast %broadcast_in_dim3A_2193 : i32 to vector<16xi32>
    %swap3A_2195 = arith.constant 1184 : index
    %swap3A_2196 = tpu.vector_load %arg28[%swap3A_2195] {strides = array<i32>} : memref<1264xi32, #tpu.memory_space<vmem>>, vector<16xi32>,
    tpu.vector_store %arg28[%swap3A_2195], %broadcast_in_dim3A_2194 {strides = array<i32>} : memref<1264xi32, #tpu.memory_space<vmem>>, vector<16xi32>,
    %broadcast_in_dim3A_2197 = arith.constant 0 : i32
    %broadcast_in_dim3A_2198 = vector.broadcast %broadcast_in_dim3A_2197 : i32 to vector<16xi32>
    %swap3A_2199 = arith.constant 1184 : index
    %swap3A_2200 = tpu.vector_load %arg29[%swap3A_2199] {strides = array<i32>} : memref<1264xi32, #tpu.memory_space<vmem>>, vector<16xi32>,
    tpu.vector_store %arg29[%swap3A_2199], %broadcast_in_dim3A_2198 {strides = array<i32>} : memref<1264xi32, #tpu.memory_space<vmem>>, vector<16xi32>,
    %broadcast_in_dim3A_2201 = arith.constant 0 : i32
    %broadcast_in_dim3A_2202 = vector.broadcast %broadcast_in_dim3A_2201 : i32 to vector<16xi32>
    %swap3A_2203 = arith.constant 1200 : index
    %swap3A_2204 = tpu.vector_load %arg28[%swap3A_2203] {strides = array<i32>} : memref<1264xi32, #tpu.memory_space<vmem>>, vector<16xi32>,
    tpu.vector_store %arg28[%swap3A_2203], %broadcast_in_dim3A_2202 {strides = array<i32>} : memref<1264xi32, #tpu.memory_space<vmem>>, vector<16xi32>,
    %broadcast_in_dim3A_2205 = arith.constant 0 : i32
    %broadcast_in_dim3A_2206 = vector.broadcast %broadcast_in_dim3A_2205 : i32 to vector<16xi32>
    %swap3A_2207 = arith.constant 1200 : index
    %swap3A_2208 = tpu.vector_load %arg29[%swap3A_2207] {strides = array<i32>} : memref<1264xi32, #tpu.memory_space<vmem>>, vector<16xi32>,
    tpu.vector_store %arg29[%swap3A_2207], %broadcast_in_dim3A_2206 {strides = array<i32>} : memref<1264xi32, #tpu.memory_space<vmem>>, vector<16xi32>,
    %broadcast_in_dim3A_2209 = arith.constant 0 : i32
    %broadcast_in_dim3A_2210 = vector.broadcast %broadcast_in_dim3A_2209 : i32 to vector<16xi32>
    %swap3A_2211 = arith.constant 1216 : index
    %swap3A_2212 = tpu.vector_load %arg28[%swap3A_2211] {strides = array<i32>} : memref<1264xi32, #tpu.memory_space<vmem>>, vector<16xi32>,
    tpu.vector_store %arg28[%swap3A_2211], %broadcast_in_dim3A_2210 {strides = array<i32>} : memref<1264xi32, #tpu.memory_space<vmem>>, vector<16xi32>,
    %broadcast_in_dim3A_2213 = arith.constant 0 : i32
    %broadcast_in_dim3A_2214 = vector.broadcast %broadcast_in_dim3A_2213 : i32 to vector<16xi32>
    %swap3A_2215 = arith.constant 1216 : index
    %swap3A_2216 = tpu.vector_load %arg29[%swap3A_2215] {strides = array<i32>} : memref<1264xi32, #tpu.memory_space<vmem>>, vector<16xi32>,
    tpu.vector_store %arg29[%swap3A_2215], %broadcast_in_dim3A_2214 {strides = array<i32>} : memref<1264xi32, #tpu.memory_space<vmem>>, vector<16xi32>,
    %broadcast_in_dim3A_2217 = arith.constant 0 : i32
    %broadcast_in_dim3A_2218 = vector.broadcast %broadcast_in_dim3A_2217 : i32 to vector<16xi32>
    %swap3A_2219 = arith.constant 1232 : index
    %swap3A_2220 = tpu.vector_load %arg28[%swap3A_2219] {strides = array<i32>} : memref<1264xi32, #tpu.memory_space<vmem>>, vector<16xi32>,
    tpu.vector_store %arg28[%swap3A_2219], %broadcast_in_dim3A_2218 {strides = array<i32>} : memref<1264xi32, #tpu.memory_space<vmem>>, vector<16xi32>,
    %broadcast_in_dim3A_2221 = arith.constant 0 : i32
    %broadcast_in_dim3A_2222 = vector.broadcast %broadcast_in_dim3A_2221 : i32 to vector<16xi32>
    %swap3A_2223 = arith.constant 1232 : index
    %swap3A_2224 = tpu.vector_load %arg29[%swap3A_2223] {strides = array<i32>} : memref<1264xi32, #tpu.memory_space<vmem>>, vector<16xi32>,
    tpu.vector_store %arg29[%swap3A_2223], %broadcast_in_dim3A_2222 {strides = array<i32>} : memref<1264xi32, #tpu.memory_space<vmem>>, vector<16xi32>,
    %broadcast_in_dim3A_2225 = arith.constant 0 : i32
    %broadcast_in_dim3A_2226 = vector.broadcast %broadcast_in_dim3A_2225 : i32 to vector<16xi32>
    %swap3A_2227 = arith.constant 1248 : index
    %swap3A_2228 = tpu.vector_load %arg28[%swap3A_2227] {strides = array<i32>} : memref<1264xi32, #tpu.memory_space<vmem>>, vector<16xi32>,
    tpu.vector_store %arg28[%swap3A_2227], %broadcast_in_dim3A_2226 {strides = array<i32>} : memref<1264xi32, #tpu.memory_space<vmem>>, vector<16xi32>,
    %broadcast_in_dim3A_2229 = arith.constant 0 : i32
    %broadcast_in_dim3A_2230 = vector.broadcast %broadcast_in_dim3A_2229 : i32 to vector<16xi32>
    %swap3A_2231 = arith.constant 1248 : index
    %swap3A_2232 = tpu.vector_load %arg29[%swap3A_2231] {strides = array<i32>} : memref<1264xi32, #tpu.memory_space<vmem>>, vector<16xi32>,
    tpu.vector_store %arg29[%swap3A_2231], %broadcast_in_dim3A_2230 {strides = array<i32>} : memref<1264xi32, #tpu.memory_space<vmem>>, vector<16xi32>,
    %mul3A_2233 = arith.constant 1264 : i32
    %mul3A_2234 = arith.muli %arg1, %mul3A_2233 : i32
    %broadcast_in_dim3A_2235 = vector.broadcast %mul3A_2234 : i32 to vector<16xi32>
    %broadcast_in_dim3A_2236 = arith.constant 0.000000e+00 : f32
    %broadcast_in_dim3A_2237 = vector.broadcast %broadcast_in_dim3A_2236 : f32 to vector<16xf32>
    %broadcast_in_dim3A_2238 = arith.constant 0.000000e+00 : f32
    %broadcast_in_dim3A_2239 = vector.broadcast %broadcast_in_dim3A_2238 : f32 to vector<16xf32>
    %mul3A_2240 = arith.constant 7 : i32
    %mul3A_2241 = vector.broadcast %mul3A_2240 : i32 to vector<16xi32>
    %mul3A_2242 = arith.muli %iota3A, %mul3A_2241 : vector<16xi32>
    %add3A_2243 = arith.constant 0 : i32
    %add3A_2244 = vector.broadcast %add3A_2243 : i32 to vector<16xi32>
    %add3A_2245 = arith.addi %mul3A_2242, %add3A_2244 : vector<16xi32>
    %broadcast_in_dim3A_2246 = arith.constant 0 : i32
    %broadcast_in_dim3A_2247 = vector.broadcast %broadcast_in_dim3A_2246 : i32 to vector<16xi32>
    %gather3A_2248 = tpu.vector_load_idx %arg26[%iota3A, %broadcast_in_dim3A_2247] : memref<16x16xf32, #tpu.memory_space<vmem>>[vector<16xi32>, vector<16xi32>], vector<16xf32>,
    %gather3A_2249 = tpu.vector_load_idx %arg27[%iota3A, %broadcast_in_dim3A_2247] : memref<16x16xi32, #tpu.memory_space<vmem>>[vector<16xi32>, vector<16xi32>], vector<16xi32>,
    %lt3A_2250 = arith.constant 5.000000e+29 : f32
    %lt3A_2251 = vector.broadcast %lt3A_2250 : f32 to vector<16xf32>
    %lt3A_2252 = arith.cmpf olt, %gather3A_2248, %lt3A_2251 : vector<16xf32>
    %broadcast_in_dim3A_2253 = arith.constant false
    %broadcast_in_dim3A_2254 = vector.broadcast %broadcast_in_dim3A_2253 : i1 to vector<16xi1>
    %scan3A_2255 = arith.constant 0 : i32
    %scan3A_2256 = arith.constant 16 : i32
    %scan3A_2257 = arith.addi %scan3A_2255, %scan3A_2256 : i32
    %scan3A_2258 = arith.constant 1 : i32
    %scan3A_2259 = scf.for %scan3A_2710 = %scan3A_2255 to %scan3A_2257 step %scan3A_2258 iter_args(%scan3A_2711 = %broadcast_in_dim3A_2254) -> (vector<16xi1>)  : i32 {
      %broadcast_in_dim3A_2712 = vector.broadcast %scan3A_2710 : i32 to vector<16xi32>
      %broadcast_in_dim3A_2713 = arith.constant 0 : i32
      %broadcast_in_dim3A_2714 = vector.broadcast %broadcast_in_dim3A_2713 : i32 to vector<16xi32>
      %gather3A_2715 = tpu.vector_load_idx %arg26[%broadcast_in_dim3A_2712, %broadcast_in_dim3A_2714] : memref<16x16xf32, #tpu.memory_space<vmem>>[vector<16xi32>, vector<16xi32>], vector<16xf32>,
      %gather3A_2716 = tpu.vector_load_idx %arg27[%broadcast_in_dim3A_2712, %broadcast_in_dim3A_2714] : memref<16x16xi32, #tpu.memory_space<vmem>>[vector<16xi32>, vector<16xi32>], vector<16xi32>,
      %mul3A_2717 = arith.constant 7 : i32
      %mul3A_2718 = arith.muli %scan3A_2710, %mul3A_2717 : i32
      %add3A_2719 = arith.constant 0 : i32
      %add3A_2720 = arith.addi %mul3A_2718, %add3A_2719 : i32
      %broadcast_in_dim3A_2721 = vector.broadcast %add3A_2720 : i32 to vector<16xi32>
      %lt3A_2722 = arith.cmpf olt, %gather3A_2715, %gather3A_2248 : vector<16xf32>
      %eq3A_2723 = arith.cmpf oeq, %gather3A_2715, %gather3A_2248 : vector<16xf32>
      %lt3A_2724 = arith.cmpi slt, %broadcast_in_dim3A_2721, %add3A_2245 : vector<16xi32>
      %and3A_2725 = arith.andi %eq3A_2723, %lt3A_2724 : vector<16xi1>
      %or3A = arith.ori %lt3A_2722, %and3A_2725 : vector<16xi1>
      %lt3A_2726 = arith.constant 5.000000e+29 : f32
      %lt3A_2727 = vector.broadcast %lt3A_2726 : f32 to vector<16xf32>
      %lt3A_2728 = arith.cmpf olt, %gather3A_2715, %lt3A_2727 : vector<16xf32>
      %eq3A_2729 = arith.cmpi eq, %gather3A_2716, %gather3A_2249 : vector<16xi32>
      %and3A_2730 = arith.andi %lt3A_2728, %eq3A_2729 : vector<16xi1>
      %and3A_2731 = arith.andi %and3A_2730, %or3A : vector<16xi1>
      %or3A_2732 = arith.ori %scan3A_2711, %and3A_2731 : vector<16xi1>
      %broadcast_in_dim3A_2733 = arith.constant 1 : i32
      %broadcast_in_dim3A_2734 = vector.broadcast %broadcast_in_dim3A_2733 : i32 to vector<16xi32>
      %gather3A_2735 = tpu.vector_load_idx %arg26[%broadcast_in_dim3A_2712, %broadcast_in_dim3A_2734] : memref<16x16xf32, #tpu.memory_space<vmem>>[vector<16xi32>, vector<16xi32>], vector<16xf32>,
      %gather3A_2736 = tpu.vector_load_idx %arg27[%broadcast_in_dim3A_2712, %broadcast_in_dim3A_2734] : memref<16x16xi32, #tpu.memory_space<vmem>>[vector<16xi32>, vector<16xi32>], vector<16xi32>,
      %mul3A_2737 = arith.constant 7 : i32
      %mul3A_2738 = arith.muli %scan3A_2710, %mul3A_2737 : i32
      %add3A_2739 = arith.constant 1 : i32
      %add3A_2740 = arith.addi %mul3A_2738, %add3A_2739 : i32
      %broadcast_in_dim3A_2741 = vector.broadcast %add3A_2740 : i32 to vector<16xi32>
      %lt3A_2742 = arith.cmpf olt, %gather3A_2735, %gather3A_2248 : vector<16xf32>
      %eq3A_2743 = arith.cmpf oeq, %gather3A_2735, %gather3A_2248 : vector<16xf32>
      %lt3A_2744 = arith.cmpi slt, %broadcast_in_dim3A_2741, %add3A_2245 : vector<16xi32>
      %and3A_2745 = arith.andi %eq3A_2743, %lt3A_2744 : vector<16xi1>
      %or3A_2746 = arith.ori %lt3A_2742, %and3A_2745 : vector<16xi1>
      %lt3A_2747 = arith.constant 5.000000e+29 : f32
      %lt3A_2748 = vector.broadcast %lt3A_2747 : f32 to vector<16xf32>
      %lt3A_2749 = arith.cmpf olt, %gather3A_2735, %lt3A_2748 : vector<16xf32>
      %eq3A_2750 = arith.cmpi eq, %gather3A_2736, %gather3A_2249 : vector<16xi32>
      %and3A_2751 = arith.andi %lt3A_2749, %eq3A_2750 : vector<16xi1>
      %and3A_2752 = arith.andi %and3A_2751, %or3A_2746 : vector<16xi1>
      %or3A_2753 = arith.ori %or3A_2732, %and3A_2752 : vector<16xi1>
      %broadcast_in_dim3A_2754 = arith.constant 2 : i32
      %broadcast_in_dim3A_2755 = vector.broadcast %broadcast_in_dim3A_2754 : i32 to vector<16xi32>
      %gather3A_2756 = tpu.vector_load_idx %arg26[%broadcast_in_dim3A_2712, %broadcast_in_dim3A_2755] : memref<16x16xf32, #tpu.memory_space<vmem>>[vector<16xi32>, vector<16xi32>], vector<16xf32>,
      %gather3A_2757 = tpu.vector_load_idx %arg27[%broadcast_in_dim3A_2712, %broadcast_in_dim3A_2755] : memref<16x16xi32, #tpu.memory_space<vmem>>[vector<16xi32>, vector<16xi32>], vector<16xi32>,
      %mul3A_2758 = arith.constant 7 : i32
      %mul3A_2759 = arith.muli %scan3A_2710, %mul3A_2758 : i32
      %add3A_2760 = arith.constant 2 : i32
      %add3A_2761 = arith.addi %mul3A_2759, %add3A_2760 : i32
      %broadcast_in_dim3A_2762 = vector.broadcast %add3A_2761 : i32 to vector<16xi32>
      %lt3A_2763 = arith.cmpf olt, %gather3A_2756, %gather3A_2248 : vector<16xf32>
      %eq3A_2764 = arith.cmpf oeq, %gather3A_2756, %gather3A_2248 : vector<16xf32>
      %lt3A_2765 = arith.cmpi slt, %broadcast_in_dim3A_2762, %add3A_2245 : vector<16xi32>
      %and3A_2766 = arith.andi %eq3A_2764, %lt3A_2765 : vector<16xi1>
      %or3A_2767 = arith.ori %lt3A_2763, %and3A_2766 : vector<16xi1>
      %lt3A_2768 = arith.constant 5.000000e+29 : f32
      %lt3A_2769 = vector.broadcast %lt3A_2768 : f32 to vector<16xf32>
      %lt3A_2770 = arith.cmpf olt, %gather3A_2756, %lt3A_2769 : vector<16xf32>
      %eq3A_2771 = arith.cmpi eq, %gather3A_2757, %gather3A_2249 : vector<16xi32>
      %and3A_2772 = arith.andi %lt3A_2770, %eq3A_2771 : vector<16xi1>
      %and3A_2773 = arith.andi %and3A_2772, %or3A_2767 : vector<16xi1>
      %or3A_2774 = arith.ori %or3A_2753, %and3A_2773 : vector<16xi1>
      %broadcast_in_dim3A_2775 = arith.constant 3 : i32
      %broadcast_in_dim3A_2776 = vector.broadcast %broadcast_in_dim3A_2775 : i32 to vector<16xi32>
      %gather3A_2777 = tpu.vector_load_idx %arg26[%broadcast_in_dim3A_2712, %broadcast_in_dim3A_2776] : memref<16x16xf32, #tpu.memory_space<vmem>>[vector<16xi32>, vector<16xi32>], vector<16xf32>,
      %gather3A_2778 = tpu.vector_load_idx %arg27[%broadcast_in_dim3A_2712, %broadcast_in_dim3A_2776] : memref<16x16xi32, #tpu.memory_space<vmem>>[vector<16xi32>, vector<16xi32>], vector<16xi32>,
      %mul3A_2779 = arith.constant 7 : i32
      %mul3A_2780 = arith.muli %scan3A_2710, %mul3A_2779 : i32
      %add3A_2781 = arith.constant 3 : i32
      %add3A_2782 = arith.addi %mul3A_2780, %add3A_2781 : i32
      %broadcast_in_dim3A_2783 = vector.broadcast %add3A_2782 : i32 to vector<16xi32>
      %lt3A_2784 = arith.cmpf olt, %gather3A_2777, %gather3A_2248 : vector<16xf32>
      %eq3A_2785 = arith.cmpf oeq, %gather3A_2777, %gather3A_2248 : vector<16xf32>
      %lt3A_2786 = arith.cmpi slt, %broadcast_in_dim3A_2783, %add3A_2245 : vector<16xi32>
      %and3A_2787 = arith.andi %eq3A_2785, %lt3A_2786 : vector<16xi1>
      %or3A_2788 = arith.ori %lt3A_2784, %and3A_2787 : vector<16xi1>
      %lt3A_2789 = arith.constant 5.000000e+29 : f32
      %lt3A_2790 = vector.broadcast %lt3A_2789 : f32 to vector<16xf32>
      %lt3A_2791 = arith.cmpf olt, %gather3A_2777, %lt3A_2790 : vector<16xf32>
      %eq3A_2792 = arith.cmpi eq, %gather3A_2778, %gather3A_2249 : vector<16xi32>
      %and3A_2793 = arith.andi %lt3A_2791, %eq3A_2792 : vector<16xi1>
      %and3A_2794 = arith.andi %and3A_2793, %or3A_2788 : vector<16xi1>
      %or3A_2795 = arith.ori %or3A_2774, %and3A_2794 : vector<16xi1>
      %broadcast_in_dim3A_2796 = arith.constant 4 : i32
      %broadcast_in_dim3A_2797 = vector.broadcast %broadcast_in_dim3A_2796 : i32 to vector<16xi32>
      %gather3A_2798 = tpu.vector_load_idx %arg26[%broadcast_in_dim3A_2712, %broadcast_in_dim3A_2797] : memref<16x16xf32, #tpu.memory_space<vmem>>[vector<16xi32>, vector<16xi32>], vector<16xf32>,
      %gather3A_2799 = tpu.vector_load_idx %arg27[%broadcast_in_dim3A_2712, %broadcast_in_dim3A_2797] : memref<16x16xi32, #tpu.memory_space<vmem>>[vector<16xi32>, vector<16xi32>], vector<16xi32>,
      %mul3A_2800 = arith.constant 7 : i32
      %mul3A_2801 = arith.muli %scan3A_2710, %mul3A_2800 : i32
      %add3A_2802 = arith.constant 4 : i32
      %add3A_2803 = arith.addi %mul3A_2801, %add3A_2802 : i32
      %broadcast_in_dim3A_2804 = vector.broadcast %add3A_2803 : i32 to vector<16xi32>
      %lt3A_2805 = arith.cmpf olt, %gather3A_2798, %gather3A_2248 : vector<16xf32>
      %eq3A_2806 = arith.cmpf oeq, %gather3A_2798, %gather3A_2248 : vector<16xf32>
      %lt3A_2807 = arith.cmpi slt, %broadcast_in_dim3A_2804, %add3A_2245 : vector<16xi32>
      %and3A_2808 = arith.andi %eq3A_2806, %lt3A_2807 : vector<16xi1>
      %or3A_2809 = arith.ori %lt3A_2805, %and3A_2808 : vector<16xi1>
      %lt3A_2810 = arith.constant 5.000000e+29 : f32
      %lt3A_2811 = vector.broadcast %lt3A_2810 : f32 to vector<16xf32>
      %lt3A_2812 = arith.cmpf olt, %gather3A_2798, %lt3A_2811 : vector<16xf32>
      %eq3A_2813 = arith.cmpi eq, %gather3A_2799, %gather3A_2249 : vector<16xi32>
      %and3A_2814 = arith.andi %lt3A_2812, %eq3A_2813 : vector<16xi1>
      %and3A_2815 = arith.andi %and3A_2814, %or3A_2809 : vector<16xi1>
      %or3A_2816 = arith.ori %or3A_2795, %and3A_2815 : vector<16xi1>
      %broadcast_in_dim3A_2817 = arith.constant 5 : i32
      %broadcast_in_dim3A_2818 = vector.broadcast %broadcast_in_dim3A_2817 : i32 to vector<16xi32>
      %gather3A_2819 = tpu.vector_load_idx %arg26[%broadcast_in_dim3A_2712, %broadcast_in_dim3A_2818] : memref<16x16xf32, #tpu.memory_space<vmem>>[vector<16xi32>, vector<16xi32>], vector<16xf32>,
      %gather3A_2820 = tpu.vector_load_idx %arg27[%broadcast_in_dim3A_2712, %broadcast_in_dim3A_2818] : memref<16x16xi32, #tpu.memory_space<vmem>>[vector<16xi32>, vector<16xi32>], vector<16xi32>,
      %mul3A_2821 = arith.constant 7 : i32
      %mul3A_2822 = arith.muli %scan3A_2710, %mul3A_2821 : i32
      %add3A_2823 = arith.constant 5 : i32
      %add3A_2824 = arith.addi %mul3A_2822, %add3A_2823 : i32
      %broadcast_in_dim3A_2825 = vector.broadcast %add3A_2824 : i32 to vector<16xi32>
      %lt3A_2826 = arith.cmpf olt, %gather3A_2819, %gather3A_2248 : vector<16xf32>
      %eq3A_2827 = arith.cmpf oeq, %gather3A_2819, %gather3A_2248 : vector<16xf32>
      %lt3A_2828 = arith.cmpi slt, %broadcast_in_dim3A_2825, %add3A_2245 : vector<16xi32>
      %and3A_2829 = arith.andi %eq3A_2827, %lt3A_2828 : vector<16xi1>
      %or3A_2830 = arith.ori %lt3A_2826, %and3A_2829 : vector<16xi1>
      %lt3A_2831 = arith.constant 5.000000e+29 : f32
      %lt3A_2832 = vector.broadcast %lt3A_2831 : f32 to vector<16xf32>
      %lt3A_2833 = arith.cmpf olt, %gather3A_2819, %lt3A_2832 : vector<16xf32>
      %eq3A_2834 = arith.cmpi eq, %gather3A_2820, %gather3A_2249 : vector<16xi32>
      %and3A_2835 = arith.andi %lt3A_2833, %eq3A_2834 : vector<16xi1>
      %and3A_2836 = arith.andi %and3A_2835, %or3A_2830 : vector<16xi1>
      %or3A_2837 = arith.ori %or3A_2816, %and3A_2836 : vector<16xi1>
      %broadcast_in_dim3A_2838 = arith.constant 6 : i32
      %broadcast_in_dim3A_2839 = vector.broadcast %broadcast_in_dim3A_2838 : i32 to vector<16xi32>
      %gather3A_2840 = tpu.vector_load_idx %arg26[%broadcast_in_dim3A_2712, %broadcast_in_dim3A_2839] : memref<16x16xf32, #tpu.memory_space<vmem>>[vector<16xi32>, vector<16xi32>], vector<16xf32>,
      %gather3A_2841 = tpu.vector_load_idx %arg27[%broadcast_in_dim3A_2712, %broadcast_in_dim3A_2839] : memref<16x16xi32, #tpu.memory_space<vmem>>[vector<16xi32>, vector<16xi32>], vector<16xi32>,
      %mul3A_2842 = arith.constant 7 : i32
      %mul3A_2843 = arith.muli %scan3A_2710, %mul3A_2842 : i32
      %add3A_2844 = arith.constant 6 : i32
      %add3A_2845 = arith.addi %mul3A_2843, %add3A_2844 : i32
      %broadcast_in_dim3A_2846 = vector.broadcast %add3A_2845 : i32 to vector<16xi32>
      %lt3A_2847 = arith.cmpf olt, %gather3A_2840, %gather3A_2248 : vector<16xf32>
      %eq3A_2848 = arith.cmpf oeq, %gather3A_2840, %gather3A_2248 : vector<16xf32>
      %lt3A_2849 = arith.cmpi slt, %broadcast_in_dim3A_2846, %add3A_2245 : vector<16xi32>
      %and3A_2850 = arith.andi %eq3A_2848, %lt3A_2849 : vector<16xi1>
      %or3A_2851 = arith.ori %lt3A_2847, %and3A_2850 : vector<16xi1>
      %lt3A_2852 = arith.constant 5.000000e+29 : f32
      %lt3A_2853 = vector.broadcast %lt3A_2852 : f32 to vector<16xf32>
      %lt3A_2854 = arith.cmpf olt, %gather3A_2840, %lt3A_2853 : vector<16xf32>
      %eq3A_2855 = arith.cmpi eq, %gather3A_2841, %gather3A_2249 : vector<16xi32>
      %and3A_2856 = arith.andi %lt3A_2854, %eq3A_2855 : vector<16xi1>
      %and3A_2857 = arith.andi %and3A_2856, %or3A_2851 : vector<16xi1>
      %or3A_2858 = arith.ori %or3A_2837, %and3A_2857 : vector<16xi1>
      scf.yield %or3A_2858 : vector<16xi1>
    }
    %scan3A_2260 = arith.constant 16 : i32
    %not3A = arith.constant dense<true> : vector<16xi1>
    %not3A_2261 = arith.xori %scan3A_2259, %not3A : vector<16xi1>
    %and3A = arith.andi %lt3A_2252, %not3A_2261 : vector<16xi1>
    %jit3A_2262 = arith.constant 0.000000e+00 : f32
    %broadcast_in_dim3A_2263 = vector.broadcast %jit3A_2262 : f32 to vector<16xf32>
    %select_n3A_2264 = arith.select %and3A, %gather3A_2248, %broadcast_in_dim3A_2263 : vector<16xi1>, vector<16xf32>
    %add3A_2265 = arith.addf %broadcast_in_dim3A_2237, %select_n3A_2264 : vector<16xf32>
    %jit3A_2266 = arith.constant 1.000000e+00 : f32
    %jit3A_2267 = arith.constant 0.000000e+00 : f32
    %broadcast_in_dim3A_2268 = vector.broadcast %jit3A_2266 : f32 to vector<16xf32>
    %broadcast_in_dim3A_2269 = vector.broadcast %jit3A_2267 : f32 to vector<16xf32>
    %select_n3A_2270 = arith.select %and3A, %broadcast_in_dim3A_2268, %broadcast_in_dim3A_2269 : vector<16xi1>, vector<16xf32>
    %add3A_2271 = arith.addf %broadcast_in_dim3A_2239, %select_n3A_2270 : vector<16xf32>
    %ge3A_2272 = arith.cmpi sge, %gather3A_2249, %broadcast_in_dim3A_2235 : vector<16xi32>
    %and3A_2273 = arith.andi %and3A, %ge3A_2272 : vector<16xi1>
    %add3A_2274 = arith.constant 1264 : i32
    %add3A_2275 = vector.broadcast %add3A_2274 : i32 to vector<16xi32>
    %add3A_2276 = arith.addi %broadcast_in_dim3A_2235, %add3A_2275 : vector<16xi32>
    %lt3A_2277 = arith.cmpi slt, %gather3A_2249, %add3A_2276 : vector<16xi32>
    %and3A_2278 = arith.andi %and3A_2273, %lt3A_2277 : vector<16xi1>
    %sub3A_2279 = arith.subi %gather3A_2249, %broadcast_in_dim3A_2235 : vector<16xi32>
    %jit3A_2280 = arith.constant 0 : i32
    %broadcast_in_dim3A_2281 = vector.broadcast %jit3A_2280 : i32 to vector<16xi32>
    %select_n3A_2282 = arith.select %and3A_2278, %sub3A_2279, %broadcast_in_dim3A_2281 : vector<16xi1>, vector<16xi32>
    %add3A_2283 = arith.constant 1 : i32
    %add3A_2284 = vector.broadcast %add3A_2283 : i32 to vector<16xi32>
    %add3A_2285 = arith.addi %add3A_2245, %add3A_2284 : vector<16xi32>
    tpu.vector_store_idx %arg28[%select_n3A_2282], %add3A_2285 masked %and3A_2278 : memref<1264xi32, #tpu.memory_space<vmem>>[vector<16xi32>], vector<16xi32>, vector<16xi1>
    %gather3A_2286 = tpu.vector_load_idx %arg16[%add3A_2245] : memref<112xi32, #tpu.memory_space<vmem>>[vector<16xi32>], vector<16xi32>,
    tpu.vector_store_idx %arg29[%select_n3A_2282], %gather3A_2286 masked %and3A_2278 : memref<1264xi32, #tpu.memory_space<vmem>>[vector<16xi32>], vector<16xi32>, vector<16xi1>
    %mul3A_2287 = arith.constant 7 : i32
    %mul3A_2288 = vector.broadcast %mul3A_2287 : i32 to vector<16xi32>
    %mul3A_2289 = arith.muli %iota3A, %mul3A_2288 : vector<16xi32>
    %add3A_2290 = arith.constant 1 : i32
    %add3A_2291 = vector.broadcast %add3A_2290 : i32 to vector<16xi32>
    %add3A_2292 = arith.addi %mul3A_2289, %add3A_2291 : vector<16xi32>
    %broadcast_in_dim3A_2293 = arith.constant 1 : i32
    %broadcast_in_dim3A_2294 = vector.broadcast %broadcast_in_dim3A_2293 : i32 to vector<16xi32>
    %gather3A_2295 = tpu.vector_load_idx %arg26[%iota3A, %broadcast_in_dim3A_2294] : memref<16x16xf32, #tpu.memory_space<vmem>>[vector<16xi32>, vector<16xi32>], vector<16xf32>,
    %gather3A_2296 = tpu.vector_load_idx %arg27[%iota3A, %broadcast_in_dim3A_2294] : memref<16x16xi32, #tpu.memory_space<vmem>>[vector<16xi32>, vector<16xi32>], vector<16xi32>,
    %lt3A_2297 = arith.constant 5.000000e+29 : f32
    %lt3A_2298 = vector.broadcast %lt3A_2297 : f32 to vector<16xf32>
    %lt3A_2299 = arith.cmpf olt, %gather3A_2295, %lt3A_2298 : vector<16xf32>
    %broadcast_in_dim3A_2300 = arith.constant false
    %broadcast_in_dim3A_2301 = vector.broadcast %broadcast_in_dim3A_2300 : i1 to vector<16xi1>
    %scan3A_2302 = arith.constant 0 : i32
    %scan3A_2303 = arith.constant 16 : i32
    %scan3A_2304 = arith.addi %scan3A_2302, %scan3A_2303 : i32
    %scan3A_2305 = arith.constant 1 : i32
    %scan3A_2306 = scf.for %scan3A_2710 = %scan3A_2302 to %scan3A_2304 step %scan3A_2305 iter_args(%scan3A_2711 = %broadcast_in_dim3A_2301) -> (vector<16xi1>)  : i32 {
      %broadcast_in_dim3A_2712 = vector.broadcast %scan3A_2710 : i32 to vector<16xi32>
      %broadcast_in_dim3A_2713 = arith.constant 0 : i32
      %broadcast_in_dim3A_2714 = vector.broadcast %broadcast_in_dim3A_2713 : i32 to vector<16xi32>
      %gather3A_2715 = tpu.vector_load_idx %arg26[%broadcast_in_dim3A_2712, %broadcast_in_dim3A_2714] : memref<16x16xf32, #tpu.memory_space<vmem>>[vector<16xi32>, vector<16xi32>], vector<16xf32>,
      %gather3A_2716 = tpu.vector_load_idx %arg27[%broadcast_in_dim3A_2712, %broadcast_in_dim3A_2714] : memref<16x16xi32, #tpu.memory_space<vmem>>[vector<16xi32>, vector<16xi32>], vector<16xi32>,
      %mul3A_2717 = arith.constant 7 : i32
      %mul3A_2718 = arith.muli %scan3A_2710, %mul3A_2717 : i32
      %add3A_2719 = arith.constant 0 : i32
      %add3A_2720 = arith.addi %mul3A_2718, %add3A_2719 : i32
      %broadcast_in_dim3A_2721 = vector.broadcast %add3A_2720 : i32 to vector<16xi32>
      %lt3A_2722 = arith.cmpf olt, %gather3A_2715, %gather3A_2295 : vector<16xf32>
      %eq3A_2723 = arith.cmpf oeq, %gather3A_2715, %gather3A_2295 : vector<16xf32>
      %lt3A_2724 = arith.cmpi slt, %broadcast_in_dim3A_2721, %add3A_2292 : vector<16xi32>
      %and3A_2725 = arith.andi %eq3A_2723, %lt3A_2724 : vector<16xi1>
      %or3A = arith.ori %lt3A_2722, %and3A_2725 : vector<16xi1>
      %lt3A_2726 = arith.constant 5.000000e+29 : f32
      %lt3A_2727 = vector.broadcast %lt3A_2726 : f32 to vector<16xf32>
      %lt3A_2728 = arith.cmpf olt, %gather3A_2715, %lt3A_2727 : vector<16xf32>
      %eq3A_2729 = arith.cmpi eq, %gather3A_2716, %gather3A_2296 : vector<16xi32>
      %and3A_2730 = arith.andi %lt3A_2728, %eq3A_2729 : vector<16xi1>
      %and3A_2731 = arith.andi %and3A_2730, %or3A : vector<16xi1>
      %or3A_2732 = arith.ori %scan3A_2711, %and3A_2731 : vector<16xi1>
      %broadcast_in_dim3A_2733 = arith.constant 1 : i32
      %broadcast_in_dim3A_2734 = vector.broadcast %broadcast_in_dim3A_2733 : i32 to vector<16xi32>
      %gather3A_2735 = tpu.vector_load_idx %arg26[%broadcast_in_dim3A_2712, %broadcast_in_dim3A_2734] : memref<16x16xf32, #tpu.memory_space<vmem>>[vector<16xi32>, vector<16xi32>], vector<16xf32>,
      %gather3A_2736 = tpu.vector_load_idx %arg27[%broadcast_in_dim3A_2712, %broadcast_in_dim3A_2734] : memref<16x16xi32, #tpu.memory_space<vmem>>[vector<16xi32>, vector<16xi32>], vector<16xi32>,
      %mul3A_2737 = arith.constant 7 : i32
      %mul3A_2738 = arith.muli %scan3A_2710, %mul3A_2737 : i32
      %add3A_2739 = arith.constant 1 : i32
      %add3A_2740 = arith.addi %mul3A_2738, %add3A_2739 : i32
      %broadcast_in_dim3A_2741 = vector.broadcast %add3A_2740 : i32 to vector<16xi32>
      %lt3A_2742 = arith.cmpf olt, %gather3A_2735, %gather3A_2295 : vector<16xf32>
      %eq3A_2743 = arith.cmpf oeq, %gather3A_2735, %gather3A_2295 : vector<16xf32>
      %lt3A_2744 = arith.cmpi slt, %broadcast_in_dim3A_2741, %add3A_2292 : vector<16xi32>
      %and3A_2745 = arith.andi %eq3A_2743, %lt3A_2744 : vector<16xi1>
      %or3A_2746 = arith.ori %lt3A_2742, %and3A_2745 : vector<16xi1>
      %lt3A_2747 = arith.constant 5.000000e+29 : f32
      %lt3A_2748 = vector.broadcast %lt3A_2747 : f32 to vector<16xf32>
      %lt3A_2749 = arith.cmpf olt, %gather3A_2735, %lt3A_2748 : vector<16xf32>
      %eq3A_2750 = arith.cmpi eq, %gather3A_2736, %gather3A_2296 : vector<16xi32>
      %and3A_2751 = arith.andi %lt3A_2749, %eq3A_2750 : vector<16xi1>
      %and3A_2752 = arith.andi %and3A_2751, %or3A_2746 : vector<16xi1>
      %or3A_2753 = arith.ori %or3A_2732, %and3A_2752 : vector<16xi1>
      %broadcast_in_dim3A_2754 = arith.constant 2 : i32
      %broadcast_in_dim3A_2755 = vector.broadcast %broadcast_in_dim3A_2754 : i32 to vector<16xi32>
      %gather3A_2756 = tpu.vector_load_idx %arg26[%broadcast_in_dim3A_2712, %broadcast_in_dim3A_2755] : memref<16x16xf32, #tpu.memory_space<vmem>>[vector<16xi32>, vector<16xi32>], vector<16xf32>,
      %gather3A_2757 = tpu.vector_load_idx %arg27[%broadcast_in_dim3A_2712, %broadcast_in_dim3A_2755] : memref<16x16xi32, #tpu.memory_space<vmem>>[vector<16xi32>, vector<16xi32>], vector<16xi32>,
      %mul3A_2758 = arith.constant 7 : i32
      %mul3A_2759 = arith.muli %scan3A_2710, %mul3A_2758 : i32
      %add3A_2760 = arith.constant 2 : i32
      %add3A_2761 = arith.addi %mul3A_2759, %add3A_2760 : i32
      %broadcast_in_dim3A_2762 = vector.broadcast %add3A_2761 : i32 to vector<16xi32>
      %lt3A_2763 = arith.cmpf olt, %gather3A_2756, %gather3A_2295 : vector<16xf32>
      %eq3A_2764 = arith.cmpf oeq, %gather3A_2756, %gather3A_2295 : vector<16xf32>
      %lt3A_2765 = arith.cmpi slt, %broadcast_in_dim3A_2762, %add3A_2292 : vector<16xi32>
      %and3A_2766 = arith.andi %eq3A_2764, %lt3A_2765 : vector<16xi1>
      %or3A_2767 = arith.ori %lt3A_2763, %and3A_2766 : vector<16xi1>
      %lt3A_2768 = arith.constant 5.000000e+29 : f32
      %lt3A_2769 = vector.broadcast %lt3A_2768 : f32 to vector<16xf32>
      %lt3A_2770 = arith.cmpf olt, %gather3A_2756, %lt3A_2769 : vector<16xf32>
      %eq3A_2771 = arith.cmpi eq, %gather3A_2757, %gather3A_2296 : vector<16xi32>
      %and3A_2772 = arith.andi %lt3A_2770, %eq3A_2771 : vector<16xi1>
      %and3A_2773 = arith.andi %and3A_2772, %or3A_2767 : vector<16xi1>
      %or3A_2774 = arith.ori %or3A_2753, %and3A_2773 : vector<16xi1>
      %broadcast_in_dim3A_2775 = arith.constant 3 : i32
      %broadcast_in_dim3A_2776 = vector.broadcast %broadcast_in_dim3A_2775 : i32 to vector<16xi32>
      %gather3A_2777 = tpu.vector_load_idx %arg26[%broadcast_in_dim3A_2712, %broadcast_in_dim3A_2776] : memref<16x16xf32, #tpu.memory_space<vmem>>[vector<16xi32>, vector<16xi32>], vector<16xf32>,
      %gather3A_2778 = tpu.vector_load_idx %arg27[%broadcast_in_dim3A_2712, %broadcast_in_dim3A_2776] : memref<16x16xi32, #tpu.memory_space<vmem>>[vector<16xi32>, vector<16xi32>], vector<16xi32>,
      %mul3A_2779 = arith.constant 7 : i32
      %mul3A_2780 = arith.muli %scan3A_2710, %mul3A_2779 : i32
      %add3A_2781 = arith.constant 3 : i32
      %add3A_2782 = arith.addi %mul3A_2780, %add3A_2781 : i32
      %broadcast_in_dim3A_2783 = vector.broadcast %add3A_2782 : i32 to vector<16xi32>
      %lt3A_2784 = arith.cmpf olt, %gather3A_2777, %gather3A_2295 : vector<16xf32>
      %eq3A_2785 = arith.cmpf oeq, %gather3A_2777, %gather3A_2295 : vector<16xf32>
      %lt3A_2786 = arith.cmpi slt, %broadcast_in_dim3A_2783, %add3A_2292 : vector<16xi32>
      %and3A_2787 = arith.andi %eq3A_2785, %lt3A_2786 : vector<16xi1>
      %or3A_2788 = arith.ori %lt3A_2784, %and3A_2787 : vector<16xi1>
      %lt3A_2789 = arith.constant 5.000000e+29 : f32
      %lt3A_2790 = vector.broadcast %lt3A_2789 : f32 to vector<16xf32>
      %lt3A_2791 = arith.cmpf olt, %gather3A_2777, %lt3A_2790 : vector<16xf32>
      %eq3A_2792 = arith.cmpi eq, %gather3A_2778, %gather3A_2296 : vector<16xi32>
      %and3A_2793 = arith.andi %lt3A_2791, %eq3A_2792 : vector<16xi1>
      %and3A_2794 = arith.andi %and3A_2793, %or3A_2788 : vector<16xi1>
      %or3A_2795 = arith.ori %or3A_2774, %and3A_2794 : vector<16xi1>
      %broadcast_in_dim3A_2796 = arith.constant 4 : i32
      %broadcast_in_dim3A_2797 = vector.broadcast %broadcast_in_dim3A_2796 : i32 to vector<16xi32>
      %gather3A_2798 = tpu.vector_load_idx %arg26[%broadcast_in_dim3A_2712, %broadcast_in_dim3A_2797] : memref<16x16xf32, #tpu.memory_space<vmem>>[vector<16xi32>, vector<16xi32>], vector<16xf32>,
      %gather3A_2799 = tpu.vector_load_idx %arg27[%broadcast_in_dim3A_2712, %broadcast_in_dim3A_2797] : memref<16x16xi32, #tpu.memory_space<vmem>>[vector<16xi32>, vector<16xi32>], vector<16xi32>,
      %mul3A_2800 = arith.constant 7 : i32
      %mul3A_2801 = arith.muli %scan3A_2710, %mul3A_2800 : i32
      %add3A_2802 = arith.constant 4 : i32
      %add3A_2803 = arith.addi %mul3A_2801, %add3A_2802 : i32
      %broadcast_in_dim3A_2804 = vector.broadcast %add3A_2803 : i32 to vector<16xi32>
      %lt3A_2805 = arith.cmpf olt, %gather3A_2798, %gather3A_2295 : vector<16xf32>
      %eq3A_2806 = arith.cmpf oeq, %gather3A_2798, %gather3A_2295 : vector<16xf32>
      %lt3A_2807 = arith.cmpi slt, %broadcast_in_dim3A_2804, %add3A_2292 : vector<16xi32>
      %and3A_2808 = arith.andi %eq3A_2806, %lt3A_2807 : vector<16xi1>
      %or3A_2809 = arith.ori %lt3A_2805, %and3A_2808 : vector<16xi1>
      %lt3A_2810 = arith.constant 5.000000e+29 : f32
      %lt3A_2811 = vector.broadcast %lt3A_2810 : f32 to vector<16xf32>
      %lt3A_2812 = arith.cmpf olt, %gather3A_2798, %lt3A_2811 : vector<16xf32>
      %eq3A_2813 = arith.cmpi eq, %gather3A_2799, %gather3A_2296 : vector<16xi32>
      %and3A_2814 = arith.andi %lt3A_2812, %eq3A_2813 : vector<16xi1>
      %and3A_2815 = arith.andi %and3A_2814, %or3A_2809 : vector<16xi1>
      %or3A_2816 = arith.ori %or3A_2795, %and3A_2815 : vector<16xi1>
      %broadcast_in_dim3A_2817 = arith.constant 5 : i32
      %broadcast_in_dim3A_2818 = vector.broadcast %broadcast_in_dim3A_2817 : i32 to vector<16xi32>
      %gather3A_2819 = tpu.vector_load_idx %arg26[%broadcast_in_dim3A_2712, %broadcast_in_dim3A_2818] : memref<16x16xf32, #tpu.memory_space<vmem>>[vector<16xi32>, vector<16xi32>], vector<16xf32>,
      %gather3A_2820 = tpu.vector_load_idx %arg27[%broadcast_in_dim3A_2712, %broadcast_in_dim3A_2818] : memref<16x16xi32, #tpu.memory_space<vmem>>[vector<16xi32>, vector<16xi32>], vector<16xi32>,
      %mul3A_2821 = arith.constant 7 : i32
      %mul3A_2822 = arith.muli %scan3A_2710, %mul3A_2821 : i32
      %add3A_2823 = arith.constant 5 : i32
      %add3A_2824 = arith.addi %mul3A_2822, %add3A_2823 : i32
      %broadcast_in_dim3A_2825 = vector.broadcast %add3A_2824 : i32 to vector<16xi32>
      %lt3A_2826 = arith.cmpf olt, %gather3A_2819, %gather3A_2295 : vector<16xf32>
      %eq3A_2827 = arith.cmpf oeq, %gather3A_2819, %gather3A_2295 : vector<16xf32>
      %lt3A_2828 = arith.cmpi slt, %broadcast_in_dim3A_2825, %add3A_2292 : vector<16xi32>
      %and3A_2829 = arith.andi %eq3A_2827, %lt3A_2828 : vector<16xi1>
      %or3A_2830 = arith.ori %lt3A_2826, %and3A_2829 : vector<16xi1>
      %lt3A_2831 = arith.constant 5.000000e+29 : f32
      %lt3A_2832 = vector.broadcast %lt3A_2831 : f32 to vector<16xf32>
      %lt3A_2833 = arith.cmpf olt, %gather3A_2819, %lt3A_2832 : vector<16xf32>
      %eq3A_2834 = arith.cmpi eq, %gather3A_2820, %gather3A_2296 : vector<16xi32>
      %and3A_2835 = arith.andi %lt3A_2833, %eq3A_2834 : vector<16xi1>
      %and3A_2836 = arith.andi %and3A_2835, %or3A_2830 : vector<16xi1>
      %or3A_2837 = arith.ori %or3A_2816, %and3A_2836 : vector<16xi1>
      %broadcast_in_dim3A_2838 = arith.constant 6 : i32
      %broadcast_in_dim3A_2839 = vector.broadcast %broadcast_in_dim3A_2838 : i32 to vector<16xi32>
      %gather3A_2840 = tpu.vector_load_idx %arg26[%broadcast_in_dim3A_2712, %broadcast_in_dim3A_2839] : memref<16x16xf32, #tpu.memory_space<vmem>>[vector<16xi32>, vector<16xi32>], vector<16xf32>,
      %gather3A_2841 = tpu.vector_load_idx %arg27[%broadcast_in_dim3A_2712, %broadcast_in_dim3A_2839] : memref<16x16xi32, #tpu.memory_space<vmem>>[vector<16xi32>, vector<16xi32>], vector<16xi32>,
      %mul3A_2842 = arith.constant 7 : i32
      %mul3A_2843 = arith.muli %scan3A_2710, %mul3A_2842 : i32
      %add3A_2844 = arith.constant 6 : i32
      %add3A_2845 = arith.addi %mul3A_2843, %add3A_2844 : i32
      %broadcast_in_dim3A_2846 = vector.broadcast %add3A_2845 : i32 to vector<16xi32>
      %lt3A_2847 = arith.cmpf olt, %gather3A_2840, %gather3A_2295 : vector<16xf32>
      %eq3A_2848 = arith.cmpf oeq, %gather3A_2840, %gather3A_2295 : vector<16xf32>
      %lt3A_2849 = arith.cmpi slt, %broadcast_in_dim3A_2846, %add3A_2292 : vector<16xi32>
      %and3A_2850 = arith.andi %eq3A_2848, %lt3A_2849 : vector<16xi1>
      %or3A_2851 = arith.ori %lt3A_2847, %and3A_2850 : vector<16xi1>
      %lt3A_2852 = arith.constant 5.000000e+29 : f32
      %lt3A_2853 = vector.broadcast %lt3A_2852 : f32 to vector<16xf32>
      %lt3A_2854 = arith.cmpf olt, %gather3A_2840, %lt3A_2853 : vector<16xf32>
      %eq3A_2855 = arith.cmpi eq, %gather3A_2841, %gather3A_2296 : vector<16xi32>
      %and3A_2856 = arith.andi %lt3A_2854, %eq3A_2855 : vector<16xi1>
      %and3A_2857 = arith.andi %and3A_2856, %or3A_2851 : vector<16xi1>
      %or3A_2858 = arith.ori %or3A_2837, %and3A_2857 : vector<16xi1>
      scf.yield %or3A_2858 : vector<16xi1>
    }
    %scan3A_2307 = arith.constant 16 : i32
    %not3A_2308 = arith.constant dense<true> : vector<16xi1>
    %not3A_2309 = arith.xori %scan3A_2306, %not3A_2308 : vector<16xi1>
    %and3A_2310 = arith.andi %lt3A_2299, %not3A_2309 : vector<16xi1>
    %jit3A_2311 = arith.constant 0.000000e+00 : f32
    %broadcast_in_dim3A_2312 = vector.broadcast %jit3A_2311 : f32 to vector<16xf32>
    %select_n3A_2313 = arith.select %and3A_2310, %gather3A_2295, %broadcast_in_dim3A_2312 : vector<16xi1>, vector<16xf32>
    %add3A_2314 = arith.addf %add3A_2265, %select_n3A_2313 : vector<16xf32>
    %jit3A_2315 = arith.constant 1.000000e+00 : f32
    %jit3A_2316 = arith.constant 0.000000e+00 : f32
    %broadcast_in_dim3A_2317 = vector.broadcast %jit3A_2315 : f32 to vector<16xf32>
    %broadcast_in_dim3A_2318 = vector.broadcast %jit3A_2316 : f32 to vector<16xf32>
    %select_n3A_2319 = arith.select %and3A_2310, %broadcast_in_dim3A_2317, %broadcast_in_dim3A_2318 : vector<16xi1>, vector<16xf32>
    %add3A_2320 = arith.addf %add3A_2271, %select_n3A_2319 : vector<16xf32>
    %ge3A_2321 = arith.cmpi sge, %gather3A_2296, %broadcast_in_dim3A_2235 : vector<16xi32>
    %and3A_2322 = arith.andi %and3A_2310, %ge3A_2321 : vector<16xi1>
    %add3A_2323 = arith.constant 1264 : i32
    %add3A_2324 = vector.broadcast %add3A_2323 : i32 to vector<16xi32>
    %add3A_2325 = arith.addi %broadcast_in_dim3A_2235, %add3A_2324 : vector<16xi32>
    %lt3A_2326 = arith.cmpi slt, %gather3A_2296, %add3A_2325 : vector<16xi32>
    %and3A_2327 = arith.andi %and3A_2322, %lt3A_2326 : vector<16xi1>
    %sub3A_2328 = arith.subi %gather3A_2296, %broadcast_in_dim3A_2235 : vector<16xi32>
    %jit3A_2329 = arith.constant 0 : i32
    %broadcast_in_dim3A_2330 = vector.broadcast %jit3A_2329 : i32 to vector<16xi32>
    %select_n3A_2331 = arith.select %and3A_2327, %sub3A_2328, %broadcast_in_dim3A_2330 : vector<16xi1>, vector<16xi32>
    %add3A_2332 = arith.constant 1 : i32
    %add3A_2333 = vector.broadcast %add3A_2332 : i32 to vector<16xi32>
    %add3A_2334 = arith.addi %add3A_2292, %add3A_2333 : vector<16xi32>
    tpu.vector_store_idx %arg28[%select_n3A_2331], %add3A_2334 masked %and3A_2327 : memref<1264xi32, #tpu.memory_space<vmem>>[vector<16xi32>], vector<16xi32>, vector<16xi1>
    %gather3A_2335 = tpu.vector_load_idx %arg16[%add3A_2292] : memref<112xi32, #tpu.memory_space<vmem>>[vector<16xi32>], vector<16xi32>,
    tpu.vector_store_idx %arg29[%select_n3A_2331], %gather3A_2335 masked %and3A_2327 : memref<1264xi32, #tpu.memory_space<vmem>>[vector<16xi32>], vector<16xi32>, vector<16xi1>
    %mul3A_2336 = arith.constant 7 : i32
    %mul3A_2337 = vector.broadcast %mul3A_2336 : i32 to vector<16xi32>
    %mul3A_2338 = arith.muli %iota3A, %mul3A_2337 : vector<16xi32>
    %add3A_2339 = arith.constant 2 : i32
    %add3A_2340 = vector.broadcast %add3A_2339 : i32 to vector<16xi32>
    %add3A_2341 = arith.addi %mul3A_2338, %add3A_2340 : vector<16xi32>
    %broadcast_in_dim3A_2342 = arith.constant 2 : i32
    %broadcast_in_dim3A_2343 = vector.broadcast %broadcast_in_dim3A_2342 : i32 to vector<16xi32>
    %gather3A_2344 = tpu.vector_load_idx %arg26[%iota3A, %broadcast_in_dim3A_2343] : memref<16x16xf32, #tpu.memory_space<vmem>>[vector<16xi32>, vector<16xi32>], vector<16xf32>,
    %gather3A_2345 = tpu.vector_load_idx %arg27[%iota3A, %broadcast_in_dim3A_2343] : memref<16x16xi32, #tpu.memory_space<vmem>>[vector<16xi32>, vector<16xi32>], vector<16xi32>,
    %lt3A_2346 = arith.constant 5.000000e+29 : f32
    %lt3A_2347 = vector.broadcast %lt3A_2346 : f32 to vector<16xf32>
    %lt3A_2348 = arith.cmpf olt, %gather3A_2344, %lt3A_2347 : vector<16xf32>
    %broadcast_in_dim3A_2349 = arith.constant false
    %broadcast_in_dim3A_2350 = vector.broadcast %broadcast_in_dim3A_2349 : i1 to vector<16xi1>
    %scan3A_2351 = arith.constant 0 : i32
    %scan3A_2352 = arith.constant 16 : i32
    %scan3A_2353 = arith.addi %scan3A_2351, %scan3A_2352 : i32
    %scan3A_2354 = arith.constant 1 : i32
    %scan3A_2355 = scf.for %scan3A_2710 = %scan3A_2351 to %scan3A_2353 step %scan3A_2354 iter_args(%scan3A_2711 = %broadcast_in_dim3A_2350) -> (vector<16xi1>)  : i32 {
      %broadcast_in_dim3A_2712 = vector.broadcast %scan3A_2710 : i32 to vector<16xi32>
      %broadcast_in_dim3A_2713 = arith.constant 0 : i32
      %broadcast_in_dim3A_2714 = vector.broadcast %broadcast_in_dim3A_2713 : i32 to vector<16xi32>
      %gather3A_2715 = tpu.vector_load_idx %arg26[%broadcast_in_dim3A_2712, %broadcast_in_dim3A_2714] : memref<16x16xf32, #tpu.memory_space<vmem>>[vector<16xi32>, vector<16xi32>], vector<16xf32>,
      %gather3A_2716 = tpu.vector_load_idx %arg27[%broadcast_in_dim3A_2712, %broadcast_in_dim3A_2714] : memref<16x16xi32, #tpu.memory_space<vmem>>[vector<16xi32>, vector<16xi32>], vector<16xi32>,
      %mul3A_2717 = arith.constant 7 : i32
      %mul3A_2718 = arith.muli %scan3A_2710, %mul3A_2717 : i32
      %add3A_2719 = arith.constant 0 : i32
      %add3A_2720 = arith.addi %mul3A_2718, %add3A_2719 : i32
      %broadcast_in_dim3A_2721 = vector.broadcast %add3A_2720 : i32 to vector<16xi32>
      %lt3A_2722 = arith.cmpf olt, %gather3A_2715, %gather3A_2344 : vector<16xf32>
      %eq3A_2723 = arith.cmpf oeq, %gather3A_2715, %gather3A_2344 : vector<16xf32>
      %lt3A_2724 = arith.cmpi slt, %broadcast_in_dim3A_2721, %add3A_2341 : vector<16xi32>
      %and3A_2725 = arith.andi %eq3A_2723, %lt3A_2724 : vector<16xi1>
      %or3A = arith.ori %lt3A_2722, %and3A_2725 : vector<16xi1>
      %lt3A_2726 = arith.constant 5.000000e+29 : f32
      %lt3A_2727 = vector.broadcast %lt3A_2726 : f32 to vector<16xf32>
      %lt3A_2728 = arith.cmpf olt, %gather3A_2715, %lt3A_2727 : vector<16xf32>
      %eq3A_2729 = arith.cmpi eq, %gather3A_2716, %gather3A_2345 : vector<16xi32>
      %and3A_2730 = arith.andi %lt3A_2728, %eq3A_2729 : vector<16xi1>
      %and3A_2731 = arith.andi %and3A_2730, %or3A : vector<16xi1>
      %or3A_2732 = arith.ori %scan3A_2711, %and3A_2731 : vector<16xi1>
      %broadcast_in_dim3A_2733 = arith.constant 1 : i32
      %broadcast_in_dim3A_2734 = vector.broadcast %broadcast_in_dim3A_2733 : i32 to vector<16xi32>
      %gather3A_2735 = tpu.vector_load_idx %arg26[%broadcast_in_dim3A_2712, %broadcast_in_dim3A_2734] : memref<16x16xf32, #tpu.memory_space<vmem>>[vector<16xi32>, vector<16xi32>], vector<16xf32>,
      %gather3A_2736 = tpu.vector_load_idx %arg27[%broadcast_in_dim3A_2712, %broadcast_in_dim3A_2734] : memref<16x16xi32, #tpu.memory_space<vmem>>[vector<16xi32>, vector<16xi32>], vector<16xi32>,
      %mul3A_2737 = arith.constant 7 : i32
      %mul3A_2738 = arith.muli %scan3A_2710, %mul3A_2737 : i32
      %add3A_2739 = arith.constant 1 : i32
      %add3A_2740 = arith.addi %mul3A_2738, %add3A_2739 : i32
      %broadcast_in_dim3A_2741 = vector.broadcast %add3A_2740 : i32 to vector<16xi32>
      %lt3A_2742 = arith.cmpf olt, %gather3A_2735, %gather3A_2344 : vector<16xf32>
      %eq3A_2743 = arith.cmpf oeq, %gather3A_2735, %gather3A_2344 : vector<16xf32>
      %lt3A_2744 = arith.cmpi slt, %broadcast_in_dim3A_2741, %add3A_2341 : vector<16xi32>
      %and3A_2745 = arith.andi %eq3A_2743, %lt3A_2744 : vector<16xi1>
      %or3A_2746 = arith.ori %lt3A_2742, %and3A_2745 : vector<16xi1>
      %lt3A_2747 = arith.constant 5.000000e+29 : f32
      %lt3A_2748 = vector.broadcast %lt3A_2747 : f32 to vector<16xf32>
      %lt3A_2749 = arith.cmpf olt, %gather3A_2735, %lt3A_2748 : vector<16xf32>
      %eq3A_2750 = arith.cmpi eq, %gather3A_2736, %gather3A_2345 : vector<16xi32>
      %and3A_2751 = arith.andi %lt3A_2749, %eq3A_2750 : vector<16xi1>
      %and3A_2752 = arith.andi %and3A_2751, %or3A_2746 : vector<16xi1>
      %or3A_2753 = arith.ori %or3A_2732, %and3A_2752 : vector<16xi1>
      %broadcast_in_dim3A_2754 = arith.constant 2 : i32
      %broadcast_in_dim3A_2755 = vector.broadcast %broadcast_in_dim3A_2754 : i32 to vector<16xi32>
      %gather3A_2756 = tpu.vector_load_idx %arg26[%broadcast_in_dim3A_2712, %broadcast_in_dim3A_2755] : memref<16x16xf32, #tpu.memory_space<vmem>>[vector<16xi32>, vector<16xi32>], vector<16xf32>,
      %gather3A_2757 = tpu.vector_load_idx %arg27[%broadcast_in_dim3A_2712, %broadcast_in_dim3A_2755] : memref<16x16xi32, #tpu.memory_space<vmem>>[vector<16xi32>, vector<16xi32>], vector<16xi32>,
      %mul3A_2758 = arith.constant 7 : i32
      %mul3A_2759 = arith.muli %scan3A_2710, %mul3A_2758 : i32
      %add3A_2760 = arith.constant 2 : i32
      %add3A_2761 = arith.addi %mul3A_2759, %add3A_2760 : i32
      %broadcast_in_dim3A_2762 = vector.broadcast %add3A_2761 : i32 to vector<16xi32>
      %lt3A_2763 = arith.cmpf olt, %gather3A_2756, %gather3A_2344 : vector<16xf32>
      %eq3A_2764 = arith.cmpf oeq, %gather3A_2756, %gather3A_2344 : vector<16xf32>
      %lt3A_2765 = arith.cmpi slt, %broadcast_in_dim3A_2762, %add3A_2341 : vector<16xi32>
      %and3A_2766 = arith.andi %eq3A_2764, %lt3A_2765 : vector<16xi1>
      %or3A_2767 = arith.ori %lt3A_2763, %and3A_2766 : vector<16xi1>
      %lt3A_2768 = arith.constant 5.000000e+29 : f32
      %lt3A_2769 = vector.broadcast %lt3A_2768 : f32 to vector<16xf32>
      %lt3A_2770 = arith.cmpf olt, %gather3A_2756, %lt3A_2769 : vector<16xf32>
      %eq3A_2771 = arith.cmpi eq, %gather3A_2757, %gather3A_2345 : vector<16xi32>
      %and3A_2772 = arith.andi %lt3A_2770, %eq3A_2771 : vector<16xi1>
      %and3A_2773 = arith.andi %and3A_2772, %or3A_2767 : vector<16xi1>
      %or3A_2774 = arith.ori %or3A_2753, %and3A_2773 : vector<16xi1>
      %broadcast_in_dim3A_2775 = arith.constant 3 : i32
      %broadcast_in_dim3A_2776 = vector.broadcast %broadcast_in_dim3A_2775 : i32 to vector<16xi32>
      %gather3A_2777 = tpu.vector_load_idx %arg26[%broadcast_in_dim3A_2712, %broadcast_in_dim3A_2776] : memref<16x16xf32, #tpu.memory_space<vmem>>[vector<16xi32>, vector<16xi32>], vector<16xf32>,
      %gather3A_2778 = tpu.vector_load_idx %arg27[%broadcast_in_dim3A_2712, %broadcast_in_dim3A_2776] : memref<16x16xi32, #tpu.memory_space<vmem>>[vector<16xi32>, vector<16xi32>], vector<16xi32>,
      %mul3A_2779 = arith.constant 7 : i32
      %mul3A_2780 = arith.muli %scan3A_2710, %mul3A_2779 : i32
      %add3A_2781 = arith.constant 3 : i32
      %add3A_2782 = arith.addi %mul3A_2780, %add3A_2781 : i32
      %broadcast_in_dim3A_2783 = vector.broadcast %add3A_2782 : i32 to vector<16xi32>
      %lt3A_2784 = arith.cmpf olt, %gather3A_2777, %gather3A_2344 : vector<16xf32>
      %eq3A_2785 = arith.cmpf oeq, %gather3A_2777, %gather3A_2344 : vector<16xf32>
      %lt3A_2786 = arith.cmpi slt, %broadcast_in_dim3A_2783, %add3A_2341 : vector<16xi32>
      %and3A_2787 = arith.andi %eq3A_2785, %lt3A_2786 : vector<16xi1>
      %or3A_2788 = arith.ori %lt3A_2784, %and3A_2787 : vector<16xi1>
      %lt3A_2789 = arith.constant 5.000000e+29 : f32
      %lt3A_2790 = vector.broadcast %lt3A_2789 : f32 to vector<16xf32>
      %lt3A_2791 = arith.cmpf olt, %gather3A_2777, %lt3A_2790 : vector<16xf32>
      %eq3A_2792 = arith.cmpi eq, %gather3A_2778, %gather3A_2345 : vector<16xi32>
      %and3A_2793 = arith.andi %lt3A_2791, %eq3A_2792 : vector<16xi1>
      %and3A_2794 = arith.andi %and3A_2793, %or3A_2788 : vector<16xi1>
      %or3A_2795 = arith.ori %or3A_2774, %and3A_2794 : vector<16xi1>
      %broadcast_in_dim3A_2796 = arith.constant 4 : i32
      %broadcast_in_dim3A_2797 = vector.broadcast %broadcast_in_dim3A_2796 : i32 to vector<16xi32>
      %gather3A_2798 = tpu.vector_load_idx %arg26[%broadcast_in_dim3A_2712, %broadcast_in_dim3A_2797] : memref<16x16xf32, #tpu.memory_space<vmem>>[vector<16xi32>, vector<16xi32>], vector<16xf32>,
      %gather3A_2799 = tpu.vector_load_idx %arg27[%broadcast_in_dim3A_2712, %broadcast_in_dim3A_2797] : memref<16x16xi32, #tpu.memory_space<vmem>>[vector<16xi32>, vector<16xi32>], vector<16xi32>,
      %mul3A_2800 = arith.constant 7 : i32
      %mul3A_2801 = arith.muli %scan3A_2710, %mul3A_2800 : i32
      %add3A_2802 = arith.constant 4 : i32
      %add3A_2803 = arith.addi %mul3A_2801, %add3A_2802 : i32
      %broadcast_in_dim3A_2804 = vector.broadcast %add3A_2803 : i32 to vector<16xi32>
      %lt3A_2805 = arith.cmpf olt, %gather3A_2798, %gather3A_2344 : vector<16xf32>
      %eq3A_2806 = arith.cmpf oeq, %gather3A_2798, %gather3A_2344 : vector<16xf32>
      %lt3A_2807 = arith.cmpi slt, %broadcast_in_dim3A_2804, %add3A_2341 : vector<16xi32>
      %and3A_2808 = arith.andi %eq3A_2806, %lt3A_2807 : vector<16xi1>
      %or3A_2809 = arith.ori %lt3A_2805, %and3A_2808 : vector<16xi1>
      %lt3A_2810 = arith.constant 5.000000e+29 : f32
      %lt3A_2811 = vector.broadcast %lt3A_2810 : f32 to vector<16xf32>
      %lt3A_2812 = arith.cmpf olt, %gather3A_2798, %lt3A_2811 : vector<16xf32>
      %eq3A_2813 = arith.cmpi eq, %gather3A_2799, %gather3A_2345 : vector<16xi32>
      %and3A_2814 = arith.andi %lt3A_2812, %eq3A_2813 : vector<16xi1>
      %and3A_2815 = arith.andi %and3A_2814, %or3A_2809 : vector<16xi1>
      %or3A_2816 = arith.ori %or3A_2795, %and3A_2815 : vector<16xi1>
      %broadcast_in_dim3A_2817 = arith.constant 5 : i32
      %broadcast_in_dim3A_2818 = vector.broadcast %broadcast_in_dim3A_2817 : i32 to vector<16xi32>
      %gather3A_2819 = tpu.vector_load_idx %arg26[%broadcast_in_dim3A_2712, %broadcast_in_dim3A_2818] : memref<16x16xf32, #tpu.memory_space<vmem>>[vector<16xi32>, vector<16xi32>], vector<16xf32>,
      %gather3A_2820 = tpu.vector_load_idx %arg27[%broadcast_in_dim3A_2712, %broadcast_in_dim3A_2818] : memref<16x16xi32, #tpu.memory_space<vmem>>[vector<16xi32>, vector<16xi32>], vector<16xi32>,
      %mul3A_2821 = arith.constant 7 : i32
      %mul3A_2822 = arith.muli %scan3A_2710, %mul3A_2821 : i32
      %add3A_2823 = arith.constant 5 : i32
      %add3A_2824 = arith.addi %mul3A_2822, %add3A_2823 : i32
      %broadcast_in_dim3A_2825 = vector.broadcast %add3A_2824 : i32 to vector<16xi32>
      %lt3A_2826 = arith.cmpf olt, %gather3A_2819, %gather3A_2344 : vector<16xf32>
      %eq3A_2827 = arith.cmpf oeq, %gather3A_2819, %gather3A_2344 : vector<16xf32>
      %lt3A_2828 = arith.cmpi slt, %broadcast_in_dim3A_2825, %add3A_2341 : vector<16xi32>
      %and3A_2829 = arith.andi %eq3A_2827, %lt3A_2828 : vector<16xi1>
      %or3A_2830 = arith.ori %lt3A_2826, %and3A_2829 : vector<16xi1>
      %lt3A_2831 = arith.constant 5.000000e+29 : f32
      %lt3A_2832 = vector.broadcast %lt3A_2831 : f32 to vector<16xf32>
      %lt3A_2833 = arith.cmpf olt, %gather3A_2819, %lt3A_2832 : vector<16xf32>
      %eq3A_2834 = arith.cmpi eq, %gather3A_2820, %gather3A_2345 : vector<16xi32>
      %and3A_2835 = arith.andi %lt3A_2833, %eq3A_2834 : vector<16xi1>
      %and3A_2836 = arith.andi %and3A_2835, %or3A_2830 : vector<16xi1>
      %or3A_2837 = arith.ori %or3A_2816, %and3A_2836 : vector<16xi1>
      %broadcast_in_dim3A_2838 = arith.constant 6 : i32
      %broadcast_in_dim3A_2839 = vector.broadcast %broadcast_in_dim3A_2838 : i32 to vector<16xi32>
      %gather3A_2840 = tpu.vector_load_idx %arg26[%broadcast_in_dim3A_2712, %broadcast_in_dim3A_2839] : memref<16x16xf32, #tpu.memory_space<vmem>>[vector<16xi32>, vector<16xi32>], vector<16xf32>,
      %gather3A_2841 = tpu.vector_load_idx %arg27[%broadcast_in_dim3A_2712, %broadcast_in_dim3A_2839] : memref<16x16xi32, #tpu.memory_space<vmem>>[vector<16xi32>, vector<16xi32>], vector<16xi32>,
      %mul3A_2842 = arith.constant 7 : i32
      %mul3A_2843 = arith.muli %scan3A_2710, %mul3A_2842 : i32
      %add3A_2844 = arith.constant 6 : i32
      %add3A_2845 = arith.addi %mul3A_2843, %add3A_2844 : i32
      %broadcast_in_dim3A_2846 = vector.broadcast %add3A_2845 : i32 to vector<16xi32>
      %lt3A_2847 = arith.cmpf olt, %gather3A_2840, %gather3A_2344 : vector<16xf32>
      %eq3A_2848 = arith.cmpf oeq, %gather3A_2840, %gather3A_2344 : vector<16xf32>
      %lt3A_2849 = arith.cmpi slt, %broadcast_in_dim3A_2846, %add3A_2341 : vector<16xi32>
      %and3A_2850 = arith.andi %eq3A_2848, %lt3A_2849 : vector<16xi1>
      %or3A_2851 = arith.ori %lt3A_2847, %and3A_2850 : vector<16xi1>
      %lt3A_2852 = arith.constant 5.000000e+29 : f32
      %lt3A_2853 = vector.broadcast %lt3A_2852 : f32 to vector<16xf32>
      %lt3A_2854 = arith.cmpf olt, %gather3A_2840, %lt3A_2853 : vector<16xf32>
      %eq3A_2855 = arith.cmpi eq, %gather3A_2841, %gather3A_2345 : vector<16xi32>
      %and3A_2856 = arith.andi %lt3A_2854, %eq3A_2855 : vector<16xi1>
      %and3A_2857 = arith.andi %and3A_2856, %or3A_2851 : vector<16xi1>
      %or3A_2858 = arith.ori %or3A_2837, %and3A_2857 : vector<16xi1>
      scf.yield %or3A_2858 : vector<16xi1>
    }
    %scan3A_2356 = arith.constant 16 : i32
    %not3A_2357 = arith.constant dense<true> : vector<16xi1>
    %not3A_2358 = arith.xori %scan3A_2355, %not3A_2357 : vector<16xi1>
    %and3A_2359 = arith.andi %lt3A_2348, %not3A_2358 : vector<16xi1>
    %jit3A_2360 = arith.constant 0.000000e+00 : f32
    %broadcast_in_dim3A_2361 = vector.broadcast %jit3A_2360 : f32 to vector<16xf32>
    %select_n3A_2362 = arith.select %and3A_2359, %gather3A_2344, %broadcast_in_dim3A_2361 : vector<16xi1>, vector<16xf32>
    %add3A_2363 = arith.addf %add3A_2314, %select_n3A_2362 : vector<16xf32>
    %jit3A_2364 = arith.constant 1.000000e+00 : f32
    %jit3A_2365 = arith.constant 0.000000e+00 : f32
    %broadcast_in_dim3A_2366 = vector.broadcast %jit3A_2364 : f32 to vector<16xf32>
    %broadcast_in_dim3A_2367 = vector.broadcast %jit3A_2365 : f32 to vector<16xf32>
    %select_n3A_2368 = arith.select %and3A_2359, %broadcast_in_dim3A_2366, %broadcast_in_dim3A_2367 : vector<16xi1>, vector<16xf32>
    %add3A_2369 = arith.addf %add3A_2320, %select_n3A_2368 : vector<16xf32>
    %ge3A_2370 = arith.cmpi sge, %gather3A_2345, %broadcast_in_dim3A_2235 : vector<16xi32>
    %and3A_2371 = arith.andi %and3A_2359, %ge3A_2370 : vector<16xi1>
    %add3A_2372 = arith.constant 1264 : i32
    %add3A_2373 = vector.broadcast %add3A_2372 : i32 to vector<16xi32>
    %add3A_2374 = arith.addi %broadcast_in_dim3A_2235, %add3A_2373 : vector<16xi32>
    %lt3A_2375 = arith.cmpi slt, %gather3A_2345, %add3A_2374 : vector<16xi32>
    %and3A_2376 = arith.andi %and3A_2371, %lt3A_2375 : vector<16xi1>
    %sub3A_2377 = arith.subi %gather3A_2345, %broadcast_in_dim3A_2235 : vector<16xi32>
    %jit3A_2378 = arith.constant 0 : i32
    %broadcast_in_dim3A_2379 = vector.broadcast %jit3A_2378 : i32 to vector<16xi32>
    %select_n3A_2380 = arith.select %and3A_2376, %sub3A_2377, %broadcast_in_dim3A_2379 : vector<16xi1>, vector<16xi32>
    %add3A_2381 = arith.constant 1 : i32
    %add3A_2382 = vector.broadcast %add3A_2381 : i32 to vector<16xi32>
    %add3A_2383 = arith.addi %add3A_2341, %add3A_2382 : vector<16xi32>
    tpu.vector_store_idx %arg28[%select_n3A_2380], %add3A_2383 masked %and3A_2376 : memref<1264xi32, #tpu.memory_space<vmem>>[vector<16xi32>], vector<16xi32>, vector<16xi1>
    %gather3A_2384 = tpu.vector_load_idx %arg16[%add3A_2341] : memref<112xi32, #tpu.memory_space<vmem>>[vector<16xi32>], vector<16xi32>,
    tpu.vector_store_idx %arg29[%select_n3A_2380], %gather3A_2384 masked %and3A_2376 : memref<1264xi32, #tpu.memory_space<vmem>>[vector<16xi32>], vector<16xi32>, vector<16xi1>
    %mul3A_2385 = arith.constant 7 : i32
    %mul3A_2386 = vector.broadcast %mul3A_2385 : i32 to vector<16xi32>
    %mul3A_2387 = arith.muli %iota3A, %mul3A_2386 : vector<16xi32>
    %add3A_2388 = arith.constant 3 : i32
    %add3A_2389 = vector.broadcast %add3A_2388 : i32 to vector<16xi32>
    %add3A_2390 = arith.addi %mul3A_2387, %add3A_2389 : vector<16xi32>
    %broadcast_in_dim3A_2391 = arith.constant 3 : i32
    %broadcast_in_dim3A_2392 = vector.broadcast %broadcast_in_dim3A_2391 : i32 to vector<16xi32>
    %gather3A_2393 = tpu.vector_load_idx %arg26[%iota3A, %broadcast_in_dim3A_2392] : memref<16x16xf32, #tpu.memory_space<vmem>>[vector<16xi32>, vector<16xi32>], vector<16xf32>,
    %gather3A_2394 = tpu.vector_load_idx %arg27[%iota3A, %broadcast_in_dim3A_2392] : memref<16x16xi32, #tpu.memory_space<vmem>>[vector<16xi32>, vector<16xi32>], vector<16xi32>,
    %lt3A_2395 = arith.constant 5.000000e+29 : f32
    %lt3A_2396 = vector.broadcast %lt3A_2395 : f32 to vector<16xf32>
    %lt3A_2397 = arith.cmpf olt, %gather3A_2393, %lt3A_2396 : vector<16xf32>
    %broadcast_in_dim3A_2398 = arith.constant false
    %broadcast_in_dim3A_2399 = vector.broadcast %broadcast_in_dim3A_2398 : i1 to vector<16xi1>
    %scan3A_2400 = arith.constant 0 : i32
    %scan3A_2401 = arith.constant 16 : i32
    %scan3A_2402 = arith.addi %scan3A_2400, %scan3A_2401 : i32
    %scan3A_2403 = arith.constant 1 : i32
    %scan3A_2404 = scf.for %scan3A_2710 = %scan3A_2400 to %scan3A_2402 step %scan3A_2403 iter_args(%scan3A_2711 = %broadcast_in_dim3A_2399) -> (vector<16xi1>)  : i32 {
      %broadcast_in_dim3A_2712 = vector.broadcast %scan3A_2710 : i32 to vector<16xi32>
      %broadcast_in_dim3A_2713 = arith.constant 0 : i32
      %broadcast_in_dim3A_2714 = vector.broadcast %broadcast_in_dim3A_2713 : i32 to vector<16xi32>
      %gather3A_2715 = tpu.vector_load_idx %arg26[%broadcast_in_dim3A_2712, %broadcast_in_dim3A_2714] : memref<16x16xf32, #tpu.memory_space<vmem>>[vector<16xi32>, vector<16xi32>], vector<16xf32>,
      %gather3A_2716 = tpu.vector_load_idx %arg27[%broadcast_in_dim3A_2712, %broadcast_in_dim3A_2714] : memref<16x16xi32, #tpu.memory_space<vmem>>[vector<16xi32>, vector<16xi32>], vector<16xi32>,
      %mul3A_2717 = arith.constant 7 : i32
      %mul3A_2718 = arith.muli %scan3A_2710, %mul3A_2717 : i32
      %add3A_2719 = arith.constant 0 : i32
      %add3A_2720 = arith.addi %mul3A_2718, %add3A_2719 : i32
      %broadcast_in_dim3A_2721 = vector.broadcast %add3A_2720 : i32 to vector<16xi32>
      %lt3A_2722 = arith.cmpf olt, %gather3A_2715, %gather3A_2393 : vector<16xf32>
      %eq3A_2723 = arith.cmpf oeq, %gather3A_2715, %gather3A_2393 : vector<16xf32>
      %lt3A_2724 = arith.cmpi slt, %broadcast_in_dim3A_2721, %add3A_2390 : vector<16xi32>
      %and3A_2725 = arith.andi %eq3A_2723, %lt3A_2724 : vector<16xi1>
      %or3A = arith.ori %lt3A_2722, %and3A_2725 : vector<16xi1>
      %lt3A_2726 = arith.constant 5.000000e+29 : f32
      %lt3A_2727 = vector.broadcast %lt3A_2726 : f32 to vector<16xf32>
      %lt3A_2728 = arith.cmpf olt, %gather3A_2715, %lt3A_2727 : vector<16xf32>
      %eq3A_2729 = arith.cmpi eq, %gather3A_2716, %gather3A_2394 : vector<16xi32>
      %and3A_2730 = arith.andi %lt3A_2728, %eq3A_2729 : vector<16xi1>
      %and3A_2731 = arith.andi %and3A_2730, %or3A : vector<16xi1>
      %or3A_2732 = arith.ori %scan3A_2711, %and3A_2731 : vector<16xi1>
      %broadcast_in_dim3A_2733 = arith.constant 1 : i32
      %broadcast_in_dim3A_2734 = vector.broadcast %broadcast_in_dim3A_2733 : i32 to vector<16xi32>
      %gather3A_2735 = tpu.vector_load_idx %arg26[%broadcast_in_dim3A_2712, %broadcast_in_dim3A_2734] : memref<16x16xf32, #tpu.memory_space<vmem>>[vector<16xi32>, vector<16xi32>], vector<16xf32>,
      %gather3A_2736 = tpu.vector_load_idx %arg27[%broadcast_in_dim3A_2712, %broadcast_in_dim3A_2734] : memref<16x16xi32, #tpu.memory_space<vmem>>[vector<16xi32>, vector<16xi32>], vector<16xi32>,
      %mul3A_2737 = arith.constant 7 : i32
      %mul3A_2738 = arith.muli %scan3A_2710, %mul3A_2737 : i32
      %add3A_2739 = arith.constant 1 : i32
      %add3A_2740 = arith.addi %mul3A_2738, %add3A_2739 : i32
      %broadcast_in_dim3A_2741 = vector.broadcast %add3A_2740 : i32 to vector<16xi32>
      %lt3A_2742 = arith.cmpf olt, %gather3A_2735, %gather3A_2393 : vector<16xf32>
      %eq3A_2743 = arith.cmpf oeq, %gather3A_2735, %gather3A_2393 : vector<16xf32>
      %lt3A_2744 = arith.cmpi slt, %broadcast_in_dim3A_2741, %add3A_2390 : vector<16xi32>
      %and3A_2745 = arith.andi %eq3A_2743, %lt3A_2744 : vector<16xi1>
      %or3A_2746 = arith.ori %lt3A_2742, %and3A_2745 : vector<16xi1>
      %lt3A_2747 = arith.constant 5.000000e+29 : f32
      %lt3A_2748 = vector.broadcast %lt3A_2747 : f32 to vector<16xf32>
      %lt3A_2749 = arith.cmpf olt, %gather3A_2735, %lt3A_2748 : vector<16xf32>
      %eq3A_2750 = arith.cmpi eq, %gather3A_2736, %gather3A_2394 : vector<16xi32>
      %and3A_2751 = arith.andi %lt3A_2749, %eq3A_2750 : vector<16xi1>
      %and3A_2752 = arith.andi %and3A_2751, %or3A_2746 : vector<16xi1>
      %or3A_2753 = arith.ori %or3A_2732, %and3A_2752 : vector<16xi1>
      %broadcast_in_dim3A_2754 = arith.constant 2 : i32
      %broadcast_in_dim3A_2755 = vector.broadcast %broadcast_in_dim3A_2754 : i32 to vector<16xi32>
      %gather3A_2756 = tpu.vector_load_idx %arg26[%broadcast_in_dim3A_2712, %broadcast_in_dim3A_2755] : memref<16x16xf32, #tpu.memory_space<vmem>>[vector<16xi32>, vector<16xi32>], vector<16xf32>,
      %gather3A_2757 = tpu.vector_load_idx %arg27[%broadcast_in_dim3A_2712, %broadcast_in_dim3A_2755] : memref<16x16xi32, #tpu.memory_space<vmem>>[vector<16xi32>, vector<16xi32>], vector<16xi32>,
      %mul3A_2758 = arith.constant 7 : i32
      %mul3A_2759 = arith.muli %scan3A_2710, %mul3A_2758 : i32
      %add3A_2760 = arith.constant 2 : i32
      %add3A_2761 = arith.addi %mul3A_2759, %add3A_2760 : i32
      %broadcast_in_dim3A_2762 = vector.broadcast %add3A_2761 : i32 to vector<16xi32>
      %lt3A_2763 = arith.cmpf olt, %gather3A_2756, %gather3A_2393 : vector<16xf32>
      %eq3A_2764 = arith.cmpf oeq, %gather3A_2756, %gather3A_2393 : vector<16xf32>
      %lt3A_2765 = arith.cmpi slt, %broadcast_in_dim3A_2762, %add3A_2390 : vector<16xi32>
      %and3A_2766 = arith.andi %eq3A_2764, %lt3A_2765 : vector<16xi1>
      %or3A_2767 = arith.ori %lt3A_2763, %and3A_2766 : vector<16xi1>
      %lt3A_2768 = arith.constant 5.000000e+29 : f32
      %lt3A_2769 = vector.broadcast %lt3A_2768 : f32 to vector<16xf32>
      %lt3A_2770 = arith.cmpf olt, %gather3A_2756, %lt3A_2769 : vector<16xf32>
      %eq3A_2771 = arith.cmpi eq, %gather3A_2757, %gather3A_2394 : vector<16xi32>
      %and3A_2772 = arith.andi %lt3A_2770, %eq3A_2771 : vector<16xi1>
      %and3A_2773 = arith.andi %and3A_2772, %or3A_2767 : vector<16xi1>
      %or3A_2774 = arith.ori %or3A_2753, %and3A_2773 : vector<16xi1>
      %broadcast_in_dim3A_2775 = arith.constant 3 : i32
      %broadcast_in_dim3A_2776 = vector.broadcast %broadcast_in_dim3A_2775 : i32 to vector<16xi32>
      %gather3A_2777 = tpu.vector_load_idx %arg26[%broadcast_in_dim3A_2712, %broadcast_in_dim3A_2776] : memref<16x16xf32, #tpu.memory_space<vmem>>[vector<16xi32>, vector<16xi32>], vector<16xf32>,
      %gather3A_2778 = tpu.vector_load_idx %arg27[%broadcast_in_dim3A_2712, %broadcast_in_dim3A_2776] : memref<16x16xi32, #tpu.memory_space<vmem>>[vector<16xi32>, vector<16xi32>], vector<16xi32>,
      %mul3A_2779 = arith.constant 7 : i32
      %mul3A_2780 = arith.muli %scan3A_2710, %mul3A_2779 : i32
      %add3A_2781 = arith.constant 3 : i32
      %add3A_2782 = arith.addi %mul3A_2780, %add3A_2781 : i32
      %broadcast_in_dim3A_2783 = vector.broadcast %add3A_2782 : i32 to vector<16xi32>
      %lt3A_2784 = arith.cmpf olt, %gather3A_2777, %gather3A_2393 : vector<16xf32>
      %eq3A_2785 = arith.cmpf oeq, %gather3A_2777, %gather3A_2393 : vector<16xf32>
      %lt3A_2786 = arith.cmpi slt, %broadcast_in_dim3A_2783, %add3A_2390 : vector<16xi32>
      %and3A_2787 = arith.andi %eq3A_2785, %lt3A_2786 : vector<16xi1>
      %or3A_2788 = arith.ori %lt3A_2784, %and3A_2787 : vector<16xi1>
      %lt3A_2789 = arith.constant 5.000000e+29 : f32
      %lt3A_2790 = vector.broadcast %lt3A_2789 : f32 to vector<16xf32>
      %lt3A_2791 = arith.cmpf olt, %gather3A_2777, %lt3A_2790 : vector<16xf32>
      %eq3A_2792 = arith.cmpi eq, %gather3A_2778, %gather3A_2394 : vector<16xi32>
      %and3A_2793 = arith.andi %lt3A_2791, %eq3A_2792 : vector<16xi1>
      %and3A_2794 = arith.andi %and3A_2793, %or3A_2788 : vector<16xi1>
      %or3A_2795 = arith.ori %or3A_2774, %and3A_2794 : vector<16xi1>
      %broadcast_in_dim3A_2796 = arith.constant 4 : i32
      %broadcast_in_dim3A_2797 = vector.broadcast %broadcast_in_dim3A_2796 : i32 to vector<16xi32>
      %gather3A_2798 = tpu.vector_load_idx %arg26[%broadcast_in_dim3A_2712, %broadcast_in_dim3A_2797] : memref<16x16xf32, #tpu.memory_space<vmem>>[vector<16xi32>, vector<16xi32>], vector<16xf32>,
      %gather3A_2799 = tpu.vector_load_idx %arg27[%broadcast_in_dim3A_2712, %broadcast_in_dim3A_2797] : memref<16x16xi32, #tpu.memory_space<vmem>>[vector<16xi32>, vector<16xi32>], vector<16xi32>,
      %mul3A_2800 = arith.constant 7 : i32
      %mul3A_2801 = arith.muli %scan3A_2710, %mul3A_2800 : i32
      %add3A_2802 = arith.constant 4 : i32
      %add3A_2803 = arith.addi %mul3A_2801, %add3A_2802 : i32
      %broadcast_in_dim3A_2804 = vector.broadcast %add3A_2803 : i32 to vector<16xi32>
      %lt3A_2805 = arith.cmpf olt, %gather3A_2798, %gather3A_2393 : vector<16xf32>
      %eq3A_2806 = arith.cmpf oeq, %gather3A_2798, %gather3A_2393 : vector<16xf32>
      %lt3A_2807 = arith.cmpi slt, %broadcast_in_dim3A_2804, %add3A_2390 : vector<16xi32>
      %and3A_2808 = arith.andi %eq3A_2806, %lt3A_2807 : vector<16xi1>
      %or3A_2809 = arith.ori %lt3A_2805, %and3A_2808 : vector<16xi1>
      %lt3A_2810 = arith.constant 5.000000e+29 : f32
      %lt3A_2811 = vector.broadcast %lt3A_2810 : f32 to vector<16xf32>
      %lt3A_2812 = arith.cmpf olt, %gather3A_2798, %lt3A_2811 : vector<16xf32>
      %eq3A_2813 = arith.cmpi eq, %gather3A_2799, %gather3A_2394 : vector<16xi32>
      %and3A_2814 = arith.andi %lt3A_2812, %eq3A_2813 : vector<16xi1>
      %and3A_2815 = arith.andi %and3A_2814, %or3A_2809 : vector<16xi1>
      %or3A_2816 = arith.ori %or3A_2795, %and3A_2815 : vector<16xi1>
      %broadcast_in_dim3A_2817 = arith.constant 5 : i32
      %broadcast_in_dim3A_2818 = vector.broadcast %broadcast_in_dim3A_2817 : i32 to vector<16xi32>
      %gather3A_2819 = tpu.vector_load_idx %arg26[%broadcast_in_dim3A_2712, %broadcast_in_dim3A_2818] : memref<16x16xf32, #tpu.memory_space<vmem>>[vector<16xi32>, vector<16xi32>], vector<16xf32>,
      %gather3A_2820 = tpu.vector_load_idx %arg27[%broadcast_in_dim3A_2712, %broadcast_in_dim3A_2818] : memref<16x16xi32, #tpu.memory_space<vmem>>[vector<16xi32>, vector<16xi32>], vector<16xi32>,
      %mul3A_2821 = arith.constant 7 : i32
      %mul3A_2822 = arith.muli %scan3A_2710, %mul3A_2821 : i32
      %add3A_2823 = arith.constant 5 : i32
      %add3A_2824 = arith.addi %mul3A_2822, %add3A_2823 : i32
      %broadcast_in_dim3A_2825 = vector.broadcast %add3A_2824 : i32 to vector<16xi32>
      %lt3A_2826 = arith.cmpf olt, %gather3A_2819, %gather3A_2393 : vector<16xf32>
      %eq3A_2827 = arith.cmpf oeq, %gather3A_2819, %gather3A_2393 : vector<16xf32>
      %lt3A_2828 = arith.cmpi slt, %broadcast_in_dim3A_2825, %add3A_2390 : vector<16xi32>
      %and3A_2829 = arith.andi %eq3A_2827, %lt3A_2828 : vector<16xi1>
      %or3A_2830 = arith.ori %lt3A_2826, %and3A_2829 : vector<16xi1>
      %lt3A_2831 = arith.constant 5.000000e+29 : f32
      %lt3A_2832 = vector.broadcast %lt3A_2831 : f32 to vector<16xf32>
      %lt3A_2833 = arith.cmpf olt, %gather3A_2819, %lt3A_2832 : vector<16xf32>
      %eq3A_2834 = arith.cmpi eq, %gather3A_2820, %gather3A_2394 : vector<16xi32>
      %and3A_2835 = arith.andi %lt3A_2833, %eq3A_2834 : vector<16xi1>
      %and3A_2836 = arith.andi %and3A_2835, %or3A_2830 : vector<16xi1>
      %or3A_2837 = arith.ori %or3A_2816, %and3A_2836 : vector<16xi1>
      %broadcast_in_dim3A_2838 = arith.constant 6 : i32
      %broadcast_in_dim3A_2839 = vector.broadcast %broadcast_in_dim3A_2838 : i32 to vector<16xi32>
      %gather3A_2840 = tpu.vector_load_idx %arg26[%broadcast_in_dim3A_2712, %broadcast_in_dim3A_2839] : memref<16x16xf32, #tpu.memory_space<vmem>>[vector<16xi32>, vector<16xi32>], vector<16xf32>,
      %gather3A_2841 = tpu.vector_load_idx %arg27[%broadcast_in_dim3A_2712, %broadcast_in_dim3A_2839] : memref<16x16xi32, #tpu.memory_space<vmem>>[vector<16xi32>, vector<16xi32>], vector<16xi32>,
      %mul3A_2842 = arith.constant 7 : i32
      %mul3A_2843 = arith.muli %scan3A_2710, %mul3A_2842 : i32
      %add3A_2844 = arith.constant 6 : i32
      %add3A_2845 = arith.addi %mul3A_2843, %add3A_2844 : i32
      %broadcast_in_dim3A_2846 = vector.broadcast %add3A_2845 : i32 to vector<16xi32>
      %lt3A_2847 = arith.cmpf olt, %gather3A_2840, %gather3A_2393 : vector<16xf32>
      %eq3A_2848 = arith.cmpf oeq, %gather3A_2840, %gather3A_2393 : vector<16xf32>
      %lt3A_2849 = arith.cmpi slt, %broadcast_in_dim3A_2846, %add3A_2390 : vector<16xi32>
      %and3A_2850 = arith.andi %eq3A_2848, %lt3A_2849 : vector<16xi1>
      %or3A_2851 = arith.ori %lt3A_2847, %and3A_2850 : vector<16xi1>
      %lt3A_2852 = arith.constant 5.000000e+29 : f32
      %lt3A_2853 = vector.broadcast %lt3A_2852 : f32 to vector<16xf32>
      %lt3A_2854 = arith.cmpf olt, %gather3A_2840, %lt3A_2853 : vector<16xf32>
      %eq3A_2855 = arith.cmpi eq, %gather3A_2841, %gather3A_2394 : vector<16xi32>
      %and3A_2856 = arith.andi %lt3A_2854, %eq3A_2855 : vector<16xi1>
      %and3A_2857 = arith.andi %and3A_2856, %or3A_2851 : vector<16xi1>
      %or3A_2858 = arith.ori %or3A_2837, %and3A_2857 : vector<16xi1>
      scf.yield %or3A_2858 : vector<16xi1>
    }
    %scan3A_2405 = arith.constant 16 : i32
    %not3A_2406 = arith.constant dense<true> : vector<16xi1>
    %not3A_2407 = arith.xori %scan3A_2404, %not3A_2406 : vector<16xi1>
    %and3A_2408 = arith.andi %lt3A_2397, %not3A_2407 : vector<16xi1>
    %jit3A_2409 = arith.constant 0.000000e+00 : f32
    %broadcast_in_dim3A_2410 = vector.broadcast %jit3A_2409 : f32 to vector<16xf32>
    %select_n3A_2411 = arith.select %and3A_2408, %gather3A_2393, %broadcast_in_dim3A_2410 : vector<16xi1>, vector<16xf32>
    %add3A_2412 = arith.addf %add3A_2363, %select_n3A_2411 : vector<16xf32>
    %jit3A_2413 = arith.constant 1.000000e+00 : f32
    %jit3A_2414 = arith.constant 0.000000e+00 : f32
    %broadcast_in_dim3A_2415 = vector.broadcast %jit3A_2413 : f32 to vector<16xf32>
    %broadcast_in_dim3A_2416 = vector.broadcast %jit3A_2414 : f32 to vector<16xf32>
    %select_n3A_2417 = arith.select %and3A_2408, %broadcast_in_dim3A_2415, %broadcast_in_dim3A_2416 : vector<16xi1>, vector<16xf32>
    %add3A_2418 = arith.addf %add3A_2369, %select_n3A_2417 : vector<16xf32>
    %ge3A_2419 = arith.cmpi sge, %gather3A_2394, %broadcast_in_dim3A_2235 : vector<16xi32>
    %and3A_2420 = arith.andi %and3A_2408, %ge3A_2419 : vector<16xi1>
    %add3A_2421 = arith.constant 1264 : i32
    %add3A_2422 = vector.broadcast %add3A_2421 : i32 to vector<16xi32>
    %add3A_2423 = arith.addi %broadcast_in_dim3A_2235, %add3A_2422 : vector<16xi32>
    %lt3A_2424 = arith.cmpi slt, %gather3A_2394, %add3A_2423 : vector<16xi32>
    %and3A_2425 = arith.andi %and3A_2420, %lt3A_2424 : vector<16xi1>
    %sub3A_2426 = arith.subi %gather3A_2394, %broadcast_in_dim3A_2235 : vector<16xi32>
    %jit3A_2427 = arith.constant 0 : i32
    %broadcast_in_dim3A_2428 = vector.broadcast %jit3A_2427 : i32 to vector<16xi32>
    %select_n3A_2429 = arith.select %and3A_2425, %sub3A_2426, %broadcast_in_dim3A_2428 : vector<16xi1>, vector<16xi32>
    %add3A_2430 = arith.constant 1 : i32
    %add3A_2431 = vector.broadcast %add3A_2430 : i32 to vector<16xi32>
    %add3A_2432 = arith.addi %add3A_2390, %add3A_2431 : vector<16xi32>
    tpu.vector_store_idx %arg28[%select_n3A_2429], %add3A_2432 masked %and3A_2425 : memref<1264xi32, #tpu.memory_space<vmem>>[vector<16xi32>], vector<16xi32>, vector<16xi1>
    %gather3A_2433 = tpu.vector_load_idx %arg16[%add3A_2390] : memref<112xi32, #tpu.memory_space<vmem>>[vector<16xi32>], vector<16xi32>,
    tpu.vector_store_idx %arg29[%select_n3A_2429], %gather3A_2433 masked %and3A_2425 : memref<1264xi32, #tpu.memory_space<vmem>>[vector<16xi32>], vector<16xi32>, vector<16xi1>
    %mul3A_2434 = arith.constant 7 : i32
    %mul3A_2435 = vector.broadcast %mul3A_2434 : i32 to vector<16xi32>
    %mul3A_2436 = arith.muli %iota3A, %mul3A_2435 : vector<16xi32>
    %add3A_2437 = arith.constant 4 : i32
    %add3A_2438 = vector.broadcast %add3A_2437 : i32 to vector<16xi32>
    %add3A_2439 = arith.addi %mul3A_2436, %add3A_2438 : vector<16xi32>
    %broadcast_in_dim3A_2440 = arith.constant 4 : i32
    %broadcast_in_dim3A_2441 = vector.broadcast %broadcast_in_dim3A_2440 : i32 to vector<16xi32>
    %gather3A_2442 = tpu.vector_load_idx %arg26[%iota3A, %broadcast_in_dim3A_2441] : memref<16x16xf32, #tpu.memory_space<vmem>>[vector<16xi32>, vector<16xi32>], vector<16xf32>,
    %gather3A_2443 = tpu.vector_load_idx %arg27[%iota3A, %broadcast_in_dim3A_2441] : memref<16x16xi32, #tpu.memory_space<vmem>>[vector<16xi32>, vector<16xi32>], vector<16xi32>,
    %lt3A_2444 = arith.constant 5.000000e+29 : f32
    %lt3A_2445 = vector.broadcast %lt3A_2444 : f32 to vector<16xf32>
    %lt3A_2446 = arith.cmpf olt, %gather3A_2442, %lt3A_2445 : vector<16xf32>
    %broadcast_in_dim3A_2447 = arith.constant false
    %broadcast_in_dim3A_2448 = vector.broadcast %broadcast_in_dim3A_2447 : i1 to vector<16xi1>
    %scan3A_2449 = arith.constant 0 : i32
    %scan3A_2450 = arith.constant 16 : i32
    %scan3A_2451 = arith.addi %scan3A_2449, %scan3A_2450 : i32
    %scan3A_2452 = arith.constant 1 : i32
    %scan3A_2453 = scf.for %scan3A_2710 = %scan3A_2449 to %scan3A_2451 step %scan3A_2452 iter_args(%scan3A_2711 = %broadcast_in_dim3A_2448) -> (vector<16xi1>)  : i32 {
      %broadcast_in_dim3A_2712 = vector.broadcast %scan3A_2710 : i32 to vector<16xi32>
      %broadcast_in_dim3A_2713 = arith.constant 0 : i32
      %broadcast_in_dim3A_2714 = vector.broadcast %broadcast_in_dim3A_2713 : i32 to vector<16xi32>
      %gather3A_2715 = tpu.vector_load_idx %arg26[%broadcast_in_dim3A_2712, %broadcast_in_dim3A_2714] : memref<16x16xf32, #tpu.memory_space<vmem>>[vector<16xi32>, vector<16xi32>], vector<16xf32>,
      %gather3A_2716 = tpu.vector_load_idx %arg27[%broadcast_in_dim3A_2712, %broadcast_in_dim3A_2714] : memref<16x16xi32, #tpu.memory_space<vmem>>[vector<16xi32>, vector<16xi32>], vector<16xi32>,
      %mul3A_2717 = arith.constant 7 : i32
      %mul3A_2718 = arith.muli %scan3A_2710, %mul3A_2717 : i32
      %add3A_2719 = arith.constant 0 : i32
      %add3A_2720 = arith.addi %mul3A_2718, %add3A_2719 : i32
      %broadcast_in_dim3A_2721 = vector.broadcast %add3A_2720 : i32 to vector<16xi32>
      %lt3A_2722 = arith.cmpf olt, %gather3A_2715, %gather3A_2442 : vector<16xf32>
      %eq3A_2723 = arith.cmpf oeq, %gather3A_2715, %gather3A_2442 : vector<16xf32>
      %lt3A_2724 = arith.cmpi slt, %broadcast_in_dim3A_2721, %add3A_2439 : vector<16xi32>
      %and3A_2725 = arith.andi %eq3A_2723, %lt3A_2724 : vector<16xi1>
      %or3A = arith.ori %lt3A_2722, %and3A_2725 : vector<16xi1>
      %lt3A_2726 = arith.constant 5.000000e+29 : f32
      %lt3A_2727 = vector.broadcast %lt3A_2726 : f32 to vector<16xf32>
      %lt3A_2728 = arith.cmpf olt, %gather3A_2715, %lt3A_2727 : vector<16xf32>
      %eq3A_2729 = arith.cmpi eq, %gather3A_2716, %gather3A_2443 : vector<16xi32>
      %and3A_2730 = arith.andi %lt3A_2728, %eq3A_2729 : vector<16xi1>
      %and3A_2731 = arith.andi %and3A_2730, %or3A : vector<16xi1>
      %or3A_2732 = arith.ori %scan3A_2711, %and3A_2731 : vector<16xi1>
      %broadcast_in_dim3A_2733 = arith.constant 1 : i32
      %broadcast_in_dim3A_2734 = vector.broadcast %broadcast_in_dim3A_2733 : i32 to vector<16xi32>
      %gather3A_2735 = tpu.vector_load_idx %arg26[%broadcast_in_dim3A_2712, %broadcast_in_dim3A_2734] : memref<16x16xf32, #tpu.memory_space<vmem>>[vector<16xi32>, vector<16xi32>], vector<16xf32>,
      %gather3A_2736 = tpu.vector_load_idx %arg27[%broadcast_in_dim3A_2712, %broadcast_in_dim3A_2734] : memref<16x16xi32, #tpu.memory_space<vmem>>[vector<16xi32>, vector<16xi32>], vector<16xi32>,
      %mul3A_2737 = arith.constant 7 : i32
      %mul3A_2738 = arith.muli %scan3A_2710, %mul3A_2737 : i32
      %add3A_2739 = arith.constant 1 : i32
      %add3A_2740 = arith.addi %mul3A_2738, %add3A_2739 : i32
      %broadcast_in_dim3A_2741 = vector.broadcast %add3A_2740 : i32 to vector<16xi32>
      %lt3A_2742 = arith.cmpf olt, %gather3A_2735, %gather3A_2442 : vector<16xf32>
      %eq3A_2743 = arith.cmpf oeq, %gather3A_2735, %gather3A_2442 : vector<16xf32>
      %lt3A_2744 = arith.cmpi slt, %broadcast_in_dim3A_2741, %add3A_2439 : vector<16xi32>
      %and3A_2745 = arith.andi %eq3A_2743, %lt3A_2744 : vector<16xi1>
      %or3A_2746 = arith.ori %lt3A_2742, %and3A_2745 : vector<16xi1>
      %lt3A_2747 = arith.constant 5.000000e+29 : f32
      %lt3A_2748 = vector.broadcast %lt3A_2747 : f32 to vector<16xf32>
      %lt3A_2749 = arith.cmpf olt, %gather3A_2735, %lt3A_2748 : vector<16xf32>
      %eq3A_2750 = arith.cmpi eq, %gather3A_2736, %gather3A_2443 : vector<16xi32>
      %and3A_2751 = arith.andi %lt3A_2749, %eq3A_2750 : vector<16xi1>
      %and3A_2752 = arith.andi %and3A_2751, %or3A_2746 : vector<16xi1>
      %or3A_2753 = arith.ori %or3A_2732, %and3A_2752 : vector<16xi1>
      %broadcast_in_dim3A_2754 = arith.constant 2 : i32
      %broadcast_in_dim3A_2755 = vector.broadcast %broadcast_in_dim3A_2754 : i32 to vector<16xi32>
      %gather3A_2756 = tpu.vector_load_idx %arg26[%broadcast_in_dim3A_2712, %broadcast_in_dim3A_2755] : memref<16x16xf32, #tpu.memory_space<vmem>>[vector<16xi32>, vector<16xi32>], vector<16xf32>,
      %gather3A_2757 = tpu.vector_load_idx %arg27[%broadcast_in_dim3A_2712, %broadcast_in_dim3A_2755] : memref<16x16xi32, #tpu.memory_space<vmem>>[vector<16xi32>, vector<16xi32>], vector<16xi32>,
      %mul3A_2758 = arith.constant 7 : i32
      %mul3A_2759 = arith.muli %scan3A_2710, %mul3A_2758 : i32
      %add3A_2760 = arith.constant 2 : i32
      %add3A_2761 = arith.addi %mul3A_2759, %add3A_2760 : i32
      %broadcast_in_dim3A_2762 = vector.broadcast %add3A_2761 : i32 to vector<16xi32>
      %lt3A_2763 = arith.cmpf olt, %gather3A_2756, %gather3A_2442 : vector<16xf32>
      %eq3A_2764 = arith.cmpf oeq, %gather3A_2756, %gather3A_2442 : vector<16xf32>
      %lt3A_2765 = arith.cmpi slt, %broadcast_in_dim3A_2762, %add3A_2439 : vector<16xi32>
      %and3A_2766 = arith.andi %eq3A_2764, %lt3A_2765 : vector<16xi1>
      %or3A_2767 = arith.ori %lt3A_2763, %and3A_2766 : vector<16xi1>
      %lt3A_2768 = arith.constant 5.000000e+29 : f32
      %lt3A_2769 = vector.broadcast %lt3A_2768 : f32 to vector<16xf32>
      %lt3A_2770 = arith.cmpf olt, %gather3A_2756, %lt3A_2769 : vector<16xf32>
      %eq3A_2771 = arith.cmpi eq, %gather3A_2757, %gather3A_2443 : vector<16xi32>
      %and3A_2772 = arith.andi %lt3A_2770, %eq3A_2771 : vector<16xi1>
      %and3A_2773 = arith.andi %and3A_2772, %or3A_2767 : vector<16xi1>
      %or3A_2774 = arith.ori %or3A_2753, %and3A_2773 : vector<16xi1>
      %broadcast_in_dim3A_2775 = arith.constant 3 : i32
      %broadcast_in_dim3A_2776 = vector.broadcast %broadcast_in_dim3A_2775 : i32 to vector<16xi32>
      %gather3A_2777 = tpu.vector_load_idx %arg26[%broadcast_in_dim3A_2712, %broadcast_in_dim3A_2776] : memref<16x16xf32, #tpu.memory_space<vmem>>[vector<16xi32>, vector<16xi32>], vector<16xf32>,
      %gather3A_2778 = tpu.vector_load_idx %arg27[%broadcast_in_dim3A_2712, %broadcast_in_dim3A_2776] : memref<16x16xi32, #tpu.memory_space<vmem>>[vector<16xi32>, vector<16xi32>], vector<16xi32>,
      %mul3A_2779 = arith.constant 7 : i32
      %mul3A_2780 = arith.muli %scan3A_2710, %mul3A_2779 : i32
      %add3A_2781 = arith.constant 3 : i32
      %add3A_2782 = arith.addi %mul3A_2780, %add3A_2781 : i32
      %broadcast_in_dim3A_2783 = vector.broadcast %add3A_2782 : i32 to vector<16xi32>
      %lt3A_2784 = arith.cmpf olt, %gather3A_2777, %gather3A_2442 : vector<16xf32>
      %eq3A_2785 = arith.cmpf oeq, %gather3A_2777, %gather3A_2442 : vector<16xf32>
      %lt3A_2786 = arith.cmpi slt, %broadcast_in_dim3A_2783, %add3A_2439 : vector<16xi32>
      %and3A_2787 = arith.andi %eq3A_2785, %lt3A_2786 : vector<16xi1>
      %or3A_2788 = arith.ori %lt3A_2784, %and3A_2787 : vector<16xi1>
      %lt3A_2789 = arith.constant 5.000000e+29 : f32
      %lt3A_2790 = vector.broadcast %lt3A_2789 : f32 to vector<16xf32>
      %lt3A_2791 = arith.cmpf olt, %gather3A_2777, %lt3A_2790 : vector<16xf32>
      %eq3A_2792 = arith.cmpi eq, %gather3A_2778, %gather3A_2443 : vector<16xi32>
      %and3A_2793 = arith.andi %lt3A_2791, %eq3A_2792 : vector<16xi1>
      %and3A_2794 = arith.andi %and3A_2793, %or3A_2788 : vector<16xi1>
      %or3A_2795 = arith.ori %or3A_2774, %and3A_2794 : vector<16xi1>
      %broadcast_in_dim3A_2796 = arith.constant 4 : i32
      %broadcast_in_dim3A_2797 = vector.broadcast %broadcast_in_dim3A_2796 : i32 to vector<16xi32>
      %gather3A_2798 = tpu.vector_load_idx %arg26[%broadcast_in_dim3A_2712, %broadcast_in_dim3A_2797] : memref<16x16xf32, #tpu.memory_space<vmem>>[vector<16xi32>, vector<16xi32>], vector<16xf32>,
      %gather3A_2799 = tpu.vector_load_idx %arg27[%broadcast_in_dim3A_2712, %broadcast_in_dim3A_2797] : memref<16x16xi32, #tpu.memory_space<vmem>>[vector<16xi32>, vector<16xi32>], vector<16xi32>,
      %mul3A_2800 = arith.constant 7 : i32
      %mul3A_2801 = arith.muli %scan3A_2710, %mul3A_2800 : i32
      %add3A_2802 = arith.constant 4 : i32
      %add3A_2803 = arith.addi %mul3A_2801, %add3A_2802 : i32
      %broadcast_in_dim3A_2804 = vector.broadcast %add3A_2803 : i32 to vector<16xi32>
      %lt3A_2805 = arith.cmpf olt, %gather3A_2798, %gather3A_2442 : vector<16xf32>
      %eq3A_2806 = arith.cmpf oeq, %gather3A_2798, %gather3A_2442 : vector<16xf32>
      %lt3A_2807 = arith.cmpi slt, %broadcast_in_dim3A_2804, %add3A_2439 : vector<16xi32>
      %and3A_2808 = arith.andi %eq3A_2806, %lt3A_2807 : vector<16xi1>
      %or3A_2809 = arith.ori %lt3A_2805, %and3A_2808 : vector<16xi1>
      %lt3A_2810 = arith.constant 5.000000e+29 : f32
      %lt3A_2811 = vector.broadcast %lt3A_2810 : f32 to vector<16xf32>
      %lt3A_2812 = arith.cmpf olt, %gather3A_2798, %lt3A_2811 : vector<16xf32>
      %eq3A_2813 = arith.cmpi eq, %gather3A_2799, %gather3A_2443 : vector<16xi32>
      %and3A_2814 = arith.andi %lt3A_2812, %eq3A_2813 : vector<16xi1>
      %and3A_2815 = arith.andi %and3A_2814, %or3A_2809 : vector<16xi1>
      %or3A_2816 = arith.ori %or3A_2795, %and3A_2815 : vector<16xi1>
      %broadcast_in_dim3A_2817 = arith.constant 5 : i32
      %broadcast_in_dim3A_2818 = vector.broadcast %broadcast_in_dim3A_2817 : i32 to vector<16xi32>
      %gather3A_2819 = tpu.vector_load_idx %arg26[%broadcast_in_dim3A_2712, %broadcast_in_dim3A_2818] : memref<16x16xf32, #tpu.memory_space<vmem>>[vector<16xi32>, vector<16xi32>], vector<16xf32>,
      %gather3A_2820 = tpu.vector_load_idx %arg27[%broadcast_in_dim3A_2712, %broadcast_in_dim3A_2818] : memref<16x16xi32, #tpu.memory_space<vmem>>[vector<16xi32>, vector<16xi32>], vector<16xi32>,
      %mul3A_2821 = arith.constant 7 : i32
      %mul3A_2822 = arith.muli %scan3A_2710, %mul3A_2821 : i32
      %add3A_2823 = arith.constant 5 : i32
      %add3A_2824 = arith.addi %mul3A_2822, %add3A_2823 : i32
      %broadcast_in_dim3A_2825 = vector.broadcast %add3A_2824 : i32 to vector<16xi32>
      %lt3A_2826 = arith.cmpf olt, %gather3A_2819, %gather3A_2442 : vector<16xf32>
      %eq3A_2827 = arith.cmpf oeq, %gather3A_2819, %gather3A_2442 : vector<16xf32>
      %lt3A_2828 = arith.cmpi slt, %broadcast_in_dim3A_2825, %add3A_2439 : vector<16xi32>
      %and3A_2829 = arith.andi %eq3A_2827, %lt3A_2828 : vector<16xi1>
      %or3A_2830 = arith.ori %lt3A_2826, %and3A_2829 : vector<16xi1>
      %lt3A_2831 = arith.constant 5.000000e+29 : f32
      %lt3A_2832 = vector.broadcast %lt3A_2831 : f32 to vector<16xf32>
      %lt3A_2833 = arith.cmpf olt, %gather3A_2819, %lt3A_2832 : vector<16xf32>
      %eq3A_2834 = arith.cmpi eq, %gather3A_2820, %gather3A_2443 : vector<16xi32>
      %and3A_2835 = arith.andi %lt3A_2833, %eq3A_2834 : vector<16xi1>
      %and3A_2836 = arith.andi %and3A_2835, %or3A_2830 : vector<16xi1>
      %or3A_2837 = arith.ori %or3A_2816, %and3A_2836 : vector<16xi1>
      %broadcast_in_dim3A_2838 = arith.constant 6 : i32
      %broadcast_in_dim3A_2839 = vector.broadcast %broadcast_in_dim3A_2838 : i32 to vector<16xi32>
      %gather3A_2840 = tpu.vector_load_idx %arg26[%broadcast_in_dim3A_2712, %broadcast_in_dim3A_2839] : memref<16x16xf32, #tpu.memory_space<vmem>>[vector<16xi32>, vector<16xi32>], vector<16xf32>,
      %gather3A_2841 = tpu.vector_load_idx %arg27[%broadcast_in_dim3A_2712, %broadcast_in_dim3A_2839] : memref<16x16xi32, #tpu.memory_space<vmem>>[vector<16xi32>, vector<16xi32>], vector<16xi32>,
      %mul3A_2842 = arith.constant 7 : i32
      %mul3A_2843 = arith.muli %scan3A_2710, %mul3A_2842 : i32
      %add3A_2844 = arith.constant 6 : i32
      %add3A_2845 = arith.addi %mul3A_2843, %add3A_2844 : i32
      %broadcast_in_dim3A_2846 = vector.broadcast %add3A_2845 : i32 to vector<16xi32>
      %lt3A_2847 = arith.cmpf olt, %gather3A_2840, %gather3A_2442 : vector<16xf32>
      %eq3A_2848 = arith.cmpf oeq, %gather3A_2840, %gather3A_2442 : vector<16xf32>
      %lt3A_2849 = arith.cmpi slt, %broadcast_in_dim3A_2846, %add3A_2439 : vector<16xi32>
      %and3A_2850 = arith.andi %eq3A_2848, %lt3A_2849 : vector<16xi1>
      %or3A_2851 = arith.ori %lt3A_2847, %and3A_2850 : vector<16xi1>
      %lt3A_2852 = arith.constant 5.000000e+29 : f32
      %lt3A_2853 = vector.broadcast %lt3A_2852 : f32 to vector<16xf32>
      %lt3A_2854 = arith.cmpf olt, %gather3A_2840, %lt3A_2853 : vector<16xf32>
      %eq3A_2855 = arith.cmpi eq, %gather3A_2841, %gather3A_2443 : vector<16xi32>
      %and3A_2856 = arith.andi %lt3A_2854, %eq3A_2855 : vector<16xi1>
      %and3A_2857 = arith.andi %and3A_2856, %or3A_2851 : vector<16xi1>
      %or3A_2858 = arith.ori %or3A_2837, %and3A_2857 : vector<16xi1>
      scf.yield %or3A_2858 : vector<16xi1>
    }
    %scan3A_2454 = arith.constant 16 : i32
    %not3A_2455 = arith.constant dense<true> : vector<16xi1>
    %not3A_2456 = arith.xori %scan3A_2453, %not3A_2455 : vector<16xi1>
    %and3A_2457 = arith.andi %lt3A_2446, %not3A_2456 : vector<16xi1>
    %jit3A_2458 = arith.constant 0.000000e+00 : f32
    %broadcast_in_dim3A_2459 = vector.broadcast %jit3A_2458 : f32 to vector<16xf32>
    %select_n3A_2460 = arith.select %and3A_2457, %gather3A_2442, %broadcast_in_dim3A_2459 : vector<16xi1>, vector<16xf32>
    %add3A_2461 = arith.addf %add3A_2412, %select_n3A_2460 : vector<16xf32>
    %jit3A_2462 = arith.constant 1.000000e+00 : f32
    %jit3A_2463 = arith.constant 0.000000e+00 : f32
    %broadcast_in_dim3A_2464 = vector.broadcast %jit3A_2462 : f32 to vector<16xf32>
    %broadcast_in_dim3A_2465 = vector.broadcast %jit3A_2463 : f32 to vector<16xf32>
    %select_n3A_2466 = arith.select %and3A_2457, %broadcast_in_dim3A_2464, %broadcast_in_dim3A_2465 : vector<16xi1>, vector<16xf32>
    %add3A_2467 = arith.addf %add3A_2418, %select_n3A_2466 : vector<16xf32>
    %ge3A_2468 = arith.cmpi sge, %gather3A_2443, %broadcast_in_dim3A_2235 : vector<16xi32>
    %and3A_2469 = arith.andi %and3A_2457, %ge3A_2468 : vector<16xi1>
    %add3A_2470 = arith.constant 1264 : i32
    %add3A_2471 = vector.broadcast %add3A_2470 : i32 to vector<16xi32>
    %add3A_2472 = arith.addi %broadcast_in_dim3A_2235, %add3A_2471 : vector<16xi32>
    %lt3A_2473 = arith.cmpi slt, %gather3A_2443, %add3A_2472 : vector<16xi32>
    %and3A_2474 = arith.andi %and3A_2469, %lt3A_2473 : vector<16xi1>
    %sub3A_2475 = arith.subi %gather3A_2443, %broadcast_in_dim3A_2235 : vector<16xi32>
    %jit3A_2476 = arith.constant 0 : i32
    %broadcast_in_dim3A_2477 = vector.broadcast %jit3A_2476 : i32 to vector<16xi32>
    %select_n3A_2478 = arith.select %and3A_2474, %sub3A_2475, %broadcast_in_dim3A_2477 : vector<16xi1>, vector<16xi32>
    %add3A_2479 = arith.constant 1 : i32
    %add3A_2480 = vector.broadcast %add3A_2479 : i32 to vector<16xi32>
    %add3A_2481 = arith.addi %add3A_2439, %add3A_2480 : vector<16xi32>
    tpu.vector_store_idx %arg28[%select_n3A_2478], %add3A_2481 masked %and3A_2474 : memref<1264xi32, #tpu.memory_space<vmem>>[vector<16xi32>], vector<16xi32>, vector<16xi1>
    %gather3A_2482 = tpu.vector_load_idx %arg16[%add3A_2439] : memref<112xi32, #tpu.memory_space<vmem>>[vector<16xi32>], vector<16xi32>,
    tpu.vector_store_idx %arg29[%select_n3A_2478], %gather3A_2482 masked %and3A_2474 : memref<1264xi32, #tpu.memory_space<vmem>>[vector<16xi32>], vector<16xi32>, vector<16xi1>
    %mul3A_2483 = arith.constant 7 : i32
    %mul3A_2484 = vector.broadcast %mul3A_2483 : i32 to vector<16xi32>
    %mul3A_2485 = arith.muli %iota3A, %mul3A_2484 : vector<16xi32>
    %add3A_2486 = arith.constant 5 : i32
    %add3A_2487 = vector.broadcast %add3A_2486 : i32 to vector<16xi32>
    %add3A_2488 = arith.addi %mul3A_2485, %add3A_2487 : vector<16xi32>
    %broadcast_in_dim3A_2489 = arith.constant 5 : i32
    %broadcast_in_dim3A_2490 = vector.broadcast %broadcast_in_dim3A_2489 : i32 to vector<16xi32>
    %gather3A_2491 = tpu.vector_load_idx %arg26[%iota3A, %broadcast_in_dim3A_2490] : memref<16x16xf32, #tpu.memory_space<vmem>>[vector<16xi32>, vector<16xi32>], vector<16xf32>,
    %gather3A_2492 = tpu.vector_load_idx %arg27[%iota3A, %broadcast_in_dim3A_2490] : memref<16x16xi32, #tpu.memory_space<vmem>>[vector<16xi32>, vector<16xi32>], vector<16xi32>,
    %lt3A_2493 = arith.constant 5.000000e+29 : f32
    %lt3A_2494 = vector.broadcast %lt3A_2493 : f32 to vector<16xf32>
    %lt3A_2495 = arith.cmpf olt, %gather3A_2491, %lt3A_2494 : vector<16xf32>
    %broadcast_in_dim3A_2496 = arith.constant false
    %broadcast_in_dim3A_2497 = vector.broadcast %broadcast_in_dim3A_2496 : i1 to vector<16xi1>
    %scan3A_2498 = arith.constant 0 : i32
    %scan3A_2499 = arith.constant 16 : i32
    %scan3A_2500 = arith.addi %scan3A_2498, %scan3A_2499 : i32
    %scan3A_2501 = arith.constant 1 : i32
    %scan3A_2502 = scf.for %scan3A_2710 = %scan3A_2498 to %scan3A_2500 step %scan3A_2501 iter_args(%scan3A_2711 = %broadcast_in_dim3A_2497) -> (vector<16xi1>)  : i32 {
      %broadcast_in_dim3A_2712 = vector.broadcast %scan3A_2710 : i32 to vector<16xi32>
      %broadcast_in_dim3A_2713 = arith.constant 0 : i32
      %broadcast_in_dim3A_2714 = vector.broadcast %broadcast_in_dim3A_2713 : i32 to vector<16xi32>
      %gather3A_2715 = tpu.vector_load_idx %arg26[%broadcast_in_dim3A_2712, %broadcast_in_dim3A_2714] : memref<16x16xf32, #tpu.memory_space<vmem>>[vector<16xi32>, vector<16xi32>], vector<16xf32>,
      %gather3A_2716 = tpu.vector_load_idx %arg27[%broadcast_in_dim3A_2712, %broadcast_in_dim3A_2714] : memref<16x16xi32, #tpu.memory_space<vmem>>[vector<16xi32>, vector<16xi32>], vector<16xi32>,
      %mul3A_2717 = arith.constant 7 : i32
      %mul3A_2718 = arith.muli %scan3A_2710, %mul3A_2717 : i32
      %add3A_2719 = arith.constant 0 : i32
      %add3A_2720 = arith.addi %mul3A_2718, %add3A_2719 : i32
      %broadcast_in_dim3A_2721 = vector.broadcast %add3A_2720 : i32 to vector<16xi32>
      %lt3A_2722 = arith.cmpf olt, %gather3A_2715, %gather3A_2491 : vector<16xf32>
      %eq3A_2723 = arith.cmpf oeq, %gather3A_2715, %gather3A_2491 : vector<16xf32>
      %lt3A_2724 = arith.cmpi slt, %broadcast_in_dim3A_2721, %add3A_2488 : vector<16xi32>
      %and3A_2725 = arith.andi %eq3A_2723, %lt3A_2724 : vector<16xi1>
      %or3A = arith.ori %lt3A_2722, %and3A_2725 : vector<16xi1>
      %lt3A_2726 = arith.constant 5.000000e+29 : f32
      %lt3A_2727 = vector.broadcast %lt3A_2726 : f32 to vector<16xf32>
      %lt3A_2728 = arith.cmpf olt, %gather3A_2715, %lt3A_2727 : vector<16xf32>
      %eq3A_2729 = arith.cmpi eq, %gather3A_2716, %gather3A_2492 : vector<16xi32>
      %and3A_2730 = arith.andi %lt3A_2728, %eq3A_2729 : vector<16xi1>
      %and3A_2731 = arith.andi %and3A_2730, %or3A : vector<16xi1>
      %or3A_2732 = arith.ori %scan3A_2711, %and3A_2731 : vector<16xi1>
      %broadcast_in_dim3A_2733 = arith.constant 1 : i32
      %broadcast_in_dim3A_2734 = vector.broadcast %broadcast_in_dim3A_2733 : i32 to vector<16xi32>
      %gather3A_2735 = tpu.vector_load_idx %arg26[%broadcast_in_dim3A_2712, %broadcast_in_dim3A_2734] : memref<16x16xf32, #tpu.memory_space<vmem>>[vector<16xi32>, vector<16xi32>], vector<16xf32>,
      %gather3A_2736 = tpu.vector_load_idx %arg27[%broadcast_in_dim3A_2712, %broadcast_in_dim3A_2734] : memref<16x16xi32, #tpu.memory_space<vmem>>[vector<16xi32>, vector<16xi32>], vector<16xi32>,
      %mul3A_2737 = arith.constant 7 : i32
      %mul3A_2738 = arith.muli %scan3A_2710, %mul3A_2737 : i32
      %add3A_2739 = arith.constant 1 : i32
      %add3A_2740 = arith.addi %mul3A_2738, %add3A_2739 : i32
      %broadcast_in_dim3A_2741 = vector.broadcast %add3A_2740 : i32 to vector<16xi32>
      %lt3A_2742 = arith.cmpf olt, %gather3A_2735, %gather3A_2491 : vector<16xf32>
      %eq3A_2743 = arith.cmpf oeq, %gather3A_2735, %gather3A_2491 : vector<16xf32>
      %lt3A_2744 = arith.cmpi slt, %broadcast_in_dim3A_2741, %add3A_2488 : vector<16xi32>
      %and3A_2745 = arith.andi %eq3A_2743, %lt3A_2744 : vector<16xi1>
      %or3A_2746 = arith.ori %lt3A_2742, %and3A_2745 : vector<16xi1>
      %lt3A_2747 = arith.constant 5.000000e+29 : f32
      %lt3A_2748 = vector.broadcast %lt3A_2747 : f32 to vector<16xf32>
      %lt3A_2749 = arith.cmpf olt, %gather3A_2735, %lt3A_2748 : vector<16xf32>
      %eq3A_2750 = arith.cmpi eq, %gather3A_2736, %gather3A_2492 : vector<16xi32>
      %and3A_2751 = arith.andi %lt3A_2749, %eq3A_2750 : vector<16xi1>
      %and3A_2752 = arith.andi %and3A_2751, %or3A_2746 : vector<16xi1>
      %or3A_2753 = arith.ori %or3A_2732, %and3A_2752 : vector<16xi1>
      %broadcast_in_dim3A_2754 = arith.constant 2 : i32
      %broadcast_in_dim3A_2755 = vector.broadcast %broadcast_in_dim3A_2754 : i32 to vector<16xi32>
      %gather3A_2756 = tpu.vector_load_idx %arg26[%broadcast_in_dim3A_2712, %broadcast_in_dim3A_2755] : memref<16x16xf32, #tpu.memory_space<vmem>>[vector<16xi32>, vector<16xi32>], vector<16xf32>,
      %gather3A_2757 = tpu.vector_load_idx %arg27[%broadcast_in_dim3A_2712, %broadcast_in_dim3A_2755] : memref<16x16xi32, #tpu.memory_space<vmem>>[vector<16xi32>, vector<16xi32>], vector<16xi32>,
      %mul3A_2758 = arith.constant 7 : i32
      %mul3A_2759 = arith.muli %scan3A_2710, %mul3A_2758 : i32
      %add3A_2760 = arith.constant 2 : i32
      %add3A_2761 = arith.addi %mul3A_2759, %add3A_2760 : i32
      %broadcast_in_dim3A_2762 = vector.broadcast %add3A_2761 : i32 to vector<16xi32>
      %lt3A_2763 = arith.cmpf olt, %gather3A_2756, %gather3A_2491 : vector<16xf32>
      %eq3A_2764 = arith.cmpf oeq, %gather3A_2756, %gather3A_2491 : vector<16xf32>
      %lt3A_2765 = arith.cmpi slt, %broadcast_in_dim3A_2762, %add3A_2488 : vector<16xi32>
      %and3A_2766 = arith.andi %eq3A_2764, %lt3A_2765 : vector<16xi1>
      %or3A_2767 = arith.ori %lt3A_2763, %and3A_2766 : vector<16xi1>
      %lt3A_2768 = arith.constant 5.000000e+29 : f32
      %lt3A_2769 = vector.broadcast %lt3A_2768 : f32 to vector<16xf32>
      %lt3A_2770 = arith.cmpf olt, %gather3A_2756, %lt3A_2769 : vector<16xf32>
      %eq3A_2771 = arith.cmpi eq, %gather3A_2757, %gather3A_2492 : vector<16xi32>
      %and3A_2772 = arith.andi %lt3A_2770, %eq3A_2771 : vector<16xi1>
      %and3A_2773 = arith.andi %and3A_2772, %or3A_2767 : vector<16xi1>
      %or3A_2774 = arith.ori %or3A_2753, %and3A_2773 : vector<16xi1>
      %broadcast_in_dim3A_2775 = arith.constant 3 : i32
      %broadcast_in_dim3A_2776 = vector.broadcast %broadcast_in_dim3A_2775 : i32 to vector<16xi32>
      %gather3A_2777 = tpu.vector_load_idx %arg26[%broadcast_in_dim3A_2712, %broadcast_in_dim3A_2776] : memref<16x16xf32, #tpu.memory_space<vmem>>[vector<16xi32>, vector<16xi32>], vector<16xf32>,
      %gather3A_2778 = tpu.vector_load_idx %arg27[%broadcast_in_dim3A_2712, %broadcast_in_dim3A_2776] : memref<16x16xi32, #tpu.memory_space<vmem>>[vector<16xi32>, vector<16xi32>], vector<16xi32>,
      %mul3A_2779 = arith.constant 7 : i32
      %mul3A_2780 = arith.muli %scan3A_2710, %mul3A_2779 : i32
      %add3A_2781 = arith.constant 3 : i32
      %add3A_2782 = arith.addi %mul3A_2780, %add3A_2781 : i32
      %broadcast_in_dim3A_2783 = vector.broadcast %add3A_2782 : i32 to vector<16xi32>
      %lt3A_2784 = arith.cmpf olt, %gather3A_2777, %gather3A_2491 : vector<16xf32>
      %eq3A_2785 = arith.cmpf oeq, %gather3A_2777, %gather3A_2491 : vector<16xf32>
      %lt3A_2786 = arith.cmpi slt, %broadcast_in_dim3A_2783, %add3A_2488 : vector<16xi32>
      %and3A_2787 = arith.andi %eq3A_2785, %lt3A_2786 : vector<16xi1>
      %or3A_2788 = arith.ori %lt3A_2784, %and3A_2787 : vector<16xi1>
      %lt3A_2789 = arith.constant 5.000000e+29 : f32
      %lt3A_2790 = vector.broadcast %lt3A_2789 : f32 to vector<16xf32>
      %lt3A_2791 = arith.cmpf olt, %gather3A_2777, %lt3A_2790 : vector<16xf32>
      %eq3A_2792 = arith.cmpi eq, %gather3A_2778, %gather3A_2492 : vector<16xi32>
      %and3A_2793 = arith.andi %lt3A_2791, %eq3A_2792 : vector<16xi1>
      %and3A_2794 = arith.andi %and3A_2793, %or3A_2788 : vector<16xi1>
      %or3A_2795 = arith.ori %or3A_2774, %and3A_2794 : vector<16xi1>
      %broadcast_in_dim3A_2796 = arith.constant 4 : i32
      %broadcast_in_dim3A_2797 = vector.broadcast %broadcast_in_dim3A_2796 : i32 to vector<16xi32>
      %gather3A_2798 = tpu.vector_load_idx %arg26[%broadcast_in_dim3A_2712, %broadcast_in_dim3A_2797] : memref<16x16xf32, #tpu.memory_space<vmem>>[vector<16xi32>, vector<16xi32>], vector<16xf32>,
      %gather3A_2799 = tpu.vector_load_idx %arg27[%broadcast_in_dim3A_2712, %broadcast_in_dim3A_2797] : memref<16x16xi32, #tpu.memory_space<vmem>>[vector<16xi32>, vector<16xi32>], vector<16xi32>,
      %mul3A_2800 = arith.constant 7 : i32
      %mul3A_2801 = arith.muli %scan3A_2710, %mul3A_2800 : i32
      %add3A_2802 = arith.constant 4 : i32
      %add3A_2803 = arith.addi %mul3A_2801, %add3A_2802 : i32
      %broadcast_in_dim3A_2804 = vector.broadcast %add3A_2803 : i32 to vector<16xi32>
      %lt3A_2805 = arith.cmpf olt, %gather3A_2798, %gather3A_2491 : vector<16xf32>
      %eq3A_2806 = arith.cmpf oeq, %gather3A_2798, %gather3A_2491 : vector<16xf32>
      %lt3A_2807 = arith.cmpi slt, %broadcast_in_dim3A_2804, %add3A_2488 : vector<16xi32>
      %and3A_2808 = arith.andi %eq3A_2806, %lt3A_2807 : vector<16xi1>
      %or3A_2809 = arith.ori %lt3A_2805, %and3A_2808 : vector<16xi1>
      %lt3A_2810 = arith.constant 5.000000e+29 : f32
      %lt3A_2811 = vector.broadcast %lt3A_2810 : f32 to vector<16xf32>
      %lt3A_2812 = arith.cmpf olt, %gather3A_2798, %lt3A_2811 : vector<16xf32>
      %eq3A_2813 = arith.cmpi eq, %gather3A_2799, %gather3A_2492 : vector<16xi32>
      %and3A_2814 = arith.andi %lt3A_2812, %eq3A_2813 : vector<16xi1>
      %and3A_2815 = arith.andi %and3A_2814, %or3A_2809 : vector<16xi1>
      %or3A_2816 = arith.ori %or3A_2795, %and3A_2815 : vector<16xi1>
      %broadcast_in_dim3A_2817 = arith.constant 5 : i32
      %broadcast_in_dim3A_2818 = vector.broadcast %broadcast_in_dim3A_2817 : i32 to vector<16xi32>
      %gather3A_2819 = tpu.vector_load_idx %arg26[%broadcast_in_dim3A_2712, %broadcast_in_dim3A_2818] : memref<16x16xf32, #tpu.memory_space<vmem>>[vector<16xi32>, vector<16xi32>], vector<16xf32>,
      %gather3A_2820 = tpu.vector_load_idx %arg27[%broadcast_in_dim3A_2712, %broadcast_in_dim3A_2818] : memref<16x16xi32, #tpu.memory_space<vmem>>[vector<16xi32>, vector<16xi32>], vector<16xi32>,
      %mul3A_2821 = arith.constant 7 : i32
      %mul3A_2822 = arith.muli %scan3A_2710, %mul3A_2821 : i32
      %add3A_2823 = arith.constant 5 : i32
      %add3A_2824 = arith.addi %mul3A_2822, %add3A_2823 : i32
      %broadcast_in_dim3A_2825 = vector.broadcast %add3A_2824 : i32 to vector<16xi32>
      %lt3A_2826 = arith.cmpf olt, %gather3A_2819, %gather3A_2491 : vector<16xf32>
      %eq3A_2827 = arith.cmpf oeq, %gather3A_2819, %gather3A_2491 : vector<16xf32>
      %lt3A_2828 = arith.cmpi slt, %broadcast_in_dim3A_2825, %add3A_2488 : vector<16xi32>
      %and3A_2829 = arith.andi %eq3A_2827, %lt3A_2828 : vector<16xi1>
      %or3A_2830 = arith.ori %lt3A_2826, %and3A_2829 : vector<16xi1>
      %lt3A_2831 = arith.constant 5.000000e+29 : f32
      %lt3A_2832 = vector.broadcast %lt3A_2831 : f32 to vector<16xf32>
      %lt3A_2833 = arith.cmpf olt, %gather3A_2819, %lt3A_2832 : vector<16xf32>
      %eq3A_2834 = arith.cmpi eq, %gather3A_2820, %gather3A_2492 : vector<16xi32>
      %and3A_2835 = arith.andi %lt3A_2833, %eq3A_2834 : vector<16xi1>
      %and3A_2836 = arith.andi %and3A_2835, %or3A_2830 : vector<16xi1>
      %or3A_2837 = arith.ori %or3A_2816, %and3A_2836 : vector<16xi1>
      %broadcast_in_dim3A_2838 = arith.constant 6 : i32
      %broadcast_in_dim3A_2839 = vector.broadcast %broadcast_in_dim3A_2838 : i32 to vector<16xi32>
      %gather3A_2840 = tpu.vector_load_idx %arg26[%broadcast_in_dim3A_2712, %broadcast_in_dim3A_2839] : memref<16x16xf32, #tpu.memory_space<vmem>>[vector<16xi32>, vector<16xi32>], vector<16xf32>,
      %gather3A_2841 = tpu.vector_load_idx %arg27[%broadcast_in_dim3A_2712, %broadcast_in_dim3A_2839] : memref<16x16xi32, #tpu.memory_space<vmem>>[vector<16xi32>, vector<16xi32>], vector<16xi32>,
      %mul3A_2842 = arith.constant 7 : i32
      %mul3A_2843 = arith.muli %scan3A_2710, %mul3A_2842 : i32
      %add3A_2844 = arith.constant 6 : i32
      %add3A_2845 = arith.addi %mul3A_2843, %add3A_2844 : i32
      %broadcast_in_dim3A_2846 = vector.broadcast %add3A_2845 : i32 to vector<16xi32>
      %lt3A_2847 = arith.cmpf olt, %gather3A_2840, %gather3A_2491 : vector<16xf32>
      %eq3A_2848 = arith.cmpf oeq, %gather3A_2840, %gather3A_2491 : vector<16xf32>
      %lt3A_2849 = arith.cmpi slt, %broadcast_in_dim3A_2846, %add3A_2488 : vector<16xi32>
      %and3A_2850 = arith.andi %eq3A_2848, %lt3A_2849 : vector<16xi1>
      %or3A_2851 = arith.ori %lt3A_2847, %and3A_2850 : vector<16xi1>
      %lt3A_2852 = arith.constant 5.000000e+29 : f32
      %lt3A_2853 = vector.broadcast %lt3A_2852 : f32 to vector<16xf32>
      %lt3A_2854 = arith.cmpf olt, %gather3A_2840, %lt3A_2853 : vector<16xf32>
      %eq3A_2855 = arith.cmpi eq, %gather3A_2841, %gather3A_2492 : vector<16xi32>
      %and3A_2856 = arith.andi %lt3A_2854, %eq3A_2855 : vector<16xi1>
      %and3A_2857 = arith.andi %and3A_2856, %or3A_2851 : vector<16xi1>
      %or3A_2858 = arith.ori %or3A_2837, %and3A_2857 : vector<16xi1>
      scf.yield %or3A_2858 : vector<16xi1>
    }
    %scan3A_2503 = arith.constant 16 : i32
    %not3A_2504 = arith.constant dense<true> : vector<16xi1>
    %not3A_2505 = arith.xori %scan3A_2502, %not3A_2504 : vector<16xi1>
    %and3A_2506 = arith.andi %lt3A_2495, %not3A_2505 : vector<16xi1>
    %jit3A_2507 = arith.constant 0.000000e+00 : f32
    %broadcast_in_dim3A_2508 = vector.broadcast %jit3A_2507 : f32 to vector<16xf32>
    %select_n3A_2509 = arith.select %and3A_2506, %gather3A_2491, %broadcast_in_dim3A_2508 : vector<16xi1>, vector<16xf32>
    %add3A_2510 = arith.addf %add3A_2461, %select_n3A_2509 : vector<16xf32>
    %jit3A_2511 = arith.constant 1.000000e+00 : f32
    %jit3A_2512 = arith.constant 0.000000e+00 : f32
    %broadcast_in_dim3A_2513 = vector.broadcast %jit3A_2511 : f32 to vector<16xf32>
    %broadcast_in_dim3A_2514 = vector.broadcast %jit3A_2512 : f32 to vector<16xf32>
    %select_n3A_2515 = arith.select %and3A_2506, %broadcast_in_dim3A_2513, %broadcast_in_dim3A_2514 : vector<16xi1>, vector<16xf32>
    %add3A_2516 = arith.addf %add3A_2467, %select_n3A_2515 : vector<16xf32>
    %ge3A_2517 = arith.cmpi sge, %gather3A_2492, %broadcast_in_dim3A_2235 : vector<16xi32>
    %and3A_2518 = arith.andi %and3A_2506, %ge3A_2517 : vector<16xi1>
    %add3A_2519 = arith.constant 1264 : i32
    %add3A_2520 = vector.broadcast %add3A_2519 : i32 to vector<16xi32>
    %add3A_2521 = arith.addi %broadcast_in_dim3A_2235, %add3A_2520 : vector<16xi32>
    %lt3A_2522 = arith.cmpi slt, %gather3A_2492, %add3A_2521 : vector<16xi32>
    %and3A_2523 = arith.andi %and3A_2518, %lt3A_2522 : vector<16xi1>
    %sub3A_2524 = arith.subi %gather3A_2492, %broadcast_in_dim3A_2235 : vector<16xi32>
    %jit3A_2525 = arith.constant 0 : i32
    %broadcast_in_dim3A_2526 = vector.broadcast %jit3A_2525 : i32 to vector<16xi32>
    %select_n3A_2527 = arith.select %and3A_2523, %sub3A_2524, %broadcast_in_dim3A_2526 : vector<16xi1>, vector<16xi32>
    %add3A_2528 = arith.constant 1 : i32
    %add3A_2529 = vector.broadcast %add3A_2528 : i32 to vector<16xi32>
    %add3A_2530 = arith.addi %add3A_2488, %add3A_2529 : vector<16xi32>
    tpu.vector_store_idx %arg28[%select_n3A_2527], %add3A_2530 masked %and3A_2523 : memref<1264xi32, #tpu.memory_space<vmem>>[vector<16xi32>], vector<16xi32>, vector<16xi1>
    %gather3A_2531 = tpu.vector_load_idx %arg16[%add3A_2488] : memref<112xi32, #tpu.memory_space<vmem>>[vector<16xi32>], vector<16xi32>,
    tpu.vector_store_idx %arg29[%select_n3A_2527], %gather3A_2531 masked %and3A_2523 : memref<1264xi32, #tpu.memory_space<vmem>>[vector<16xi32>], vector<16xi32>, vector<16xi1>
    %mul3A_2532 = arith.constant 7 : i32
    %mul3A_2533 = vector.broadcast %mul3A_2532 : i32 to vector<16xi32>
    %mul3A_2534 = arith.muli %iota3A, %mul3A_2533 : vector<16xi32>
    %add3A_2535 = arith.constant 6 : i32
    %add3A_2536 = vector.broadcast %add3A_2535 : i32 to vector<16xi32>
    %add3A_2537 = arith.addi %mul3A_2534, %add3A_2536 : vector<16xi32>
    %broadcast_in_dim3A_2538 = arith.constant 6 : i32
    %broadcast_in_dim3A_2539 = vector.broadcast %broadcast_in_dim3A_2538 : i32 to vector<16xi32>
    %gather3A_2540 = tpu.vector_load_idx %arg26[%iota3A, %broadcast_in_dim3A_2539] : memref<16x16xf32, #tpu.memory_space<vmem>>[vector<16xi32>, vector<16xi32>], vector<16xf32>,
    %gather3A_2541 = tpu.vector_load_idx %arg27[%iota3A, %broadcast_in_dim3A_2539] : memref<16x16xi32, #tpu.memory_space<vmem>>[vector<16xi32>, vector<16xi32>], vector<16xi32>,
    %lt3A_2542 = arith.constant 5.000000e+29 : f32
    %lt3A_2543 = vector.broadcast %lt3A_2542 : f32 to vector<16xf32>
    %lt3A_2544 = arith.cmpf olt, %gather3A_2540, %lt3A_2543 : vector<16xf32>
    %broadcast_in_dim3A_2545 = arith.constant false
    %broadcast_in_dim3A_2546 = vector.broadcast %broadcast_in_dim3A_2545 : i1 to vector<16xi1>
    %scan3A_2547 = arith.constant 0 : i32
    %scan3A_2548 = arith.constant 16 : i32
    %scan3A_2549 = arith.addi %scan3A_2547, %scan3A_2548 : i32
    %scan3A_2550 = arith.constant 1 : i32
    %scan3A_2551 = scf.for %scan3A_2710 = %scan3A_2547 to %scan3A_2549 step %scan3A_2550 iter_args(%scan3A_2711 = %broadcast_in_dim3A_2546) -> (vector<16xi1>)  : i32 {
      %broadcast_in_dim3A_2712 = vector.broadcast %scan3A_2710 : i32 to vector<16xi32>
      %broadcast_in_dim3A_2713 = arith.constant 0 : i32
      %broadcast_in_dim3A_2714 = vector.broadcast %broadcast_in_dim3A_2713 : i32 to vector<16xi32>
      %gather3A_2715 = tpu.vector_load_idx %arg26[%broadcast_in_dim3A_2712, %broadcast_in_dim3A_2714] : memref<16x16xf32, #tpu.memory_space<vmem>>[vector<16xi32>, vector<16xi32>], vector<16xf32>,
      %gather3A_2716 = tpu.vector_load_idx %arg27[%broadcast_in_dim3A_2712, %broadcast_in_dim3A_2714] : memref<16x16xi32, #tpu.memory_space<vmem>>[vector<16xi32>, vector<16xi32>], vector<16xi32>,
      %mul3A_2717 = arith.constant 7 : i32
      %mul3A_2718 = arith.muli %scan3A_2710, %mul3A_2717 : i32
      %add3A_2719 = arith.constant 0 : i32
      %add3A_2720 = arith.addi %mul3A_2718, %add3A_2719 : i32
      %broadcast_in_dim3A_2721 = vector.broadcast %add3A_2720 : i32 to vector<16xi32>
      %lt3A_2722 = arith.cmpf olt, %gather3A_2715, %gather3A_2540 : vector<16xf32>
      %eq3A_2723 = arith.cmpf oeq, %gather3A_2715, %gather3A_2540 : vector<16xf32>
      %lt3A_2724 = arith.cmpi slt, %broadcast_in_dim3A_2721, %add3A_2537 : vector<16xi32>
      %and3A_2725 = arith.andi %eq3A_2723, %lt3A_2724 : vector<16xi1>
      %or3A = arith.ori %lt3A_2722, %and3A_2725 : vector<16xi1>
      %lt3A_2726 = arith.constant 5.000000e+29 : f32
      %lt3A_2727 = vector.broadcast %lt3A_2726 : f32 to vector<16xf32>
      %lt3A_2728 = arith.cmpf olt, %gather3A_2715, %lt3A_2727 : vector<16xf32>
      %eq3A_2729 = arith.cmpi eq, %gather3A_2716, %gather3A_2541 : vector<16xi32>
      %and3A_2730 = arith.andi %lt3A_2728, %eq3A_2729 : vector<16xi1>
      %and3A_2731 = arith.andi %and3A_2730, %or3A : vector<16xi1>
      %or3A_2732 = arith.ori %scan3A_2711, %and3A_2731 : vector<16xi1>
      %broadcast_in_dim3A_2733 = arith.constant 1 : i32
      %broadcast_in_dim3A_2734 = vector.broadcast %broadcast_in_dim3A_2733 : i32 to vector<16xi32>
      %gather3A_2735 = tpu.vector_load_idx %arg26[%broadcast_in_dim3A_2712, %broadcast_in_dim3A_2734] : memref<16x16xf32, #tpu.memory_space<vmem>>[vector<16xi32>, vector<16xi32>], vector<16xf32>,
      %gather3A_2736 = tpu.vector_load_idx %arg27[%broadcast_in_dim3A_2712, %broadcast_in_dim3A_2734] : memref<16x16xi32, #tpu.memory_space<vmem>>[vector<16xi32>, vector<16xi32>], vector<16xi32>,
      %mul3A_2737 = arith.constant 7 : i32
      %mul3A_2738 = arith.muli %scan3A_2710, %mul3A_2737 : i32
      %add3A_2739 = arith.constant 1 : i32
      %add3A_2740 = arith.addi %mul3A_2738, %add3A_2739 : i32
      %broadcast_in_dim3A_2741 = vector.broadcast %add3A_2740 : i32 to vector<16xi32>
      %lt3A_2742 = arith.cmpf olt, %gather3A_2735, %gather3A_2540 : vector<16xf32>
      %eq3A_2743 = arith.cmpf oeq, %gather3A_2735, %gather3A_2540 : vector<16xf32>
      %lt3A_2744 = arith.cmpi slt, %broadcast_in_dim3A_2741, %add3A_2537 : vector<16xi32>
      %and3A_2745 = arith.andi %eq3A_2743, %lt3A_2744 : vector<16xi1>
      %or3A_2746 = arith.ori %lt3A_2742, %and3A_2745 : vector<16xi1>
      %lt3A_2747 = arith.constant 5.000000e+29 : f32
      %lt3A_2748 = vector.broadcast %lt3A_2747 : f32 to vector<16xf32>
      %lt3A_2749 = arith.cmpf olt, %gather3A_2735, %lt3A_2748 : vector<16xf32>
      %eq3A_2750 = arith.cmpi eq, %gather3A_2736, %gather3A_2541 : vector<16xi32>
      %and3A_2751 = arith.andi %lt3A_2749, %eq3A_2750 : vector<16xi1>
      %and3A_2752 = arith.andi %and3A_2751, %or3A_2746 : vector<16xi1>
      %or3A_2753 = arith.ori %or3A_2732, %and3A_2752 : vector<16xi1>
      %broadcast_in_dim3A_2754 = arith.constant 2 : i32
      %broadcast_in_dim3A_2755 = vector.broadcast %broadcast_in_dim3A_2754 : i32 to vector<16xi32>
      %gather3A_2756 = tpu.vector_load_idx %arg26[%broadcast_in_dim3A_2712, %broadcast_in_dim3A_2755] : memref<16x16xf32, #tpu.memory_space<vmem>>[vector<16xi32>, vector<16xi32>], vector<16xf32>,
      %gather3A_2757 = tpu.vector_load_idx %arg27[%broadcast_in_dim3A_2712, %broadcast_in_dim3A_2755] : memref<16x16xi32, #tpu.memory_space<vmem>>[vector<16xi32>, vector<16xi32>], vector<16xi32>,
      %mul3A_2758 = arith.constant 7 : i32
      %mul3A_2759 = arith.muli %scan3A_2710, %mul3A_2758 : i32
      %add3A_2760 = arith.constant 2 : i32
      %add3A_2761 = arith.addi %mul3A_2759, %add3A_2760 : i32
      %broadcast_in_dim3A_2762 = vector.broadcast %add3A_2761 : i32 to vector<16xi32>
      %lt3A_2763 = arith.cmpf olt, %gather3A_2756, %gather3A_2540 : vector<16xf32>
      %eq3A_2764 = arith.cmpf oeq, %gather3A_2756, %gather3A_2540 : vector<16xf32>
      %lt3A_2765 = arith.cmpi slt, %broadcast_in_dim3A_2762, %add3A_2537 : vector<16xi32>
      %and3A_2766 = arith.andi %eq3A_2764, %lt3A_2765 : vector<16xi1>
      %or3A_2767 = arith.ori %lt3A_2763, %and3A_2766 : vector<16xi1>
      %lt3A_2768 = arith.constant 5.000000e+29 : f32
      %lt3A_2769 = vector.broadcast %lt3A_2768 : f32 to vector<16xf32>
      %lt3A_2770 = arith.cmpf olt, %gather3A_2756, %lt3A_2769 : vector<16xf32>
      %eq3A_2771 = arith.cmpi eq, %gather3A_2757, %gather3A_2541 : vector<16xi32>
      %and3A_2772 = arith.andi %lt3A_2770, %eq3A_2771 : vector<16xi1>
      %and3A_2773 = arith.andi %and3A_2772, %or3A_2767 : vector<16xi1>
      %or3A_2774 = arith.ori %or3A_2753, %and3A_2773 : vector<16xi1>
      %broadcast_in_dim3A_2775 = arith.constant 3 : i32
      %broadcast_in_dim3A_2776 = vector.broadcast %broadcast_in_dim3A_2775 : i32 to vector<16xi32>
      %gather3A_2777 = tpu.vector_load_idx %arg26[%broadcast_in_dim3A_2712, %broadcast_in_dim3A_2776] : memref<16x16xf32, #tpu.memory_space<vmem>>[vector<16xi32>, vector<16xi32>], vector<16xf32>,
      %gather3A_2778 = tpu.vector_load_idx %arg27[%broadcast_in_dim3A_2712, %broadcast_in_dim3A_2776] : memref<16x16xi32, #tpu.memory_space<vmem>>[vector<16xi32>, vector<16xi32>], vector<16xi32>,
      %mul3A_2779 = arith.constant 7 : i32
      %mul3A_2780 = arith.muli %scan3A_2710, %mul3A_2779 : i32
      %add3A_2781 = arith.constant 3 : i32
      %add3A_2782 = arith.addi %mul3A_2780, %add3A_2781 : i32
      %broadcast_in_dim3A_2783 = vector.broadcast %add3A_2782 : i32 to vector<16xi32>
      %lt3A_2784 = arith.cmpf olt, %gather3A_2777, %gather3A_2540 : vector<16xf32>
      %eq3A_2785 = arith.cmpf oeq, %gather3A_2777, %gather3A_2540 : vector<16xf32>
      %lt3A_2786 = arith.cmpi slt, %broadcast_in_dim3A_2783, %add3A_2537 : vector<16xi32>
      %and3A_2787 = arith.andi %eq3A_2785, %lt3A_2786 : vector<16xi1>
      %or3A_2788 = arith.ori %lt3A_2784, %and3A_2787 : vector<16xi1>
      %lt3A_2789 = arith.constant 5.000000e+29 : f32
      %lt3A_2790 = vector.broadcast %lt3A_2789 : f32 to vector<16xf32>
      %lt3A_2791 = arith.cmpf olt, %gather3A_2777, %lt3A_2790 : vector<16xf32>
      %eq3A_2792 = arith.cmpi eq, %gather3A_2778, %gather3A_2541 : vector<16xi32>
      %and3A_2793 = arith.andi %lt3A_2791, %eq3A_2792 : vector<16xi1>
      %and3A_2794 = arith.andi %and3A_2793, %or3A_2788 : vector<16xi1>
      %or3A_2795 = arith.ori %or3A_2774, %and3A_2794 : vector<16xi1>
      %broadcast_in_dim3A_2796 = arith.constant 4 : i32
      %broadcast_in_dim3A_2797 = vector.broadcast %broadcast_in_dim3A_2796 : i32 to vector<16xi32>
      %gather3A_2798 = tpu.vector_load_idx %arg26[%broadcast_in_dim3A_2712, %broadcast_in_dim3A_2797] : memref<16x16xf32, #tpu.memory_space<vmem>>[vector<16xi32>, vector<16xi32>], vector<16xf32>,
      %gather3A_2799 = tpu.vector_load_idx %arg27[%broadcast_in_dim3A_2712, %broadcast_in_dim3A_2797] : memref<16x16xi32, #tpu.memory_space<vmem>>[vector<16xi32>, vector<16xi32>], vector<16xi32>,
      %mul3A_2800 = arith.constant 7 : i32
      %mul3A_2801 = arith.muli %scan3A_2710, %mul3A_2800 : i32
      %add3A_2802 = arith.constant 4 : i32
      %add3A_2803 = arith.addi %mul3A_2801, %add3A_2802 : i32
      %broadcast_in_dim3A_2804 = vector.broadcast %add3A_2803 : i32 to vector<16xi32>
      %lt3A_2805 = arith.cmpf olt, %gather3A_2798, %gather3A_2540 : vector<16xf32>
      %eq3A_2806 = arith.cmpf oeq, %gather3A_2798, %gather3A_2540 : vector<16xf32>
      %lt3A_2807 = arith.cmpi slt, %broadcast_in_dim3A_2804, %add3A_2537 : vector<16xi32>
      %and3A_2808 = arith.andi %eq3A_2806, %lt3A_2807 : vector<16xi1>
      %or3A_2809 = arith.ori %lt3A_2805, %and3A_2808 : vector<16xi1>
      %lt3A_2810 = arith.constant 5.000000e+29 : f32
      %lt3A_2811 = vector.broadcast %lt3A_2810 : f32 to vector<16xf32>
      %lt3A_2812 = arith.cmpf olt, %gather3A_2798, %lt3A_2811 : vector<16xf32>
      %eq3A_2813 = arith.cmpi eq, %gather3A_2799, %gather3A_2541 : vector<16xi32>
      %and3A_2814 = arith.andi %lt3A_2812, %eq3A_2813 : vector<16xi1>
      %and3A_2815 = arith.andi %and3A_2814, %or3A_2809 : vector<16xi1>
      %or3A_2816 = arith.ori %or3A_2795, %and3A_2815 : vector<16xi1>
      %broadcast_in_dim3A_2817 = arith.constant 5 : i32
      %broadcast_in_dim3A_2818 = vector.broadcast %broadcast_in_dim3A_2817 : i32 to vector<16xi32>
      %gather3A_2819 = tpu.vector_load_idx %arg26[%broadcast_in_dim3A_2712, %broadcast_in_dim3A_2818] : memref<16x16xf32, #tpu.memory_space<vmem>>[vector<16xi32>, vector<16xi32>], vector<16xf32>,
      %gather3A_2820 = tpu.vector_load_idx %arg27[%broadcast_in_dim3A_2712, %broadcast_in_dim3A_2818] : memref<16x16xi32, #tpu.memory_space<vmem>>[vector<16xi32>, vector<16xi32>], vector<16xi32>,
      %mul3A_2821 = arith.constant 7 : i32
      %mul3A_2822 = arith.muli %scan3A_2710, %mul3A_2821 : i32
      %add3A_2823 = arith.constant 5 : i32
      %add3A_2824 = arith.addi %mul3A_2822, %add3A_2823 : i32
      %broadcast_in_dim3A_2825 = vector.broadcast %add3A_2824 : i32 to vector<16xi32>
      %lt3A_2826 = arith.cmpf olt, %gather3A_2819, %gather3A_2540 : vector<16xf32>
      %eq3A_2827 = arith.cmpf oeq, %gather3A_2819, %gather3A_2540 : vector<16xf32>
      %lt3A_2828 = arith.cmpi slt, %broadcast_in_dim3A_2825, %add3A_2537 : vector<16xi32>
      %and3A_2829 = arith.andi %eq3A_2827, %lt3A_2828 : vector<16xi1>
      %or3A_2830 = arith.ori %lt3A_2826, %and3A_2829 : vector<16xi1>
      %lt3A_2831 = arith.constant 5.000000e+29 : f32
      %lt3A_2832 = vector.broadcast %lt3A_2831 : f32 to vector<16xf32>
      %lt3A_2833 = arith.cmpf olt, %gather3A_2819, %lt3A_2832 : vector<16xf32>
      %eq3A_2834 = arith.cmpi eq, %gather3A_2820, %gather3A_2541 : vector<16xi32>
      %and3A_2835 = arith.andi %lt3A_2833, %eq3A_2834 : vector<16xi1>
      %and3A_2836 = arith.andi %and3A_2835, %or3A_2830 : vector<16xi1>
      %or3A_2837 = arith.ori %or3A_2816, %and3A_2836 : vector<16xi1>
      %broadcast_in_dim3A_2838 = arith.constant 6 : i32
      %broadcast_in_dim3A_2839 = vector.broadcast %broadcast_in_dim3A_2838 : i32 to vector<16xi32>
      %gather3A_2840 = tpu.vector_load_idx %arg26[%broadcast_in_dim3A_2712, %broadcast_in_dim3A_2839] : memref<16x16xf32, #tpu.memory_space<vmem>>[vector<16xi32>, vector<16xi32>], vector<16xf32>,
      %gather3A_2841 = tpu.vector_load_idx %arg27[%broadcast_in_dim3A_2712, %broadcast_in_dim3A_2839] : memref<16x16xi32, #tpu.memory_space<vmem>>[vector<16xi32>, vector<16xi32>], vector<16xi32>,
      %mul3A_2842 = arith.constant 7 : i32
      %mul3A_2843 = arith.muli %scan3A_2710, %mul3A_2842 : i32
      %add3A_2844 = arith.constant 6 : i32
      %add3A_2845 = arith.addi %mul3A_2843, %add3A_2844 : i32
      %broadcast_in_dim3A_2846 = vector.broadcast %add3A_2845 : i32 to vector<16xi32>
      %lt3A_2847 = arith.cmpf olt, %gather3A_2840, %gather3A_2540 : vector<16xf32>
      %eq3A_2848 = arith.cmpf oeq, %gather3A_2840, %gather3A_2540 : vector<16xf32>
      %lt3A_2849 = arith.cmpi slt, %broadcast_in_dim3A_2846, %add3A_2537 : vector<16xi32>
      %and3A_2850 = arith.andi %eq3A_2848, %lt3A_2849 : vector<16xi1>
      %or3A_2851 = arith.ori %lt3A_2847, %and3A_2850 : vector<16xi1>
      %lt3A_2852 = arith.constant 5.000000e+29 : f32
      %lt3A_2853 = vector.broadcast %lt3A_2852 : f32 to vector<16xf32>
      %lt3A_2854 = arith.cmpf olt, %gather3A_2840, %lt3A_2853 : vector<16xf32>
      %eq3A_2855 = arith.cmpi eq, %gather3A_2841, %gather3A_2541 : vector<16xi32>
      %and3A_2856 = arith.andi %lt3A_2854, %eq3A_2855 : vector<16xi1>
      %and3A_2857 = arith.andi %and3A_2856, %or3A_2851 : vector<16xi1>
      %or3A_2858 = arith.ori %or3A_2837, %and3A_2857 : vector<16xi1>
      scf.yield %or3A_2858 : vector<16xi1>
    }
    %scan3A_2552 = arith.constant 16 : i32
    %not3A_2553 = arith.constant dense<true> : vector<16xi1>
    %not3A_2554 = arith.xori %scan3A_2551, %not3A_2553 : vector<16xi1>
    %and3A_2555 = arith.andi %lt3A_2544, %not3A_2554 : vector<16xi1>
    %jit3A_2556 = arith.constant 0.000000e+00 : f32
    %broadcast_in_dim3A_2557 = vector.broadcast %jit3A_2556 : f32 to vector<16xf32>
    %select_n3A_2558 = arith.select %and3A_2555, %gather3A_2540, %broadcast_in_dim3A_2557 : vector<16xi1>, vector<16xf32>
    %add3A_2559 = arith.addf %add3A_2510, %select_n3A_2558 : vector<16xf32>
    %jit3A_2560 = arith.constant 1.000000e+00 : f32
    %jit3A_2561 = arith.constant 0.000000e+00 : f32
    %broadcast_in_dim3A_2562 = vector.broadcast %jit3A_2560 : f32 to vector<16xf32>
    %broadcast_in_dim3A_2563 = vector.broadcast %jit3A_2561 : f32 to vector<16xf32>
    %select_n3A_2564 = arith.select %and3A_2555, %broadcast_in_dim3A_2562, %broadcast_in_dim3A_2563 : vector<16xi1>, vector<16xf32>
    %add3A_2565 = arith.addf %add3A_2516, %select_n3A_2564 : vector<16xf32>
    %ge3A_2566 = arith.cmpi sge, %gather3A_2541, %broadcast_in_dim3A_2235 : vector<16xi32>
    %and3A_2567 = arith.andi %and3A_2555, %ge3A_2566 : vector<16xi1>
    %add3A_2568 = arith.constant 1264 : i32
    %add3A_2569 = vector.broadcast %add3A_2568 : i32 to vector<16xi32>
    %add3A_2570 = arith.addi %broadcast_in_dim3A_2235, %add3A_2569 : vector<16xi32>
    %lt3A_2571 = arith.cmpi slt, %gather3A_2541, %add3A_2570 : vector<16xi32>
    %and3A_2572 = arith.andi %and3A_2567, %lt3A_2571 : vector<16xi1>
    %sub3A_2573 = arith.subi %gather3A_2541, %broadcast_in_dim3A_2235 : vector<16xi32>
    %jit3A_2574 = arith.constant 0 : i32
    %broadcast_in_dim3A_2575 = vector.broadcast %jit3A_2574 : i32 to vector<16xi32>
    %select_n3A_2576 = arith.select %and3A_2572, %sub3A_2573, %broadcast_in_dim3A_2575 : vector<16xi1>, vector<16xi32>
    %add3A_2577 = arith.constant 1 : i32
    %add3A_2578 = vector.broadcast %add3A_2577 : i32 to vector<16xi32>
    %add3A_2579 = arith.addi %add3A_2537, %add3A_2578 : vector<16xi32>
    tpu.vector_store_idx %arg28[%select_n3A_2576], %add3A_2579 masked %and3A_2572 : memref<1264xi32, #tpu.memory_space<vmem>>[vector<16xi32>], vector<16xi32>, vector<16xi1>
    %gather3A_2580 = tpu.vector_load_idx %arg16[%add3A_2537] : memref<112xi32, #tpu.memory_space<vmem>>[vector<16xi32>], vector<16xi32>,
    tpu.vector_store_idx %arg29[%select_n3A_2576], %gather3A_2580 masked %and3A_2572 : memref<1264xi32, #tpu.memory_space<vmem>>[vector<16xi32>], vector<16xi32>, vector<16xi1>
    %iota3A_2581 = tpu.iota {dimensions = array<i32: 0>} : vector<16xi32>
    %xor3A_2582 = arith.constant 1 : i32
    %xor3A_2583 = vector.broadcast %xor3A_2582 : i32 to vector<16xi32>
    %xor3A_2584 = arith.xori %iota3A_2581, %xor3A_2583 : vector<16xi32>
    %lt3A_2585 = arith.constant 0 : i32
    %lt3A_2586 = vector.broadcast %lt3A_2585 : i32 to vector<16xi32>
    %lt3A_2587 = arith.cmpi slt, %xor3A_2584, %lt3A_2586 : vector<16xi32>
    %add3A_2588 = arith.constant 16 : i32
    %add3A_2589 = vector.broadcast %add3A_2588 : i32 to vector<16xi32>
    %add3A_2590 = arith.addi %xor3A_2584, %add3A_2589 : vector<16xi32>
    %select_n3A_2591 = arith.select %lt3A_2587, %add3A_2590, %xor3A_2584 : vector<16xi1>, vector<16xi32>
    %reshape3A_2592 = vector.shape_cast %select_n3A_2591 : vector<16xi32> to vector<16x1xi32>
    %gather3A_2593 = vector.shape_cast %reshape3A_2592 : vector<16x1xi32> to vector<16xi32>
    %gather3A_2594 = tpu.dynamic_gather %add3A_2559[%gather3A_2593] in [0] : vector<16xf32>, vector<16xi32> -> vector<16xf32>
    %add3A_2595 = arith.addf %add3A_2559, %gather3A_2594 : vector<16xf32>
    %iota3A_2596 = tpu.iota {dimensions = array<i32: 0>} : vector<16xi32>
    %xor3A_2597 = arith.constant 2 : i32
    %xor3A_2598 = vector.broadcast %xor3A_2597 : i32 to vector<16xi32>
    %xor3A_2599 = arith.xori %iota3A_2596, %xor3A_2598 : vector<16xi32>
    %lt3A_2600 = arith.constant 0 : i32
    %lt3A_2601 = vector.broadcast %lt3A_2600 : i32 to vector<16xi32>
    %lt3A_2602 = arith.cmpi slt, %xor3A_2599, %lt3A_2601 : vector<16xi32>
    %add3A_2603 = arith.constant 16 : i32
    %add3A_2604 = vector.broadcast %add3A_2603 : i32 to vector<16xi32>
    %add3A_2605 = arith.addi %xor3A_2599, %add3A_2604 : vector<16xi32>
    %select_n3A_2606 = arith.select %lt3A_2602, %add3A_2605, %xor3A_2599 : vector<16xi1>, vector<16xi32>
    %reshape3A_2607 = vector.shape_cast %select_n3A_2606 : vector<16xi32> to vector<16x1xi32>
    %gather3A_2608 = vector.shape_cast %reshape3A_2607 : vector<16x1xi32> to vector<16xi32>
    %gather3A_2609 = tpu.dynamic_gather %add3A_2595[%gather3A_2608] in [0] : vector<16xf32>, vector<16xi32> -> vector<16xf32>
    %add3A_2610 = arith.addf %add3A_2595, %gather3A_2609 : vector<16xf32>
    %iota3A_2611 = tpu.iota {dimensions = array<i32: 0>} : vector<16xi32>
    %xor3A_2612 = arith.constant 4 : i32
    %xor3A_2613 = vector.broadcast %xor3A_2612 : i32 to vector<16xi32>
    %xor3A_2614 = arith.xori %iota3A_2611, %xor3A_2613 : vector<16xi32>
    %lt3A_2615 = arith.constant 0 : i32
    %lt3A_2616 = vector.broadcast %lt3A_2615 : i32 to vector<16xi32>
    %lt3A_2617 = arith.cmpi slt, %xor3A_2614, %lt3A_2616 : vector<16xi32>
    %add3A_2618 = arith.constant 16 : i32
    %add3A_2619 = vector.broadcast %add3A_2618 : i32 to vector<16xi32>
    %add3A_2620 = arith.addi %xor3A_2614, %add3A_2619 : vector<16xi32>
    %select_n3A_2621 = arith.select %lt3A_2617, %add3A_2620, %xor3A_2614 : vector<16xi1>, vector<16xi32>
    %reshape3A_2622 = vector.shape_cast %select_n3A_2621 : vector<16xi32> to vector<16x1xi32>
    %gather3A_2623 = vector.shape_cast %reshape3A_2622 : vector<16x1xi32> to vector<16xi32>
    %gather3A_2624 = tpu.dynamic_gather %add3A_2610[%gather3A_2623] in [0] : vector<16xf32>, vector<16xi32> -> vector<16xf32>
    %add3A_2625 = arith.addf %add3A_2610, %gather3A_2624 : vector<16xf32>
    %iota3A_2626 = tpu.iota {dimensions = array<i32: 0>} : vector<16xi32>
    %xor3A_2627 = arith.constant 8 : i32
    %xor3A_2628 = vector.broadcast %xor3A_2627 : i32 to vector<16xi32>
    %xor3A_2629 = arith.xori %iota3A_2626, %xor3A_2628 : vector<16xi32>
    %lt3A_2630 = arith.constant 0 : i32
    %lt3A_2631 = vector.broadcast %lt3A_2630 : i32 to vector<16xi32>
    %lt3A_2632 = arith.cmpi slt, %xor3A_2629, %lt3A_2631 : vector<16xi32>
    %add3A_2633 = arith.constant 16 : i32
    %add3A_2634 = vector.broadcast %add3A_2633 : i32 to vector<16xi32>
    %add3A_2635 = arith.addi %xor3A_2629, %add3A_2634 : vector<16xi32>
    %select_n3A_2636 = arith.select %lt3A_2632, %add3A_2635, %xor3A_2629 : vector<16xi1>, vector<16xi32>
    %reshape3A_2637 = vector.shape_cast %select_n3A_2636 : vector<16xi32> to vector<16x1xi32>
    %gather3A_2638 = vector.shape_cast %reshape3A_2637 : vector<16x1xi32> to vector<16xi32>
    %gather3A_2639 = tpu.dynamic_gather %add3A_2625[%gather3A_2638] in [0] : vector<16xf32>, vector<16xi32> -> vector<16xf32>
    %add3A_2640 = arith.addf %add3A_2625, %gather3A_2639 : vector<16xf32>
    %iota3A_2641 = tpu.iota {dimensions = array<i32: 0>} : vector<16xi32>
    %xor3A_2642 = arith.constant 1 : i32
    %xor3A_2643 = vector.broadcast %xor3A_2642 : i32 to vector<16xi32>
    %xor3A_2644 = arith.xori %iota3A_2641, %xor3A_2643 : vector<16xi32>
    %lt3A_2645 = arith.constant 0 : i32
    %lt3A_2646 = vector.broadcast %lt3A_2645 : i32 to vector<16xi32>
    %lt3A_2647 = arith.cmpi slt, %xor3A_2644, %lt3A_2646 : vector<16xi32>
    %add3A_2648 = arith.constant 16 : i32
    %add3A_2649 = vector.broadcast %add3A_2648 : i32 to vector<16xi32>
    %add3A_2650 = arith.addi %xor3A_2644, %add3A_2649 : vector<16xi32>
    %select_n3A_2651 = arith.select %lt3A_2647, %add3A_2650, %xor3A_2644 : vector<16xi1>, vector<16xi32>
    %reshape3A_2652 = vector.shape_cast %select_n3A_2651 : vector<16xi32> to vector<16x1xi32>
    %gather3A_2653 = vector.shape_cast %reshape3A_2652 : vector<16x1xi32> to vector<16xi32>
    %gather3A_2654 = tpu.dynamic_gather %add3A_2565[%gather3A_2653] in [0] : vector<16xf32>, vector<16xi32> -> vector<16xf32>
    %add3A_2655 = arith.addf %add3A_2565, %gather3A_2654 : vector<16xf32>
    %iota3A_2656 = tpu.iota {dimensions = array<i32: 0>} : vector<16xi32>
    %xor3A_2657 = arith.constant 2 : i32
    %xor3A_2658 = vector.broadcast %xor3A_2657 : i32 to vector<16xi32>
    %xor3A_2659 = arith.xori %iota3A_2656, %xor3A_2658 : vector<16xi32>
    %lt3A_2660 = arith.constant 0 : i32
    %lt3A_2661 = vector.broadcast %lt3A_2660 : i32 to vector<16xi32>
    %lt3A_2662 = arith.cmpi slt, %xor3A_2659, %lt3A_2661 : vector<16xi32>
    %add3A_2663 = arith.constant 16 : i32
    %add3A_2664 = vector.broadcast %add3A_2663 : i32 to vector<16xi32>
    %add3A_2665 = arith.addi %xor3A_2659, %add3A_2664 : vector<16xi32>
    %select_n3A_2666 = arith.select %lt3A_2662, %add3A_2665, %xor3A_2659 : vector<16xi1>, vector<16xi32>
    %reshape3A_2667 = vector.shape_cast %select_n3A_2666 : vector<16xi32> to vector<16x1xi32>
    %gather3A_2668 = vector.shape_cast %reshape3A_2667 : vector<16x1xi32> to vector<16xi32>
    %gather3A_2669 = tpu.dynamic_gather %add3A_2655[%gather3A_2668] in [0] : vector<16xf32>, vector<16xi32> -> vector<16xf32>
    %add3A_2670 = arith.addf %add3A_2655, %gather3A_2669 : vector<16xf32>
    %iota3A_2671 = tpu.iota {dimensions = array<i32: 0>} : vector<16xi32>
    %xor3A_2672 = arith.constant 4 : i32
    %xor3A_2673 = vector.broadcast %xor3A_2672 : i32 to vector<16xi32>
    %xor3A_2674 = arith.xori %iota3A_2671, %xor3A_2673 : vector<16xi32>
    %lt3A_2675 = arith.constant 0 : i32
    %lt3A_2676 = vector.broadcast %lt3A_2675 : i32 to vector<16xi32>
    %lt3A_2677 = arith.cmpi slt, %xor3A_2674, %lt3A_2676 : vector<16xi32>
    %add3A_2678 = arith.constant 16 : i32
    %add3A_2679 = vector.broadcast %add3A_2678 : i32 to vector<16xi32>
    %add3A_2680 = arith.addi %xor3A_2674, %add3A_2679 : vector<16xi32>
    %select_n3A_2681 = arith.select %lt3A_2677, %add3A_2680, %xor3A_2674 : vector<16xi1>, vector<16xi32>
    %reshape3A_2682 = vector.shape_cast %select_n3A_2681 : vector<16xi32> to vector<16x1xi32>
    %gather3A_2683 = vector.shape_cast %reshape3A_2682 : vector<16x1xi32> to vector<16xi32>
    %gather3A_2684 = tpu.dynamic_gather %add3A_2670[%gather3A_2683] in [0] : vector<16xf32>, vector<16xi32> -> vector<16xf32>
    %add3A_2685 = arith.addf %add3A_2670, %gather3A_2684 : vector<16xf32>
    %iota3A_2686 = tpu.iota {dimensions = array<i32: 0>} : vector<16xi32>
    %xor3A_2687 = arith.constant 8 : i32
    %xor3A_2688 = vector.broadcast %xor3A_2687 : i32 to vector<16xi32>
    %xor3A_2689 = arith.xori %iota3A_2686, %xor3A_2688 : vector<16xi32>
    %lt3A_2690 = arith.constant 0 : i32
    %lt3A_2691 = vector.broadcast %lt3A_2690 : i32 to vector<16xi32>
    %lt3A_2692 = arith.cmpi slt, %xor3A_2689, %lt3A_2691 : vector<16xi32>
    %add3A_2693 = arith.constant 16 : i32
    %add3A_2694 = vector.broadcast %add3A_2693 : i32 to vector<16xi32>
    %add3A_2695 = arith.addi %xor3A_2689, %add3A_2694 : vector<16xi32>
    %select_n3A_2696 = arith.select %lt3A_2692, %add3A_2695, %xor3A_2689 : vector<16xi1>, vector<16xi32>
    %reshape3A_2697 = vector.shape_cast %select_n3A_2696 : vector<16xi32> to vector<16x1xi32>
    %gather3A_2698 = vector.shape_cast %reshape3A_2697 : vector<16x1xi32> to vector<16xi32>
    %gather3A_2699 = tpu.dynamic_gather %add3A_2685[%gather3A_2698] in [0] : vector<16xf32>, vector<16xi32> -> vector<16xf32>
    %add3A_2700 = arith.addf %add3A_2685, %gather3A_2699 : vector<16xf32>
    %max3A_2701 = arith.constant 1.000000e+00 : f32
    %max3A_2702 = vector.broadcast %max3A_2701 : f32 to vector<16xf32>
    %max3A_2703 = arith.maximumf %add3A_2700, %max3A_2702 : vector<16xf32>
    %div3A_2704 = arith.divf %add3A_2640, %max3A_2703 : vector<16xf32>
    %swap3A_2705 = arith.constant 0 : index
    %swap3A_2706 = tpu.vector_load %arg30[%swap3A_2705] {strides = array<i32>} : memref<16xf32, #tpu.memory_space<vmem>>, vector<16xf32>,
    tpu.vector_store %arg30[%swap3A_2705], %div3A_2704 {strides = array<i32>} : memref<16xf32, #tpu.memory_space<vmem>>, vector<16xf32>,
    "tpu.region"() ({
      %run_scoped3A = tpu.sem_alloc : memref<!tpu.dma_semaphore, #tpu.memory_space<semaphore_mem>>
      %dma_start3A = tpu.memref_slice %arg8[%mul3A_2234] : memref<20224xi32, #tpu.memory_space<hbm>> -> memref<1264xi32, #tpu.memory_space<hbm>>
      %dma_start3A_2710 = tpu.memref_slice %arg8[%mul3A_2234] : memref<20224xi32, #tpu.memory_space<hbm>> -> memref<1264xi32, #tpu.memory_space<hbm>>
      tpu.enqueue_dma source(%arg28 : memref<1264xi32, #tpu.memory_space<vmem>>) target(%dma_start3A_2710 : memref<1264xi32, #tpu.memory_space<hbm>>) target_semaphore(%run_scoped3A : memref<!tpu.dma_semaphore, #tpu.memory_space<semaphore_mem>>)
      %dma_wait3A = tpu.memref_slice %arg8[%mul3A_2234] : memref<20224xi32, #tpu.memory_space<hbm>> -> memref<1264xi32, #tpu.memory_space<hbm>>
      %dma_wait3A_2711 = tpu.memref_slice %arg8[%mul3A_2234] : memref<20224xi32, #tpu.memory_space<hbm>> -> memref<1264xi32, #tpu.memory_space<hbm>>
      tpu.wait_dma2 semaphore(%run_scoped3A : memref<!tpu.dma_semaphore, #tpu.memory_space<semaphore_mem>>) src(%arg28 : memref<1264xi32, #tpu.memory_space<vmem>>) dst(%dma_wait3A_2711 : memref<1264xi32, #tpu.memory_space<hbm>>)
      tpu.yield
    }) : () -> ()
    "tpu.region"() ({
      %run_scoped3A = tpu.sem_alloc : memref<!tpu.dma_semaphore, #tpu.memory_space<semaphore_mem>>
      %dma_start3A = tpu.memref_slice %arg9[%mul3A_2234] : memref<20224xi32, #tpu.memory_space<hbm>> -> memref<1264xi32, #tpu.memory_space<hbm>>
      %dma_start3A_2710 = tpu.memref_slice %arg9[%mul3A_2234] : memref<20224xi32, #tpu.memory_space<hbm>> -> memref<1264xi32, #tpu.memory_space<hbm>>
      tpu.enqueue_dma source(%arg29 : memref<1264xi32, #tpu.memory_space<vmem>>) target(%dma_start3A_2710 : memref<1264xi32, #tpu.memory_space<hbm>>) target_semaphore(%run_scoped3A : memref<!tpu.dma_semaphore, #tpu.memory_space<semaphore_mem>>)
      %dma_wait3A = tpu.memref_slice %arg9[%mul3A_2234] : memref<20224xi32, #tpu.memory_space<hbm>> -> memref<1264xi32, #tpu.memory_space<hbm>>
      %dma_wait3A_2711 = tpu.memref_slice %arg9[%mul3A_2234] : memref<20224xi32, #tpu.memory_space<hbm>> -> memref<1264xi32, #tpu.memory_space<hbm>>
      tpu.wait_dma2 semaphore(%run_scoped3A : memref<!tpu.dma_semaphore, #tpu.memory_space<semaphore_mem>>) src(%arg29 : memref<1264xi32, #tpu.memory_space<vmem>>) dst(%dma_wait3A_2711 : memref<1264xi32, #tpu.memory_space<hbm>>)
      tpu.yield
    }) : () -> ()
    %eq3A = arith.constant 0 : i32
    %eq3A_2707 = arith.cmpi eq, %arg1, %eq3A : i32
    %convert_element_type3A_2708 = arith.extui %eq3A_2707 : i1 to i32
    %cond3A = arith.constant 0 : i32
    %cond3A_2709 = arith.cmpi ne, %convert_element_type3A_2708, %cond3A : i32
    scf.if %cond3A_2709 {
      "tpu.region"() ({
        %run_scoped3A = tpu.sem_alloc : memref<!tpu.dma_semaphore, #tpu.memory_space<semaphore_mem>>
        tpu.enqueue_dma source(%arg30 : memref<16xf32, #tpu.memory_space<vmem>>) target(%arg10 : memref<16xf32, #tpu.memory_space<hbm>>) target_semaphore(%run_scoped3A : memref<!tpu.dma_semaphore, #tpu.memory_space<semaphore_mem>>)
        tpu.wait_dma2 semaphore(%run_scoped3A : memref<!tpu.dma_semaphore, #tpu.memory_space<semaphore_mem>>) src(%arg30 : memref<16xf32, #tpu.memory_space<vmem>>) dst(%arg10 : memref<16xf32, #tpu.memory_space<hbm>>)
        tpu.yield
      }) : () -> ()
    } else {
    }
    return
  }
}

</mosaic_0001>

<sc_bundles>
// kernel: kernel.3.cloned.1.call-start
scs
__scs_entry_jumppad:
0x0: {  	(pc) =	sbr.rel $0x88, $3  }
0x1: {  	(tag) =	ssettag $0x0;
	lr =	simm.s32 $0x1  }
0x2: {  	[smem:$0x3F9E] =	sst lr;
	_ =	strace $0xD0000000  }
0x3: {  	_ = 	snop  }
0x4: {  	_ = 	snop  }
0x5: {  	_ = 	snop  }
0x6: {  	_ = 	snop  }
0x7: {  	_ = 	snop  }
__scs_overlays_trampoline_lowered:
0x8: {  	[smem:$0x3FAD] =	sst s0  }
0x9: {  	[smem:$0x3FAE] =	sst s1  }
0xa: {  	[smem:$0x3FAF] =	sst s2  }
0xb: {  	[smem:$0x3FB0] =	sst s3  }
0xc: {  	[smem:$0x3FB1] =	sst s4  }
0xd: {  	[smem:$0x3FB2] =	sst s5  }
0xe: {  	[smem:$0x3FB3] =	sst s6  }
0xf: {  	[smem:$0x3FB4] =	sst s7  }
0x10: {  	[smem:$0x3FB5] =	sst s8  }
0x11: {  	[smem:$0x3FB6] =	sst s9;
	s0 =	simm.s32 @!p0 $0x0  }
0x12: {  	s1 =	sld [smem:$0x3F9C];
	s0 =	simm.s32 @p0 $0x1  }
0x13: {  	[smem:$0x3FB7] =	sst s0;
	s0 =	simm.s32 @!p1 $0x0  }
0x14: {  	s2 =	sld [smem:$0x3F9B];
	s0 =	simm.s32 @p1 $0x1  }
0x15: {  	[smem:$0x3FB8] =	sst s0;
	s0 =	simm.s32 @!p2 $0x0  }
0x16: {  	s3 =	sld [smem:$0x3FDB];
	s0 =	simm.s32 @p2 $0x1  }
0x17: {  	s4 =	simm.s32 $0x1BF5;
	[smem:$0x3FBA] =	sst s0  }
0x18: {  	s0 =	sld [smem:$0x3F9D];
	_ =	swait.ge [sflag:s4], $0x0  }
0x19: {  	s7 =	sld [smem:$0x3F9E]  }
0x1a: {  	s8 =	sadd.s32 $0xFFFFE003, lr  }
0x1b: {  	s9 =	sadd.s32 $0xFFFFFEF7, lr;
	s5 =	simm.s32 $0xFFFFFFFF;
	p2 =	slt.u32 s8, $0xFFFFF086  }
0x1c: {  	p1 =	slt.u32 s9, $0xF7A;
	s5 =	simm.s32 @!p2 $0x0  }
0x1d: {  	s5 =	simm.s32 @p1 $0x1;
	p0 =	seq.s32 s7, s2  }
0x1e: {  	s7 =	smul.u32 @!p0 $0xF7A, s2;
	p2 =	seq.s32 @!p0 s5, $0x0  }
0x1f: {  	s9 =	smul.u32 $0xF7A, s1;
	s8 =	simm.s32 @!p0 $0x1BF5;
	p2 =	por !p2, p0  }
0x20: {  	[sflag:s8] =	ssyncset.s32 @!p0 $0xFFFFF086;
	s6 =	sadd.s32 @!p0 s3, s7;
	s7 =	simm.s32 @!p0 $0x108  }
0x21: {  	s3 =	sadd.s32 s3, s9;
	s6 =	sadd.s32 @!p0 $0x88, s6;
	s7 =	simm.s32 @p2 $0x1082  }
0x22: {  	[simem:s7], [sflag:s8] =	dma.local @!p0 [hbm:s6], $0xF7A  }
0x23: {  	s9 =	sor.u32 $0xD0000000, s2;
	s6 =	simm.s32 $0x108;
	_ =	swait.ge @!p0 [sflag:s8], $0x0  }
0x24: {  	s3 =	sadd.s32 $0x88, s3;
	s6 =	simm.s32 @!p1 $0x1082;
	[sflag:s4] =	ssyncset.s32 $0xFFFFF086  }
0x25: {  	[simem:s6], [sflag:s4] =	dma.local [hbm:s3], $0xF7A  }
0x26: {  	[smem:$0x3F9E] =	sst s1;
	(tag) =	ssettag s2;
	_ =	strace s9  }
0x27: {  	s1 =	sld [smem:$0x3FAE]  }
0x28: {  	s2 =	sld [smem:$0x3FAF]  }
0x29: {  	s4 =	sld [smem:$0x3FB1]  }
0x2a: {  	p0 =	seq.s32 s5, $0x0;
	s5 =	sld [smem:$0x3FB2]  }
0x2b: {  	s6 =	sld [smem:$0x3FB3]  }
0x2c: {  	s7 =	sld [smem:$0x3FB4]  }
0x2d: {  	s3 =	simm.s32 $0x108;
	s8 =	sld [smem:$0x3FB5]  }
0x2e: {  	s3 =	simm.s32 @!p0 $0x1082;
	s9 =	sld [smem:$0x3FB6]  }
0x2f: {  	lr =	sadd.s32 s0, s3;
	s0 =	sld [smem:$0x3FAD]  }
0x30: {  	s3 =	sld [smem:$0x3FB0]  }
0x31: {  	[smem:$0x3FB9] =	sst s10  }
0x32: {  	s10 =	sld [smem:$0x3FB7];
	_ =	sdelay $0x3  }
0x33: {  	p0 =	seq.s32 s10, $0x1;
	s10 =	sld [smem:$0x3FB9];
	_ =	sdelay $0x3  }
0x34: {  	[smem:$0x3FB9] =	sst s10  }
0x35: {  	s10 =	sld [smem:$0x3FB8];
	_ =	sdelay $0x3  }
0x36: {  	p1 =	seq.s32 s10, $0x1;
	s10 =	sld [smem:$0x3FB9];
	_ =	sdelay $0x3  }
0x37: {  	[smem:$0x3FB9] =	sst s10  }
0x38: {  	s10 =	sld [smem:$0x3FBA]  }
0x39: {  	_ = 	snop;
	(pc) =	sbr.ind lr, $3  }
0x3a: {  	_ = 	snop  }
0x3b: {  	_ = 	snop  }
0x3c: {  	p2 =	seq.s32 s10, $0x1;
	s10 =	sld [smem:$0x3FB9]  }
0x3d: {  	_ =	shalt  }
0x3e: {  	_ =	shalt  }
0x3f: {  	_ =	shalt  }
0x40: {  	_ =	shalt  }
0x41: {  	_ =	shalt  }
0x42: {  	_ =	shalt  }
0x43: {  	_ =	shalt  }
0x44: {  	_ =	shalt  }
0x45: {  	_ =	shalt  }
0x46: {  	_ =	shalt  }
0x47: {  	_ =	shalt  }
0x48: {  	_ =	shalt  }
0x49: {  	_ =	shalt  }
0x4a: {  	_ =	shalt  }
0x4b: {  	_ =	shalt  }
0x4c: {  	_ =	shalt  }
0x4d: {  	_ =	shalt  }
0x4e: {  	_ =	shalt  }
0x4f: {  	_ =	shalt  }
0x50: {  	_ =	shalt  }
0x51: {  	_ =	shalt  }
0x52: {  	_ =	shalt  }
0x53: {  	_ =	shalt  }
0x54: {  	_ =	shalt  }
0x55: {  	_ =	shalt  }
0x56: {  	_ =	shalt  }
0x57: {  	_ =	shalt  }
0x58: {  	_ =	shalt  }
0x59: {  	_ =	shalt  }
0x5a: {  	_ =	shalt  }
0x5b: {  	_ =	shalt  }
0x5c: {  	_ =	shalt  }
0x5d: {  	_ =	shalt  }
0x5e: {  	_ =	shalt  }
0x5f: {  	_ =	shalt  }
0x60: {  	_ =	shalt  }
0x61: {  	_ =	shalt  }
0x62: {  	_ =	shalt  }
0x63: {  	_ =	shalt  }
0x64: {  	_ =	shalt  }
0x65: {  	_ =	shalt  }
0x66: {  	_ =	shalt  }
0x67: {  	_ =	shalt  }
0x68: {  	_ =	shalt  }
0x69: {  	_ =	shalt  }
0x6a: {  	_ =	shalt  }
0x6b: {  	_ =	shalt  }
0x6c: {  	_ =	shalt  }
0x6d: {  	_ =	shalt  }
0x6e: {  	_ =	shalt  }
0x6f: {  	_ =	shalt  }
0x70: {  	_ =	shalt  }
0x71: {  	_ =	shalt  }
0x72: {  	_ =	shalt  }
0x73: {  	_ =	shalt  }
0x74: {  	_ =	shalt  }
0x75: {  	_ =	shalt  }
0x76: {  	_ =	shalt  }
0x77: {  	_ =	shalt  }
0x78: {  	_ =	shalt  }
0x79: {  	_ =	shalt  }
0x7a: {  	_ =	shalt  }
0x7b: {  	_ =	shalt  }
0x7c: {  	_ =	shalt  }
0x7d: {  	_ =	shalt  }
0x7e: {  	_ =	shalt  }
0x7f: {  	_ =	shalt  }
0x80: {  	_ =	shalt  }
0x81: {  	_ =	shalt  }
0x82: {  	_ =	shalt  }
0x83: {  	_ =	shalt  }
0x84: {  	_ =	shalt  }
0x85: {  	_ =	shalt  }
0x86: {  	_ =	shalt  }
0x87: {  	_ =	shalt  }
.Lfunc_end0:
.L_simem_size_0:
called_computation_lowered:
.L_overlay_start_0:
0x88: {  	s0 =	sld [smem:$0x3FD9]  }
0x89: {  	s1 =	sld [smem:$0x3FFE];
	_ =	sdelay $0x3  }
0x8a: {  	s0 =	sadd.s32 s1, s0  }
0x8b: {  	[smem:$0x3FC5] =	sst s0  }
0x8c: {  	_ = 	snop  }
0x8d: {  	s0 =	sld [smem:$0x3FD0];
	_ =	sdelay $0x2  }
0x8e: {  	s13 =	simm.s32 $0xA;
	s2 =	simm.s32 $0x10  }
0x8f: {  	[smem:s2], [sflag:s13] =	dma.local [hbm:s0], $0x1  }
0x90: {  	_ =	swait.eq [sflag:s13], $0x1  }
0x91: {  	s14 =	sld [smem:$0x10];
	[sflag:s13] =	ssyncset.done $0x0  }
0x92: {  	s15 =	sld [smem:$0x11];
	[sflag:s13] =	ssyncadd.s32 $0xFFFFFFFF  }
0x93: {  	s16 =	sld [smem:$0x12];
	(tm) =	ssettm $0x1  }
0x94: {  	s3 =	sld [smem:$0x3FFB];
	_ =	sdelay $0x3  }
0x95: {  	_ =	strace s3  }
0x96: {  	s3 =	sld [smem:$0x3FFC];
	_ =	sdelay $0x3  }
0x97: {  	_ =	strace s3  }
0x98: {  	s3 =	sld [smem:$0x3FFD];
	_ =	sdelay $0x3  }
0x99: {  	_ =	strace s3  }
0x9a: {  	_ =	strace $0x8FFFFFFF  }
0x9b: {  	s17 =	sld [smem:$0x3FDB];
	_ =	sdelay $0x1  }
0x9c: {  	s4 =	simm.s32 $_scs_section_size  }
0x9d: {  	s5 =	simm.s32 $_size__tile_overlayer_lowered;
	s6 =	simm.s32 $_tile_overlayer_lowered  }
0x9e: {  	s20 =	simm.s32 $0x1BFF;
	s19 =	sshll.u32 s6, $0x1;
	s3 =	sadd.s32 s4, s17  }
0x9f: {  	s7 =	simm.s32 $0x0;
	s18 =	sshll.u32 s5, $0x1;
	s5 =	sadd.s32 s19, s3  }
0xa0: {  	[timem:s7], [sflag:s20] =	dma.local [hbm:s5], s18  }
0xa1: {  	_ =	swait.ge [sflag:s20], s18  }
0xa2: {  	s4 =	ssub.s32 $0x0, s18;
	[sflag:s20] =	ssyncset.done $0x0  }
0xa3: {  	[sflag:s20] =	ssyncadd.s32 s4;
	_ =	sdelay $0x1  }
0xa4: {  	s21 =	simm.s32 $0x1B8B  }
0xa5: {  	_ =	swait.ge [sflag:s21], $0x1  }
0xa6: {  	[sflag:s21] =	ssyncset.done $0x0  }
0xa7: {  	s23 =	simm.s32 $0x1B8E;
	s22 =	sld [smem:$0x3FFE];
	[sflag:s21] =	ssyncadd.s32 $0xFFFFFFFF  }
0xa8: {  	s24 =	simm.s32 $execute0_lowered;
	[smem:$0x3FD2] =	sst s23  }
0xa9: {  	s5 =	sshll.u32 s24, $0x1;
	_ =	strace $0x80000046;
	[dreg:$0x1] =	wrdreg $0xFFFFFFFF  }
0xaa: {  	s25 =	simm.s32 $_size_execute0_lowered;
	s3 =	sadd.s32 s3, s5;
	[dreg:$0x0] =	wrdreg $0x0  }
0xab: {  	s5 =	sshll.u32 s25, $0x1;
	[dreg:$0x2] =	wrdreg s3  }
0xac: {  	[dreg:$0x3] =	wrdreg s5  }
0xad: {  	[dreg:$0x4] =	wrdreg $0xC0  }
0xae: {  	_ =	task [dreg:s7], $0x5FFFF  }
0xaf: {  	[dreg:$0x1] =	wrdreg $0xFFFFFFFF  }
0xb0: {  	[dreg:$0x0] =	wrdreg $0x60  }
0xb1: {  	[dreg:$0x2] =	wrdreg s22  }
0xb2: {  	[dreg:$0x3] =	wrdreg s14  }
0xb3: {  	[dreg:$0x4] =	wrdreg s15  }
0xb4: {  	[dreg:$0x5] =	wrdreg s16  }
0xb5: {  	[dreg:$0x6] =	wrdreg $0xF3400  }
0xb6: {  	[dreg:$0x7] =	wrdreg $0xF3500  }
0xb7: {  	[dreg:$0x8] =	wrdreg $0x9  }
0xb8: {  	_ =	task.clear_ibuf [dreg:s7], $0x9FFFF;
	_ =	strace $0x90000046  }
0xb9: {  	s26 =	simm.s32 $0x9;
	_ =	strace $0x80000048  }
0xba: {  	_ =	swait.ge [sflag:s26], $0x1  }
0xbb: {  	[sflag:s26] =	ssyncadd.s32 $0xFFFFFFFF  }
0xbc: {  	_ =	strace $0x90000048  }
0xbd: {  	_ =	sfence  }
0xbe: {  	s28 =	sld [smem:$0x0];
	_ =	sdelay $0x1  }
0xbf: {  	s29 =	srdreg.scid  }
0xc0: {  	s30 =	sshll.u32 s29, $0xD;
	s31 =	sshrl.u32 s29, $0x2  }
0xc1: {  	s1 =	sand.u32 $0x1, s29;
	s2 =	sand.u32 $0x4000, s30;
	s0 =	sadd.s32 s31, s28  }
0xc2: {  	s1 =	sor.u32 s2, s1;
	s0 =	sshll.u32 s0, $0x11  }
0xc3: {  	s0 =	sor.u32 s0, s1  }
0xc4: {  	s0 =	sadd.s32 $0x8F2B, s0  }
0xc5: {  	[sflag:s0] =	ssyncadd.remote.s32 $0x1  }
0xc6: {  	_ =	sfence.sel $0xFFFF  }
0xc7: {  	[dreg:$0x0] =	wrdreg $0xFFFFFFFF;
	(pc) =	sbr.abs _section_cstart, $3  }
0xc8: {  	[dreg:$0x1] =	wrdreg $0xFFFFFFFF  }
0xc9: {  	_ =	task.clear_ibuf [dreg:s7], $0x2FFFF;
	_ =	strace $0x9FFFFFFF  }
0xca: {  	(tm) =	ssettm $0x7FFFFFFF  }
0xcb: {  	_ =	shalt  }
tec
execute0_lowered:
.L_overlay_start_1:
0x0: {  	(tag) =	ssettag $0x1  }
0x1: {  	s7 =	rddreg [dreg:$0x0]  }
0x2: {  	s3 =	rddreg [dreg:$0x1]  }
0x3: {  	s2 =	rddreg [dreg:$0x2]  }
0x4: {  	s1 =	rddreg [dreg:$0x3]  }
0x5: {  	s6 =	rddreg [dreg:$0x4]  }
0x6: {  	s5 =	rddreg [dreg:$0x5];
	s8 =	simm.s32 $0x0  }
0x7: {  	[smem:$0x7FF] =	sst s8  }
0x8: {  	s0 =	rddreg [dreg:$0x6];
	s4 =	sadd.s32 $0xE00, s7;
	_ =	strace $0x80000047  }
0x9: {  	[tilespmem:s8], [sflag:$0x1] =	stream.linear.gather [hbm4b:s4+s8], $0x4F00, $0x38;
	[tilespmem:$0xFF50] =	vst v63  }
0xa: {  	s9 =	simm.s32 $0x4F00;
	s23 =	sadd.s32 $0x400, s7  }
0xb: {  	[tilespmem:s9], [sflag:$0x2] =	stream.linear.gather [hbm4b:s23+s8], $0x4F00, $0x38;
	[tilespmem:$0xFF50] =	vst v63  }
0xc: {  	s25 =	simm.s32 $0x9E00;
	s26 =	simm.s32 $0x3;
	s24 =	sadd.s32 $0x1A00, s7  }
0xd: {  	[tilespmem:s25], [sflag:$0x3] =	stream.linear.gather [hbm4b:s24+s8], $0x4F00, $0x38;
	[tilespmem:$0xFF50] =	vst v63  }
0xe: {  	_ =	swait.ge [sflag:s26], $0x4F00  }
0xf: {  	[sflag:s26] =	ssyncset.done $0x0  }
0x10: {  	s10 =	simm.s32 $0xED00;
	s28 =	sadd.s32 $0x200, s7;
	[sflag:s26] =	ssyncadd.s32 $0xFFFFB100  }
0x11: {  	[tilespmem:s10], [sflag:$0x3] =	stream.linear.gather [hbm4b:s28+s8], $0x1C0, $0x38;
	[tilespmem:$0xFF50] =	vst v63  }
0x12: {  	_ =	swait.ge [sflag:s26], $0x1C0  }
0x13: {  	s4 =	stileid.u32;
	[sflag:s26] =	ssyncset.done $0x0  }
0x14: {  	s11 =	simm.s32 $0xEEC0;
	s29 =	smul.u32 $0x13C0, s4;
	[sflag:s26] =	ssyncadd.s32 $0xFFFFFE40  }
0x15: {  	[tilespmem:s11], [sflag:$0x3] =	stream.linear.gather [hbm4b:s7+s8], $0x1C0, $0x38;
	[tilespmem:$0xFF50] =	vst v63  }
0x16: {  	s10 =	sshrl.u32 s29, $0x2;
	_ =	swait.ge [sflag:s26], $0x1C0  }
0x17: {  	s10 =	sadd.s32 $0x9E00, s10;
	[sflag:s26] =	ssyncset.done $0x0  }
0x18: {  	s30 =	simm.s32 $0xF080;
	v3 =	vmov s10;
	s7 =	sadd.s32 $0x1800, s7;
	[sflag:s26] =	ssyncadd.s32 $0xFFFFFE40  }
0x19: {  	[tilespmem:s30], [sflag:$0x3] =	stream.linear.gather [hbm4b:s7+s8], $0x70, $0x38;
	[tilespmem:$0xFF50] =	vst v63  }
0x1a: {  	_ =	swait.ge [sflag:s26], $0x70  }
0x1b: {  	[sflag:s26] =	ssyncset.done $0x0  }
0x1c: {  	s31 =	simm.s32 $0x0;
	[sflag:s26] =	ssyncadd.s32 $0xFFFFFF90  }
0x1d: {  	v2 =	vimm.f32 $1.000000020e+30;
	v0 =	vimm.f32 $-1.000000020e+30;
	s7 =	simm.s32 $0x40;
	v1 =	vld.idx.msk [tilespmem:v3+s31+$0x0 ss:$0x1], $0xffff  }
.LBB2_1:
0x1e: {  	_ = 	snop  }
0x1f: {  	p0 =	sne.s32 s7, $0x1380  }
.Ltmp0:
0x20: {  	_ = 	snop;
	(pc) =	sbr.rel @p0 .LBB2_1-.Ltmp0, $4  }
0x21: {  	_ = 	snop  }
0x22: {  	vm0 =	vgt.f32 v1, $0.0e+00;
	v4 =	vmov v1  }
0x23: {  	s8 =	sshra.s32 s7, $0x2;
	v5 =	vnsel vm0, $0x7149F2CA, v4;
	v4 =	vnsel vm0, $0xF149F2CA, v4  }
0x24: {  	s7 =	sadd.s32 $0x40, s7;
	v1 =	vld.idx.msk [tilespmem:v3+s8+$0x0 ss:$0x1], $0xffff;
	v2 =	vmin.f32 v2, v5;
	v0 =	vmax.f32 v0, v4  }
0x25: {  	v3 =	vimm.s32 $0xEFCDAB89;
	v4 =	vimm.s32 $0x67452301  }
0x26: {  	v3 =	vunpack.c.l.s4.s8 v3;
	v4 =	vunpack.c.l.s4.s8 v4;
	_ =	sdelay $0x1  }
0x27: {  	v5 =	vimm.s32 $0x54761032;
	v3 =	vunpack.c.0.s8.s32 v3;
	v4 =	vunpack.c.0.s8.s32 v4  }
0x28: {  	v5 =	vunpack.c.l.s4.s8 v5  }
0x29: {  	vm0 =	vgt.f32 v1, $0.0e+00;
	v3 =	vcombine.low v4, v3;
	v4 =	vimm.s32 $0xDCFE98BA  }
0x2a: {  	v6 =	vnsel vm0, $0x7149F2CA, v1;
	v1 =	vnsel vm0, $0xF149F2CA, v1;
	v4 =	vunpack.c.l.s4.s8 v4  }
0x2b: {  	v2 =	vmin.f32 v2, v6;
	v0 =	vmax.f32 v0, v1;
	v3 =	vand.u32 $0xF, v3  }
0x2c: {  	v0 =	vsub.f32 $0.0e+00, v0;
	v6 =	vperm.xlane v2, v3  }
0x2d: {  	v5 =	vunpack.c.0.s8.s32 v5;
	v4 =	vunpack.c.0.s8.s32 v4  }
0x2e: {  	v3 =	vperm.xlane v0, v3;
	v1 =	vmin.f32 v2, v6  }
0x2f: {  	v2 =	vcombine.low v5, v4;
	v4 =	vimm.s32 $0xBA98FEDC;
	v5 =	vimm.s32 $0x32107654  }
0x30: {  	v4 =	vunpack.c.l.s4.s8 v4;
	v5 =	vunpack.c.l.s4.s8 v5  }
0x31: {  	v7 =	vimm.s32 $0xFEDCBA98;
	v0 =	vmin.f32 v0, v3;
	v3 =	vimm.s32 $0x76543210  }
0x32: {  	v2 =	vand.u32 $0xF, v2;
	v4 =	vunpack.c.0.s8.s32 v4;
	v5 =	vunpack.c.0.s8.s32 v5  }
0x33: {  	v7 =	vunpack.c.l.s4.s8 v7;
	v3 =	vunpack.c.l.s4.s8 v3;
	v6 =	vperm.xlane v1, v2  }
0x34: {  	v2 =	vperm.xlane v0, v2;
	v4 =	vcombine.low v5, v4  }
0x35: {  	v3 =	vunpack.c.0.s8.s32 v3;
	v5 =	vunpack.c.0.s8.s32 v7  }
0x36: {  	v1 =	vmin.f32 v1, v6;
	v0 =	vmin.f32 v0, v2;
	v4 =	vand.u32 $0xF, v4  }
0x37: {  	v5 =	vand.u32 $0xF, v5;
	v2 =	vperm.xlane v1, v4;
	v4 =	vperm.xlane v0, v4  }
0x38: {  	v3 =	vcombine.low v5, v3  }
0x39: {  	v1 =	vmin.f32 v1, v2;
	v0 =	vmin.f32 v0, v4  }
0x3a: {  	v2 =	vperm.xlane v1, v3;
	v3 =	vperm.xlane v0, v3;
	_ =	sdelay $0x1  }
0x3b: {  	vm0 =	vmmov $0xff;
	v1 =	vmin.f32 v1, v2;
	v0 =	vmin.f32 v0, v3  }
0x3c: {  	s7 =	sshll.u32 s4, $0x4;
	v0 =	vsel vm0, v1, v0  }
0x3d: {  	s9 =	simm.s32 $0xF320;
	s10 =	simm.s32 $0x3;
	s8 =	sadd.s32 s7, s6;
	[tilespmem:$0xF320] =	vst v0  }
0x3e: {  	[spmem:s8] =	stream.linear.scatter [tilespmem:s9], [sflag:$0x3], $0x10, $0x38;
	[tilespmem:$0xFF50] =	vst v63  }
0x3f: {  	_ =	swait.ge [sflag:s10], $0x10  }
0x40: {  	[sflag:s10] =	ssyncset.done $0x0  }
0x41: {  	[sflag:s10] =	ssyncadd.s32 $0xFFFFFFF0  }
0x42: {  	s11 =	simm.s32 $0x0;
	v0 =	vlaneseq.u32;
	s9 =	simm.s32 $0xF360;
	[bflag:$0x0] =	sbarrier.arrive $0xFFFF  }
0x43: {  	v2 =	vor.u32 s11, v0;
	[tilespmem:s9], [sflag:$0x3] =	stream.linear.gather [spmem:s6], $0x100, $0x38;
	[tilespmem:$0xFF50] =	vst v63  }
0x44: {  	_ =	swait.ge [sflag:s10], $0x100  }
0x45: {  	[sflag:s10] =	ssyncset.done $0x0  }
0x46: {  	[sflag:s10] =	ssyncadd.s32 $0xFFFFFF00  }
0x47: {  	s31 =	simm.s32 $0x10;
	[bflag:$0x0] =	sbarrier.arrive $0xFFFF  }
0x48: {  	v1 =	vimm.f32 $1.000000020e+30;
	v3 =	vor.u32 s31, v0;
	s10 =	simm.s32 $0x2;
	v2 =	vld.idx.msk [tilespmem:v2+s9+$0x0], $0xffff  }
.LBB2_3:
0x49: {  	p0 =	sne.s32 s10, $0xF  }
.Ltmp1:
0x4a: {  	_ = 	snop;
	(pc) =	sbr.rel @p0 .LBB2_3-.Ltmp1, $3  }
0x4b: {  	_ =	sdelay $0x1  }
0x4c: {  	s11 =	sshll.u32 s10, $0x4;
	s10 =	sadd.s32 $0x1, s10;
	v1 =	vmin.f32 v1, v2;
	v2 =	vld.idx.msk [tilespmem:v3+s9+$0x0], $0xffff  }
0x4d: {  	v3 =	vor.u32 s11, v0  }
0x4e: {  	_ =	sdelay $0x3  }
0x4f: {  	v0 =	vld.idx.msk [tilespmem:v3+s9+$0x0], $0xffff  }
0x50: {  	v6 =	vld [tilespmem:$0xED00]  }
0x51: {  	v8 =	vld [tilespmem:$0xEDE0]  }
0x52: {  	v3 =	vimm.s32 $0xEFCDAB89;
	v4 =	vimm.s32 $0x67452301;
	v11 =	vld [tilespmem:$0xEF30]  }
0x53: {  	v13 =	vld [tilespmem:$0xEFA0];
	v3 =	vunpack.c.l.s4.s8 v3;
	v4 =	vunpack.c.l.s4.s8 v4  }
0x54: {  	v9 =	vimm.s32 $0xBA98FEDC;
	v10 =	vimm.s32 $0x32107654;
	v14 =	vld [tilespmem:$0xF010]  }
0x55: {  	v18 =	vld [tilespmem:$0xEDF0];
	v1 =	vmin.f32 v1, v2;
	v2 =	vunpack.c.0.s8.s32 v3;
	v3 =	vunpack.c.0.s8.s32 v4  }
0x56: {  	v19 =	vld [tilespmem:$0xEE60];
	v4 =	vmin.f32 v1, v0;
	v0 =	vimm.s32 $0xDCFE98BA;
	v1 =	vimm.s32 $0x54761032  }
0x57: {  	v22 =	vld [tilespmem:$0xEED0];
	v2 =	vcombine.low v3, v2;
	v3 =	vunpack.c.l.s4.s8 v0;
	v1 =	vunpack.c.l.s4.s8 v1  }
0x58: {  	v23 =	vld [tilespmem:$0xEF40];
	v9 =	vunpack.c.l.s4.s8 v9;
	v10 =	vunpack.c.l.s4.s8 v10  }
0x59: {  	v24 =	vld [tilespmem:$0xEFB0];
	v0 =	vand.u32 $0xF, v2;
	v2 =	vunpack.c.0.s8.s32 v3;
	v1 =	vunpack.c.0.s8.s32 v1  }
0x5a: {  	v47 =	vld [tilespmem:$0xF020];
	v9 =	vunpack.c.0.s8.s32 v9;
	v10 =	vunpack.c.0.s8.s32 v10;
	v5 =	vnsel vm0, $0x7149F2CA, v4  }
0x5b: {  	v3 =	vld [tilespmem:$0xED70];
	v7 =	vperm.xlane v5, v0;
	v1 =	vcombine.low v1, v2  }
0x5c: {  	v35 =	vimm.s32 $0xFEDCBA98;
	v17 =	vcombine.low v10, v9;
	v36 =	vmax.f32 v13, v14;
	v2 =	vld [tilespmem:$0xEE50]  }
0x5d: {  	v27 =	vmin.f32 v18, v19;
	v5 =	vmin.f32 v5, v7;
	v7 =	vld [tilespmem:$0xEEC0];
	v1 =	vand.u32 $0xF, v1  }
0x5e: {  	v49 =	vmax.f32 v18, v19;
	v50 =	vmin.f32 v22, v23;
	v12 =	vperm.xlane v5, v1  }
0x5f: {  	v51 =	vmin.f32 v24, v47;
	v52 =	vmax.f32 v22, v23;
	v4 =	vsel vm0, $0x7149F2CA, v4  }
0x60: {  	v15 =	vmin.f32 v6, v3;
	v3 =	vmax.f32 v6, v3;
	v5 =	vmin.f32 v5, v12  }
0x61: {  	v16 =	vmin.f32 v8, v2;
	v12 =	vunpack.c.l.s4.s8 v35;
	v2 =	vmax.f32 v8, v2  }
0x62: {  	v6 =	vmin.f32 v7, v11;
	v8 =	vmin.f32 v13, v14;
	v7 =	vmax.f32 v7, v11  }
0x63: {  	v60 =	vld [tilespmem:$0xEE00];
	v15 =	vmin.f32 v15, v16;
	v37 =	vmax.f32 v3, v2;
	v9 =	vmin.f32 v6, v8  }
0x64: {  	v62 =	vld [tilespmem:$0xEE70];
	v10 =	vmax.f32 v7, v36;
	v3 =	vimm.s32 $0x76543210;
	v2 =	vand.u32 $0xF, v17  }
0x65: {  	v57 =	vld [tilespmem:$0xED20];
	v6 =	vsub.f32 v37, v15;
	v7 =	vsub.f32 v10, v9;
	v3 =	vunpack.c.l.s4.s8 v3  }
0x66: {  	v59 =	vld [tilespmem:$0xED90];
	v8 =	vunpack.c.0.s8.s32 v12;
	v39 =	vperm.xlane v5, v2;
	v9 =	vadd.f32 v10, v9  }
0x67: {  	v38 =	vmax.f32 v6, $9.999999970e-07;
	v16 =	vmax.f32 v7, $9.999999970e-07;
	v3 =	vunpack.c.0.s8.s32 v3  }
0x68: {  	v6 =	vperm.xlane v4, v0;
	v8 =	vand.u32 $0xF, v8;
	v5 =	vmin.f32 v5, v39  }
0x69: {  	v39 =	vmin.f32 v60, v62;
	v9 =	vmul.f32 $5.000000000e-01, v9;
	v7 =	vmul.f32 v16, v38  }
0x6a: {  	(erf) = vrcp.f32 v38;
	v3 =	vcombine.low v8, v3;
	v6 =	vmin.f32 v4, v6  }
0x6b: {  	v38 =	vmin.f32 v57, v59;
	v7 =	vmul.f32 $6.250000000e-02, v7;
	v40 =	vperm.xlane v6, v1  }
0x6c: {  	v4 =	vimm.s32 $0x0;
	(erf) = vrcp.f32 v16;
	v42 =	vperm.xlane v5, v3  }
0x6d: {  	v41 =	vld [tilespmem:$0xED80];
	vm15 =	vge.f32 v7, $4.000000000e+00;
	v6 =	vmin.f32 v6, v40;
	vm4 =	vge.f32 v7, $1.600000000e+01  }
0x6e: {  	v63 =	vld [tilespmem:$0xEEE0];
	vm5 =	vge.f32 v7, $6.400000000e+01;
	vm6 =	vge.f32 v7, $2.560000000e+02;
	vm7 =	vge.f32 v7, $1.024000000e+03  }
0x6f: {  	v30 =	vld [tilespmem:$0xEFC0];
	vm8 =	vge.f32 v7, $4.096000000e+03;
	vm9 =	vge.f32 v7, $1.638400000e+04;
	vm10 =	vge.f32 v7, $6.553600000e+04  }
0x70: {  	v36 =	vld [tilespmem:$0xF030];
	vm11 =	vge.f32 v7, $2.621440000e+05;
	vm12 =	vge.f32 v7, $1.048576000e+06;
	vm13 =	vge.f32 v7, $4.194304000e+06  }
0x71: {  	v8 =	vld [tilespmem:$0xED10];
	vm14 =	vge.f32 v7, $1.677721600e+07;
	v40 =	vmax.f32 v57, v59;
	v43 =	vsel vm15, $0x1, v4  }
0x72: {  	v28 =	vld [tilespmem:$0xEF50];
	v20 =	vperm.xlane v6, v2;
	v21 =	vsel vm4, $0x1, v4;
	v44 =	vsel vm5, $0x1, v4  }
0x73: {  	v45 =	vsel vm6, $0x1, v4;
	v46 =	vsel vm7, $0x1, v4;
	v48 =	vsel vm8, $0x1, v4  }
0x74: {  	v5 =	vmin.f32 v5, v42;
	v54 =	vsel vm10, $0x1, v4;
	v55 =	vsel vm11, $0x1, v4  }
0x75: {  	v56 =	vsel vm12, $0x1, v4;
	v58 =	vsel vm13, $0x1, v4;
	v42 =	vmin.f32 v30, v36  }
0x76: {  	v12 =	vadd.s32 v21, v43;
	v26 =	vmin.f32 v8, v41;
	v8 =	vmax.f32 v8, v41  }
0x77: {  	v21 =	vmax.f32 v24, v47;
	v41 =	vmin.f32 v63, v28;
	v43 =	vmax.f32 v63, v28  }
0x78: {  	v12 =	vadd.s32 v44, v12;
	v6 =	vmin.f32 v6, v20;
	v26 =	vmin.f32 v26, v27  }
0x79: {  	v22 =	vmax.f32 v8, v49;
	v14 =	vmax.f32 v52, v21;
	v12 =	vadd.s32 v45, v12  }
0x7a: {  	v8 =	vsel vm9, $0x1, v4;
	v21 =	vmax.f32 v60, v62;
	v12 =	vadd.s32 v46, v12  }
0x7b: {  	v25 =	vperm.xlane v6, v3;
	v20 =	vadd.s32 v48, v12;
	v12 =	vmin.f32 v50, v51  }
0x7c: {  	v23 =	vmin.f32 v41, v42;
	v53 =	vsub.f32 v22, v26;
	v19 =	vsub.f32 v14, v12  }
0x7d: {  	v52 =	vld [tilespmem:$0xED30];
	v27 =	vmax.f32 v40, v21;
	v6 =	vmin.f32 v6, v25;
	v8 =	vadd.s32 v8, v20  }
0x7e: {  	v17 =	vmax.f32 v53, $9.999999970e-07;
	v8 =	vadd.s32 v54, v8;
	v54 =	vld [tilespmem:$0xEDA0];
	v20 =	vmax.f32 v19, $9.999999970e-07  }
0x7f: {  	(erf) = vrcp.f32 v17;
	v8 =	vadd.s32 v55, v8;
	v19 =	vmul.f32 v20, v17  }
0x80: {  	v12 =	vadd.f32 v14, v12;
	v6 =	vsub.f32 $0.0e+00, v6;
	v7 =	vadd.s32 v56, v8  }
0x81: {  	v8 =	vsel vm14, $0x1, v4;
	v7 =	vadd.s32 v58, v7;
	v19 =	vmul.f32 $6.250000000e-02, v19  }
0x82: {  	v12 =	vmul.f32 $5.000000000e-01, v12;
	(erf) = vrcp.f32 v20;
	v7 =	vadd.s32 v8, v7  }
0x83: {  	v40 =	vmax.f32 v52, v54;
	vm15 =	vge.f32 v19, $4.000000000e+00;
	vm4 =	vge.f32 v19, $1.600000000e+01  }
0x84: {  	vm5 =	vge.f32 v19, $6.400000000e+01;
	vm6 =	vge.f32 v19, $2.560000000e+02;
	vm7 =	vge.f32 v19, $1.024000000e+03  }
0x85: {  	v56 =	vld [tilespmem:$0xEE10];
	vm8 =	vge.f32 v19, $4.096000000e+03;
	vm9 =	vge.f32 v19, $1.638400000e+04;
	vm10 =	vge.f32 v19, $6.553600000e+04  }
0x86: {  	v58 =	vld [tilespmem:$0xEE80];
	vm11 =	vge.f32 v19, $2.621440000e+05;
	vm12 =	vge.f32 v19, $1.048576000e+06;
	vm13 =	vge.f32 v19, $4.194304000e+06  }
0x87: {  	vm14 =	vge.f32 v19, $1.677721600e+07;
	v61 =	vsel vm15, $0x1, v4;
	v8 =	vsel vm4, $0x1, v4  }
0x88: {  	v33 =	vsel vm5, $0x1, v4;
	v29 =	vsel vm6, $0x1, v4;
	v35 =	vsel vm7, $0x1, v4  }
0x89: {  	v44 =	vsel vm9, $0x1, v4;
	v48 =	vsel vm10, $0x1, v4;
	v50 =	vsel vm11, $0x1, v4  }
0x8a: {  	v31 =	vld [tilespmem:$0xEEF0];
	v51 =	vsel vm12, $0x1, v4;
	v53 =	vsel vm13, $0x1, v4;
	v8 =	vadd.s32 v8, v61  }
0x8b: {  	v63 =	vld [tilespmem:$0xF040];
	v55 =	vsel vm14, $0x1, v4;
	v41 =	vmax.f32 v56, v58;
	v18 =	vadd.s32 v33, v8  }
0x8c: {  	v61 =	vld [tilespmem:$0xEF60];
	v8 =	vadd.f32 v37, v15;
	v37 =	vsel vm8, $0x1, v4;
	v15 =	vmin.f32 v38, v39  }
0x8d: {  	v33 =	vld [tilespmem:$0xEFD0];
	v38 =	vmin.f32 v52, v54;
	v39 =	vmin.f32 v56, v58;
	v34 =	vadd.s32 v29, v18  }
0x8e: {  	v18 =	vmax.f32 v30, v36;
	v45 =	vsub.f32 v27, v15;
	v11 =	vadd.s32 v35, v34  }
0x8f: {  	v24 =	vmax.f32 v43, v18;
	v8 =	vmul.f32 $5.000000000e-01, v8;
	v11 =	vadd.s32 v37, v11  }
0x90: {  	v56 =	vld [tilespmem:$0xEF00];
	v46 =	vsub.f32 v24, v23;
	v25 =	vmax.f32 v45, $9.999999970e-07;
	v47 =	vadd.s32 v44, v11  }
0x91: {  	v35 =	vld [tilespmem:$0xEF70];
	v42 =	vmin.f32 v31, v61;
	v29 =	vmax.f32 v31, v61;
	(erf) = vrcp.f32 v25  }
0x92: {  	v13 =	vmax.f32 v46, $9.999999970e-07;
	v10 =	vadd.s32 v48, v47;
	v43 =	vmin.f32 v33, v63  }
0x93: {  	v49 =	vmul.f32 v13, v25;
	v10 =	vadd.s32 v50, v10;
	v17 =	vmin.f32 v42, v43  }
0x94: {  	(erf) = vrcp.f32 v13;
	v13 =	vimm.s32 $0x1;
	v10 =	vadd.s32 v51, v10  }
0x95: {  	v7 =	vshll.u32 v13, v7;
	v16 =	vmul.f32 $6.250000000e-02, v49;
	v10 =	vadd.s32 v53, v10  }
0x96: {  	v43 =	vmax.f32 v56, v35;
	v7 =	vcvt.s32.f32 v7;
	v11 =	vadd.s32 v55, v10  }
0x97: {  	vm15 =	vge.f32 v16, $4.000000000e+00;
	vm4 =	vge.f32 v16, $1.600000000e+01;
	vm5 =	vge.f32 v16, $6.400000000e+01  }
0x98: {  	vm6 =	vge.f32 v16, $2.560000000e+02;
	vm7 =	vge.f32 v16, $1.024000000e+03;
	vm8 =	vge.f32 v16, $4.096000000e+03  }
0x99: {  	vm9 =	vge.f32 v16, $1.638400000e+04;
	vm10 =	vge.f32 v16, $6.553600000e+04;
	vm11 =	vge.f32 v16, $2.621440000e+05  }
0x9a: {  	vm12 =	vge.f32 v16, $1.048576000e+06;
	vm13 =	vge.f32 v16, $4.194304000e+06;
	vm14 =	vge.f32 v16, $1.677721600e+07  }
0x9b: {  	v11 =	vshll.u32 v13, v11;
	v7 =	vmax.f32 v5, v7;
	v57 =	vsel vm15, $0x1, v4  }
0x9c: {  	v54 =	vld [tilespmem:$0xEE90];
	v59 =	vsel vm4, $0x1, v4;
	v60 =	vsel vm5, $0x1, v4;
	v32 =	vsel vm6, $0x1, v4  }
0x9d: {  	v53 =	vld [tilespmem:$0xEE20];
	v62 =	vsel vm7, $0x1, v4;
	v37 =	vsel vm8, $0x1, v4;
	v44 =	vsel vm9, $0x1, v4  }
0x9e: {  	v47 =	vsel vm10, $0x1, v4;
	v48 =	vsel vm11, $0x1, v4;
	v50 =	vsel vm12, $0x1, v4  }
0x9f: {  	v52 =	vsel vm13, $0x1, v4;
	v16 =	vsel vm14, $0x1, v4;
	v10 =	vadd.s32 v59, v57  }
0xa0: {  	v51 =	vld [tilespmem:$0xEDB0];
	v11 =	vcvt.s32.f32 v11;
	v7 =	vmin.f32 v6, v7;
	v18 =	vadd.s32 v60, v10  }
0xa1: {  	v49 =	vld [tilespmem:$0xED40];
	v10 =	vadd.f32 v22, v26;
	v26 =	vmax.f32 v33, v63;
	v22 =	vmax.f32 v40, v41  }
0xa2: {  	v63 =	vmin.f32 v53, v54;
	v40 =	vmax.f32 v53, v54;
	v18 =	vadd.s32 v32, v18  }
0xa3: {  	[tilespmem:$0xF0F0] =	vst v8;
	v41 =	vmin.f32 v56, v35;
	v8 =	vmax.f32 v5, v11;
	v36 =	vadd.s32 v62, v18  }
0xa4: {  	v19 =	vmax.f32 v29, v26;
	v18 =	vmin.f32 v38, v39;
	v34 =	vadd.s32 v37, v36;
	v36 =	vld [tilespmem:$0xEFE0]  }
0xa5: {  	v8 =	vmin.f32 v6, v8;
	v28 =	vsub.f32 v19, v17;
	v45 =	vsub.f32 v22, v18;
	v37 =	vld [tilespmem:$0xF050]  }
0xa6: {  	v62 =	vmin.f32 v49, v51;
	v39 =	vmax.f32 v49, v51;
	v46 =	vadd.s32 v44, v34  }
0xa7: {  	v20 =	vmax.f32 v28, $9.999999970e-07;
	v21 =	vmax.f32 v45, $9.999999970e-07;
	v14 =	vadd.s32 v47, v46  }
0xa8: {  	v28 =	vmul.f32 v20, v21;
	v14 =	vadd.s32 v48, v14;
	(erf) = vrcp.f32 v21  }
0xa9: {  	v10 =	vmul.f32 $5.000000000e-01, v10;
	v14 =	vadd.s32 v50, v14;
	(erf) = vrcp.f32 v20  }
0xaa: {  	v28 =	vmul.f32 $6.250000000e-02, v28;
	v14 =	vadd.s32 v52, v14;
	v42 =	vmin.f32 v36, v37  }
0xab: {  	v44 =	vmax.f32 v36, v37;
	v16 =	vadd.s32 v16, v14;
	v14 =	vadd.f32 v27, v15  }
0xac: {  	v15 =	vadd.f32 v24, v23;
	v27 =	vmax.f32 v39, v40;
	v29 =	vmin.f32 v41, v42  }
0xad: {  	v30 =	vmax.f32 v43, v44;
	vm15 =	vge.f32 v28, $4.000000000e+00;
	vm4 =	vge.f32 v28, $1.600000000e+01  }
0xae: {  	vm5 =	vge.f32 v28, $6.400000000e+01;
	vm6 =	vge.f32 v28, $2.560000000e+02;
	vm7 =	vge.f32 v28, $1.024000000e+03  }
0xaf: {  	vm8 =	vge.f32 v28, $4.096000000e+03;
	vm9 =	vge.f32 v28, $1.638400000e+04;
	v32 =	vsub.f32 v30, v29  }
0xb0: {  	vm10 =	vge.f32 v28, $6.553600000e+04;
	vm11 =	vge.f32 v28, $2.621440000e+05;
	vm12 =	vge.f32 v28, $1.048576000e+06  }
0xb1: {  	vm13 =	vge.f32 v28, $4.194304000e+06;
	vm14 =	vge.f32 v28, $1.677721600e+07;
	v16 =	vshll.u32 v13, v16  }
0xb2: {  	v54 =	vld [tilespmem:$0xEDC0];
	v55 =	vsel vm15, $0x1, v4;
	v57 =	vsel vm4, $0x1, v4;
	v58 =	vsel vm5, $0x1, v4  }
0xb3: {  	v52 =	vld [tilespmem:$0xED50];
	v59 =	vsel vm6, $0x1, v4;
	v61 =	vsel vm7, $0x1, v4;
	v38 =	vsel vm8, $0x1, v4  }
0xb4: {  	v39 =	vld [tilespmem:$0xEF10];
	v46 =	vsel vm9, $0x1, v4;
	v47 =	vsel vm10, $0x1, v4;
	v49 =	vsel vm11, $0x1, v4  }
0xb5: {  	v40 =	vld [tilespmem:$0xEF80];
	v50 =	vsel vm12, $0x1, v4;
	v51 =	vsel vm13, $0x1, v4;
	v26 =	vadd.s32 v57, v55  }
0xb6: {  	v41 =	vld [tilespmem:$0xEFF0];
	v28 =	vsel vm14, $0x1, v4;
	v60 =	vadd.s32 v58, v26;
	v26 =	vmin.f32 v62, v63  }
0xb7: {  	[tilespmem:$0xF2C0] =	vst v8;
	v14 =	vmul.f32 $5.000000000e-01, v14;
	v8 =	vmul.f32 $5.000000000e-01, v15;
	v63 =	vld [tilespmem:$0xF060];
	v45 =	vsub.f32 v27, v26  }
0xb8: {  	v31 =	vmax.f32 v32, $9.999999970e-07;
	v32 =	vmax.f32 v52, v54;
	v23 =	vadd.s32 v59, v60  }
0xb9: {  	v21 =	vadd.f32 v27, v26;
	v23 =	vadd.s32 v61, v23;
	v25 =	vmax.f32 v45, $9.999999970e-07  }
0xba: {  	v23 =	vadd.s32 v38, v23;
	v45 =	vmin.f32 v39, v40;
	v39 =	vmax.f32 v39, v40  }
0xbb: {  	v21 =	vmul.f32 $5.000000000e-01, v21;
	v48 =	vmul.f32 v31, v25;
	v23 =	vadd.s32 v46, v23  }
0xbc: {  	v56 =	vld [tilespmem:$0xEE30];
	(erf) = vrcp.f32 v25;
	v23 =	vadd.s32 v47, v23;
	v46 =	vmin.f32 v41, v63  }
0xbd: {  	v38 =	vld [tilespmem:$0xEEA0];
	v35 =	vmax.f32 v41, v63;
	(erf) = vrcp.f32 v31;
	v33 =	vmul.f32 $6.250000000e-02, v48  }
0xbe: {  	v23 =	vadd.s32 v49, v23;
	v36 =	vmin.f32 v45, v46;
	v35 =	vmax.f32 v39, v35  }
0xbf: {  	v39 =	vadd.f32 v22, v18;
	v23 =	vadd.s32 v50, v23;
	vm15 =	vge.f32 v33, $4.000000000e+00  }
0xc0: {  	vm4 =	vge.f32 v33, $1.600000000e+01;
	vm5 =	vge.f32 v33, $6.400000000e+01;
	vm6 =	vge.f32 v33, $2.560000000e+02  }
0xc1: {  	vm7 =	vge.f32 v33, $1.024000000e+03;
	vm8 =	vge.f32 v33, $4.096000000e+03;
	vm9 =	vge.f32 v33, $1.638400000e+04  }
0xc2: {  	v23 =	vadd.s32 v51, v23;
	vm10 =	vge.f32 v33, $6.553600000e+04;
	v42 =	vmin.f32 v56, v38  }
0xc3: {  	v44 =	vmax.f32 v56, v38;
	vm11 =	vge.f32 v33, $2.621440000e+05;
	v38 =	vsub.f32 v35, v36  }
0xc4: {  	vm12 =	vge.f32 v33, $1.048576000e+06;
	vm13 =	vge.f32 v33, $4.194304000e+06;
	vm14 =	vge.f32 v33, $1.677721600e+07  }
0xc5: {  	v33 =	vadd.f32 v35, v36;
	v53 =	vsel vm15, $0x1, v4;
	v55 =	vsel vm4, $0x1, v4  }
0xc6: {  	v57 =	vsel vm5, $0x1, v4;
	v58 =	vsel vm6, $0x1, v4;
	v34 =	vadd.s32 v55, v53  }
0xc7: {  	v59 =	vsel vm7, $0x1, v4;
	v60 =	vsel vm8, $0x1, v4;
	v34 =	vadd.s32 v57, v34  }
0xc8: {  	v62 =	vsel vm9, $0x1, v4;
	v23 =	vadd.s32 v28, v23;
	v34 =	vadd.s32 v58, v34  }
0xc9: {  	v43 =	vsel vm10, $0x1, v4;
	v32 =	vmax.f32 v32, v44;
	v34 =	vadd.s32 v59, v34  }
0xca: {  	v48 =	vsel vm11, $0x1, v4;
	v57 =	vld [tilespmem:$0xED60];
	v61 =	vadd.s32 v60, v34;
	v34 =	vmin.f32 v52, v54  }
0xcb: {  	v49 =	vsel vm12, $0x1, v4;
	v59 =	vld [tilespmem:$0xEDD0];
	v24 =	vadd.s32 v62, v61;
	v28 =	vmin.f32 v34, v42  }
0xcc: {  	v51 =	vsel vm13, $0x1, v4;
	v47 =	vsub.f32 v32, v28;
	v24 =	vadd.s32 v43, v24  }
0xcd: {  	v63 =	vld [tilespmem:$0xEEB0];
	v18 =	vmax.f32 v38, $9.999999970e-07;
	v38 =	vadd.f32 v19, v17;
	v24 =	vadd.s32 v48, v24  }
0xce: {  	v23 =	vshll.u32 v13, v23;
	v61 =	vld [tilespmem:$0xEE40];
	v22 =	vmax.f32 v47, $9.999999970e-07;
	v50 =	vadd.s32 v49, v24  }
0xcf: {  	v52 =	vsel vm14, $0x1, v4;
	v37 =	vmul.f32 v18, v22;
	v17 =	vadd.s32 v51, v50  }
0xd0: {  	v27 =	vmax.f32 v57, v59;
	v51 =	vmin.f32 v57, v59;
	v57 =	vpop (erf);
	v20 =	vadd.s32 v52, v17  }
0xd1: {  	v17 =	vadd.f32 v30, v29;
	v59 =	vpop (erf);
	(erf) = vrcp.f32 v22;
	v24 =	vmul.f32 $6.250000000e-02, v37  }
0xd2: {  	v37 =	vmul.f32 $5.000000000e-01, v39;
	v39 =	vmul.f32 $5.000000000e-01, v38;
	v20 =	vshll.u32 v13, v20  }
0xd3: {  	v52 =	vmin.f32 v61, v63;
	(erf) = vrcp.f32 v18;
	v20 =	vcvt.s32.f32 v20  }
0xd4: {  	vm15 =	vge.f32 v24, $4.000000000e+00;
	vm4 =	vge.f32 v24, $1.600000000e+01;
	vm5 =	vge.f32 v24, $6.400000000e+01  }
0xd5: {  	vm6 =	vge.f32 v24, $2.560000000e+02;
	vm7 =	vge.f32 v24, $1.024000000e+03;
	vm8 =	vge.f32 v24, $4.096000000e+03  }
0xd6: {  	v46 =	vld [tilespmem:$0xEF90];
	vm9 =	vge.f32 v24, $1.638400000e+04;
	vm10 =	vge.f32 v24, $6.553600000e+04;
	vm11 =	vge.f32 v24, $2.621440000e+05  }
0xd7: {  	v44 =	vld [tilespmem:$0xEF20];
	vm12 =	vge.f32 v24, $1.048576000e+06;
	vm13 =	vge.f32 v24, $4.194304000e+06;
	vm14 =	vge.f32 v24, $1.677721600e+07  }
0xd8: {  	v48 =	vld [tilespmem:$0xF000];
	v53 =	vsel vm15, $0x1, v4;
	v54 =	vsel vm4, $0x1, v4;
	v55 =	vsel vm5, $0x1, v4  }
0xd9: {  	v49 =	vld [tilespmem:$0xF070];
	v56 =	vsel vm6, $0x1, v4;
	v58 =	vsel vm7, $0x1, v4;
	v60 =	vsel vm8, $0x1, v4  }
0xda: {  	v62 =	vsel vm9, $0x1, v4;
	v43 =	vsel vm10, $0x1, v4;
	v19 =	vadd.s32 v54, v53  }
0xdb: {  	v45 =	vsel vm11, $0x1, v4;
	v47 =	vsel vm12, $0x1, v4;
	v19 =	vadd.s32 v55, v19  }
0xdc: {  	[tilespmem:$0xF2B0] =	vst v7;
	v50 =	vsel vm13, $0x1, v4;
	v7 =	vsel vm14, $0x1, v4;
	v19 =	vadd.s32 v56, v19  }
0xdd: {  	v53 =	vmax.f32 v61, v63;
	v54 =	vmin.f32 v44, v46;
	v19 =	vadd.s32 v58, v19  }
0xde: {  	v63 =	vcvt.s32.f32 v23;
	v55 =	vmin.f32 v48, v49;
	v19 =	vadd.s32 v60, v19  }
0xdf: {  	[tilespmem:$0xF160] =	vst v9;
	v27 =	vmax.f32 v27, v53;
	v29 =	vmin.f32 v54, v55;
	v19 =	vadd.s32 v62, v19  }
0xe0: {  	[tilespmem:$0xF170] =	vst v12;
	v56 =	vmax.f32 v44, v46;
	v54 =	vmul.f32 $5.000000000e-01, v33;
	v19 =	vadd.s32 v43, v19  }
0xe1: {  	[tilespmem:$0xF100] =	vst v10;
	v58 =	vmax.f32 v48, v49;
	v48 =	vmul.f32 $5.000000000e-01, v17;
	v19 =	vadd.s32 v45, v19  }
0xe2: {  	[tilespmem:$0xF110] =	vst v14;
	v9 =	vmax.f32 v56, v58;
	v62 =	vcvt.s32.f32 v16;
	v19 =	vadd.s32 v47, v19  }
0xe3: {  	[tilespmem:$0xF180] =	vst v8;
	v61 =	vsub.f32 v9, v29;
	v31 =	vadd.s32 v50, v19;
	v19 =	vmin.f32 v51, v52  }
0xe4: {  	[tilespmem:$0xF130] =	vst v21;
	v16 =	vmax.f32 v5, v63;
	v10 =	vmax.f32 v5, v62;
	v60 =	vsub.f32 v27, v19  }
0xe5: {  	[tilespmem:$0xF1D0] =	vst v57;
	v35 =	vmin.f32 v6, v16;
	v24 =	vmax.f32 v61, $9.999999970e-07;
	v10 =	vmin.f32 v6, v10  }
0xe6: {  	[tilespmem:$0xF240] =	vst v59;
	v30 =	vpop (erf);
	v7 =	vadd.s32 v7, v31;
	v31 =	vadd.f32 v32, v28;
	v11 =	vmax.f32 v60, $9.999999970e-07  }
0xe7: {  	[tilespmem:$0xF1E0] =	vst v30;
	v50 =	vmax.f32 v5, v20;
	v7 =	vshll.u32 v13, v7;
	v34 =	vmul.f32 v24, v11  }
0xe8: {  	[tilespmem:$0xF120] =	vst v37;
	v7 =	vcvt.s32.f32 v7;
	v12 =	vmul.f32 $5.000000000e-01, v31;
	v60 =	vadd.f32 v27, v19  }
0xe9: {  	[tilespmem:$0xF190] =	vst v39;
	v32 =	vpop (erf);
	v52 =	vmin.f32 v6, v50;
	(erf) = vrcp.f32 v11;
	v36 =	vmul.f32 $6.250000000e-02, v34  }
0xea: {  	[tilespmem:$0xF1B0] =	vst v54;
	v8 =	vpop (erf);
	(erf) = vrcp.f32 v24;
	v7 =	vmax.f32 v5, v7;
	v62 =	vmul.f32 $5.000000000e-01, v60  }
0xeb: {  	[tilespmem:$0xF1F0] =	vst v8;
	v8 =	vpop (erf);
	v7 =	vmin.f32 v6, v7;
	vm15 =	vge.f32 v36, $4.000000000e+00;
	vm4 =	vge.f32 v36, $1.600000000e+01  }
0xec: {  	[tilespmem:$0xF260] =	vst v8;
	vm5 =	vge.f32 v36, $6.400000000e+01;
	v40 =	vsel vm15, $0x1, v4;
	v8 =	vsel vm4, $0x1, v4  }
0xed: {  	[tilespmem:$0xF1A0] =	vst v48;
	vm6 =	vge.f32 v36, $2.560000000e+02;
	v41 =	vsel vm5, $0x1, v4;
	v8 =	vadd.s32 v8, v40  }
0xee: {  	[tilespmem:$0xF2E0] =	vst v35;
	vm7 =	vge.f32 v36, $1.024000000e+03;
	v42 =	vsel vm6, $0x1, v4;
	v8 =	vadd.s32 v41, v8  }
0xef: {  	[tilespmem:$0xF2D0] =	vst v10;
	vm8 =	vge.f32 v36, $4.096000000e+03;
	v44 =	vsel vm7, $0x1, v4;
	v8 =	vadd.s32 v42, v8  }
0xf0: {  	[tilespmem:$0xF250] =	vst v32;
	vm9 =	vge.f32 v36, $1.638400000e+04;
	v46 =	vsel vm8, $0x1, v4;
	v8 =	vadd.s32 v44, v8  }
0xf1: {  	[tilespmem:$0xF2F0] =	vst v52;
	v43 =	vpop (erf);
	vm10 =	vge.f32 v36, $6.553600000e+04;
	v47 =	vsel vm9, $0x1, v4;
	v8 =	vadd.s32 v46, v8  }
0xf2: {  	[tilespmem:$0xF200] =	vst v43;
	vm11 =	vge.f32 v36, $2.621440000e+05;
	v49 =	vsel vm10, $0x1, v4;
	v8 =	vadd.s32 v47, v8  }
0xf3: {  	v45 =	vpop (erf);
	[tilespmem:$0xF140] =	vst v12;
	vm12 =	vge.f32 v36, $1.048576000e+06;
	v55 =	vsel vm11, $0x1, v4;
	v8 =	vadd.s32 v49, v8  }
0xf4: {  	[tilespmem:$0xF270] =	vst v45;
	v51 =	vpop (erf);
	vm13 =	vge.f32 v36, $4.194304000e+06;
	v56 =	vsel vm12, $0x1, v4;
	v8 =	vadd.s32 v55, v8  }
0xf5: {  	[tilespmem:$0xF210] =	vst v51;
	vm14 =	vge.f32 v36, $1.677721600e+07;
	v57 =	vsel vm13, $0x1, v4;
	v8 =	vadd.s32 v56, v8  }
0xf6: {  	[tilespmem:$0xF300] =	vst v7;
	v59 =	vsel vm14, $0x1, v4;
	v8 =	vadd.s32 v57, v8  }
0xf7: {  	v53 =	vpop (erf);
	[tilespmem:$0xF150] =	vst v62;
	v8 =	vadd.s32 v59, v8  }
0xf8: {  	v9 =	vadd.f32 v9, v29;
	[tilespmem:$0xF280] =	vst v53;
	v58 =	vpop (erf);
	v8 =	vshll.u32 v13, v8  }
0xf9: {  	v61 =	vpop (erf);
	[tilespmem:$0xF220] =	vst v58;
	v7 =	vcvt.s32.f32 v8  }
0xfa: {  	[tilespmem:$0xF290] =	vst v61;
	v63 =	vpop (erf);
	v8 =	vmul.f32 $5.000000000e-01, v9  }
0xfb: {  	[tilespmem:$0xF230] =	vst v63;
	v5 =	vmax.f32 v5, v7  }
0xfc: {  	vm15 =	vmmov $0xf;
	[tilespmem:$0xF1C0] =	vst v8;
	v5 =	vmin.f32 v6, v5;
	v6 =	vpop (erf)  }
0xfd: {  	v5 =	vnsel vm15, $0xC0000000, v5;
	[tilespmem:$0xF2A0] =	vst v6  }
0xfe: {  	s31 =	simm.s32 $0x1;
	[tilespmem:$0xF310] =	vst v5  }
0xff: {  	_ =	swait.ge [sflag:s31], $0x4F00  }
0x100: {  	[sflag:s31] =	ssyncset.done $0x0  }
0x101: {  	s10 =	simm.s32 $0x2;
	s9 =	smul.u32 $0x7, s4;
	[sflag:s31] =	ssyncadd.s32 $0xFFFFB100  }
0x102: {  	s11 =	simm.s32 $0xF0F0;
	s12 =	simm.s32 $0xF160;
	_ =	swait.ge [sflag:s10], $0x4F00  }
0x103: {  	s13 =	simm.s32 $0xF1D0;
	s14 =	simm.s32 $0xF240;
	[sflag:s10] =	ssyncset.done $0x0  }
0x104: {  	s15 =	simm.s32 $0xF2B0;
	v6 =	vlaneseq.u32;
	v5 =	vimm.f32 $1.000000020e+30;
	[sflag:s10] =	ssyncadd.s32 $0xFFFFB100;
	s10 =	simm.s32 $0x0  }
.LBB2_5:
0x105: {  	s31 =	simm.s32 $0x27B0  }
0x106: {  	s18 =	simm.s32 $0x76B0;
	v12 =	vld [tilespmem:s31+$0xFFFFD880]  }
0x107: {  	v13 =	vld [tilespmem:s18+$0xFFFFD880]  }
0x108: {  	s17 =	simm.s32 $0xC5B0;
	v14 =	vld [tilespmem:s31+$0x0]  }
0x109: {  	v15 =	vld [tilespmem:s17+$0xFFFFD880]  }
0x10a: {  	v16 =	vld [tilespmem:s17+$0x0]  }
0x10b: {  	s16 =	sadd.s32 s9, s10;
	v17 =	vld [tilespmem:s18+$0x0]  }
0x10c: {  	v7 =	vmov s16;
	v18 =	vld [tilespmem:s31+$0xFFFFD870]  }
0x10d: {  	v19 =	vld [tilespmem:s18+$0xFFFFD870]  }
0x10e: {  	v20 =	vld [tilespmem:s31+$0xFFFFFFF0]  }
0x10f: {  	v21 =	vld [tilespmem:s18+$0xFFFFFFF0]  }
0x110: {  	v22 =	vld [tilespmem:s31+$0xFFFFD860]  }
0x111: {  	v11 =	vld.idx.msk [tilespmem:v7+s11+$0x0], $0xffff  }
0x112: {  	v10 =	vld.idx.msk [tilespmem:v7+s12+$0x0], $0xffff  }
0x113: {  	v8 =	vld.idx.msk [tilespmem:v7+s13+$0x0], $0xffff  }
0x114: {  	v9 =	vld.idx.msk [tilespmem:v7+s14+$0x0], $0xffff  }
0x115: {  	v7 =	vld.idx.msk [tilespmem:v7+s15+$0x0], $0xffff  }
0x116: {  	v23 =	vld [tilespmem:s18+$0xFFFFD860];
	v12 =	vsub.f32 v12, v11  }
0x117: {  	v24 =	vld [tilespmem:s31+$0xFFFFFFE0];
	v13 =	vsub.f32 v13, v10;
	v14 =	vsub.f32 v14, v11  }
0x118: {  	v25 =	vld [tilespmem:s18+$0xFFFFFFE0];
	v17 =	vsub.f32 v17, v10;
	v18 =	vsub.f32 v18, v11  }
0x119: {  	v26 =	vld [tilespmem:s31+$0xFFFFD850];
	v19 =	vsub.f32 v19, v10;
	v29 =	vsub.f32 v20, v11  }
0x11a: {  	v27 =	vld [tilespmem:s18+$0xFFFFD850];
	v30 =	vsub.f32 v21, v10;
	vm0 =	veq.f32 v15, v7;
	v36 =	vsub.f32 v22, v11  }
0x11b: {  	v37 =	vsub.f32 v23, v10;
	vm1 =	veq.f32 v16, v7;
	v21 =	vmul.f32 v12, v8  }
0x11c: {  	v15 =	vld [tilespmem:s31+$0xFFFFFFD0];
	v28 =	vsub.f32 v24, v11;
	v20 =	vmul.f32 v13, v9;
	v23 =	vmul.f32 v14, v8  }
0x11d: {  	v31 =	vld [tilespmem:s18+$0xFFFFFFD0];
	v32 =	vsub.f32 v25, v10;
	v16 =	vmul.f32 v17, v9;
	v24 =	vmul.f32 v18, v8  }
0x11e: {  	v33 =	vsub.f32 v26, v11;
	v26 =	vld [tilespmem:s17+$0xFFFFD870];
	v25 =	vmul.f32 v19, v9;
	v22 =	vmul.f32 v29, v8  }
0x11f: {  	v34 =	vsub.f32 v27, v10;
	v27 =	vld [tilespmem:s17+$0xFFFFFFF0];
	v17 =	vmul.f32 v30, v9;
	v18 =	vmul.f32 v36, v8  }
0x120: {  	v29 =	vld [tilespmem:s17+$0xFFFFD860];
	v19 =	vmul.f32 v37, v9;
	v14 =	vimm.f32 $1.000000020e+30;
	v12 =	vimm.s32 $0x0  }
0x121: {  	s19 =	simm.s32 $0x27F0;
	s20 =	simm.s32 $0x4;
	s16 =	simm.s32 $0x0;
	v30 =	vld [tilespmem:s17+$0xFFFFFFE0];
	v13 =	vimm.s32 $0x0;
	v35 =	vsub.f32 v15, v11;
	v15 =	vimm.f32 $1.000000020e+30  }
.LBB2_6:
0x122: {  	v36 =	vld [tilespmem:s19+$0xFFFFD880];
	p0 =	slt.u32 s20, $0x274;
	v31 =	vsub.f32 v31, v10;
	v28 =	vmul.f32 v28, v8;
	v32 =	vmul.f32 v32, v9;
	s18 =	sadd.s32 $0x40, s18  }
0x123: {  	v33 =	vmul.f32 v33, v8;
	v34 =	vmul.f32 v34, v9;
	v37 =	vld [tilespmem:s18+$0xFFFFD880];
	vm2 =	veq.f32 v26, v7  }
0x124: {  	v35 =	vmul.f32 v35, v8;
	v26 =	vld [tilespmem:s19+$0x0];
	v31 =	vmul.f32 v31, v9;
	vm3 =	veq.f32 v27, v7  }
0x125: {  	v21 =	vmul.f32 v21, v21;
	v20 =	vmul.f32 v20, v20;
	v27 =	vld [tilespmem:s17+$0xFFFFD850];
	vm4 =	veq.f32 v29, v7  }
0x126: {  	v23 =	vmul.f32 v23, v23;
	v16 =	vmul.f32 v16, v16;
	v29 =	vld [tilespmem:s17+$0xFFFFFFD0];
	vm5 =	veq.f32 v30, v7  }
0x127: {  	v24 =	vmul.f32 v24, v24;
	v25 =	vmul.f32 v25, v25;
	v30 =	vsub.f32 v36, v11  }
0x128: {  	v22 =	vmul.f32 v22, v22;
	v17 =	vmul.f32 v17, v17;
	v36 =	vsub.f32 v37, v10  }
0x129: {  	v37 =	vsub.f32 v26, v11;
	v26 =	vmul.f32 v33, v33;
	v33 =	vmul.f32 v34, v34  }
0x12a: {  	v31 =	vmul.f32 v31, v31;
	v34 =	vmul.f32 v35, v35;
	vm6 =	veq.f32 v27, v7  }
0x12b: {  	v18 =	vmul.f32 v18, v18;
	v19 =	vmul.f32 v19, v19;
	vm7 =	veq.f32 v29, v7  }
0x12c: {  	v28 =	vmul.f32 v28, v28;
	v26 =	vadd.f32 v33, v26;
	v27 =	vadd.f32 v31, v34  }
0x12d: {  	v24 =	vadd.f32 v25, v24;
	v20 =	vadd.f32 v20, v21;
	v29 =	vmul.f32 v32, v32  }
0x12e: {  	v18 =	vadd.f32 v19, v18;
	s17 =	sadd.s32 $0x40, s17;
	vm8 =	vlt.f32 v26, v14;
	vm9 =	vlt.f32 v27, v15  }
0x12f: {  	v21 =	vadd.f32 v29, v28;
	vm6 =	vmand vm6, vm8;
	vm7 =	vmand vm7, vm9;
	v19 =	vld [tilespmem:s17+$0xFFFFD880]  }
0x130: {  	v14 =	vsel vm6, v26, v14;
	v15 =	vsel vm7, v27, v15;
	v12 =	vsel vm7, s16, v12;
	v25 =	vld [tilespmem:s17+$0x0]  }
0x131: {  	v13 =	vsel vm6, s16, v13;
	vm6 =	vlt.f32 v18, v14;
	vm7 =	vlt.f32 v21, v15;
	v26 =	vld [tilespmem:s18+$0x0]  }
0x132: {  	s21 =	sadd.s32 $0x1, s16;
	v17 =	vadd.f32 v17, v22;
	vm4 =	vmand vm4, vm6;
	vm5 =	vmand vm5, vm7;
	v27 =	vld [tilespmem:s19+$0xFFFFD870]  }
0x133: {  	v14 =	vsel vm4, v18, v14;
	v15 =	vsel vm5, v21, v15;
	v12 =	vsel vm5, s21, v12;
	v22 =	vld [tilespmem:s18+$0xFFFFD870]  }
0x134: {  	v13 =	vsel vm4, s21, v13;
	vm4 =	vlt.f32 v24, v14;
	vm5 =	vlt.f32 v17, v15;
	v18 =	vld [tilespmem:s19+$0xFFFFFFF0]  }
0x135: {  	v16 =	vadd.f32 v16, v23;
	s21 =	sadd.s32 $0x2, s16;
	vm2 =	vmand vm2, vm4;
	vm3 =	vmand vm3, vm5;
	v21 =	vld [tilespmem:s18+$0xFFFFFFF0]  }
0x136: {  	v14 =	vsel vm2, v24, v14;
	v15 =	vsel vm3, v17, v15;
	v12 =	vsel vm3, s21, v12;
	v23 =	vld [tilespmem:s19+$0xFFFFD860]  }
0x137: {  	v13 =	vsel vm2, s21, v13;
	vm2 =	vlt.f32 v20, v14;
	vm3 =	vlt.f32 v16, v15;
	v17 =	vld [tilespmem:s18+$0xFFFFD860]  }
0x138: {  	s21 =	sadd.s32 $0x3, s16;
	s16 =	smov.u32 s20;
	v29 =	vsub.f32 v26, v10;
	vm0 =	vmand vm0, vm2;
	vm1 =	vmand vm1, vm3;
	v24 =	vld [tilespmem:s19+$0xFFFFFFE0]  }
0x139: {  	v14 =	vsel vm0, v20, v14;
	v15 =	vsel vm1, v16, v15;
	v12 =	vsel vm1, s21, v12;
	v26 =	vld [tilespmem:s18+$0xFFFFFFE0]  }
0x13a: {  	v34 =	vsub.f32 v27, v11;
	v22 =	vsub.f32 v22, v10;
	v13 =	vsel vm0, s21, v13;
	v33 =	vld [tilespmem:s19+$0xFFFFD850]  }
0x13b: {  	vm0 =	veq.f32 v19, v7;
	v18 =	vsub.f32 v18, v11;
	v38 =	vsub.f32 v21, v10;
	v35 =	vld [tilespmem:s18+$0xFFFFD850]  }
0x13c: {  	vm1 =	veq.f32 v25, v7;
	v39 =	vsub.f32 v23, v11;
	v19 =	vld [tilespmem:s19+$0xFFFFFFD0];
	v40 =	vsub.f32 v17, v10  }
.Ltmp2:
0x13d: {  	v20 =	vmul.f32 v36, v9;
	v21 =	vmul.f32 v30, v8;
	v31 =	vld [tilespmem:s18+$0xFFFFFFD0];
	v28 =	vsub.f32 v24, v11;
	(pc) =	sbr.rel @p0 .LBB2_6-.Ltmp2, $4  }
0x13e: {  	v16 =	vmul.f32 v29, v9;
	v23 =	vmul.f32 v37, v8;
	v32 =	vsub.f32 v26, v10;
	v26 =	vld [tilespmem:s17+$0xFFFFD870]  }
0x13f: {  	v25 =	vmul.f32 v22, v9;
	v24 =	vmul.f32 v34, v8;
	v33 =	vsub.f32 v33, v11;
	v27 =	vld [tilespmem:s17+$0xFFFFFFF0]  }
0x140: {  	v22 =	vmul.f32 v18, v8;
	v17 =	vmul.f32 v38, v9;
	v34 =	vsub.f32 v35, v10;
	v29 =	vld [tilespmem:s17+$0xFFFFD860]  }
0x141: {  	s20 =	sadd.s32 $0x4, s20;
	s19 =	sadd.s32 $0x40, s19;
	v18 =	vmul.f32 v39, v8;
	v35 =	vsub.f32 v19, v11;
	v30 =	vld [tilespmem:s17+$0xFFFFFFE0];
	v19 =	vmul.f32 v40, v9  }
0x142: {  	v11 =	vmul.f32 v28, v8;
	v41 =	vmul.f32 v32, v9  }
0x143: {  	v42 =	vmul.f32 v33, v8;
	v43 =	vmul.f32 v34, v9  }
0x144: {  	v21 =	vmul.f32 v21, v21;
	v23 =	vmul.f32 v23, v23  }
0x145: {  	v24 =	vmul.f32 v24, v24;
	v25 =	vmul.f32 v25, v25  }
0x146: {  	v10 =	vsub.f32 v31, v10;
	v22 =	vmul.f32 v22, v22;
	v53 =	vmul.f32 v17, v17  }
0x147: {  	v45 =	vld [tilespmem:s17+$0xFFFFD850];
	v8 =	vmul.f32 v35, v8;
	v49 =	vmul.f32 v18, v18  }
0x148: {  	v46 =	vld [tilespmem:s17+$0xFFFFFFD0];
	v50 =	vmul.f32 v19, v19;
	v44 =	vmul.f32 v10, v9  }
0x149: {  	v47 =	vmul.f32 v42, v42;
	v48 =	vmul.f32 v43, v43  }
0x14a: {  	vm2 =	veq.f32 v26, v7;
	v8 =	vmul.f32 v8, v8;
	v9 =	vmul.f32 v44, v44  }
0x14b: {  	vm3 =	veq.f32 v27, v7;
	v52 =	vmul.f32 v41, v41;
	vm6 =	veq.f32 v29, v7  }
0x14c: {  	vm7 =	veq.f32 v30, v7;
	v51 =	vadd.f32 v48, v47;
	v8 =	vadd.f32 v9, v8  }
0x14d: {  	vm4 =	veq.f32 v45, v7;
	vm5 =	veq.f32 v46, v7;
	v7 =	vmul.f32 v11, v11  }
0x14e: {  	v10 =	vadd.f32 v50, v49;
	vm8 =	vlt.f32 v51, v14;
	vm9 =	vlt.f32 v8, v15  }
0x14f: {  	vm4 =	vmand vm4, vm8;
	v7 =	vadd.f32 v52, v7;
	vm5 =	vmand vm5, vm9  }
0x150: {  	v56 =	vmul.f32 v16, v16;
	v54 =	vsel vm4, v51, v14;
	v8 =	vsel vm5, v8, v15  }
0x151: {  	v55 =	vadd.f32 v25, v24;
	vm15 =	vlt.f32 v10, v54;
	vm12 =	vlt.f32 v7, v8  }
0x152: {  	v9 =	vadd.f32 v53, v22;
	vm6 =	vmand vm6, vm15;
	vm7 =	vmand vm7, vm12  }
0x153: {  	v20 =	vmul.f32 v20, v20;
	v10 =	vsel vm6, v10, v54;
	v7 =	vsel vm7, v7, v8  }
0x154: {  	v57 =	vadd.f32 v56, v23;
	vm13 =	vlt.f32 v55, v10;
	vm14 =	vlt.f32 v9, v7  }
0x155: {  	v8 =	vadd.f32 v20, v21;
	vm2 =	vmand vm2, vm13;
	vm3 =	vmand vm3, vm14  }
0x156: {  	v10 =	vsel vm2, v55, v10;
	v7 =	vsel vm3, v9, v7  }
0x157: {  	vm15 =	vlt.f32 v8, v10;
	vm12 =	vlt.f32 v57, v7  }
0x158: {  	vm0 =	vmand vm0, vm15;
	vm1 =	vmand vm1, vm12  }
0x159: {  	v8 =	vsel vm0, v8, v10;
	v7 =	vsel vm1, v57, v7  }
0x15a: {  	vm13 =	vlt.f32 v7, v8  }
0x15b: {  	v7 =	vsel vm13, v7, v8  }
0x15c: {  	v8 =	vperm.xlane v7, v0;
	_ =	sdelay $0x1  }
0x15d: {  	v8 =	vmin.f32 v7, v8  }
0x15e: {  	v58 =	vperm.xlane v8, v1;
	_ =	sdelay $0x1  }
0x15f: {  	v8 =	vmin.f32 v8, v58  }
0x160: {  	s29 =	sadd.s32 $0x1, s16;
	v60 =	vsel vm4, s16, v13;
	v59 =	vsel vm5, s16, v12;
	v61 =	vperm.xlane v8, v2  }
0x161: {  	s30 =	sadd.s32 $0x2, s16;
	v9 =	vsel vm7, s29, v59;
	v10 =	vsel vm6, s29, v60  }
0x162: {  	s31 =	sadd.s32 $0x3, s16;
	v9 =	vsel vm3, s30, v9;
	v10 =	vsel vm2, s30, v10;
	v8 =	vmin.f32 v8, v61  }
0x163: {  	v9 =	vsel vm1, s31, v9;
	v10 =	vsel vm0, s31, v10;
	v11 =	vperm.xlane v8, v3  }
0x164: {  	v62 =	vor.u32 $0x2780, v6;
	v10 =	vshll.u32 v10, $0x4;
	v9 =	vshll.u32 v9, $0x4  }
0x165: {  	v10 =	vor.u32 v6, v10;
	v9 =	vadd.s32 v62, v9;
	v8 =	vmin.f32 v8, v11  }
0x166: {  	v9 =	vsel vm13, v9, v10;
	vm14 =	veq.f32 v7, v8  }
0x167: {  	v7 =	vnsel vm14, $0x40000000, v9  }
0x168: {  	v9 =	vperm.xlane v7, v0;
	_ =	sdelay $0x1  }
0x169: {  	vm0 =	vlt.s32 v7, v9  }
0x16a: {  	v7 =	vsel vm0, v7, v9  }
0x16b: {  	v9 =	vperm.xlane v7, v1;
	_ =	sdelay $0x1  }
0x16c: {  	vm0 =	vlt.s32 v7, v9  }
0x16d: {  	v7 =	vsel vm0, v7, v9  }
0x16e: {  	v9 =	vperm.xlane v7, v2;
	_ =	sdelay $0x1  }
0x16f: {  	v63 =	vmov s10;
	s10 =	sadd.s32 $0x1, s10;
	vm0 =	vlt.s32 v7, v9  }
0x170: {  	p0 =	sne.s32 s10, $0x7;
	v7 =	vsel vm0, v7, v9  }
.Ltmp3:
0x171: {  	v9 =	vperm.xlane v7, v3;
	(pc) =	sbr.rel @p0 .LBB2_5-.Ltmp3, $4  }
0x172: {  	_ = 	snop  }
0x173: {  	vm0 =	vlt.s32 v7, v9  }
0x174: {  	vm15 =	veq.s32 v63, v6;
	v7 =	vsel vm0, v7, v9  }
0x175: {  	v5 =	vsel vm15, v8, v5;
	v4 =	vsel vm15, v7, v4  }
0x176: {  	[tilespmem:$0xF320] =	vst v5  }
0x177: {  	[tilespmem:$0xF330] =	vst v4;
	s9 =	simm.s32 $0xF320;
	s21 =	simm.s32 $0x3  }
0x178: {  	[spmem:s8] =	stream.linear.scatter [tilespmem:s9], [sflag:$0x3], $0x10, $0x38;
	[tilespmem:$0xFF50] =	vst v63  }
0x179: {  	_ =	swait.ge [sflag:s21], $0x10  }
0x17a: {  	[sflag:s21] =	ssyncset.done $0x0  }
0x17b: {  	s7 =	sadd.s32 s7, s5;
	s22 =	simm.s32 $0xF330;
	[sflag:s21] =	ssyncadd.s32 $0xFFFFFFF0  }
0x17c: {  	[spmem:s7] =	stream.linear.scatter [tilespmem:s22], [sflag:$0x3], $0x10, $0x38;
	[tilespmem:$0xFF50] =	vst v63  }
0x17d: {  	_ =	swait.ge [sflag:s21], $0x10  }
0x17e: {  	[sflag:s21] =	ssyncset.done $0x0  }
0x17f: {  	[sflag:s21] =	ssyncadd.s32 $0xFFFFFFF0  }
0x180: {  	s7 =	simm.s32 $0xF360;
	[bflag:$0x0] =	sbarrier.arrive $0xFFFF  }
0x181: {  	[tilespmem:s7], [sflag:$0x3] =	stream.linear.gather [spmem:s6], $0x100, $0x38;
	[tilespmem:$0xFF50] =	vst v63  }
0x182: {  	_ =	swait.ge [sflag:s21], $0x100  }
0x183: {  	[sflag:s21] =	ssyncset.done $0x0  }
0x184: {  	s6 =	simm.s32 $0xF460;
	[sflag:s21] =	ssyncadd.s32 $0xFFFFFF00  }
0x185: {  	[tilespmem:s6], [sflag:$0x3] =	stream.linear.gather [spmem:s5], $0x100, $0x38;
	[tilespmem:$0xFF50] =	vst v63  }
0x186: {  	_ =	swait.ge [sflag:s21], $0x100  }
0x187: {  	[sflag:s21] =	ssyncset.done $0x0  }
0x188: {  	v0 =	vimm.s32 $0x0;
	[sflag:s21] =	ssyncadd.s32 $0xFFFFFF00  }
0x189: {  	[tilespmem:$0xF560] =	vst v0  }
0x18a: {  	[tilespmem:$0xFA50] =	vst v0  }
0x18b: {  	[tilespmem:$0xF570] =	vst v0  }
0x18c: {  	[tilespmem:$0xFA60] =	vst v0  }
0x18d: {  	[tilespmem:$0xF580] =	vst v0  }
0x18e: {  	[tilespmem:$0xFA70] =	vst v0  }
0x18f: {  	[tilespmem:$0xF590] =	vst v0  }
0x190: {  	[tilespmem:$0xFA80] =	vst v0  }
0x191: {  	[tilespmem:$0xF5A0] =	vst v0  }
0x192: {  	[tilespmem:$0xFA90] =	vst v0  }
0x193: {  	[tilespmem:$0xF5B0] =	vst v0  }
0x194: {  	[tilespmem:$0xFAA0] =	vst v0  }
0x195: {  	[tilespmem:$0xF5C0] =	vst v0  }
0x196: {  	[tilespmem:$0xFAB0] =	vst v0  }
0x197: {  	[tilespmem:$0xF5D0] =	vst v0  }
0x198: {  	[tilespmem:$0xFAC0] =	vst v0  }
0x199: {  	[tilespmem:$0xF5E0] =	vst v0  }
0x19a: {  	[tilespmem:$0xFAD0] =	vst v0  }
0x19b: {  	[tilespmem:$0xF5F0] =	vst v0  }
0x19c: {  	[tilespmem:$0xFAE0] =	vst v0  }
0x19d: {  	[tilespmem:$0xF600] =	vst v0  }
0x19e: {  	[tilespmem:$0xFAF0] =	vst v0  }
0x19f: {  	[tilespmem:$0xF610] =	vst v0  }
0x1a0: {  	[tilespmem:$0xFB00] =	vst v0  }
0x1a1: {  	[tilespmem:$0xF620] =	vst v0  }
0x1a2: {  	[tilespmem:$0xFB10] =	vst v0  }
0x1a3: {  	[tilespmem:$0xF630] =	vst v0  }
0x1a4: {  	[tilespmem:$0xFB20] =	vst v0  }
0x1a5: {  	[tilespmem:$0xF640] =	vst v0  }
0x1a6: {  	[tilespmem:$0xFB30] =	vst v0  }
0x1a7: {  	[tilespmem:$0xF650] =	vst v0  }
0x1a8: {  	[tilespmem:$0xFB40] =	vst v0  }
0x1a9: {  	[tilespmem:$0xF660] =	vst v0  }
0x1aa: {  	[tilespmem:$0xFB50] =	vst v0  }
0x1ab: {  	[tilespmem:$0xF670] =	vst v0  }
0x1ac: {  	[tilespmem:$0xFB60] =	vst v0  }
0x1ad: {  	[tilespmem:$0xF680] =	vst v0  }
0x1ae: {  	[tilespmem:$0xFB70] =	vst v0  }
0x1af: {  	[tilespmem:$0xF690] =	vst v0  }
0x1b0: {  	[tilespmem:$0xFB80] =	vst v0  }
0x1b1: {  	[tilespmem:$0xF6A0] =	vst v0  }
0x1b2: {  	[tilespmem:$0xFB90] =	vst v0  }
0x1b3: {  	[tilespmem:$0xF6B0] =	vst v0  }
0x1b4: {  	[tilespmem:$0xFBA0] =	vst v0  }
0x1b5: {  	[tilespmem:$0xF6C0] =	vst v0  }
0x1b6: {  	[tilespmem:$0xFBB0] =	vst v0  }
0x1b7: {  	[tilespmem:$0xF6D0] =	vst v0  }
0x1b8: {  	[tilespmem:$0xFBC0] =	vst v0  }
0x1b9: {  	[tilespmem:$0xF6E0] =	vst v0  }
0x1ba: {  	[tilespmem:$0xFBD0] =	vst v0  }
0x1bb: {  	[tilespmem:$0xF6F0] =	vst v0  }
0x1bc: {  	[tilespmem:$0xFBE0] =	vst v0  }
0x1bd: {  	[tilespmem:$0xF700] =	vst v0  }
0x1be: {  	[tilespmem:$0xFBF0] =	vst v0  }
0x1bf: {  	[tilespmem:$0xF710] =	vst v0  }
0x1c0: {  	[tilespmem:$0xFC00] =	vst v0  }
0x1c1: {  	[tilespmem:$0xF720] =	vst v0  }
0x1c2: {  	[tilespmem:$0xFC10] =	vst v0  }
0x1c3: {  	[tilespmem:$0xF730] =	vst v0  }
0x1c4: {  	[tilespmem:$0xFC20] =	vst v0  }
0x1c5: {  	[tilespmem:$0xF740] =	vst v0  }
0x1c6: {  	[tilespmem:$0xFC30] =	vst v0  }
0x1c7: {  	[tilespmem:$0xF750] =	vst v0  }
0x1c8: {  	[tilespmem:$0xFC40] =	vst v0  }
0x1c9: {  	[tilespmem:$0xF760] =	vst v0  }
0x1ca: {  	[tilespmem:$0xFC50] =	vst v0  }
0x1cb: {  	[tilespmem:$0xF770] =	vst v0  }
0x1cc: {  	[tilespmem:$0xFC60] =	vst v0  }
0x1cd: {  	[tilespmem:$0xF780] =	vst v0  }
0x1ce: {  	[tilespmem:$0xFC70] =	vst v0  }
0x1cf: {  	[tilespmem:$0xF790] =	vst v0  }
0x1d0: {  	[tilespmem:$0xFC80] =	vst v0  }
0x1d1: {  	[tilespmem:$0xF7A0] =	vst v0  }
0x1d2: {  	[tilespmem:$0xFC90] =	vst v0  }
0x1d3: {  	[tilespmem:$0xF7B0] =	vst v0  }
0x1d4: {  	[tilespmem:$0xFCA0] =	vst v0  }
0x1d5: {  	[tilespmem:$0xF7C0] =	vst v0  }
0x1d6: {  	[tilespmem:$0xFCB0] =	vst v0  }
0x1d7: {  	[tilespmem:$0xF7D0] =	vst v0  }
0x1d8: {  	[tilespmem:$0xFCC0] =	vst v0  }
0x1d9: {  	[tilespmem:$0xF7E0] =	vst v0  }
0x1da: {  	[tilespmem:$0xFCD0] =	vst v0  }
0x1db: {  	[tilespmem:$0xF7F0] =	vst v0  }
0x1dc: {  	[tilespmem:$0xFCE0] =	vst v0  }
0x1dd: {  	[tilespmem:$0xF800] =	vst v0  }
0x1de: {  	[tilespmem:$0xFCF0] =	vst v0  }
0x1df: {  	[tilespmem:$0xF810] =	vst v0  }
0x1e0: {  	[tilespmem:$0xFD00] =	vst v0  }
0x1e1: {  	[tilespmem:$0xF820] =	vst v0  }
0x1e2: {  	[tilespmem:$0xFD10] =	vst v0  }
0x1e3: {  	[tilespmem:$0xF830] =	vst v0  }
0x1e4: {  	[tilespmem:$0xFD20] =	vst v0  }
0x1e5: {  	[tilespmem:$0xF840] =	vst v0  }
0x1e6: {  	[tilespmem:$0xFD30] =	vst v0  }
0x1e7: {  	[tilespmem:$0xF850] =	vst v0  }
0x1e8: {  	[tilespmem:$0xFD40] =	vst v0  }
0x1e9: {  	[tilespmem:$0xF860] =	vst v0  }
0x1ea: {  	[tilespmem:$0xFD50] =	vst v0  }
0x1eb: {  	[tilespmem:$0xF870] =	vst v0  }
0x1ec: {  	[tilespmem:$0xFD60] =	vst v0  }
0x1ed: {  	[tilespmem:$0xF880] =	vst v0  }
0x1ee: {  	[tilespmem:$0xFD70] =	vst v0  }
0x1ef: {  	[tilespmem:$0xF890] =	vst v0  }
0x1f0: {  	[tilespmem:$0xFD80] =	vst v0  }
0x1f1: {  	[tilespmem:$0xF8A0] =	vst v0  }
0x1f2: {  	[tilespmem:$0xFD90] =	vst v0  }
0x1f3: {  	[tilespmem:$0xF8B0] =	vst v0  }
0x1f4: {  	[tilespmem:$0xFDA0] =	vst v0  }
0x1f5: {  	[tilespmem:$0xF8C0] =	vst v0  }
0x1f6: {  	[tilespmem:$0xFDB0] =	vst v0  }
0x1f7: {  	[tilespmem:$0xF8D0] =	vst v0  }
0x1f8: {  	[tilespmem:$0xFDC0] =	vst v0  }
0x1f9: {  	[tilespmem:$0xF8E0] =	vst v0  }
0x1fa: {  	[tilespmem:$0xFDD0] =	vst v0  }
0x1fb: {  	[tilespmem:$0xF8F0] =	vst v0  }
0x1fc: {  	[tilespmem:$0xFDE0] =	vst v0  }
0x1fd: {  	[tilespmem:$0xF900] =	vst v0  }
0x1fe: {  	[tilespmem:$0xFDF0] =	vst v0  }
0x1ff: {  	[tilespmem:$0xF910] =	vst v0  }
0x200: {  	[tilespmem:$0xFE00] =	vst v0  }
0x201: {  	[tilespmem:$0xF920] =	vst v0  }
0x202: {  	[tilespmem:$0xFE10] =	vst v0  }
0x203: {  	[tilespmem:$0xF930] =	vst v0  }
0x204: {  	[tilespmem:$0xFE20] =	vst v0  }
0x205: {  	[tilespmem:$0xF940] =	vst v0  }
0x206: {  	[tilespmem:$0xFE30] =	vst v0  }
0x207: {  	[tilespmem:$0xF950] =	vst v0  }
0x208: {  	[tilespmem:$0xFE40] =	vst v0  }
0x209: {  	[tilespmem:$0xF960] =	vst v0  }
0x20a: {  	[tilespmem:$0xFE50] =	vst v0  }
0x20b: {  	[tilespmem:$0xF970] =	vst v0  }
0x20c: {  	[tilespmem:$0xFE60] =	vst v0  }
0x20d: {  	[tilespmem:$0xF980] =	vst v0  }
0x20e: {  	[tilespmem:$0xFE70] =	vst v0  }
0x20f: {  	[tilespmem:$0xF990] =	vst v0  }
0x210: {  	[tilespmem:$0xFE80] =	vst v0  }
0x211: {  	[tilespmem:$0xF9A0] =	vst v0  }
0x212: {  	[tilespmem:$0xFE90] =	vst v0  }
0x213: {  	[tilespmem:$0xF9B0] =	vst v0  }
0x214: {  	[tilespmem:$0xFEA0] =	vst v0  }
0x215: {  	[tilespmem:$0xF9C0] =	vst v0  }
0x216: {  	[tilespmem:$0xFEB0] =	vst v0  }
0x217: {  	[tilespmem:$0xF9D0] =	vst v0  }
0x218: {  	[tilespmem:$0xFEC0] =	vst v0  }
0x219: {  	[tilespmem:$0xF9E0] =	vst v0  }
0x21a: {  	[tilespmem:$0xFED0] =	vst v0  }
0x21b: {  	[tilespmem:$0xF9F0] =	vst v0  }
0x21c: {  	[tilespmem:$0xFEE0] =	vst v0  }
0x21d: {  	[tilespmem:$0xFA00] =	vst v0  }
0x21e: {  	[tilespmem:$0xFEF0] =	vst v0  }
0x21f: {  	[tilespmem:$0xFA10] =	vst v0  }
0x220: {  	v1 =	vlaneseq.u32;
	[tilespmem:$0xFF00] =	vst v0  }
0x221: {  	v2 =	vmul.u32 $0x10, v1;
	[tilespmem:$0xFA20] =	vst v0  }
0x222: {  	[tilespmem:$0xFF10] =	vst v0  }
0x223: {  	s23 =	simm.s32 $0x0;
	[tilespmem:$0xFA30] =	vst v0  }
0x224: {  	v4 =	vmov s23;
	[tilespmem:$0xFF20] =	vst v0  }
0x225: {  	v5 =	vor.u32 $0x1, v4;
	[tilespmem:$0xFA40] =	vst v0  }
0x226: {  	v6 =	vor.u32 $0x4, v4;
	[tilespmem:$0xFF30] =	vst v0  }
0x227: {  	v7 =	vor.u32 $0x5, v4;
	v0 =	vld.idx.msk [tilespmem:v2+s7+$0x0], $0xffff  }
0x228: {  	v3 =	vld.idx.msk [tilespmem:v2+s6+$0x0], $0xffff  }
0x229: {  	v2 =	vld.idx.msk [tilespmem:v4+s7+$0x0], $0xffff  }
0x22a: {  	v8 =	vld.idx.msk [tilespmem:v5+s6+$0x0], $0xffff  }
0x22b: {  	v12 =	vor.u32 $0x2, v4;
	v56 =	vld.idx.msk [tilespmem:v6+s7+$0x0], $0xffff  }
0x22c: {  	vm0 =	vmxor vm0, vm0;
	v13 =	vld.idx.msk [tilespmem:v7+s6+$0x0], $0xffff  }
0x22d: {  	v9 =	vimm.s32 $0x0;
	v10 =	vor.u32 $0x6, v4;
	v14 =	vor.u32 $0x3, v4;
	v4 =	vld.idx.msk [tilespmem:v4+s6+$0x0], $0xffff  }
0x22e: {  	s24 =	simm.s32 $0x0;
	v60 =	vimm.s32 $0x0;
	v61 =	vimm.s32 $0x0;
	v63 =	vimm.s32 $0x0;
	v6 =	vld.idx.msk [tilespmem:v6+s6+$0x0], $0xffff  }
0x22f: {  	s25 =	simm.s32 $0x2;
	s26 =	simm.s32 $0x5;
	s28 =	simm.s32 $0x1;
	v9 =	vsel vm0, $0xFFFFFFFF, v9;
	v1 =	vmul.u32 $0x7, v1;
	v11 =	vmov s24;
	v7 =	vld.idx.msk [tilespmem:v7+s7+$0x0], $0xffff  }
0x230: {  	s29 =	simm.s32 $0x4;
	s30 =	simm.s32 $0x3;
	s31 =	simm.s32 $0x6;
	v15 =	vmov s25;
	v16 =	vmov s26;
	v17 =	vmov s28;
	v59 =	vld.idx.msk [tilespmem:v12+s6+$0x0], $0xffff  }
0x231: {  	v18 =	vmov s29;
	v19 =	vmov s30;
	v58 =	vmov s31;
	v62 =	vld.idx.msk [tilespmem:v5+s7+$0x0], $0xffff  }
0x232: {  	vm0 =	vlt.u32 v11, v1;
	vm3 =	vlt.u32 v17, v1;
	vm11 =	vlt.u32 v15, v1;
	v5 =	vld.idx.msk [tilespmem:v12+s7+$0x0], $0xffff  }
0x233: {  	vm4 =	vlt.u32 v18, v1;
	vm1 =	vlt.f32 v2, v0;
	vm2 =	veq.f32 v2, v0  }
0x234: {  	vm5 =	veq.s32 v13, v3;
	vm6 =	veq.s32 v8, v3;
	vm7 =	vlt.f32 v56, $5.000000080e+29  }
0x235: {  	vm12 =	veq.s32 v6, v3;
	vm8 =	veq.s32 v4, v3;
	vm13 =	veq.f32 v56, v0  }
0x236: {  	v57 =	vld.idx.msk [tilespmem:v10+s6+$0x0], $0xffff;
	vm9 =	vlt.f32 v7, $5.000000080e+29;
	v4 =	vimm.s32 $0x0;
	v6 =	vimm.s32 $0x0  }
0x237: {  	vm10 =	veq.s32 v59, v3;
	vm14 =	vlt.f32 v5, v0;
	vm0 =	vmand vm0, vm2  }
0x238: {  	vm2 =	vlt.f32 v2, $5.000000080e+29;
	v8 =	vsel vm6, $0xFFFFFFFF, v60;
	vm6 =	vlt.u32 v16, v1  }
0x239: {  	v2 =	vld.idx.msk [tilespmem:v10+s7+$0x0], $0xffff;
	[tilespmem:$0x1FFB0] =	vst v8;
	v8 =	vsel vm6, $0xFFFFFFFF, v61;
	vm6 =	vlt.u32 v58, v1;
	vm0 =	vmor vm1, vm0  }
0x23a: {  	vm1 =	vmand vm2, vm8;
	vm2 =	vmand vm9, vm5;
	vm9 =	vlt.f32 v7, v0  }
0x23b: {  	v4 =	vsel vm2, $0xFFFFFFFF, v4;
	vm8 =	vmand vm1, vm0;
	vm1 =	veq.s32 v57, v3  }
0x23c: {  	vm2 =	vlt.f32 v56, v0;
	[tilespmem:$0x1FFD0] =	vst v4;
	v4 =	vld.idx.msk [tilespmem:v14+s7+$0x0], $0xffff;
	v6 =	vsel vm1, $0xFFFFFFFF, v6;
	vm1 =	vmand vm4, vm13  }
0x23d: {  	vm13 =	vlt.f32 v62, $5.000000080e+29;
	vm4 =	vlt.f32 v62, v0;
	[tilespmem:$0x1FFE0] =	vst v6;
	v6 =	vld.idx.msk [tilespmem:v14+s6+$0x0], $0xffff;
	vm1 =	vmor vm2, vm1  }
0x23e: {  	vm2 =	vmand vm7, vm12;
	vm12 =	veq.f32 v7, v0;
	vm0 =	veq.f32 v2, v0  }
0x23f: {  	vm7 =	vmand vm2, vm1;
	vm6 =	vmand vm6, vm0;
	vm0 =	veq.f32 v62, v0  }
0x240: {  	[tilespmem:$0x1FFA0] =	vst v9;
	vm15 =	vmand vm3, vm0;
	vm0 =	vlt.f32 v2, $5.000000080e+29;
	vm3 =	veq.f32 v5, v0  }
0x241: {  	[tilespmem:$0x1FFC0] =	vst v8;
	v9 =	vsel vm0, $0xFFFFFFFF, v63;
	vm0 =	vlt.u32 v19, v1;
	vm11 =	vmand vm11, vm3  }
0x242: {  	s10 =	simm.s32 $0xD;
	s5 =	simm.s32 $0x1;
	vm2 =	veq.f32 v4, v0;
	vm3 =	vlt.f32 v4, $5.000000080e+29;
	[tilespmem:$0x1FFF0] =	vst v9;
	vm1 =	veq.s32 v6, v3  }
.LBB2_9:
0x243: {  	v12 =	vld [tilespmem:$0x1FFB0];
	_ =	sdelay $0x2  }
0x244: {  	vm0 =	vmand vm0, vm2;
	vm2 =	vlt.f32 v4, v0  }
0x245: {  	vm0 =	vmor vm2, vm0;
	vm2 =	vlt.f32 v2, v0;
	v2 =	vld [tilespmem:$0x1FFD0]  }
0x246: {  	vm4 =	vmor vm4, vm15;
	vm15 =	vmand vm3, vm1;
	vm3 =	vnez.u8 v12  }
0x247: {  	vm5 =	vlt.f32 v5, $5.000000080e+29;
	v13 =	vld [tilespmem:$0x1FFC0];
	vm3 =	vmand vm13, vm3  }
0x248: {  	vm1 =	vmand vm5, vm10;
	vm5 =	vmor vm14, vm11;
	vm3 =	vmand vm3, vm4  }
0x249: {  	vm1 =	vmand vm1, vm5;
	vm3 =	vmor vm8, vm3  }
0x24a: {  	vm1 =	vmor vm3, vm1;
	vm3 =	vnez.u8 v2;
	v2 =	vld [tilespmem:$0x1FFE0];
	_ =	sdelay $0x1  }
0x24b: {  	s11 =	sshll.u32 s5, $0x4;
	vm4 =	vnez.u8 v13  }
0x24c: {  	v5 =	vmov s11;
	vm4 =	vmand vm4, vm12  }
0x24d: {  	v7 =	vor.u32 $0x1, v5;
	vm4 =	vmor vm9, vm4  }
0x24e: {  	v10 =	vor.u32 $0x4, v5;
	vm3 =	vmand vm3, vm4;
	vm4 =	vnez.u8 v2;
	v2 =	vld [tilespmem:$0x1FFF0];
	_ =	sdelay $0x1  }
0x24f: {  	s12 =	sadd.s32 $0xFFFFFFFA, s10;
	s9 =	smov.u32 s10;
	v62 =	vimm.s32 $0x0;
	v63 =	vimm.s32 $0x0;
	v11 =	vor.u32 $0x5, v5  }
0x250: {  	v6 =	vmov s12;
	s26 =	sadd.s32 $0xFFFFFFFC, s9;
	s28 =	sadd.s32 $0xFFFFFFFF, s9;
	v60 =	vmov s9;
	v8 =	vor.u32 $0x2, v5;
	v57 =	vld.idx.msk [tilespmem:v5+s7+$0x0], $0xffff  }
0x251: {  	s29 =	sadd.s32 $0xFFFFFFFB, s9;
	s30 =	sadd.s32 $0xFFFFFFFE, s9;
	v9 =	vor.u32 $0x3, v5;
	v4 =	vmov s26;
	v56 =	vmov s28;
	v14 =	vld.idx.msk [tilespmem:v7+s6+$0x0], $0xffff  }
0x252: {  	v15 =	vmov s29;
	v16 =	vmov s30;
	v17 =	vld.idx.msk [tilespmem:v10+s7+$0x0], $0xffff;
	vm5 =	vnez.u8 v2  }
0x253: {  	s31 =	sadd.s32 $0xFFFFFFFD, s9;
	v18 =	vor.u32 $0x6, v5;
	vm4 =	vmand vm5, vm4;
	vm5 =	vlt.u32 v6, v1;
	v6 =	vld.idx.msk [tilespmem:v10+s6+$0x0], $0xffff  }
0x254: {  	vm2 =	vmor vm2, vm6;
	v20 =	vmov s31;
	vm0 =	vmand vm15, vm0;
	v58 =	vld.idx.msk [tilespmem:v11+s7+$0x0], $0xffff  }
0x255: {  	vm11 =	vlt.u32 v4, v1;
	v4 =	vimm.s32 $0x0;
	v61 =	vld.idx.msk [tilespmem:v8+s6+$0x0], $0xffff;
	vm0 =	vmor vm1, vm0  }
0x256: {  	vm1 =	vlt.f32 v57, v0;
	vm0 =	vmor vm0, vm7;
	vm7 =	vlt.u32 v16, v1  }
0x257: {  	v19 =	vld.idx.msk [tilespmem:v11+s6+$0x0], $0xffff;
	vm3 =	vmor vm0, vm3;
	vm0 =	vlt.u32 v15, v1;
	vm6 =	veq.s32 v14, v3  }
0x258: {  	vm12 =	vlt.f32 v17, $5.000000080e+29;
	v4 =	vsel vm6, $0xFFFFFFFF, v4;
	vm14 =	veq.s32 v6, v3;
	v6 =	vld [tilespmem:$0x1FFA0]  }
0x259: {  	v7 =	vld.idx.msk [tilespmem:v7+s7+$0x0], $0xffff;
	vm13 =	veq.f32 v17, v0;
	vm6 =	vlt.u32 v56, v1;
	[tilespmem:$0x1FFB0] =	vst v4;
	v4 =	vimm.s32 $0x0  }
0x25a: {  	v5 =	vld.idx.msk [tilespmem:v5+s6+$0x0], $0xffff;
	vm10 =	veq.s32 v61, v3;
	vm9 =	vlt.f32 v58, v0;
	v4 =	vsel vm6, $0xFFFFFFFF, v4  }
0x25b: {  	v59 =	vld.idx.msk [tilespmem:v18+s6+$0x0], $0xffff;
	vm6 =	vlt.u32 v60, v1;
	vm2 =	vmand vm4, vm2;
	vm4 =	veq.f32 v57, v0  }
0x25c: {  	v2 =	vld.idx.msk [tilespmem:v18+s7+$0x0], $0xffff;
	vm4 =	vmand vm5, vm4;
	vm5 =	vlt.f32 v57, $5.000000080e+29;
	vm2 =	vmor vm3, vm2  }
0x25d: {  	vm3 =	veq.s32 v19, v3;
	vm1 =	vmor vm1, vm4;
	vm8 =	vnez.u8 v6  }
0x25e: {  	vm4 =	vlt.f32 v7, v0;
	v6 =	vimm.s32 $0x0;
	vm8 =	vmor vm8, vm2  }
0x25f: {  	vm2 =	veq.s32 v5, v3;
	v6 =	vsel vm8, $0xFFFFFFFF, v6;
	vm8 =	vlt.f32 v58, $5.000000080e+29  }
0x260: {  	vm2 =	vmand vm5, vm2;
	[tilespmem:$0x1FFA0] =	vst v6;
	vm3 =	vmand vm8, vm3;
	v6 =	vimm.s32 $0x0  }
0x261: {  	v5 =	vld.idx.msk [tilespmem:v8+s7+$0x0], $0xffff;
	vm8 =	vmand vm2, vm1;
	vm1 =	veq.f32 v2, v0;
	vm2 =	veq.s32 v59, v3  }
0x262: {  	[tilespmem:$0x1FFC0] =	vst v4;
	v4 =	vld.idx.msk [tilespmem:v9+s7+$0x0], $0xffff;
	v6 =	vsel vm3, $0xFFFFFFFF, v6;
	v8 =	vsel vm2, $0xFFFFFFFF, v62;
	vm2 =	vlt.f32 v2, $5.000000080e+29  }
0x263: {  	p0 =	sne.s32 s10, $0x6F;
	vm3 =	vlt.f32 v17, v0;
	vm6 =	vmand vm6, vm1;
	vm1 =	vmand vm7, vm13;
	[tilespmem:$0x1FFD0] =	vst v6;
	v6 =	vld.idx.msk [tilespmem:v9+s6+$0x0], $0xffff  }
.Ltmp4:
0x264: {  	vm13 =	vlt.f32 v7, $5.000000080e+29;
	[tilespmem:$0x1FFE0] =	vst v8;
	v8 =	vsel vm2, $0xFFFFFFFF, v63;
	vm2 =	veq.f32 v7, v0;
	(pc) =	sbr.rel @p0 .LBB2_9-.Ltmp4, $4  }
0x265: {  	vm1 =	vmor vm3, vm1;
	vm15 =	vmand vm0, vm2;
	vm0 =	vlt.u32 v20, v1  }
0x266: {  	vm2 =	vmand vm12, vm14;
	vm3 =	veq.f32 v5, v0;
	vm12 =	veq.f32 v58, v0  }
0x267: {  	s8 =	sadd.s32 $0x7, s10;
	vm14 =	vlt.f32 v5, v0;
	vm7 =	vmand vm2, vm1;
	vm11 =	vmand vm11, vm3  }
0x268: {  	s5 =	sadd.s32 $0x1, s5;
	s10 =	smov.u32 s8;
	[tilespmem:$0x1FFF0] =	vst v8;
	vm2 =	veq.f32 v4, v0;
	vm3 =	vlt.f32 v4, $5.000000080e+29;
	vm1 =	veq.s32 v6, v3  }
0x269: {  	v1 =	vld [tilespmem:$0x1FFB0];
	_ =	sdelay $0x4  }
0x26a: {  	vm0 =	vmand vm0, vm2;
	vm2 =	vnez.u8 v1;
	v1 =	vld [tilespmem:$0x1FFC0];
	_ =	sdelay $0x3  }
0x26b: {  	vm4 =	vmor vm4, vm15;
	vm2 =	vmand vm13, vm2  }
0x26c: {  	vm2 =	vmand vm2, vm4;
	vm4 =	vnez.u8 v1;
	v1 =	vld [tilespmem:$0x1FFD0];
	_ =	sdelay $0x1  }
0x26d: {  	vm5 =	vlt.f32 v5, $5.000000080e+29  }
0x26e: {  	vm1 =	vmand vm3, vm1;
	vm3 =	vmand vm5, vm10;
	vm10 =	vmor vm14, vm11  }
0x26f: {  	vm3 =	vmand vm3, vm10;
	vm2 =	vmor vm8, vm2  }
0x270: {  	vm2 =	vmor vm2, vm3;
	vm3 =	vnez.u8 v1;
	v1 =	vld [tilespmem:$0x1FFE0];
	_ =	sdelay $0x1  }
0x271: {  	vm5 =	vlt.f32 v4, v0  }
0x272: {  	vm0 =	vmor vm5, vm0  }
0x273: {  	vm0 =	vmand vm1, vm0  }
0x274: {  	vm0 =	vmor vm2, vm0;
	vm2 =	vnez.u8 v1;
	v1 =	vld [tilespmem:$0x1FFF0];
	_ =	sdelay $0x2  }
0x275: {  	vm1 =	vlt.f32 v2, v0;
	v2 =	vld [tilespmem:$0x1FFA0];
	vm4 =	vmand vm4, vm12  }
0x276: {  	vm4 =	vmor vm9, vm4  }
0x277: {  	vm3 =	vmand vm3, vm4;
	vm4 =	vnez.u8 v1  }
0x278: {  	vm1 =	vmor vm1, vm6;
	vm0 =	vmor vm0, vm7;
	vm2 =	vmand vm4, vm2  }
0x279: {  	s5 =	smul.u32 $0x4F0, s4;
	vm0 =	vmor vm0, vm3;
	vm1 =	vmand vm2, vm1  }
0x27a: {  	vm0 =	vmor vm0, vm1;
	vm1 =	vnez.u8 v2  }
0x27b: {  	v4 =	vimm.s32 $0x0;
	v1 =	vmov s5;
	vm0 =	vmor vm1, vm0  }
0x27c: {  	v2 =	vadd.s32 $0x4F0, v1;
	vm1 =	vlt.f32 v0, $5.000000080e+29;
	vm0 =	vmneg vm0  }
0x27d: {  	vm2 =	vge.s32 v3, s5;
	vm3 =	vlt.s32 v3, v2;
	vm1 =	vmand vm1, vm0  }
0x27e: {  	vm0 =	vmand vm2, vm3;
	v4 =	vsel vm1, $0xFFFFFFFF, v4  }
0x27f: {  	v3 =	vsub.s32 v3, v1;
	vm0 =	vmand vm0, vm1;
	[tilespmem:$0x1FF30] =	vst v4;
	v4 =	vlaneseq.u32  }
0x280: {  	v3 =	vnsel vm0, $0x0, v3;
	v6 =	vmul.u32 $0x7, v4;
	_ =	sdelay $0x3  }
0x281: {  	s6 =	simm.s32 $0xF560;
	v5 =	vadd.s32 $0x1, v6  }
0x282: {  	s24 =	simm.s32 $0xF080;
	v4 =	vmul.u32 $0x10, v4;
	[tilespmem:v3+s6+$0x0] =	vst.idx.msk vm0, v5  }
0x283: {  	v6 =	vld.idx.msk [tilespmem:v6+s24+$0x0], $0xffff  }
0x284: {  	v4 =	vor.u32 $0x1, v4  }
0x285: {  	s25 =	simm.s32 $0x0  }
0x286: {  	v7 =	vmov s25  }
0x287: {  	s26 =	simm.s32 $0xFA50;
	v8 =	vor.u32 $0x1, v7  }
0x288: {  	v9 =	vor.u32 $0x5, v7;
	s6 =	simm.s32 $0xF360;
	[tilespmem:v3+s26+$0x0] =	vst.idx.msk vm0, v6  }
0x289: {  	s7 =	simm.s32 $0xF460;
	v3 =	vld.idx.msk [tilespmem:v4+s6+$0x0], $0xffff  }
0x28a: {  	v4 =	vld.idx.msk [tilespmem:v4+s7+$0x0], $0xffff  }
0x28b: {  	v15 =	vor.u32 $0x2, v7;
	v10 =	vld.idx.msk [tilespmem:v7+s6+$0x0], $0xffff  }
0x28c: {  	s8 =	simm.s32 $0x0;
	v14 =	vimm.s32 $0x0;
	s28 =	simm.s32 $0x2;
	v11 =	vld.idx.msk [tilespmem:v8+s7+$0x0], $0xffff  }
0x28d: {  	v63 =	vimm.s32 $0x0;
	v60 =	vmov s8;
	v18 =	vmov s28;
	v16 =	vld.idx.msk [tilespmem:v9+s7+$0x0], $0xffff  }
0x28e: {  	s9 =	simm.s32 $0x5;
	s29 =	simm.s32 $0x1;
	s30 =	simm.s32 $0x4;
	v13 =	vor.u32 $0x6, v7;
	v17 =	vor.u32 $0x3, v7;
	v6 =	vor.u32 $0x4, v7;
	v7 =	vld.idx.msk [tilespmem:v7+s7+$0x0], $0xffff  }
0x28f: {  	s10 =	simm.s32 $0x3;
	s31 =	simm.s32 $0x6;
	v19 =	vmov s9;
	v20 =	vmov s29;
	v21 =	vmov s30;
	v9 =	vld.idx.msk [tilespmem:v9+s6+$0x0], $0xffff  }
0x290: {  	v22 =	vmov s10;
	v61 =	vmov s31;
	vm0 =	vmxor vm0, vm0;
	v62 =	vld.idx.msk [tilespmem:v15+s7+$0x0], $0xffff  }
0x291: {  	vm5 =	vlt.u32 v21, v5;
	vm8 =	vlt.u32 v61, v5;
	v14 =	vsel vm0, $0xFFFFFFFF, v14  }
0x292: {  	vm0 =	vlt.u32 v60, v5;
	vm2 =	vlt.f32 v10, v3;
	vm1 =	veq.f32 v10, v3  }
0x293: {  	v12 =	vld.idx.msk [tilespmem:v6+s6+$0x0], $0xffff;
	vm4 =	vlt.f32 v10, $5.000000080e+29;
	vm7 =	veq.s32 v16, v4;
	vm6 =	veq.s32 v11, v4  }
0x294: {  	v23 =	vld.idx.msk [tilespmem:v6+s7+$0x0], $0xffff;
	v11 =	vimm.s32 $0x0;
	vm9 =	veq.s32 v7, v4;
	vm10 =	vlt.f32 v9, $5.000000080e+29  }
0x295: {  	v6 =	vld.idx.msk [tilespmem:v13+s6+$0x0], $0xffff;
	v7 =	vimm.s32 $0x0;
	vm11 =	veq.s32 v62, v4;
	vm3 =	vmand vm0, vm1  }
0x296: {  	v10 =	vld.idx.msk [tilespmem:v13+s7+$0x0], $0xffff;
	vm1 =	vlt.u32 v20, v5;
	vm0 =	vlt.u32 v18, v5;
	v11 =	vsel vm6, $0xFFFFFFFF, v11  }
0x297: {  	vm6 =	vlt.u32 v19, v5;
	vm4 =	vmand vm4, vm9;
	[tilespmem:$0x1FF50] =	vst v11;
	v11 =	vimm.s32 $0x0  }
0x298: {  	vm2 =	vmor vm2, vm3;
	v11 =	vsel vm6, $0xFFFFFFFF, v11;
	vm6 =	vmand vm10, vm7  }
0x299: {  	vm9 =	vmand vm4, vm2;
	vm10 =	vlt.f32 v9, v3;
	vm12 =	vlt.f32 v12, $5.000000080e+29  }
0x29a: {  	[tilespmem:$0x1FF60] =	vst v11;
	vm13 =	veq.s32 v23, v4;
	v11 =	vld.idx.msk [tilespmem:v8+s6+$0x0], $0xffff;
	vm3 =	veq.f32 v12, v3;
	v7 =	vsel vm6, $0xFFFFFFFF, v7  }
0x29b: {  	v8 =	vld.idx.msk [tilespmem:v15+s6+$0x0], $0xffff;
	vm2 =	veq.f32 v6, v3;
	vm4 =	veq.s32 v10, v4;
	v10 =	vimm.s32 $0x0  }
0x29c: {  	[tilespmem:$0x1FF70] =	vst v7;
	v7 =	vld.idx.msk [tilespmem:v17+s6+$0x0], $0xffff;
	vm3 =	vmand vm5, vm3;
	v10 =	vsel vm4, $0xFFFFFFFF, v10;
	vm4 =	vlt.f32 v12, v3  }
0x29d: {  	vm7 =	vmand vm8, vm2;
	[tilespmem:$0x1FF80] =	vst v10;
	v10 =	vld.idx.msk [tilespmem:v17+s7+$0x0], $0xffff;
	vm2 =	vmor vm4, vm3;
	vm3 =	vlt.f32 v6, $5.000000080e+29  }
0x29e: {  	v12 =	vsel vm3, $0xFFFFFFFF, v63;
	vm3 =	vmand vm12, vm13;
	vm12 =	veq.f32 v9, v3  }
0x29f: {  	vm4 =	veq.f32 v11, v3;
	vm8 =	vmand vm3, vm2;
	vm13 =	vlt.f32 v11, $5.000000080e+29  }
0x2a0: {  	vm5 =	vlt.f32 v11, v3;
	vm14 =	vlt.f32 v8, v3;
	vm15 =	vmand vm1, vm4  }
0x2a1: {  	[tilespmem:$0x1FF40] =	vst v14;
	vm4 =	veq.f32 v8, v3;
	vm1 =	vlt.u32 v22, v5;
	vm3 =	veq.f32 v7, v3  }
0x2a2: {  	s11 =	simm.s32 $0xD;
	s8 =	simm.s32 $0x1;
	[tilespmem:$0x1FF90] =	vst v12;
	vm0 =	vmand vm0, vm4;
	vm4 =	vlt.f32 v7, $5.000000080e+29;
	vm2 =	veq.s32 v10, v4  }
.LBB2_11:
0x2a3: {  	vm5 =	vmor vm5, vm15;
	vm6 =	vlt.f32 v8, $5.000000080e+29  }
0x2a4: {  	vm15 =	vmand vm4, vm2;
	vm0 =	vmor vm14, vm0;
	vm2 =	vmand vm6, vm11  }
0x2a5: {  	vm0 =	vmand vm2, vm0;
	vm2 =	vlt.f32 v6, v3;
	v6 =	vld [tilespmem:$0x1FF70]  }
0x2a6: {  	v15 =	vld [tilespmem:$0x1FF50];
	_ =	sdelay $0x2  }
0x2a7: {  	vm1 =	vmand vm1, vm3;
	vm3 =	vlt.f32 v7, v3  }
0x2a8: {  	vm1 =	vmor vm3, vm1;
	vm3 =	vnez.u8 v6;
	v6 =	vld [tilespmem:$0x1FF80]  }
0x2a9: {  	vm4 =	vnez.u8 v15  }
0x2aa: {  	v16 =	vld [tilespmem:$0x1FF60];
	vm4 =	vmand vm13, vm4  }
0x2ab: {  	s12 =	sshll.u32 s8, $0x4;
	vm4 =	vmand vm4, vm5  }
0x2ac: {  	v8 =	vmov s12;
	vm4 =	vmor vm9, vm4  }
0x2ad: {  	v10 =	vor.u32 $0x1, v8;
	vm0 =	vmor vm4, vm0;
	vm4 =	vnez.u8 v6;
	v6 =	vld [tilespmem:$0x1FF90]  }
0x2ae: {  	s13 =	sadd.s32 $0xFFFFFFFA, s11;
	s10 =	smov.u32 s11  }
0x2af: {  	v9 =	vmov s13;
	s26 =	sadd.s32 $0xFFFFFFFC, s10;
	v11 =	vor.u32 $0x2, v8;
	vm5 =	vnez.u8 v16  }
0x2b0: {  	v13 =	vor.u32 $0x4, v8;
	v7 =	vmov s26;
	vm5 =	vmand vm5, vm12  }
0x2b1: {  	v14 =	vor.u32 $0x5, v8;
	vm1 =	vmand vm15, vm1;
	vm5 =	vmor vm10, vm5  }
0x2b2: {  	v17 =	vld.idx.msk [tilespmem:v10+s7+$0x0], $0xffff;
	vm3 =	vmand vm3, vm5;
	vm0 =	vmor vm0, vm1;
	vm5 =	vnez.u8 v6  }
0x2b3: {  	vm2 =	vmor vm2, vm7;
	vm0 =	vmor vm0, vm8;
	vm4 =	vmand vm5, vm4  }
0x2b4: {  	vm0 =	vmor vm0, vm3;
	vm5 =	vlt.u32 v9, v5;
	vm2 =	vmand vm4, vm2  }
0x2b5: {  	v9 =	vld.idx.msk [tilespmem:v13+s7+$0x0], $0xffff;
	vm2 =	vmor vm0, vm2;
	vm0 =	vlt.u32 v7, v5;
	v7 =	vimm.s32 $0x0  }
0x2b6: {  	v59 =	vld.idx.msk [tilespmem:v8+s6+$0x0], $0xffff;
	v7 =	vsel vm0, $0xFFFFFFFF, v7  }
0x2b7: {  	s28 =	sadd.s32 $0xFFFFFFFF, s10;
	v20 =	vld.idx.msk [tilespmem:v13+s6+$0x0], $0xffff;
	vm0 =	veq.s32 v17, v4;
	[tilespmem:$0x1FF20] =	vst v7;
	v7 =	vimm.s32 $0x0  }
0x2b8: {  	v58 =	vmov s28;
	v21 =	vor.u32 $0x6, v8;
	v22 =	vld.idx.msk [tilespmem:v14+s7+$0x0], $0xffff;
	v7 =	vsel vm0, $0xFFFFFFFF, v7  }
0x2b9: {  	v63 =	vld.idx.msk [tilespmem:v11+s7+$0x0], $0xffff;
	vm0 =	vlt.u32 v58, v5;
	[tilespmem:$0x1FF50] =	vst v7;
	v7 =	vimm.s32 $0x0  }
0x2ba: {  	s29 =	sadd.s32 $0xFFFFFFFB, s10;
	s30 =	sadd.s32 $0xFFFFFFFE, s10;
	v62 =	vmov s10;
	v7 =	vsel vm0, $0xFFFFFFFF, v7;
	vm0 =	veq.s32 v9, v4;
	v9 =	vld [tilespmem:$0x1FF40]  }
0x2bb: {  	s31 =	sadd.s32 $0xFFFFFFFD, s10;
	v12 =	vor.u32 $0x3, v8;
	v18 =	vmov s29;
	v19 =	vmov s30;
	v8 =	vld.idx.msk [tilespmem:v8+s7+$0x0], $0xffff  }
0x2bc: {  	v23 =	vmov s31;
	vm6 =	vlt.u32 v62, v5;
	vm12 =	vlt.u32 v19, v5  }
0x2bd: {  	v61 =	vld.idx.msk [tilespmem:v21+s7+$0x0], $0xffff;
	vm1 =	vlt.f32 v59, v3;
	vm8 =	vlt.u32 v18, v5;
	vm3 =	veq.s32 v22, v4  }
0x2be: {  	v60 =	vld.idx.msk [tilespmem:v14+s6+$0x0], $0xffff;
	vm14 =	vlt.f32 v20, $5.000000080e+29;
	vm13 =	veq.f32 v20, v3;
	vm4 =	veq.f32 v59, v3  }
0x2bf: {  	vm11 =	veq.s32 v63, v4;
	v6 =	vld.idx.msk [tilespmem:v21+s6+$0x0], $0xffff;
	vm4 =	vmand vm5, vm4;
	vm7 =	vnez.u8 v9  }
0x2c0: {  	v10 =	vld.idx.msk [tilespmem:v10+s6+$0x0], $0xffff;
	vm5 =	vlt.f32 v59, $5.000000080e+29;
	vm7 =	vmor vm7, vm2;
	vm2 =	veq.s32 v8, v4  }
0x2c1: {  	vm1 =	vmor vm1, vm4;
	[tilespmem:$0x1FF60] =	vst v7;
	v7 =	vld.idx.msk [tilespmem:v12+s6+$0x0], $0xffff;
	v9 =	vimm.s32 $0x0;
	vm2 =	vmand vm5, vm2  }
0x2c2: {  	v8 =	vld.idx.msk [tilespmem:v11+s6+$0x0], $0xffff;
	v11 =	vimm.s32 $0x0;
	vm9 =	vmand vm2, vm1;
	vm2 =	veq.s32 v61, v4  }
0x2c3: {  	vm10 =	vlt.f32 v60, v3;
	v9 =	vsel vm7, $0xFFFFFFFF, v9;
	v11 =	vsel vm2, $0xFFFFFFFF, v11  }
0x2c4: {  	vm7 =	vlt.f32 v60, $5.000000080e+29;
	vm2 =	vlt.f32 v6, $5.000000080e+29;
	[tilespmem:$0x1FF80] =	vst v11;
	v11 =	vimm.s32 $0x0  }
0x2c5: {  	[tilespmem:$0x1FF40] =	vst v9;
	vm3 =	vmand vm7, vm3;
	v9 =	vimm.s32 $0x0;
	v11 =	vsel vm2, $0xFFFFFFFF, v11  }
0x2c6: {  	vm0 =	vmand vm14, vm0;
	vm5 =	vlt.f32 v10, v3;
	v9 =	vsel vm3, $0xFFFFFFFF, v9;
	[tilespmem:$0x1FF90] =	vst v11;
	v11 =	vld [tilespmem:$0x1FF20]  }
0x2c7: {  	p0 =	sne.s32 s11, $0x6F;
	vm4 =	vlt.f32 v7, $5.000000080e+29;
	vm1 =	veq.f32 v6, v3;
	vm3 =	vlt.f32 v20, v3;
	[tilespmem:$0x1FF70] =	vst v9;
	v9 =	vld.idx.msk [tilespmem:v12+s7+$0x0], $0xffff  }
.Ltmp5:
0x2c8: {  	vm7 =	vmand vm6, vm1;
	vm1 =	vlt.u32 v23, v5;
	vm2 =	veq.f32 v10, v3;
	(pc) =	sbr.rel @p0 .LBB2_11-.Ltmp5, $4  }
0x2c9: {  	vm14 =	vlt.f32 v8, v3;
	vm15 =	vmand vm8, vm2;
	vm2 =	vmand vm12, vm13  }
0x2ca: {  	vm13 =	vlt.f32 v10, $5.000000080e+29;
	vm12 =	veq.f32 v60, v3;
	vm2 =	vmor vm3, vm2  }
0x2cb: {  	s9 =	sadd.s32 $0x7, s11;
	vm3 =	veq.f32 v8, v3;
	vm8 =	vmand vm0, vm2;
	vm0 =	vnez.u8 v11  }
0x2cc: {  	s8 =	sadd.s32 $0x1, s8;
	s11 =	smov.u32 s9;
	vm2 =	veq.s32 v9, v4;
	vm0 =	vmand vm0, vm3;
	vm3 =	veq.f32 v7, v3  }
0x2cd: {  	v5 =	vld [tilespmem:$0x1FF50];
	_ =	sdelay $0x4  }
0x2ce: {  	vm1 =	vmand vm1, vm3;
	vm3 =	vnez.u8 v5;
	v5 =	vld [tilespmem:$0x1FF60];
	_ =	sdelay $0x3  }
0x2cf: {  	vm5 =	vmor vm5, vm15;
	vm3 =	vmand vm13, vm3  }
0x2d0: {  	vm3 =	vmand vm3, vm5;
	vm5 =	vnez.u8 v5;
	v5 =	vld [tilespmem:$0x1FF70];
	_ =	sdelay $0x1  }
0x2d1: {  	vm6 =	vlt.f32 v8, $5.000000080e+29  }
0x2d2: {  	vm2 =	vmand vm4, vm2;
	vm0 =	vmor vm14, vm0;
	vm4 =	vmand vm6, vm11  }
0x2d3: {  	vm0 =	vmand vm4, vm0;
	vm3 =	vmor vm9, vm3  }
0x2d4: {  	vm0 =	vmor vm3, vm0;
	vm3 =	vnez.u8 v5;
	v5 =	vld [tilespmem:$0x1FF80];
	_ =	sdelay $0x1  }
0x2d5: {  	vm6 =	vlt.f32 v7, v3  }
0x2d6: {  	vm1 =	vmor vm6, vm1  }
0x2d7: {  	vm1 =	vmand vm2, vm1;
	vm2 =	vlt.f32 v6, v3  }
0x2d8: {  	vm0 =	vmor vm0, vm1;
	vm1 =	vmor vm2, vm7;
	vm2 =	vnez.u8 v5;
	v5 =	vld [tilespmem:$0x1FF90];
	_ =	sdelay $0x2  }
0x2d9: {  	vm5 =	vmand vm5, vm12  }
0x2da: {  	vm4 =	vmor vm10, vm5  }
0x2db: {  	vm3 =	vmand vm3, vm4;
	vm4 =	vnez.u8 v5;
	v5 =	vld [tilespmem:$0x1FF40];
	_ =	sdelay $0x2  }
0x2dc: {  	vm0 =	vmor vm0, vm8;
	vm2 =	vmand vm4, vm2  }
0x2dd: {  	vm0 =	vmor vm0, vm3;
	vm1 =	vmand vm2, vm1  }
0x2de: {  	vm0 =	vmor vm0, vm1;
	vm1 =	vnez.u8 v5  }
0x2df: {  	vm0 =	vmor vm1, vm0  }
0x2e0: {  	v6 =	vimm.s32 $0x0;
	vm1 =	vlt.f32 v3, $5.000000080e+29;
	vm0 =	vmneg vm0  }
0x2e1: {  	vm3 =	vlt.s32 v4, v2;
	vm2 =	vge.s32 v4, v1;
	vm1 =	vmand vm1, vm0  }
0x2e2: {  	v5 =	vlaneseq.u32;
	vm0 =	vmand vm2, vm3;
	v6 =	vsel vm1, $0xFFFFFFFF, v6  }
0x2e3: {  	v4 =	vsub.s32 v4, v1;
	vm0 =	vmand vm0, vm1;
	[tilespmem:$0x1FEB0] =	vst v6;
	v6 =	vmul.u32 $0x7, v5  }
0x2e4: {  	v4 =	vnsel vm0, $0x0, v4  }
0x2e5: {  	v7 =	vadd.s32 $0x1, v6;
	_ =	sdelay $0x2  }
0x2e6: {  	s6 =	simm.s32 $0xF560;
	v6 =	vadd.s32 $0x2, v6  }
0x2e7: {  	s24 =	simm.s32 $0xF080;
	v5 =	vmul.u32 $0x10, v5;
	[tilespmem:v4+s6+$0x0] =	vst.idx.msk vm0, v6  }
0x2e8: {  	v7 =	vld.idx.msk [tilespmem:v7+s24+$0x0], $0xffff  }
0x2e9: {  	v5 =	vor.u32 $0x2, v5  }
0x2ea: {  	s25 =	simm.s32 $0x0  }
0x2eb: {  	v8 =	vmov s25  }
0x2ec: {  	s26 =	simm.s32 $0xFA50;
	v9 =	vor.u32 $0x1, v8  }
0x2ed: {  	v10 =	vor.u32 $0x5, v8;
	s6 =	simm.s32 $0xF360;
	[tilespmem:v4+s26+$0x0] =	vst.idx.msk vm0, v7  }
0x2ee: {  	s7 =	simm.s32 $0xF460;
	v4 =	vld.idx.msk [tilespmem:v5+s6+$0x0], $0xffff  }
0x2ef: {  	v5 =	vld.idx.msk [tilespmem:v5+s7+$0x0], $0xffff  }
0x2f0: {  	v16 =	vor.u32 $0x2, v8;
	v11 =	vld.idx.msk [tilespmem:v8+s6+$0x0], $0xffff  }
0x2f1: {  	v12 =	vld.idx.msk [tilespmem:v9+s7+$0x0], $0xffff  }
0x2f2: {  	v15 =	vimm.s32 $0x0;
	v17 =	vld.idx.msk [tilespmem:v10+s7+$0x0], $0xffff  }
0x2f3: {  	v14 =	vor.u32 $0x6, v8;
	v18 =	vor.u32 $0x3, v8;
	v7 =	vor.u32 $0x4, v8;
	v8 =	vld.idx.msk [tilespmem:v8+s7+$0x0], $0xffff  }
0x2f4: {  	s8 =	simm.s32 $0x0;
	s28 =	simm.s32 $0x2;
	s9 =	simm.s32 $0x5;
	v60 =	vimm.s32 $0x0;
	v61 =	vimm.s32 $0x0;
	v63 =	vimm.s32 $0x0;
	v10 =	vld.idx.msk [tilespmem:v10+s6+$0x0], $0xffff  }
0x2f5: {  	s29 =	simm.s32 $0x1;
	s30 =	simm.s32 $0x4;
	s10 =	simm.s32 $0x3;
	v57 =	vmov s8;
	v19 =	vmov s28;
	v20 =	vmov s9;
	v59 =	vld.idx.msk [tilespmem:v16+s7+$0x0], $0xffff  }
0x2f6: {  	s31 =	simm.s32 $0x6;
	v21 =	vmov s29;
	v22 =	vmov s30;
	v23 =	vmov s10;
	v62 =	vld.idx.msk [tilespmem:v9+s6+$0x0], $0xffff  }
0x2f7: {  	v58 =	vmov s31;
	vm5 =	vlt.u32 v22, v6;
	vm0 =	vmxor vm0, vm0;
	v9 =	vld.idx.msk [tilespmem:v16+s6+$0x0], $0xffff  }
0x2f8: {  	vm8 =	vlt.u32 v58, v6;
	v15 =	vsel vm0, $0xFFFFFFFF, v15;
	vm0 =	vlt.u32 v57, v6  }
0x2f9: {  	vm2 =	vlt.f32 v11, v4;
	vm1 =	veq.f32 v11, v4;
	vm4 =	vlt.f32 v11, $5.000000080e+29  }
0x2fa: {  	v13 =	vld.idx.msk [tilespmem:v7+s6+$0x0], $0xffff;
	vm6 =	veq.s32 v17, v5;
	vm7 =	veq.s32 v12, v5;
	vm10 =	veq.s32 v8, v5  }
0x2fb: {  	v24 =	vld.idx.msk [tilespmem:v7+s7+$0x0], $0xffff;
	vm11 =	vlt.f32 v10, $5.000000080e+29;
	v8 =	vimm.s32 $0x0;
	vm12 =	veq.s32 v59, v5  }
0x2fc: {  	v11 =	vld.idx.msk [tilespmem:v14+s7+$0x0], $0xffff;
	vm14 =	vlt.f32 v9, v4;
	vm3 =	vmand vm0, vm1;
	vm1 =	vlt.u32 v21, v6  }
0x2fd: {  	v7 =	vld.idx.msk [tilespmem:v14+s6+$0x0], $0xffff;
	vm0 =	vlt.u32 v19, v6;
	v12 =	vsel vm7, $0xFFFFFFFF, v60;
	vm7 =	vlt.u32 v20, v6  }
0x2fe: {  	vm4 =	vmand vm4, vm10;
	vm6 =	vmand vm11, vm6;
	vm11 =	vlt.f32 v10, v4  }
0x2ff: {  	[tilespmem:$0x1FED0] =	vst v12;
	v12 =	vsel vm7, $0xFFFFFFFF, v61;
	vm2 =	vmor vm2, vm3;
	v8 =	vsel vm6, $0xFFFFFFFF, v8  }
0x300: {  	vm6 =	vlt.f32 v62, v4;
	vm10 =	vmand vm4, vm2;
	vm9 =	vlt.f32 v13, $5.000000080e+29  }
0x301: {  	[tilespmem:$0x1FEF0] =	vst v8;
	v8 =	vld.idx.msk [tilespmem:v18+s6+$0x0], $0xffff;
	vm13 =	veq.s32 v24, v5;
	vm4 =	veq.s32 v11, v5;
	v11 =	vimm.s32 $0x0  }
0x302: {  	vm3 =	veq.f32 v13, v4;
	vm2 =	veq.f32 v7, v4;
	v11 =	vsel vm4, $0xFFFFFFFF, v11  }
0x303: {  	vm3 =	vmand vm5, vm3;
	vm8 =	vmand vm8, vm2;
	vm4 =	vlt.f32 v13, v4;
	[tilespmem:$0x1FF00] =	vst v11;
	v11 =	vld.idx.msk [tilespmem:v18+s7+$0x0], $0xffff  }
0x304: {  	vm2 =	vmor vm4, vm3;
	vm3 =	vlt.f32 v7, $5.000000080e+29;
	vm4 =	veq.f32 v62, v4  }
0x305: {  	v13 =	vsel vm3, $0xFFFFFFFF, v63;
	vm3 =	vmand vm9, vm13;
	vm15 =	vmand vm1, vm4  }
0x306: {  	[tilespmem:$0x1FEC0] =	vst v15;
	vm1 =	veq.f32 v9, v4;
	vm13 =	vlt.f32 v62, $5.000000080e+29;
	vm4 =	veq.f32 v8, v4  }
0x307: {  	[tilespmem:$0x1FEE0] =	vst v12;
	vm5 =	vlt.f32 v8, $5.000000080e+29;
	vm9 =	vmand vm3, vm2;
	vm2 =	vlt.u32 v23, v6  }
0x308: {  	s11 =	simm.s32 $0xD;
	s8 =	simm.s32 $0x1;
	[tilespmem:$0x1FF10] =	vst v13;
	vm0 =	vmand vm0, vm1;
	vm1 =	veq.f32 v10, v4;
	vm3 =	veq.s32 v11, v5  }
.LBB2_13:
0x309: {  	vm6 =	vmor vm6, vm15;
	vm7 =	vlt.f32 v9, $5.000000080e+29  }
0x30a: {  	vm15 =	vmand vm5, vm3;
	v16 =	vld [tilespmem:$0x1FED0];
	vm0 =	vmor vm14, vm0;
	vm3 =	vmand vm7, vm12  }
0x30b: {  	vm0 =	vmand vm3, vm0;
	vm3 =	vlt.f32 v7, v4;
	v7 =	vld [tilespmem:$0x1FEF0];
	_ =	sdelay $0x1  }
0x30c: {  	v17 =	vld [tilespmem:$0x1FEE0];
	_ =	sdelay $0x1  }
0x30d: {  	vm2 =	vmand vm2, vm4;
	vm4 =	vlt.f32 v8, v4  }
0x30e: {  	vm2 =	vmor vm4, vm2;
	vm5 =	vnez.u8 v16;
	vm4 =	vnez.u8 v7;
	v7 =	vld [tilespmem:$0x1FF00]  }
0x30f: {  	vm5 =	vmand vm13, vm5  }
0x310: {  	vm5 =	vmand vm5, vm6;
	vm6 =	vnez.u8 v17  }
0x311: {  	s12 =	sshll.u32 s8, $0x4;
	vm1 =	vmand vm6, vm1  }
0x312: {  	v9 =	vmov s12;
	vm1 =	vmor vm11, vm1  }
0x313: {  	v11 =	vor.u32 $0x1, v9;
	vm1 =	vmand vm4, vm1;
	vm4 =	vnez.u8 v7;
	v7 =	vld [tilespmem:$0x1FF10]  }
0x314: {  	s13 =	sadd.s32 $0xFFFFFFFA, s11  }
0x315: {  	s10 =	smov.u32 s11;
	v61 =	vimm.s32 $0x0;
	v62 =	vimm.s32 $0x0;
	v10 =	vmov s13  }
0x316: {  	s26 =	sadd.s32 $0xFFFFFFFC, s10;
	v12 =	vor.u32 $0x2, v9;
	v14 =	vor.u32 $0x4, v9;
	vm5 =	vmor vm10, vm5  }
0x317: {  	v8 =	vmov s26;
	vm2 =	vmand vm15, vm2;
	vm0 =	vmor vm5, vm0  }
0x318: {  	v15 =	vor.u32 $0x5, v9;
	v18 =	vld.idx.msk [tilespmem:v11+s7+$0x0], $0xffff;
	vm0 =	vmor vm0, vm2;
	vm5 =	vnez.u8 v7  }
0x319: {  	vm3 =	vmor vm3, vm8;
	vm0 =	vmor vm0, vm9;
	vm4 =	vmand vm5, vm4  }
0x31a: {  	v56 =	vld.idx.msk [tilespmem:v9+s6+$0x0], $0xffff;
	vm0 =	vmor vm0, vm1;
	vm5 =	vlt.u32 v10, v6;
	vm3 =	vmand vm4, vm3  }
0x31b: {  	v10 =	vld.idx.msk [tilespmem:v14+s7+$0x0], $0xffff;
	vm3 =	vmor vm0, vm3;
	vm0 =	vlt.u32 v8, v6;
	v8 =	vimm.s32 $0x0  }
0x31c: {  	v59 =	vmov s10;
	v13 =	vor.u32 $0x3, v9;
	v21 =	vld.idx.msk [tilespmem:v14+s6+$0x0], $0xffff;
	v8 =	vsel vm0, $0xFFFFFFFF, v8  }
0x31d: {  	s28 =	sadd.s32 $0xFFFFFFFF, s10;
	s29 =	sadd.s32 $0xFFFFFFFB, s10;
	v22 =	vor.u32 $0x6, v9;
	v23 =	vld.idx.msk [tilespmem:v15+s7+$0x0], $0xffff;
	vm0 =	veq.s32 v18, v5;
	[tilespmem:$0x1FEA0] =	vst v8;
	v8 =	vimm.s32 $0x0  }
0x31e: {  	s30 =	sadd.s32 $0xFFFFFFFE, s10;
	v55 =	vmov s28;
	v19 =	vmov s29;
	v60 =	vld.idx.msk [tilespmem:v12+s7+$0x0], $0xffff;
	v8 =	vsel vm0, $0xFFFFFFFF, v8  }
0x31f: {  	s31 =	sadd.s32 $0xFFFFFFFD, s10;
	v20 =	vmov s30;
	v57 =	vld.idx.msk [tilespmem:v15+s6+$0x0], $0xffff;
	vm0 =	vlt.u32 v55, v6;
	[tilespmem:$0x1FED0] =	vst v8;
	v8 =	vimm.s32 $0x0  }
0x320: {  	v24 =	vmov s31;
	v8 =	vsel vm0, $0xFFFFFFFF, v8;
	vm0 =	veq.s32 v10, v5;
	v10 =	vld [tilespmem:$0x1FEC0]  }
0x321: {  	vm7 =	vlt.u32 v59, v6;
	v9 =	vld.idx.msk [tilespmem:v9+s7+$0x0], $0xffff;
	vm2 =	vlt.f32 v56, v4;
	vm9 =	vlt.u32 v20, v6  }
0x322: {  	v58 =	vld.idx.msk [tilespmem:v22+s7+$0x0], $0xffff;
	vm1 =	vlt.u32 v19, v6;
	vm6 =	veq.s32 v23, v5;
	vm13 =	veq.f32 v21, v4  }
0x323: {  	vm14 =	vlt.f32 v21, $5.000000080e+29;
	vm12 =	veq.s32 v60, v5;
	vm4 =	veq.f32 v56, v4;
	[tilespmem:$0x1FEE0] =	vst v8;
	v8 =	vld.idx.msk [tilespmem:v13+s6+$0x0], $0xffff  }
0x324: {  	vm11 =	vlt.f32 v57, v4;
	v7 =	vld.idx.msk [tilespmem:v22+s6+$0x0], $0xffff;
	vm4 =	vmand vm5, vm4;
	vm5 =	vlt.f32 v56, $5.000000080e+29  }
0x325: {  	v11 =	vld.idx.msk [tilespmem:v11+s6+$0x0], $0xffff;
	vm2 =	vmor vm2, vm4;
	vm0 =	vmand vm14, vm0;
	vm8 =	vnez.u8 v10  }
0x326: {  	v10 =	vimm.s32 $0x0;
	vm8 =	vmor vm8, vm3;
	vm3 =	veq.s32 v9, v5  }
0x327: {  	v10 =	vsel vm8, $0xFFFFFFFF, v10;
	vm8 =	vlt.f32 v57, $5.000000080e+29;
	vm3 =	vmand vm5, vm3  }
0x328: {  	vm5 =	vlt.f32 v8, $5.000000080e+29;
	[tilespmem:$0x1FEC0] =	vst v10;
	vm4 =	vmand vm8, vm6;
	v10 =	vimm.s32 $0x0  }
0x329: {  	v9 =	vld.idx.msk [tilespmem:v12+s6+$0x0], $0xffff;
	vm10 =	vmand vm3, vm2;
	vm2 =	veq.f32 v7, v4;
	vm3 =	veq.s32 v58, v5  }
0x32a: {  	v63 =	vld [tilespmem:$0x1FEA0];
	vm6 =	vlt.f32 v11, v4;
	v10 =	vsel vm4, $0xFFFFFFFF, v10;
	v12 =	vsel vm3, $0xFFFFFFFF, v61  }
0x32b: {  	p0 =	sne.s32 s11, $0x6F;
	vm3 =	vlt.f32 v7, $5.000000080e+29;
	vm4 =	vlt.f32 v21, v4;
	vm8 =	vmand vm7, vm2;
	[tilespmem:$0x1FEF0] =	vst v10;
	v10 =	vld.idx.msk [tilespmem:v13+s7+$0x0], $0xffff  }
.Ltmp6:
0x32c: {  	vm2 =	vlt.u32 v24, v6;
	[tilespmem:$0x1FF00] =	vst v12;
	v12 =	vsel vm3, $0xFFFFFFFF, v62;
	vm3 =	veq.f32 v11, v4;
	(pc) =	sbr.rel @p0 .LBB2_13-.Ltmp6, $4  }
0x32d: {  	vm15 =	vmand vm1, vm3;
	vm1 =	vmand vm9, vm13;
	vm13 =	vlt.f32 v11, $5.000000080e+29  }
0x32e: {  	vm3 =	veq.f32 v9, v4;
	vm14 =	vlt.f32 v9, v4;
	vm1 =	vmor vm4, vm1  }
0x32f: {  	s9 =	sadd.s32 $0x7, s11;
	vm4 =	veq.f32 v8, v4;
	vm9 =	vmand vm0, vm1;
	vm0 =	vnez.u8 v63  }
0x330: {  	s8 =	sadd.s32 $0x1, s8;
	s11 =	smov.u32 s9;
	[tilespmem:$0x1FF10] =	vst v12;
	vm1 =	veq.f32 v57, v4;
	vm0 =	vmand vm0, vm3;
	vm3 =	veq.s32 v10, v5  }
0x331: {  	v6 =	vld [tilespmem:$0x1FED0];
	_ =	sdelay $0x4  }
0x332: {  	vm2 =	vmand vm2, vm4;
	vm4 =	vnez.u8 v6;
	v6 =	vld [tilespmem:$0x1FEE0];
	_ =	sdelay $0x3  }
0x333: {  	vm6 =	vmor vm6, vm15;
	vm4 =	vmand vm13, vm4  }
0x334: {  	vm4 =	vmand vm4, vm6;
	vm6 =	vnez.u8 v6;
	v6 =	vld [tilespmem:$0x1FEF0];
	_ =	sdelay $0x1  }
0x335: {  	vm7 =	vlt.f32 v9, $5.000000080e+29  }
0x336: {  	vm3 =	vmand vm5, vm3;
	vm0 =	vmor vm14, vm0;
	vm5 =	vmand vm7, vm12  }
0x337: {  	vm0 =	vmand vm5, vm0;
	vm4 =	vmor vm10, vm4  }
0x338: {  	vm0 =	vmor vm4, vm0;
	vm4 =	vnez.u8 v6;
	v6 =	vld [tilespmem:$0x1FF00];
	_ =	sdelay $0x1  }
0x339: {  	vm1 =	vmand vm6, vm1;
	vm6 =	vlt.f32 v8, v4  }
0x33a: {  	vm2 =	vmor vm6, vm2  }
0x33b: {  	vm2 =	vmand vm3, vm2;
	vm3 =	vlt.f32 v7, v4  }
0x33c: {  	vm0 =	vmor vm0, vm2;
	vm2 =	vmor vm3, vm8;
	vm3 =	vnez.u8 v6;
	v6 =	vld [tilespmem:$0x1FF10];
	_ =	sdelay $0x3  }
0x33d: {  	vm1 =	vmor vm11, vm1  }
0x33e: {  	vm1 =	vmand vm4, vm1;
	vm4 =	vnez.u8 v6;
	v6 =	vld [tilespmem:$0x1FEC0];
	_ =	sdelay $0x2  }
0x33f: {  	vm0 =	vmor vm0, vm9;
	vm3 =	vmand vm4, vm3  }
0x340: {  	vm0 =	vmor vm0, vm1;
	vm2 =	vmand vm3, vm2  }
0x341: {  	vm0 =	vmor vm0, vm2;
	vm1 =	vnez.u8 v6  }
0x342: {  	vm0 =	vmor vm1, vm0  }
0x343: {  	v7 =	vimm.s32 $0x0;
	vm1 =	vlt.f32 v4, $5.000000080e+29;
	vm0 =	vmneg vm0  }
0x344: {  	vm3 =	vlt.s32 v5, v2;
	vm2 =	vge.s32 v5, v1;
	vm1 =	vmand vm1, vm0  }
0x345: {  	v6 =	vlaneseq.u32;
	vm0 =	vmand vm2, vm3;
	v7 =	vsel vm1, $0xFFFFFFFF, v7  }
0x346: {  	v5 =	vsub.s32 v5, v1;
	vm0 =	vmand vm0, vm1;
	[tilespmem:$0x1FE30] =	vst v7;
	v7 =	vmul.u32 $0x7, v6  }
0x347: {  	v5 =	vnsel vm0, $0x0, v5  }
0x348: {  	v8 =	vadd.s32 $0x2, v7;
	_ =	sdelay $0x2  }
0x349: {  	s6 =	simm.s32 $0xF560;
	v7 =	vadd.s32 $0x3, v7  }
0x34a: {  	s24 =	simm.s32 $0xF080;
	v6 =	vmul.u32 $0x10, v6;
	[tilespmem:v5+s6+$0x0] =	vst.idx.msk vm0, v7  }
0x34b: {  	v8 =	vld.idx.msk [tilespmem:v8+s24+$0x0], $0xffff  }
0x34c: {  	v6 =	vor.u32 $0x3, v6  }
0x34d: {  	s25 =	simm.s32 $0x0  }
0x34e: {  	v9 =	vmov s25  }
0x34f: {  	s26 =	simm.s32 $0xFA50;
	v10 =	vor.u32 $0x1, v9  }
0x350: {  	v11 =	vor.u32 $0x5, v9;
	s6 =	simm.s32 $0xF360;
	[tilespmem:v5+s26+$0x0] =	vst.idx.msk vm0, v8  }
0x351: {  	s7 =	simm.s32 $0xF460;
	v5 =	vld.idx.msk [tilespmem:v6+s6+$0x0], $0xffff  }
0x352: {  	v6 =	vld.idx.msk [tilespmem:v6+s7+$0x0], $0xffff  }
0x353: {  	v17 =	vor.u32 $0x2, v9;
	v12 =	vld.idx.msk [tilespmem:v9+s6+$0x0], $0xffff  }
0x354: {  	v16 =	vimm.s32 $0x0;
	v13 =	vld.idx.msk [tilespmem:v10+s7+$0x0], $0xffff  }
0x355: {  	v58 =	vimm.s32 $0x0;
	v59 =	vimm.s32 $0x0;
	v61 =	vimm.s32 $0x0;
	v18 =	vld.idx.msk [tilespmem:v11+s7+$0x0], $0xffff  }
0x356: {  	s8 =	simm.s32 $0x0;
	s28 =	simm.s32 $0x2;
	v15 =	vor.u32 $0x6, v9;
	v19 =	vor.u32 $0x3, v9;
	v8 =	vor.u32 $0x4, v9;
	v9 =	vld.idx.msk [tilespmem:v9+s7+$0x0], $0xffff  }
0x357: {  	s9 =	simm.s32 $0x5;
	s29 =	simm.s32 $0x1;
	s30 =	simm.s32 $0x4;
	v63 =	vimm.s32 $0x0;
	v54 =	vmov s8;
	v20 =	vmov s28;
	v11 =	vld.idx.msk [tilespmem:v11+s6+$0x0], $0xffff  }
0x358: {  	s10 =	simm.s32 $0x3;
	s31 =	simm.s32 $0x6;
	v21 =	vmov s9;
	v22 =	vmov s29;
	v23 =	vmov s30;
	v57 =	vld.idx.msk [tilespmem:v17+s7+$0x0], $0xffff  }
0x359: {  	v24 =	vmov s10;
	v56 =	vmov s31;
	vm0 =	vmxor vm0, vm0  }
0x35a: {  	vm5 =	vlt.u32 v23, v7;
	v16 =	vsel vm0, $0xFFFFFFFF, v16;
	vm0 =	vlt.u32 v54, v7  }
0x35b: {  	v55 =	vld.idx.msk [tilespmem:v15+s7+$0x0], $0xffff;
	vm2 =	vlt.f32 v12, v5;
	vm1 =	veq.f32 v12, v5;
	vm4 =	vlt.f32 v12, $5.000000080e+29  }
0x35c: {  	v14 =	vld.idx.msk [tilespmem:v8+s6+$0x0], $0xffff;
	vm6 =	veq.s32 v18, v6;
	vm7 =	veq.s32 v13, v6;
	vm9 =	veq.s32 v9, v6  }
0x35d: {  	v25 =	vld.idx.msk [tilespmem:v8+s7+$0x0], $0xffff;
	vm11 =	vlt.f32 v11, $5.000000080e+29;
	v9 =	vimm.s32 $0x0;
	vm13 =	veq.s32 v57, v6  }
0x35e: {  	v8 =	vld.idx.msk [tilespmem:v15+s6+$0x0], $0xffff;
	vm12 =	vlt.f32 v11, v5;
	vm3 =	vmand vm0, vm1;
	vm1 =	vlt.u32 v22, v7  }
0x35f: {  	vm0 =	vlt.u32 v20, v7;
	v13 =	vsel vm7, $0xFFFFFFFF, v58;
	vm7 =	vlt.u32 v21, v7  }
0x360: {  	vm4 =	vmand vm4, vm9;
	vm6 =	vmand vm11, vm6;
	[tilespmem:$0x1FE50] =	vst v13;
	v13 =	vsel vm7, $0xFFFFFFFF, v59  }
0x361: {  	v60 =	vld.idx.msk [tilespmem:v10+s6+$0x0], $0xffff;
	vm7 =	vlt.u32 v56, v7;
	vm2 =	vmor vm2, vm3;
	v9 =	vsel vm6, $0xFFFFFFFF, v9  }
0x362: {  	v10 =	vld.idx.msk [tilespmem:v17+s6+$0x0], $0xffff;
	vm11 =	vmand vm4, vm2;
	vm4 =	veq.s32 v55, v6;
	vm10 =	vlt.f32 v14, $5.000000080e+29  }
0x363: {  	v62 =	vld.idx.msk [tilespmem:v19+s7+$0x0], $0xffff;
	vm14 =	veq.s32 v25, v6;
	vm3 =	veq.f32 v14, v5;
	vm2 =	veq.f32 v8, v5  }
0x364: {  	v12 =	vsel vm4, $0xFFFFFFFF, v61;
	vm4 =	vlt.f32 v14, v5;
	vm3 =	vmand vm5, vm3  }
0x365: {  	[tilespmem:$0x1FE70] =	vst v9;
	v9 =	vld.idx.msk [tilespmem:v19+s6+$0x0], $0xffff;
	vm9 =	vmand vm7, vm2;
	vm2 =	vmor vm4, vm3;
	vm3 =	vlt.f32 v8, $5.000000080e+29  }
0x366: {  	vm7 =	vlt.f32 v60, v5;
	vm4 =	veq.f32 v60, v5;
	v14 =	vsel vm3, $0xFFFFFFFF, v63  }
0x367: {  	[tilespmem:$0x1FE40] =	vst v16;
	vm3 =	vmand vm10, vm14;
	vm15 =	vmand vm1, vm4;
	vm1 =	veq.f32 v10, v5  }
0x368: {  	[tilespmem:$0x1FE60] =	vst v13;
	vm4 =	veq.s32 v62, v6;
	vm14 =	vlt.f32 v10, v5;
	vm10 =	vmand vm3, vm2  }
0x369: {  	[tilespmem:$0x1FE80] =	vst v12;
	vm3 =	vlt.u32 v24, v7;
	vm0 =	vmand vm0, vm1;
	vm2 =	vlt.f32 v60, $5.000000080e+29  }
0x36a: {  	s11 =	simm.s32 $0xD;
	s8 =	simm.s32 $0x1;
	[tilespmem:$0x1FE90] =	vst v14;
	vm1 =	veq.f32 v11, v5;
	vm5 =	veq.f32 v9, v5;
	vm6 =	vlt.f32 v9, $5.000000080e+29  }
.LBB2_15:
0x36b: {  	v17 =	vld [tilespmem:$0x1FE50];
	_ =	sdelay $0x1  }
0x36c: {  	vm7 =	vmor vm7, vm15;
	vm8 =	vlt.f32 v10, $5.000000080e+29  }
0x36d: {  	vm15 =	vmand vm6, vm4;
	vm0 =	vmor vm14, vm0;
	vm4 =	vmand vm8, vm13  }
0x36e: {  	vm0 =	vmand vm4, vm0;
	vm4 =	vlt.f32 v8, v5;
	v8 =	vld [tilespmem:$0x1FE70]  }
0x36f: {  	vm6 =	vnez.u8 v17  }
0x370: {  	v18 =	vld [tilespmem:$0x1FE60];
	vm2 =	vmand vm2, vm6  }
0x371: {  	vm2 =	vmand vm2, vm7  }
0x372: {  	vm2 =	vmor vm11, vm2  }
0x373: {  	vm0 =	vmor vm2, vm0;
	vm2 =	vnez.u8 v8;
	v8 =	vld [tilespmem:$0x1FE80]  }
0x374: {  	s12 =	sshll.u32 s8, $0x4  }
0x375: {  	v10 =	vmov s12;
	vm6 =	vnez.u8 v18  }
0x376: {  	v12 =	vor.u32 $0x1, v10;
	vm1 =	vmand vm6, vm1  }
0x377: {  	v15 =	vor.u32 $0x4, v10;
	v16 =	vor.u32 $0x5, v10;
	vm1 =	vmor vm12, vm1  }
0x378: {  	vm1 =	vmand vm2, vm1;
	vm2 =	vmor vm4, vm9;
	vm4 =	vnez.u8 v8;
	v8 =	vld [tilespmem:$0x1FE90]  }
0x379: {  	vm3 =	vmand vm3, vm5  }
0x37a: {  	s13 =	sadd.s32 $0xFFFFFFFA, s11;
	s10 =	smov.u32 s11;
	vm5 =	vlt.f32 v9, v5;
	v61 =	vimm.s32 $0x0;
	v62 =	vimm.s32 $0x0;
	v56 =	vld.idx.msk [tilespmem:v10+s6+$0x0], $0xffff  }
0x37b: {  	v11 =	vmov s13;
	s26 =	sadd.s32 $0xFFFFFFFC, s10;
	vm3 =	vmor vm5, vm3;
	v13 =	vor.u32 $0x2, v10;
	v19 =	vld.idx.msk [tilespmem:v12+s7+$0x0], $0xffff  }
0x37c: {  	s28 =	sadd.s32 $0xFFFFFFFF, s10;
	s29 =	sadd.s32 $0xFFFFFFFB, s10;
	v59 =	vmov s10;
	v14 =	vor.u32 $0x3, v10;
	v9 =	vmov s26;
	v22 =	vld.idx.msk [tilespmem:v15+s6+$0x0], $0xffff  }
0x37d: {  	v55 =	vmov s28;
	v20 =	vmov s29;
	v24 =	vld.idx.msk [tilespmem:v16+s7+$0x0], $0xffff;
	vm5 =	vnez.u8 v8  }
0x37e: {  	s30 =	sadd.s32 $0xFFFFFFFE, s10;
	vm3 =	vmand vm15, vm3;
	vm4 =	vmand vm5, vm4;
	vm5 =	vlt.u32 v11, v7;
	v11 =	vld.idx.msk [tilespmem:v15+s7+$0x0], $0xffff  }
0x37f: {  	s31 =	sadd.s32 $0xFFFFFFFD, s10;
	v21 =	vmov s30;
	v23 =	vor.u32 $0x6, v10;
	v57 =	vld.idx.msk [tilespmem:v16+s6+$0x0], $0xffff;
	vm0 =	vmor vm0, vm3  }
0x380: {  	v25 =	vmov s31;
	vm8 =	vlt.u32 v59, v7;
	v60 =	vld.idx.msk [tilespmem:v13+s7+$0x0], $0xffff;
	vm0 =	vmor vm0, vm10  }
0x381: {  	vm3 =	vlt.f32 v56, v5;
	vm0 =	vmor vm0, vm1;
	vm2 =	vmand vm4, vm2  }
0x382: {  	vm1 =	vlt.u32 v20, v7;
	vm7 =	veq.s32 v24, v6;
	vm6 =	vmor vm0, vm2  }
0x383: {  	vm0 =	vlt.u32 v9, v7;
	v9 =	vimm.s32 $0x0;
	vm14 =	veq.s32 v11, v6;
	v11 =	vld [tilespmem:$0x1FE40]  }
0x384: {  	vm10 =	vlt.f32 v22, $5.000000080e+29;
	vm9 =	vlt.f32 v57, $5.000000080e+29;
	v9 =	vsel vm0, $0xFFFFFFFF, v9  }
0x385: {  	v10 =	vld.idx.msk [tilespmem:v10+s7+$0x0], $0xffff;
	vm13 =	veq.s32 v60, v6;
	vm0 =	veq.s32 v19, v6;
	[tilespmem:$0x1FE20] =	vst v9;
	v9 =	vimm.s32 $0x0  }
0x386: {  	v58 =	vld.idx.msk [tilespmem:v23+s7+$0x0], $0xffff;
	vm12 =	vlt.f32 v57, v5;
	vm4 =	veq.f32 v56, v5;
	v9 =	vsel vm0, $0xFFFFFFFF, v9  }
0x387: {  	v12 =	vld.idx.msk [tilespmem:v12+s6+$0x0], $0xffff;
	vm4 =	vmand vm5, vm4;
	vm0 =	vlt.u32 v55, v7;
	[tilespmem:$0x1FE50] =	vst v9;
	v9 =	vimm.s32 $0x0  }
0x388: {  	v8 =	vld.idx.msk [tilespmem:v23+s6+$0x0], $0xffff;
	vm5 =	vlt.f32 v56, $5.000000080e+29;
	v9 =	vsel vm0, $0xFFFFFFFF, v9;
	vm0 =	vnez.u8 v11  }
0x389: {  	vm2 =	vlt.u32 v21, v7;
	[tilespmem:$0x1FE60] =	vst v9;
	v9 =	vld.idx.msk [tilespmem:v14+s6+$0x0], $0xffff;
	v11 =	vimm.s32 $0x0;
	vm0 =	vmor vm0, vm6  }
0x38a: {  	vm3 =	vmor vm3, vm4;
	vm6 =	veq.s32 v10, v6;
	v11 =	vsel vm0, $0xFFFFFFFF, v11  }
0x38b: {  	vm0 =	veq.f32 v22, v5;
	vm4 =	vmand vm5, vm6;
	vm5 =	vmand vm9, vm7  }
0x38c: {  	vm7 =	vlt.f32 v12, v5;
	[tilespmem:$0x1FE40] =	vst v11;
	v11 =	vimm.s32 $0x0;
	vm11 =	vmand vm4, vm3  }
0x38d: {  	v10 =	vld.idx.msk [tilespmem:v13+s6+$0x0], $0xffff;
	vm3 =	veq.f32 v8, v5;
	vm4 =	veq.s32 v58, v6;
	vm0 =	vmand vm2, vm0  }
0x38e: {  	v63 =	vld [tilespmem:$0x1FE20];
	vm2 =	vlt.f32 v12, $5.000000080e+29;
	vm6 =	vlt.f32 v9, $5.000000080e+29;
	v11 =	vsel vm5, $0xFFFFFFFF, v11  }
0x38f: {  	p0 =	sne.s32 s11, $0x6F;
	v13 =	vsel vm4, $0xFFFFFFFF, v61;
	vm4 =	vlt.f32 v8, $5.000000080e+29;
	vm5 =	vlt.f32 v22, v5;
	[tilespmem:$0x1FE70] =	vst v11;
	v11 =	vld.idx.msk [tilespmem:v14+s7+$0x0], $0xffff  }
.Ltmp7:
0x390: {  	vm9 =	vmand vm8, vm3;
	vm3 =	vlt.u32 v25, v7;
	[tilespmem:$0x1FE80] =	vst v13;
	v13 =	vsel vm4, $0xFFFFFFFF, v62;
	(pc) =	sbr.rel @p0 .LBB2_15-.Ltmp7, $4  }
0x391: {  	vm4 =	veq.f32 v12, v5;
	vm0 =	vmor vm5, vm0;
	vm5 =	veq.f32 v9, v5  }
0x392: {  	vm15 =	vmand vm1, vm4;
	vm1 =	vmand vm10, vm14;
	vm4 =	veq.f32 v10, v5  }
0x393: {  	s9 =	sadd.s32 $0x7, s11;
	vm14 =	vlt.f32 v10, v5;
	vm10 =	vmand vm1, vm0;
	vm0 =	vnez.u8 v63  }
0x394: {  	s8 =	sadd.s32 $0x1, s8;
	s11 =	smov.u32 s9;
	[tilespmem:$0x1FE90] =	vst v13;
	vm1 =	veq.f32 v57, v5;
	vm0 =	vmand vm0, vm4;
	vm4 =	veq.s32 v11, v6  }
0x395: {  	v7 =	vld [tilespmem:$0x1FE50];
	_ =	sdelay $0x4  }
0x396: {  	vm3 =	vmand vm3, vm5;
	vm5 =	vnez.u8 v7;
	v7 =	vld [tilespmem:$0x1FE60];
	_ =	sdelay $0x4  }
0x397: {  	vm4 =	vmand vm6, vm4;
	vm6 =	vnez.u8 v7;
	v7 =	vld [tilespmem:$0x1FE70]  }
0x398: {  	vm2 =	vmand vm2, vm5;
	vm5 =	vlt.f32 v10, $5.000000080e+29  }
0x399: {  	vm7 =	vmor vm7, vm15;
	vm0 =	vmor vm14, vm0;
	vm5 =	vmand vm5, vm13  }
0x39a: {  	vm2 =	vmand vm2, vm7;
	vm1 =	vmand vm6, vm1;
	vm6 =	vlt.f32 v9, v5  }
0x39b: {  	vm2 =	vmor vm11, vm2;
	vm0 =	vmand vm5, vm0;
	vm3 =	vmor vm6, vm3  }
0x39c: {  	vm0 =	vmor vm2, vm0;
	vm2 =	vmand vm4, vm3;
	vm4 =	vnez.u8 v7;
	v7 =	vld [tilespmem:$0x1FE80];
	_ =	sdelay $0x3  }
0x39d: {  	vm3 =	vlt.f32 v8, v5  }
0x39e: {  	vm0 =	vmor vm0, vm2;
	vm2 =	vmor vm3, vm9;
	vm3 =	vnez.u8 v7;
	v7 =	vld [tilespmem:$0x1FE90];
	_ =	sdelay $0x3  }
0x39f: {  	vm1 =	vmor vm12, vm1  }
0x3a0: {  	vm1 =	vmand vm4, vm1;
	vm4 =	vnez.u8 v7;
	v7 =	vld [tilespmem:$0x1FE40];
	_ =	sdelay $0x2  }
0x3a1: {  	vm0 =	vmor vm0, vm10;
	vm3 =	vmand vm4, vm3  }
0x3a2: {  	vm0 =	vmor vm0, vm1;
	vm2 =	vmand vm3, vm2  }
0x3a3: {  	vm0 =	vmor vm0, vm2;
	vm1 =	vnez.u8 v7  }
0x3a4: {  	vm0 =	vmor vm1, vm0  }
0x3a5: {  	v8 =	vimm.s32 $0x0;
	vm1 =	vlt.f32 v5, $5.000000080e+29;
	vm0 =	vmneg vm0  }
0x3a6: {  	vm3 =	vlt.s32 v6, v2;
	vm2 =	vge.s32 v6, v1;
	vm1 =	vmand vm1, vm0  }
0x3a7: {  	v7 =	vlaneseq.u32;
	vm0 =	vmand vm2, vm3;
	v8 =	vsel vm1, $0xFFFFFFFF, v8  }
0x3a8: {  	v6 =	vsub.s32 v6, v1;
	vm0 =	vmand vm0, vm1;
	[tilespmem:$0x1FDB0] =	vst v8;
	v8 =	vmul.u32 $0x7, v7  }
0x3a9: {  	v6 =	vnsel vm0, $0x0, v6  }
0x3aa: {  	v9 =	vadd.s32 $0x3, v8;
	_ =	sdelay $0x2  }
0x3ab: {  	s6 =	simm.s32 $0xF560;
	v8 =	vadd.s32 $0x4, v8  }
0x3ac: {  	s24 =	simm.s32 $0xF080;
	v7 =	vmul.u32 $0x10, v7;
	[tilespmem:v6+s6+$0x0] =	vst.idx.msk vm0, v8  }
0x3ad: {  	v9 =	vld.idx.msk [tilespmem:v9+s24+$0x0], $0xffff  }
0x3ae: {  	v7 =	vor.u32 $0x4, v7  }
0x3af: {  	s25 =	simm.s32 $0x0  }
0x3b0: {  	v10 =	vmov s25  }
0x3b1: {  	s26 =	simm.s32 $0xFA50;
	v11 =	vor.u32 $0x1, v10  }
0x3b2: {  	v12 =	vor.u32 $0x5, v10;
	s6 =	simm.s32 $0xF360;
	[tilespmem:v6+s26+$0x0] =	vst.idx.msk vm0, v9  }
0x3b3: {  	s7 =	simm.s32 $0xF460;
	v6 =	vld.idx.msk [tilespmem:v7+s6+$0x0], $0xffff  }
0x3b4: {  	v7 =	vld.idx.msk [tilespmem:v7+s7+$0x0], $0xffff  }
0x3b5: {  	v18 =	vor.u32 $0x2, v10;
	v13 =	vld.idx.msk [tilespmem:v10+s6+$0x0], $0xffff  }
0x3b6: {  	v17 =	vimm.s32 $0x0;
	v14 =	vld.idx.msk [tilespmem:v11+s7+$0x0], $0xffff  }
0x3b7: {  	v58 =	vimm.s32 $0x0;
	v59 =	vimm.s32 $0x0;
	v61 =	vimm.s32 $0x0;
	v19 =	vld.idx.msk [tilespmem:v12+s7+$0x0], $0xffff  }
0x3b8: {  	s8 =	simm.s32 $0x0;
	s28 =	simm.s32 $0x2;
	v16 =	vor.u32 $0x6, v10;
	v20 =	vor.u32 $0x3, v10;
	v9 =	vor.u32 $0x4, v10;
	v10 =	vld.idx.msk [tilespmem:v10+s7+$0x0], $0xffff  }
0x3b9: {  	s9 =	simm.s32 $0x5;
	s29 =	simm.s32 $0x1;
	s30 =	simm.s32 $0x4;
	v63 =	vimm.s32 $0x0;
	v54 =	vmov s8;
	v21 =	vmov s28;
	v12 =	vld.idx.msk [tilespmem:v12+s6+$0x0], $0xffff  }
0x3ba: {  	s10 =	simm.s32 $0x3;
	s31 =	simm.s32 $0x6;
	v22 =	vmov s9;
	v23 =	vmov s29;
	v24 =	vmov s30;
	v57 =	vld.idx.msk [tilespmem:v18+s7+$0x0], $0xffff  }
0x3bb: {  	v25 =	vmov s10;
	v56 =	vmov s31;
	vm0 =	vmxor vm0, vm0  }
0x3bc: {  	vm5 =	vlt.u32 v24, v8;
	v17 =	vsel vm0, $0xFFFFFFFF, v17;
	vm0 =	vlt.u32 v54, v8  }
0x3bd: {  	v55 =	vld.idx.msk [tilespmem:v16+s7+$0x0], $0xffff;
	vm2 =	vlt.f32 v13, v6;
	vm1 =	veq.f32 v13, v6;
	vm4 =	vlt.f32 v13, $5.000000080e+29  }
0x3be: {  	v15 =	vld.idx.msk [tilespmem:v9+s6+$0x0], $0xffff;
	vm6 =	veq.s32 v19, v7;
	vm7 =	veq.s32 v14, v7;
	vm10 =	veq.s32 v10, v7  }
0x3bf: {  	v26 =	vld.idx.msk [tilespmem:v9+s7+$0x0], $0xffff;
	vm12 =	vlt.f32 v12, $5.000000080e+29;
	v10 =	vimm.s32 $0x0;
	vm14 =	veq.s32 v57, v7  }
0x3c0: {  	v9 =	vld.idx.msk [tilespmem:v16+s6+$0x0], $0xffff;
	vm13 =	vlt.f32 v12, v6;
	vm3 =	vmand vm0, vm1;
	vm1 =	vlt.u32 v23, v8  }
0x3c1: {  	vm0 =	vlt.u32 v21, v8;
	v14 =	vsel vm7, $0xFFFFFFFF, v58;
	vm7 =	vlt.u32 v22, v8  }
0x3c2: {  	v60 =	vld.idx.msk [tilespmem:v11+s6+$0x0], $0xffff;
	vm4 =	vmand vm4, vm10;
	vm6 =	vmand vm12, vm6;
	[tilespmem:$0x1FDD0] =	vst v14;
	v14 =	vsel vm7, $0xFFFFFFFF, v59  }
0x3c3: {  	v62 =	vld.idx.msk [tilespmem:v20+s7+$0x0], $0xffff;
	vm7 =	vlt.u32 v56, v8;
	vm2 =	vmor vm2, vm3;
	v10 =	vsel vm6, $0xFFFFFFFF, v10  }
0x3c4: {  	v11 =	vld.idx.msk [tilespmem:v18+s6+$0x0], $0xffff;
	vm12 =	vmand vm4, vm2;
	vm4 =	veq.s32 v55, v7;
	vm8 =	vlt.f32 v15, $5.000000080e+29  }
0x3c5: {  	vm11 =	veq.s32 v26, v7;
	vm3 =	veq.f32 v15, v6;
	vm2 =	veq.f32 v9, v6  }
0x3c6: {  	v13 =	vsel vm4, $0xFFFFFFFF, v61;
	vm4 =	vlt.f32 v15, v6;
	vm3 =	vmand vm5, vm3  }
0x3c7: {  	[tilespmem:$0x1FDF0] =	vst v10;
	v10 =	vld.idx.msk [tilespmem:v20+s6+$0x0], $0xffff;
	vm10 =	vmand vm7, vm2;
	vm2 =	vmor vm4, vm3;
	vm3 =	vlt.f32 v9, $5.000000080e+29  }
0x3c8: {  	vm5 =	veq.s32 v62, v7;
	vm4 =	veq.f32 v60, v6;
	v15 =	vsel vm3, $0xFFFFFFFF, v63  }
0x3c9: {  	[tilespmem:$0x1FDC0] =	vst v17;
	vm3 =	vmand vm8, vm11;
	vm15 =	vmand vm1, vm4;
	vm1 =	veq.f32 v11, v6  }
0x3ca: {  	[tilespmem:$0x1FDE0] =	vst v14;
	vm4 =	vlt.u32 v25, v8;
	vm8 =	vlt.f32 v60, v6;
	vm11 =	vmand vm3, vm2  }
0x3cb: {  	[tilespmem:$0x1FE00] =	vst v13;
	vm0 =	vmand vm0, vm1;
	vm2 =	vlt.f32 v60, $5.000000080e+29;
	vm1 =	veq.f32 v12, v6  }
0x3cc: {  	s11 =	simm.s32 $0xD;
	s8 =	simm.s32 $0x1;
	[tilespmem:$0x1FE10] =	vst v15;
	vm6 =	veq.f32 v10, v6;
	vm3 =	vlt.f32 v11, v6;
	vm7 =	vlt.f32 v10, $5.000000080e+29  }
.LBB2_17:
0x3cd: {  	v18 =	vld [tilespmem:$0x1FDD0];
	_ =	sdelay $0x2  }
0x3ce: {  	vm4 =	vmand vm4, vm6;
	vm6 =	vlt.f32 v10, v6  }
0x3cf: {  	vm0 =	vmor vm3, vm0;
	vm3 =	vmor vm6, vm4;
	vm4 =	vlt.f32 v9, v6;
	v9 =	vld [tilespmem:$0x1FDF0]  }
0x3d0: {  	s12 =	sshll.u32 s8, $0x4;
	vm8 =	vmor vm8, vm15;
	vm15 =	vmand vm7, vm5;
	vm7 =	vnez.u8 v18  }
0x3d1: {  	vm9 =	vlt.f32 v11, $5.000000080e+29;
	v19 =	vld [tilespmem:$0x1FDE0];
	v11 =	vmov s12;
	vm2 =	vmand vm2, vm7  }
0x3d2: {  	vm5 =	vmand vm9, vm14;
	v16 =	vor.u32 $0x4, v11;
	vm2 =	vmand vm2, vm8  }
0x3d3: {  	v17 =	vor.u32 $0x5, v11;
	vm0 =	vmand vm5, vm0;
	vm2 =	vmor vm12, vm2  }
0x3d4: {  	vm0 =	vmor vm2, vm0;
	vm2 =	vnez.u8 v9;
	v9 =	vld [tilespmem:$0x1FE00]  }
0x3d5: {  	v58 =	vimm.s32 $0x0;
	v59 =	vimm.s32 $0x0  }
0x3d6: {  	s13 =	sadd.s32 $0xFFFFFFFA, s11;
	s10 =	smov.u32 s11;
	v61 =	vimm.s32 $0x0;
	v62 =	vimm.s32 $0x0;
	vm7 =	vnez.u8 v19;
	v51 =	vld.idx.msk [tilespmem:v11+s6+$0x0], $0xffff  }
0x3d7: {  	v12 =	vmov s13;
	v55 =	vmov s10;
	vm1 =	vmand vm7, vm1;
	v23 =	vld.idx.msk [tilespmem:v16+s6+$0x0], $0xffff  }
0x3d8: {  	v13 =	vor.u32 $0x1, v11;
	v14 =	vor.u32 $0x2, v11;
	v25 =	vld.idx.msk [tilespmem:v17+s7+$0x0], $0xffff;
	vm1 =	vmor vm13, vm1  }
0x3d9: {  	s26 =	sadd.s32 $0xFFFFFFFC, s10;
	s28 =	sadd.s32 $0xFFFFFFFF, s10;
	vm1 =	vmand vm2, vm1;
	vm2 =	vmor vm4, vm10;
	vm4 =	vnez.u8 v9;
	v9 =	vld [tilespmem:$0x1FE10]  }
0x3da: {  	s29 =	sadd.s32 $0xFFFFFFFB, s10;
	s30 =	sadd.s32 $0xFFFFFFFE, s10;
	v15 =	vor.u32 $0x3, v11;
	v10 =	vmov s26;
	v50 =	vmov s28;
	v52 =	vld.idx.msk [tilespmem:v16+s7+$0x0], $0xffff  }
0x3db: {  	s31 =	sadd.s32 $0xFFFFFFFD, s10;
	v21 =	vmov s29;
	v22 =	vmov s30;
	vm3 =	vmand vm15, vm3;
	v53 =	vld.idx.msk [tilespmem:v17+s6+$0x0], $0xffff  }
0x3dc: {  	v24 =	vor.u32 $0x6, v11;
	v26 =	vmov s31;
	vm0 =	vmor vm0, vm3  }
0x3dd: {  	v56 =	vld.idx.msk [tilespmem:v14+s7+$0x0], $0xffff;
	vm8 =	vlt.u32 v55, v8;
	vm3 =	vlt.f32 v51, v6;
	vm0 =	vmor vm0, vm11  }
0x3de: {  	v20 =	vld.idx.msk [tilespmem:v13+s7+$0x0], $0xffff;
	vm0 =	vmor vm0, vm1;
	vm1 =	vlt.u32 v21, v8;
	vm5 =	vnez.u8 v9  }
0x3df: {  	vm7 =	veq.s32 v25, v7;
	vm9 =	vlt.f32 v23, $5.000000080e+29;
	vm4 =	vmand vm5, vm4  }
0x3e0: {  	vm11 =	veq.s32 v52, v7;
	vm10 =	vlt.f32 v53, $5.000000080e+29;
	vm2 =	vmand vm4, vm2  }
0x3e1: {  	v57 =	vld [tilespmem:$0x1FDC0];
	vm6 =	vmor vm0, vm2;
	vm0 =	vlt.u32 v10, v8;
	v10 =	vimm.s32 $0x0  }
0x3e2: {  	v11 =	vld.idx.msk [tilespmem:v11+s7+$0x0], $0xffff;
	vm14 =	veq.s32 v56, v7;
	vm5 =	vlt.u32 v12, v8;
	v10 =	vsel vm0, $0xFFFFFFFF, v10  }
0x3e3: {  	vm4 =	veq.f32 v51, v6;
	vm0 =	veq.s32 v20, v7;
	[tilespmem:$0x1FDA0] =	vst v10;
	v10 =	vimm.s32 $0x0  }
0x3e4: {  	v54 =	vld.idx.msk [tilespmem:v24+s7+$0x0], $0xffff;
	vm13 =	vlt.f32 v53, v6;
	vm4 =	vmand vm5, vm4;
	v10 =	vsel vm0, $0xFFFFFFFF, v10  }
0x3e5: {  	v9 =	vld.idx.msk [tilespmem:v24+s6+$0x0], $0xffff;
	vm5 =	vlt.f32 v51, $5.000000080e+29;
	vm0 =	vlt.u32 v50, v8;
	[tilespmem:$0x1FDD0] =	vst v10;
	v10 =	vimm.s32 $0x0  }
0x3e6: {  	v13 =	vld.idx.msk [tilespmem:v13+s6+$0x0], $0xffff;
	vm2 =	vlt.u32 v22, v8;
	v10 =	vsel vm0, $0xFFFFFFFF, v10;
	vm0 =	vnez.u8 v57  }
0x3e7: {  	vm3 =	vmor vm3, vm4;
	vm0 =	vmor vm0, vm6;
	vm6 =	veq.s32 v11, v7  }
0x3e8: {  	v60 =	vld.idx.msk [tilespmem:v15+s7+$0x0], $0xffff;
	[tilespmem:$0x1FDE0] =	vst v10;
	v12 =	vsel vm0, $0xFFFFFFFF, v58;
	vm4 =	vmand vm5, vm6;
	vm5 =	vmand vm10, vm7  }
0x3e9: {  	v10 =	vld.idx.msk [tilespmem:v15+s6+$0x0], $0xffff;
	vm0 =	veq.f32 v23, v6;
	[tilespmem:$0x1FDC0] =	vst v12;
	v12 =	vsel vm5, $0xFFFFFFFF, v59;
	vm12 =	vmand vm4, vm3  }
0x3ea: {  	v11 =	vld.idx.msk [tilespmem:v14+s6+$0x0], $0xffff;
	vm3 =	veq.f32 v9, v6;
	vm4 =	veq.s32 v54, v7;
	vm5 =	vlt.f32 v23, v6  }
0x3eb: {  	v63 =	vld [tilespmem:$0x1FDA0];
	vm0 =	vmand vm2, vm0;
	vm2 =	vlt.f32 v13, $5.000000080e+29;
	v14 =	vsel vm4, $0xFFFFFFFF, v61  }
0x3ec: {  	p0 =	sne.s32 s11, $0x6F;
	vm4 =	vlt.f32 v9, $5.000000080e+29;
	vm10 =	vmand vm8, vm3;
	vm0 =	vmor vm5, vm0  }
.Ltmp8:
0x3ed: {  	vm5 =	veq.s32 v60, v7;
	[tilespmem:$0x1FE00] =	vst v14;
	v14 =	vsel vm4, $0xFFFFFFFF, v62;
	vm4 =	veq.f32 v13, v6;
	(pc) =	sbr.rel @p0 .LBB2_17-.Ltmp8, $4  }
0x3ee: {  	vm8 =	vlt.f32 v13, v6;
	vm15 =	vmand vm1, vm4;
	vm4 =	vlt.u32 v26, v8  }
0x3ef: {  	vm1 =	vmand vm9, vm11;
	vm3 =	veq.f32 v11, v6;
	vm6 =	veq.f32 v10, v6  }
0x3f0: {  	s9 =	sadd.s32 $0x7, s11;
	[tilespmem:$0x1FDF0] =	vst v12;
	vm7 =	vlt.f32 v10, $5.000000080e+29;
	vm11 =	vmand vm1, vm0;
	vm0 =	vnez.u8 v63  }
0x3f1: {  	s8 =	sadd.s32 $0x1, s8;
	s11 =	smov.u32 s9;
	[tilespmem:$0x1FE10] =	vst v14;
	vm1 =	veq.f32 v53, v6;
	vm0 =	vmand vm0, vm3;
	vm3 =	vlt.f32 v11, v6  }
0x3f2: {  	v8 =	vld [tilespmem:$0x1FDD0];
	_ =	sdelay $0x4  }
0x3f3: {  	vm4 =	vmand vm4, vm6;
	vm6 =	vnez.u8 v8;
	v8 =	vld [tilespmem:$0x1FDE0];
	_ =	sdelay $0x4  }
0x3f4: {  	vm5 =	vmand vm7, vm5;
	vm7 =	vnez.u8 v8;
	v8 =	vld [tilespmem:$0x1FDF0];
	_ =	sdelay $0x3  }
0x3f5: {  	vm1 =	vmand vm7, vm1;
	vm7 =	vlt.f32 v10, v6  }
0x3f6: {  	vm0 =	vmor vm3, vm0;
	vm3 =	vmor vm7, vm4;
	vm4 =	vnez.u8 v8;
	v8 =	vld [tilespmem:$0x1FE00]  }
0x3f7: {  	vm8 =	vmor vm8, vm15;
	vm2 =	vmand vm2, vm6;
	vm6 =	vlt.f32 v11, $5.000000080e+29  }
0x3f8: {  	vm6 =	vmand vm6, vm14;
	vm2 =	vmand vm2, vm8  }
0x3f9: {  	vm2 =	vmor vm12, vm2;
	vm0 =	vmand vm6, vm0  }
0x3fa: {  	vm0 =	vmor vm2, vm0;
	vm2 =	vmand vm5, vm3;
	vm3 =	vlt.f32 v9, v6  }
0x3fb: {  	vm0 =	vmor vm0, vm2;
	vm2 =	vmor vm3, vm10;
	vm3 =	vnez.u8 v8;
	v8 =	vld [tilespmem:$0x1FE10];
	_ =	sdelay $0x3  }
0x3fc: {  	vm1 =	vmor vm13, vm1  }
0x3fd: {  	vm1 =	vmand vm4, vm1;
	vm4 =	vnez.u8 v8;
	v8 =	vld [tilespmem:$0x1FDC0];
	_ =	sdelay $0x2  }
0x3fe: {  	vm0 =	vmor vm0, vm11;
	vm3 =	vmand vm4, vm3  }
0x3ff: {  	vm0 =	vmor vm0, vm1;
	vm2 =	vmand vm3, vm2  }
0x400: {  	vm0 =	vmor vm0, vm2;
	vm1 =	vnez.u8 v8  }
0x401: {  	vm0 =	vmor vm1, vm0  }
0x402: {  	v9 =	vimm.s32 $0x0;
	vm1 =	vlt.f32 v6, $5.000000080e+29;
	vm0 =	vmneg vm0  }
0x403: {  	vm3 =	vlt.s32 v7, v2;
	vm2 =	vge.s32 v7, v1;
	vm1 =	vmand vm1, vm0  }
0x404: {  	v8 =	vlaneseq.u32;
	vm0 =	vmand vm2, vm3;
	v9 =	vsel vm1, $0xFFFFFFFF, v9  }
0x405: {  	v7 =	vsub.s32 v7, v1;
	vm0 =	vmand vm0, vm1;
	[tilespmem:$0x1FD30] =	vst v9;
	v9 =	vmul.u32 $0x7, v8  }
0x406: {  	v7 =	vnsel vm0, $0x0, v7  }
0x407: {  	v10 =	vadd.s32 $0x4, v9;
	_ =	sdelay $0x2  }
0x408: {  	s6 =	simm.s32 $0xF560;
	v9 =	vadd.s32 $0x5, v9  }
0x409: {  	s24 =	simm.s32 $0xF080;
	v8 =	vmul.u32 $0x10, v8;
	[tilespmem:v7+s6+$0x0] =	vst.idx.msk vm0, v9  }
0x40a: {  	v10 =	vld.idx.msk [tilespmem:v10+s24+$0x0], $0xffff  }
0x40b: {  	v8 =	vor.u32 $0x5, v8  }
0x40c: {  	s25 =	simm.s32 $0x0  }
0x40d: {  	v11 =	vmov s25  }
0x40e: {  	s26 =	simm.s32 $0xFA50;
	v12 =	vor.u32 $0x1, v11  }
0x40f: {  	v13 =	vor.u32 $0x5, v11;
	s6 =	simm.s32 $0xF360;
	[tilespmem:v7+s26+$0x0] =	vst.idx.msk vm0, v10  }
0x410: {  	s7 =	simm.s32 $0xF460;
	v7 =	vld.idx.msk [tilespmem:v8+s6+$0x0], $0xffff  }
0x411: {  	v8 =	vld.idx.msk [tilespmem:v8+s7+$0x0], $0xffff  }
0x412: {  	v19 =	vor.u32 $0x2, v11;
	v14 =	vld.idx.msk [tilespmem:v11+s6+$0x0], $0xffff  }
0x413: {  	s8 =	simm.s32 $0x0;
	v18 =	vimm.s32 $0x0;
	s28 =	simm.s32 $0x2;
	v15 =	vld.idx.msk [tilespmem:v12+s7+$0x0], $0xffff  }
0x414: {  	v63 =	vimm.s32 $0x0;
	v60 =	vmov s8;
	v22 =	vmov s28;
	v20 =	vld.idx.msk [tilespmem:v13+s7+$0x0], $0xffff  }
0x415: {  	s9 =	simm.s32 $0x5;
	s29 =	simm.s32 $0x1;
	s30 =	simm.s32 $0x4;
	v17 =	vor.u32 $0x6, v11;
	v21 =	vor.u32 $0x3, v11;
	v10 =	vor.u32 $0x4, v11;
	v11 =	vld.idx.msk [tilespmem:v11+s7+$0x0], $0xffff  }
0x416: {  	s10 =	simm.s32 $0x3;
	s31 =	simm.s32 $0x6;
	v23 =	vmov s9;
	v24 =	vmov s29;
	v25 =	vmov s30;
	v13 =	vld.idx.msk [tilespmem:v13+s6+$0x0], $0xffff  }
0x417: {  	v26 =	vmov s10;
	v61 =	vmov s31;
	vm0 =	vmxor vm0, vm0;
	v62 =	vld.idx.msk [tilespmem:v19+s7+$0x0], $0xffff  }
0x418: {  	vm5 =	vlt.u32 v25, v9;
	v18 =	vsel vm0, $0xFFFFFFFF, v18;
	vm0 =	vlt.u32 v60, v9  }
0x419: {  	vm2 =	vlt.f32 v14, v7;
	vm1 =	veq.f32 v14, v7;
	vm4 =	vlt.f32 v14, $5.000000080e+29  }
0x41a: {  	v16 =	vld.idx.msk [tilespmem:v10+s6+$0x0], $0xffff;
	vm6 =	veq.s32 v20, v8;
	vm7 =	veq.s32 v15, v8;
	v15 =	vimm.s32 $0x0  }
0x41b: {  	v27 =	vld.idx.msk [tilespmem:v10+s7+$0x0], $0xffff;
	vm11 =	veq.s32 v11, v8;
	vm12 =	vlt.f32 v13, $5.000000080e+29;
	v11 =	vimm.s32 $0x0  }
0x41c: {  	v10 =	vld.idx.msk [tilespmem:v17+s6+$0x0], $0xffff;
	vm15 =	veq.s32 v62, v8;
	vm14 =	vlt.f32 v13, v7;
	vm3 =	vmand vm0, vm1  }
0x41d: {  	v14 =	vld.idx.msk [tilespmem:v17+s7+$0x0], $0xffff;
	vm1 =	vlt.u32 v24, v9;
	vm0 =	vlt.u32 v22, v9;
	v15 =	vsel vm7, $0xFFFFFFFF, v15  }
0x41e: {  	vm7 =	vlt.u32 v23, v9;
	vm4 =	vmand vm4, vm11;
	vm6 =	vmand vm12, vm6  }
0x41f: {  	[tilespmem:$0x1FD50] =	vst v15;
	v15 =	vimm.s32 $0x0;
	vm2 =	vmor vm2, vm3;
	v11 =	vsel vm6, $0xFFFFFFFF, v11  }
0x420: {  	v15 =	vsel vm7, $0xFFFFFFFF, v15;
	vm7 =	vlt.u32 v61, v9;
	[tilespmem:$0x1FD70] =	vst v11;
	v11 =	vld.idx.msk [tilespmem:v21+s6+$0x0], $0xffff;
	vm13 =	vmand vm4, vm2  }
0x421: {  	[tilespmem:$0x1FD60] =	vst v15;
	vm8 =	vlt.f32 v16, $5.000000080e+29;
	vm9 =	veq.s32 v27, v8;
	v15 =	vld.idx.msk [tilespmem:v12+s6+$0x0], $0xffff;
	vm3 =	veq.f32 v16, v7  }
0x422: {  	vm2 =	veq.f32 v10, v7;
	vm4 =	veq.s32 v14, v8;
	v14 =	vimm.s32 $0x0  }
0x423: {  	v12 =	vld.idx.msk [tilespmem:v19+s6+$0x0], $0xffff;
	vm3 =	vmand vm5, vm3;
	v14 =	vsel vm4, $0xFFFFFFFF, v14;
	vm4 =	vlt.f32 v16, v7  }
0x424: {  	vm11 =	vmand vm7, vm2;
	[tilespmem:$0x1FD80] =	vst v14;
	v14 =	vld.idx.msk [tilespmem:v21+s7+$0x0], $0xffff;
	vm2 =	vmor vm4, vm3;
	vm3 =	vlt.f32 v10, $5.000000080e+29  }
0x425: {  	vm5 =	vlt.u32 v26, v9;
	v16 =	vsel vm3, $0xFFFFFFFF, v63;
	vm3 =	vmand vm8, vm9  }
0x426: {  	vm7 =	veq.f32 v11, v7;
	vm8 =	vlt.f32 v11, $5.000000080e+29;
	vm4 =	veq.f32 v15, v7  }
0x427: {  	vm12 =	vmand vm3, vm2;
	vm2 =	vlt.f32 v15, $5.000000080e+29;
	vm9 =	vlt.f32 v15, v7  }
0x428: {  	[tilespmem:$0x1FD40] =	vst v18;
	vm3 =	vlt.f32 v12, v7;
	vm4 =	vmand vm1, vm4;
	vm1 =	veq.f32 v12, v7  }
0x429: {  	s11 =	simm.s32 $0xD;
	s8 =	simm.s32 $0x1;
	[tilespmem:$0x1FD90] =	vst v16;
	vm0 =	vmand vm0, vm1;
	vm1 =	veq.f32 v13, v7;
	vm6 =	veq.s32 v14, v8  }
.LBB2_19:
0x42a: {  	v19 =	vld [tilespmem:$0x1FD50];
	_ =	sdelay $0x2  }
0x42b: {  	vm5 =	vmand vm5, vm7;
	vm7 =	vlt.f32 v11, v7  }
0x42c: {  	vm0 =	vmor vm3, vm0;
	vm3 =	vmor vm7, vm5;
	vm5 =	vlt.f32 v10, v7;
	v10 =	vld [tilespmem:$0x1FD70]  }
0x42d: {  	vm9 =	vmor vm9, vm4;
	vm4 =	vmand vm8, vm6;
	vm8 =	vnez.u8 v19  }
0x42e: {  	vm10 =	vlt.f32 v12, $5.000000080e+29;
	vm2 =	vmand vm2, vm8  }
0x42f: {  	vm6 =	vmand vm10, vm15;
	vm2 =	vmand vm2, vm9  }
0x430: {  	vm0 =	vmand vm6, vm0;
	vm2 =	vmor vm13, vm2  }
0x431: {  	s12 =	sshll.u32 s8, $0x4;
	vm0 =	vmor vm2, vm0;
	vm2 =	vnez.u8 v10;
	v10 =	vld [tilespmem:$0x1FD80]  }
0x432: {  	v12 =	vmov s12  }
0x433: {  	v20 =	vld [tilespmem:$0x1FD60];
	v14 =	vor.u32 $0x1, v12  }
0x434: {  	v17 =	vor.u32 $0x4, v12  }
0x435: {  	v18 =	vor.u32 $0x5, v12  }
0x436: {  	v15 =	vor.u32 $0x2, v12;
	vm3 =	vmand vm4, vm3;
	vm4 =	vnez.u8 v10;
	v10 =	vld [tilespmem:$0x1FD90]  }
0x437: {  	v59 =	vld.idx.msk [tilespmem:v12+s6+$0x0], $0xffff  }
0x438: {  	s13 =	sadd.s32 $0xFFFFFFFA, s11;
	s10 =	smov.u32 s11;
	vm8 =	vnez.u8 v20;
	v21 =	vld.idx.msk [tilespmem:v14+s7+$0x0], $0xffff  }
0x439: {  	v13 =	vmov s13;
	s26 =	sadd.s32 $0xFFFFFFFC, s10;
	v62 =	vmov s10;
	vm1 =	vmand vm8, vm1;
	v24 =	vld.idx.msk [tilespmem:v17+s6+$0x0], $0xffff  }
0x43a: {  	v16 =	vor.u32 $0x3, v12;
	v11 =	vmov s26;
	v26 =	vld.idx.msk [tilespmem:v18+s7+$0x0], $0xffff;
	vm1 =	vmor vm14, vm1  }
0x43b: {  	s28 =	sadd.s32 $0xFFFFFFFF, s10;
	v63 =	vld.idx.msk [tilespmem:v15+s7+$0x0], $0xffff;
	vm1 =	vmand vm2, vm1;
	vm2 =	vmor vm5, vm11;
	vm5 =	vnez.u8 v10  }
0x43c: {  	s29 =	sadd.s32 $0xFFFFFFFB, s10;
	s30 =	sadd.s32 $0xFFFFFFFE, s10;
	v58 =	vmov s28;
	vm4 =	vmand vm5, vm4;
	vm5 =	vlt.u32 v13, v9;
	v13 =	vld.idx.msk [tilespmem:v17+s7+$0x0], $0xffff  }
0x43d: {  	s31 =	sadd.s32 $0xFFFFFFFD, s10;
	v22 =	vmov s29;
	v23 =	vmov s30;
	v60 =	vld.idx.msk [tilespmem:v18+s6+$0x0], $0xffff;
	vm0 =	vmor vm0, vm3  }
0x43e: {  	v25 =	vor.u32 $0x6, v12;
	v27 =	vmov s31;
	vm0 =	vmor vm0, vm12  }
0x43f: {  	vm3 =	vlt.f32 v59, v7;
	vm0 =	vmor vm0, vm1;
	vm1 =	vlt.u32 v22, v9  }
0x440: {  	vm7 =	veq.s32 v26, v8;
	vm8 =	veq.s32 v21, v8;
	vm9 =	vlt.f32 v24, $5.000000080e+29  }
0x441: {  	vm12 =	veq.f32 v24, v7;
	vm15 =	veq.s32 v63, v8;
	vm10 =	veq.s32 v13, v8;
	v13 =	vld [tilespmem:$0x1FD40]  }
0x442: {  	vm14 =	vlt.f32 v60, v7;
	vm2 =	vmand vm4, vm2;
	vm4 =	veq.f32 v59, v7  }
0x443: {  	v12 =	vld.idx.msk [tilespmem:v12+s7+$0x0], $0xffff;
	vm6 =	vmor vm0, vm2;
	vm0 =	vlt.u32 v11, v9;
	v11 =	vimm.s32 $0x0  }
0x444: {  	vm4 =	vmand vm5, vm4;
	vm5 =	vlt.f32 v59, $5.000000080e+29;
	v11 =	vsel vm8, $0xFFFFFFFF, v11  }
0x445: {  	v61 =	vld.idx.msk [tilespmem:v25+s7+$0x0], $0xffff;
	vm2 =	vlt.u32 v23, v9;
	vm8 =	vlt.u32 v58, v9;
	[tilespmem:$0x1FD50] =	vst v11;
	v11 =	vimm.s32 $0x0  }
0x446: {  	v10 =	vld.idx.msk [tilespmem:v25+s6+$0x0], $0xffff;
	vm3 =	vmor vm3, vm4;
	v11 =	vsel vm8, $0xFFFFFFFF, v11;
	vm11 =	vnez.u8 v13  }
0x447: {  	vm8 =	vlt.u32 v62, v9;
	[tilespmem:$0x1FD60] =	vst v11;
	v11 =	vld.idx.msk [tilespmem:v16+s6+$0x0], $0xffff;
	v13 =	vimm.s32 $0x0;
	vm11 =	vmor vm11, vm6  }
0x448: {  	vm6 =	veq.s32 v12, v8;
	v12 =	vld.idx.msk [tilespmem:v15+s6+$0x0], $0xffff;
	v15 =	vimm.s32 $0x0;
	v13 =	vsel vm11, $0xFFFFFFFF, v13  }
0x449: {  	v14 =	vld.idx.msk [tilespmem:v14+s6+$0x0], $0xffff;
	vm11 =	vlt.f32 v60, $5.000000080e+29;
	vm4 =	vmand vm5, vm6;
	vm6 =	vlt.f32 v24, v7  }
0x44a: {  	[tilespmem:$0x1FD40] =	vst v13;
	vm5 =	vmand vm11, vm7;
	v13 =	vimm.s32 $0x0;
	vm13 =	vmand vm4, vm3  }
0x44b: {  	vm3 =	veq.f32 v10, v7;
	vm4 =	veq.s32 v61, v8;
	v13 =	vsel vm5, $0xFFFFFFFF, v13  }
0x44c: {  	vm7 =	veq.f32 v11, v7;
	v15 =	vsel vm4, $0xFFFFFFFF, v15;
	vm4 =	vlt.f32 v10, $5.000000080e+29;
	[tilespmem:$0x1FD70] =	vst v13  }
0x44d: {  	p0 =	sne.s32 s11, $0x6F;
	vm11 =	vmand vm8, vm3;
	vm5 =	vlt.u32 v27, v9;
	v13 =	vld.idx.msk [tilespmem:v16+s7+$0x0], $0xffff;
	[tilespmem:$0x1FD80] =	vst v15;
	v15 =	vimm.s32 $0x0  }
.Ltmp9:
0x44e: {  	vm3 =	vmand vm9, vm10;
	v15 =	vsel vm4, $0xFFFFFFFF, v15;
	vm4 =	veq.f32 v14, v7;
	(pc) =	sbr.rel @p0 .LBB2_19-.Ltmp9, $4  }
0x44f: {  	vm9 =	vlt.f32 v14, v7;
	vm4 =	vmand vm1, vm4;
	vm1 =	vmand vm2, vm12  }
0x450: {  	vm8 =	vlt.f32 v11, $5.000000080e+29;
	vm2 =	vlt.f32 v14, $5.000000080e+29;
	vm1 =	vmor vm6, vm1  }
0x451: {  	s9 =	sadd.s32 $0x7, s11;
	vm6 =	veq.f32 v12, v7;
	vm12 =	vmand vm3, vm1;
	vm1 =	veq.f32 v60, v7  }
0x452: {  	s8 =	sadd.s32 $0x1, s8;
	s11 =	smov.u32 s9;
	[tilespmem:$0x1FD90] =	vst v15;
	vm0 =	vmand vm0, vm6;
	vm3 =	vlt.f32 v12, v7;
	vm6 =	veq.s32 v13, v8  }
0x453: {  	v9 =	vld [tilespmem:$0x1FD50];
	_ =	sdelay $0x4  }
0x454: {  	vm5 =	vmand vm5, vm7;
	vm7 =	vnez.u8 v9;
	v9 =	vld [tilespmem:$0x1FD60];
	_ =	sdelay $0x3  }
0x455: {  	vm4 =	vmor vm9, vm4;
	vm2 =	vmand vm2, vm7  }
0x456: {  	vm2 =	vmand vm2, vm4;
	vm4 =	vnez.u8 v9;
	v9 =	vld [tilespmem:$0x1FD70];
	_ =	sdelay $0x3  }
0x457: {  	vm1 =	vmand vm4, vm1;
	vm4 =	vlt.f32 v11, v7  }
0x458: {  	vm0 =	vmor vm3, vm0;
	vm3 =	vmor vm4, vm5;
	vm4 =	vnez.u8 v9;
	v9 =	vld [tilespmem:$0x1FD80]  }
0x459: {  	vm7 =	vlt.f32 v12, $5.000000080e+29  }
0x45a: {  	vm7 =	vmand vm7, vm15  }
0x45b: {  	vm6 =	vmand vm8, vm6;
	vm2 =	vmor vm13, vm2;
	vm0 =	vmand vm7, vm0  }
0x45c: {  	vm0 =	vmor vm2, vm0;
	vm2 =	vmand vm6, vm3;
	vm3 =	vlt.f32 v10, v7  }
0x45d: {  	vm0 =	vmor vm0, vm2;
	vm2 =	vmor vm3, vm11;
	vm3 =	vnez.u8 v9;
	v9 =	vld [tilespmem:$0x1FD90];
	_ =	sdelay $0x3  }
0x45e: {  	vm1 =	vmor vm14, vm1  }
0x45f: {  	vm1 =	vmand vm4, vm1;
	vm4 =	vnez.u8 v9;
	v9 =	vld [tilespmem:$0x1FD40];
	_ =	sdelay $0x2  }
0x460: {  	vm0 =	vmor vm0, vm12;
	vm3 =	vmand vm4, vm3  }
0x461: {  	vm0 =	vmor vm0, vm1;
	vm2 =	vmand vm3, vm2  }
0x462: {  	vm0 =	vmor vm0, vm2;
	vm1 =	vnez.u8 v9  }
0x463: {  	vm0 =	vmor vm1, vm0  }
0x464: {  	v10 =	vimm.s32 $0x0;
	vm1 =	vlt.f32 v7, $5.000000080e+29;
	vm0 =	vmneg vm0  }
0x465: {  	vm3 =	vlt.s32 v8, v2;
	vm2 =	vge.s32 v8, v1;
	vm1 =	vmand vm1, vm0  }
0x466: {  	v9 =	vlaneseq.u32;
	vm0 =	vmand vm2, vm3;
	v10 =	vsel vm1, $0xFFFFFFFF, v10  }
0x467: {  	v8 =	vsub.s32 v8, v1;
	vm0 =	vmand vm0, vm1;
	[tilespmem:$0x1FCC0] =	vst v10;
	v10 =	vmul.u32 $0x7, v9  }
0x468: {  	v8 =	vnsel vm0, $0x0, v8  }
0x469: {  	v11 =	vadd.s32 $0x5, v10;
	_ =	sdelay $0x2  }
0x46a: {  	s6 =	simm.s32 $0xF560;
	v10 =	vadd.s32 $0x6, v10  }
0x46b: {  	s24 =	simm.s32 $0xF080;
	v9 =	vmul.u32 $0x10, v9;
	[tilespmem:v8+s6+$0x0] =	vst.idx.msk vm0, v10  }
0x46c: {  	v11 =	vld.idx.msk [tilespmem:v11+s24+$0x0], $0xffff  }
0x46d: {  	v12 =	vor.u32 $0x6, v9  }
0x46e: {  	s25 =	simm.s32 $0x0  }
0x46f: {  	v13 =	vmov s25  }
0x470: {  	s26 =	simm.s32 $0xFA50;
	v14 =	vor.u32 $0x1, v13  }
0x471: {  	v15 =	vor.u32 $0x5, v13;
	s6 =	simm.s32 $0xF360;
	[tilespmem:v8+s26+$0x0] =	vst.idx.msk vm0, v11  }
0x472: {  	s7 =	simm.s32 $0xF460;
	v9 =	vld.idx.msk [tilespmem:v12+s6+$0x0], $0xffff  }
0x473: {  	v8 =	vld.idx.msk [tilespmem:v12+s7+$0x0], $0xffff  }
0x474: {  	v19 =	vimm.s32 $0x0;
	v59 =	vimm.s32 $0x0;
	v12 =	vld.idx.msk [tilespmem:v13+s6+$0x0], $0xffff  }
0x475: {  	s8 =	simm.s32 $0x0;
	v60 =	vimm.s32 $0x0;
	v61 =	vimm.s32 $0x0;
	v18 =	vor.u32 $0x6, v13;
	v16 =	vld.idx.msk [tilespmem:v14+s7+$0x0], $0xffff  }
0x476: {  	s28 =	simm.s32 $0x2;
	v63 =	vimm.s32 $0x0;
	v56 =	vmov s8;
	v20 =	vor.u32 $0x2, v13;
	v21 =	vld.idx.msk [tilespmem:v15+s7+$0x0], $0xffff  }
0x477: {  	s9 =	simm.s32 $0x5;
	s29 =	simm.s32 $0x1;
	s30 =	simm.s32 $0x4;
	v23 =	vmov s28;
	v22 =	vor.u32 $0x3, v13;
	v11 =	vor.u32 $0x4, v13;
	v13 =	vld.idx.msk [tilespmem:v13+s7+$0x0], $0xffff  }
0x478: {  	s10 =	simm.s32 $0x3;
	v24 =	vmov s9;
	v25 =	vmov s29;
	v26 =	vmov s30;
	v15 =	vld.idx.msk [tilespmem:v15+s6+$0x0], $0xffff  }
0x479: {  	v27 =	vmov s10;
	vm2 =	vlt.u32 v25, v10;
	vm0 =	vmxor vm0, vm0  }
0x47a: {  	vm5 =	vlt.u32 v26, v10;
	v19 =	vsel vm0, $0xFFFFFFFF, v19;
	vm0 =	vlt.u32 v56, v10;
	v57 =	vld.idx.msk [tilespmem:v18+s7+$0x0], $0xffff  }
0x47b: {  	s31 =	simm.s32 $0x6;
	v58 =	vld.idx.msk [tilespmem:v20+s7+$0x0], $0xffff;
	vm3 =	vlt.f32 v12, v9;
	vm1 =	veq.f32 v12, v9;
	vm4 =	vlt.f32 v12, $5.000000080e+29  }
0x47c: {  	v14 =	vld.idx.msk [tilespmem:v14+s6+$0x0], $0xffff;
	v12 =	vmov s31;
	vm6 =	veq.s32 v21, v8;
	vm7 =	veq.s32 v16, v8  }
0x47d: {  	v17 =	vld.idx.msk [tilespmem:v11+s6+$0x0], $0xffff;
	vm10 =	veq.s32 v13, v8;
	vm12 =	vlt.f32 v15, $5.000000080e+29;
	vm15 =	vlt.f32 v15, v9  }
0x47e: {  	v28 =	vld.idx.msk [tilespmem:v11+s7+$0x0], $0xffff;
	vm0 =	vmand vm0, vm1;
	vm1 =	vlt.u32 v23, v10;
	v16 =	vsel vm7, $0xFFFFFFFF, v59  }
0x47f: {  	v11 =	vld.idx.msk [tilespmem:v18+s6+$0x0], $0xffff;
	vm7 =	vlt.u32 v24, v10;
	vm4 =	vmand vm4, vm10;
	vm6 =	vmand vm12, vm6  }
0x480: {  	[tilespmem:$0x1FCE0] =	vst v16;
	v16 =	vsel vm7, $0xFFFFFFFF, v60;
	vm7 =	vlt.u32 v12, v10;
	v12 =	vimm.s32 $0x0  }
0x481: {  	v62 =	vld.idx.msk [tilespmem:v22+s7+$0x0], $0xffff;
	vm10 =	vlt.f32 v14, v9;
	vm0 =	vmor vm3, vm0;
	v12 =	vsel vm6, $0xFFFFFFFF, v12  }
0x482: {  	vm14 =	vmand vm4, vm0;
	vm0 =	veq.s32 v57, v8;
	vm6 =	vlt.u32 v27, v10  }
0x483: {  	v13 =	vld.idx.msk [tilespmem:v20+s6+$0x0], $0xffff;
	vm8 =	vlt.f32 v17, $5.000000080e+29;
	vm9 =	veq.s32 v28, v8;
	vm3 =	veq.f32 v17, v9  }
0x484: {  	[tilespmem:$0x1FCF0] =	vst v16;
	vm4 =	veq.f32 v11, v9;
	v16 =	vsel vm0, $0xFFFFFFFF, v61;
	vm0 =	veq.s32 v58, v8  }
0x485: {  	[tilespmem:$0x1FD00] =	vst v12;
	v12 =	vld.idx.msk [tilespmem:v22+s6+$0x0], $0xffff;
	vm3 =	vmand vm5, vm3;
	vm5 =	vlt.f32 v17, v9;
	vm13 =	vmand vm7, vm4  }
0x486: {  	vm4 =	vlt.f32 v11, $5.000000080e+29;
	vm7 =	veq.s32 v62, v8;
	vm3 =	vmor vm5, vm3  }
0x487: {  	v17 =	vsel vm4, $0xFFFFFFFF, v63;
	vm4 =	vmand vm8, vm9;
	vm5 =	veq.f32 v14, v9  }
0x488: {  	[tilespmem:$0x1FCD0] =	vst v19;
	vm5 =	vmand vm2, vm5;
	vm2 =	veq.f32 v13, v9;
	vm12 =	vmand vm4, vm3  }
0x489: {  	[tilespmem:$0x1FD10] =	vst v16;
	vm3 =	vlt.f32 v14, $5.000000080e+29;
	vm4 =	vlt.f32 v13, v9;
	vm1 =	vmand vm1, vm2  }
0x48a: {  	s11 =	simm.s32 $0xD;
	s8 =	simm.s32 $0x1;
	[tilespmem:$0x1FD20] =	vst v17;
	vm2 =	veq.f32 v15, v9;
	vm8 =	veq.f32 v12, v9;
	vm9 =	vlt.f32 v12, $5.000000080e+29  }
.LBB2_21:
0x48b: {  	v20 =	vld [tilespmem:$0x1FCE0];
	_ =	sdelay $0x3  }
0x48c: {  	vm1 =	vmor vm4, vm1;
	vm4 =	vlt.f32 v11, v9;
	v11 =	vld [tilespmem:$0x1FD00]  }
0x48d: {  	vm6 =	vmand vm6, vm8;
	vm8 =	vnez.u8 v20  }
0x48e: {  	vm10 =	vmor vm10, vm5;
	vm11 =	vlt.f32 v13, $5.000000080e+29;
	v21 =	vld [tilespmem:$0x1FCF0];
	vm3 =	vmand vm3, vm8  }
0x48f: {  	vm0 =	vmand vm11, vm0;
	vm3 =	vmand vm3, vm10  }
0x490: {  	vm0 =	vmand vm0, vm1;
	vm3 =	vmor vm14, vm3  }
0x491: {  	vm0 =	vmor vm3, vm0;
	vm3 =	vnez.u8 v11;
	v11 =	vld [tilespmem:$0x1FD10]  }
0x492: {  	s12 =	sshll.u32 s8, $0x4  }
0x493: {  	v13 =	vmov s12;
	vm8 =	vnez.u8 v21  }
0x494: {  	v15 =	vor.u32 $0x1, v13;
	vm2 =	vmand vm8, vm2  }
0x495: {  	v18 =	vor.u32 $0x4, v13;
	v19 =	vor.u32 $0x5, v13;
	vm2 =	vmor vm15, vm2  }
0x496: {  	vm2 =	vmand vm3, vm2;
	vm3 =	vmor vm4, vm13;
	vm4 =	vnez.u8 v11;
	v11 =	vld [tilespmem:$0x1FD20];
	_ =	sdelay $0x1  }
0x497: {  	vm5 =	vmand vm9, vm7;
	v57 =	vld.idx.msk [tilespmem:v13+s6+$0x0], $0xffff  }
0x498: {  	s13 =	sadd.s32 $0xFFFFFFFA, s11;
	s10 =	smov.u32 s11;
	vm7 =	vlt.f32 v12, v9;
	v62 =	vimm.s32 $0x0;
	v63 =	vimm.s32 $0x0;
	v22 =	vld.idx.msk [tilespmem:v15+s7+$0x0], $0xffff  }
0x499: {  	v14 =	vmov s13;
	v60 =	vmov s10;
	vm1 =	vmor vm7, vm6;
	v25 =	vld.idx.msk [tilespmem:v18+s6+$0x0], $0xffff  }
0x49a: {  	v16 =	vor.u32 $0x2, v13;
	vm1 =	vmand vm5, vm1;
	v27 =	vld.idx.msk [tilespmem:v19+s7+$0x0], $0xffff;
	vm5 =	vnez.u8 v11  }
0x49b: {  	s26 =	sadd.s32 $0xFFFFFFFC, s10;
	s28 =	sadd.s32 $0xFFFFFFFF, s10;
	s29 =	sadd.s32 $0xFFFFFFFB, s10;
	v17 =	vor.u32 $0x3, v13;
	vm4 =	vmand vm5, vm4;
	vm5 =	vlt.u32 v14, v10;
	v14 =	vld.idx.msk [tilespmem:v18+s7+$0x0], $0xffff  }
0x49c: {  	s30 =	sadd.s32 $0xFFFFFFFE, s10;
	v12 =	vmov s26;
	v56 =	vmov s28;
	v23 =	vmov s29;
	v58 =	vld.idx.msk [tilespmem:v19+s6+$0x0], $0xffff  }
0x49d: {  	s31 =	sadd.s32 $0xFFFFFFFD, s10;
	v24 =	vmov s30;
	v26 =	vor.u32 $0x6, v13;
	vm1 =	vmor vm0, vm1  }
0x49e: {  	v28 =	vmov s31;
	vm0 =	vlt.f32 v57, v9;
	vm1 =	vmor vm1, vm12  }
0x49f: {  	vm1 =	vmor vm1, vm2;
	vm2 =	vlt.u32 v23, v10;
	vm7 =	veq.s32 v27, v8  }
0x4a0: {  	vm8 =	veq.s32 v22, v8;
	vm9 =	vlt.f32 v25, $5.000000080e+29;
	vm10 =	veq.s32 v14, v8;
	v14 =	vld [tilespmem:$0x1FCD0]  }
0x4a1: {  	vm12 =	vlt.f32 v58, $5.000000080e+29;
	vm3 =	vmand vm4, vm3;
	vm4 =	veq.f32 v57, v9  }
0x4a2: {  	v13 =	vld.idx.msk [tilespmem:v13+s7+$0x0], $0xffff;
	vm15 =	vlt.f32 v58, v9;
	vm4 =	vmand vm5, vm4;
	vm5 =	vlt.f32 v57, $5.000000080e+29  }
0x4a3: {  	vm6 =	vmor vm1, vm3;
	vm1 =	vlt.u32 v12, v10;
	v12 =	vimm.s32 $0x0  }
0x4a4: {  	v59 =	vld.idx.msk [tilespmem:v26+s7+$0x0], $0xffff;
	vm3 =	vlt.u32 v24, v10;
	v12 =	vsel vm8, $0xFFFFFFFF, v12;
	vm8 =	vlt.u32 v56, v10  }
0x4a5: {  	v11 =	vld.idx.msk [tilespmem:v26+s6+$0x0], $0xffff;
	vm0 =	vmor vm0, vm4;
	[tilespmem:$0x1FCE0] =	vst v12;
	v12 =	vimm.s32 $0x0;
	vm11 =	vnez.u8 v14  }
0x4a6: {  	v61 =	vld.idx.msk [tilespmem:v16+s7+$0x0], $0xffff;
	v12 =	vsel vm8, $0xFFFFFFFF, v12;
	v14 =	vimm.s32 $0x0;
	vm11 =	vmor vm11, vm6  }
0x4a7: {  	v15 =	vld.idx.msk [tilespmem:v15+s6+$0x0], $0xffff;
	vm8 =	vlt.u32 v60, v10;
	vm6 =	veq.s32 v13, v8;
	v14 =	vsel vm11, $0xFFFFFFFF, v14  }
0x4a8: {  	[tilespmem:$0x1FCF0] =	vst v12;
	v12 =	vld.idx.msk [tilespmem:v17+s6+$0x0], $0xffff;
	vm11 =	veq.f32 v25, v9;
	vm4 =	vmand vm5, vm6;
	vm5 =	vmand vm12, vm7  }
0x4a9: {  	vm7 =	vlt.f32 v25, v9;
	vm6 =	vlt.u32 v28, v10;
	[tilespmem:$0x1FCD0] =	vst v14;
	v14 =	vimm.s32 $0x0  }
0x4aa: {  	vm14 =	vmand vm4, vm0;
	vm4 =	veq.f32 v11, v9;
	vm0 =	veq.s32 v59, v8  }
0x4ab: {  	v13 =	vld.idx.msk [tilespmem:v16+s6+$0x0], $0xffff;
	v14 =	vsel vm5, $0xFFFFFFFF, v14;
	v16 =	vsel vm0, $0xFFFFFFFF, v62;
	vm0 =	veq.s32 v61, v8  }
0x4ac: {  	p0 =	sne.s32 s11, $0x6F;
	vm5 =	vlt.f32 v11, $5.000000080e+29;
	vm13 =	vmand vm8, vm4;
	vm4 =	vmand vm9, vm10;
	[tilespmem:$0x1FD00] =	vst v14;
	v14 =	vld.idx.msk [tilespmem:v17+s7+$0x0], $0xffff  }
.Ltmp10:
0x4ad: {  	vm8 =	veq.f32 v12, v9;
	[tilespmem:$0x1FD10] =	vst v16;
	v16 =	vsel vm5, $0xFFFFFFFF, v63;
	vm5 =	veq.f32 v15, v9;
	(pc) =	sbr.rel @p0 .LBB2_21-.Ltmp10, $4  }
0x4ae: {  	vm10 =	vlt.f32 v15, v9;
	vm5 =	vmand vm2, vm5;
	vm2 =	vmand vm3, vm11  }
0x4af: {  	vm9 =	vlt.f32 v12, $5.000000080e+29;
	vm3 =	vlt.f32 v15, $5.000000080e+29;
	vm2 =	vmor vm7, vm2  }
0x4b0: {  	s9 =	sadd.s32 $0x7, s11;
	vm7 =	veq.f32 v13, v9;
	vm12 =	vmand vm4, vm2;
	vm2 =	veq.f32 v58, v9  }
0x4b1: {  	s8 =	sadd.s32 $0x1, s8;
	s11 =	smov.u32 s9;
	[tilespmem:$0x1FD20] =	vst v16;
	vm1 =	vmand vm1, vm7;
	vm4 =	vlt.f32 v13, v9;
	vm7 =	veq.s32 v14, v8  }
0x4b2: {  	v10 =	vld [tilespmem:$0x1FCE0]  }
0x4b3: {  	v19 =	vld [tilespmem:$0x1FCF0]  }
0x4b4: {  	vm5 =	vmor vm10, vm5;
	v20 =	vld [tilespmem:$0x1FD00]  }
0x4b5: {  	vm6 =	vmand vm6, vm8;
	vm7 =	vmand vm9, vm7;
	vm1 =	vmor vm4, vm1;
	v22 =	vld [tilespmem:$0x1FF30]  }
0x4b6: {  	v21 =	vimm.f32 $0.0e+00;
	vm10 =	vlt.f32 v11, v9;
	v0 =	vadd.f32 $0.0e+00, v0  }
0x4b7: {  	v30 =	vimm.s32 $0xEFCDAB89;
	v31 =	vimm.s32 $0x67452301;
	v35 =	vimm.s32 $0xDCFE98BA  }
0x4b8: {  	v29 =	vld [tilespmem:$0x1FD30];
	v14 =	vimm.s32 $0x54761032;
	v41 =	vimm.s32 $0xBA98FEDC;
	vm8 =	vnez.u8 v10  }
0x4b9: {  	v27 =	vld [tilespmem:$0x1FDB0];
	vm11 =	vnez.u8 v19;
	vm9 =	vnez.u8 v20;
	vm3 =	vmand vm3, vm8  }
0x4ba: {  	v23 =	vld [tilespmem:$0x1FEB0];
	vm8 =	vlt.f32 v13, $5.000000080e+29;
	vm2 =	vmand vm11, vm2;
	vm11 =	vnez.u8 v22  }
0x4bb: {  	v24 =	vld [tilespmem:$0x1FD10];
	v13 =	vunpack.c.l.s4.s8 v31;
	vm0 =	vmand vm8, vm0;
	vm3 =	vmand vm3, vm5  }
0x4bc: {  	v26 =	vld [tilespmem:$0x1FE30];
	vm2 =	vmor vm15, vm2;
	v11 =	vsel vm11, $0x3F800000, v21;
	v0 =	vnsel vm11, $0x0, v0  }
0x4bd: {  	v25 =	vld [tilespmem:$0x1FD20];
	vm11 =	vnez.u8 v29;
	vm3 =	vmor vm14, vm3;
	vm14 =	vlt.f32 v12, v9  }
0x4be: {  	v28 =	vld [tilespmem:$0x1FCD0];
	vm0 =	vmand vm0, vm1;
	vm2 =	vmand vm9, vm2;
	vm9 =	vnez.u8 v27  }
0x4bf: {  	v34 =	vunpack.c.0.s8.s32 v13;
	vm15 =	vmor vm14, vm6;
	vm6 =	vnez.u8 v23  }
0x4c0: {  	v32 =	vld [tilespmem:$0x1FCC0];
	vm0 =	vmor vm3, vm0;
	vm3 =	vmor vm10, vm13;
	v12 =	vsel vm6, $0x3F800000, v21  }
0x4c1: {  	vm1 =	vmand vm7, vm15;
	vm15 =	vnez.u8 v26;
	v11 =	vadd.f32 v12, v11  }
0x4c2: {  	vm13 =	vnez.u8 v24;
	vm14 =	vnez.u8 v25;
	v12 =	vsel vm15, $0x3F800000, v21  }
0x4c3: {  	vm10 =	vnez.u8 v28;
	vm4 =	vmand vm14, vm13;
	v11 =	vadd.f32 v12, v11  }
0x4c4: {  	v3 =	vnsel vm6, $0x0, v3;
	vm0 =	vmor vm0, vm1;
	v12 =	vsel vm9, $0x3F800000, v21  }
0x4c5: {  	vm13 =	vnez.u8 v32;
	vm0 =	vmor vm0, vm12;
	v11 =	vadd.f32 v12, v11  }
0x4c6: {  	vm8 =	vmand vm4, vm3;
	vm0 =	vmor vm0, vm2;
	v12 =	vsel vm11, $0x3F800000, v21  }
0x4c7: {  	vm0 =	vmor vm0, vm8;
	v11 =	vadd.f32 v12, v11;
	v12 =	vunpack.c.l.s4.s8 v30  }
0x4c8: {  	v0 =	vadd.f32 v3, v0;
	v3 =	vsel vm13, $0x3F800000, v21;
	vm0 =	vmor vm10, vm0  }
0x4c9: {  	vm12 =	vlt.f32 v9, $5.000000080e+29;
	vm0 =	vmneg vm0;
	v33 =	vunpack.c.0.s8.s32 v12  }
0x4ca: {  	v36 =	vunpack.c.l.s4.s8 v35;
	vm0 =	vmand vm12, vm0;
	v3 =	vadd.f32 v3, v11  }
0x4cb: {  	v37 =	vunpack.c.l.s4.s8 v14;
	v10 =	vsel vm0, $0x3F800000, v21;
	v11 =	vcombine.low v34, v33  }
0x4cc: {  	v42 =	vimm.s32 $0x32107654;
	v50 =	vimm.s32 $0xFEDCBA98;
	v3 =	vadd.f32 v10, v3  }
0x4cd: {  	v39 =	vunpack.c.0.s8.s32 v36;
	v40 =	vunpack.c.0.s8.s32 v37;
	v38 =	vand.u32 $0xF, v11  }
0x4ce: {  	v44 =	vunpack.c.l.s4.s8 v41;
	v4 =	vnsel vm15, $0x0, v4;
	v43 =	vperm.xlane v3, v38  }
0x4cf: {  	v45 =	vunpack.c.l.s4.s8 v42;
	v0 =	vadd.f32 v4, v0;
	v10 =	vcombine.low v40, v39  }
0x4d0: {  	v48 =	vunpack.c.0.s8.s32 v44;
	v5 =	vnsel vm9, $0x0, v5;
	v3 =	vadd.f32 v43, v3  }
0x4d1: {  	v49 =	vunpack.c.0.s8.s32 v45;
	v0 =	vadd.f32 v5, v0;
	v47 =	vand.u32 $0xF, v10  }
0x4d2: {  	v52 =	vimm.s32 $0x76543210;
	v46 =	vnsel vm11, $0x0, v6;
	v51 =	vperm.xlane v3, v47  }
0x4d3: {  	v5 =	vunpack.c.l.s4.s8 v50;
	v0 =	vadd.f32 v46, v0;
	v10 =	vcombine.low v49, v48  }
0x4d4: {  	v7 =	vnsel vm13, $0x0, v7;
	v11 =	vunpack.c.l.s4.s8 v52;
	v3 =	vadd.f32 v51, v3  }
0x4d5: {  	v5 =	vunpack.c.0.s8.s32 v5;
	v0 =	vadd.f32 v7, v0;
	v53 =	vand.u32 $0xF, v10  }
0x4d6: {  	v54 =	vnsel vm0, $0x0, v9;
	v55 =	vunpack.c.0.s8.s32 v11;
	v56 =	vperm.xlane v3, v53  }
0x4d7: {  	v5 =	vand.u32 $0xF, v5;
	v0 =	vadd.f32 v54, v0  }
0x4d8: {  	v5 =	vcombine.low v5, v55;
	v3 =	vadd.f32 v56, v3  }
0x4d9: {  	v4 =	vperm.xlane v0, v38  }
0x4da: {  	v57 =	vperm.xlane v3, v5  }
0x4db: {  	v59 =	vlaneseq.u32;
	v0 =	vadd.f32 v4, v0  }
0x4dc: {  	vm14 =	vge.s32 v8, v1;
	vm15 =	vlt.s32 v8, v2;
	v58 =	vadd.f32 v57, v3  }
0x4dd: {  	v60 =	vsub.s32 v8, v1;
	vm1 =	vmand vm14, vm15;
	v4 =	vperm.xlane v0, v47  }
0x4de: {  	vm0 =	vmand vm1, vm0;
	v3 =	vmul.u32 $0x7, v59;
	v2 =	vmax.f32 v58, $1.000000000e+00  }
0x4df: {  	v1 =	vnsel vm0, $0x0, v60;
	v0 =	vadd.f32 v4, v0;
	(erf) = vrcp.f32 v2  }
0x4e0: {  	v61 =	vadd.s32 $0x6, v3  }
0x4e1: {  	v4 =	vperm.xlane v0, v53;
	_ =	sdelay $0x1  }
0x4e2: {  	s6 =	simm.s32 $0xF560;
	v0 =	vadd.f32 v4, v0;
	v3 =	vadd.s32 $0x7, v3  }
0x4e3: {  	s7 =	simm.s32 $0xF080;
	[tilespmem:v1+s6+$0x0] =	vst.idx.msk vm0, v3  }
0x4e4: {  	v62 =	vperm.xlane v0, v5;
	v2 =	vld.idx.msk [tilespmem:v61+s7+$0x0], $0xffff;
	_ =	sdelay $0x1  }
0x4e5: {  	v0 =	vadd.f32 v62, v0  }
0x4e6: {  	v63 =	vpop (erf)  }
0x4e7: {  	s30 =	simm.s32 $0xFA50;
	v0 =	vmul.f32 v63, v0  }
0x4e8: {  	s5 =	sshrl.u32 s5, $0x3;
	[tilespmem:v1+s30+$0x0] =	vst.idx.msk vm0, v2  }
0x4e9: {  	s8 =	simm.s32 $0x0;
	s31 =	simm.s32 $0x3;
	s3 =	sadd.s32 s3, s5;
	[tilespmem:$0xFF40] =	vst v0  }
0x4ea: {  	[hbm4b:s3+s8] =	stream.linear.scatter [tilespmem:s6], [sflag:$0x3], $0x4F0, $0x38;
	[tilespmem:$0xFF50] =	vst v63  }
0x4eb: {  	_ =	swait.ge [sflag:s31], $0x4F0  }
0x4ec: {  	[sflag:s31] =	ssyncset.done $0x0  }
0x4ed: {  	s2 =	sadd.s32 s2, s5;
	[sflag:s31] =	ssyncadd.s32 $0xFFFFFB10  }
0x4ee: {  	[hbm4b:s2+s8] =	stream.linear.scatter [tilespmem:s30], [sflag:$0x3], $0x4F0, $0x38;
	[tilespmem:$0xFF50] =	vst v63  }
0x4ef: {  	_ =	swait.ge [sflag:s31], $0x4F0  }
0x4f0: {  	[sflag:s31] =	ssyncset.done $0x0  }
0x4f1: {  	p0 =	sne.s32 s4, $0x0;
	[sflag:s31] =	ssyncadd.s32 $0xFFFFFB10  }
0x4f2: {  	_ =	sfence.sel @p0 $0x180000  }
0x4f3: {  	[bflag:$0x0] =	sbarrier.arrive @p0 $0xFFFF  }
0x4f4: {  	_ =	strace @p0 $0x90000047  }
0x4f5: {  	s3 =	simm.s32 @!p0 $0xFF40;
	s2 =	simm.s32 @!p0 $0x0;
	[bflag:$0x2] =	sbarrier.arrive @p0 $0xFFFF  }
0x4f6: {  	[hbm4b:s1+s2] =	stream.linear.scatter @!p0 [tilespmem:s3], [sflag:$0x3], $0x10, $0x38;
	[tilespmem:$0xFF50] =	vst v63  }
0x4f7: {  	s1 =	simm.s32 @!p0 $0x3  }
0x4f8: {  	_ =	swait.ge @!p0 [sflag:s1], $0x10  }
0x4f9: {  	[sflag:s1] =	ssyncset.done @!p0 $0x0  }
0x4fa: {  	[sflag:s1] =	ssyncadd.s32 @!p0 $0xFFFFFFF0  }
0x4fb: {  	_ =	sfence.sel @!p0 $0x180000  }
0x4fc: {  	[bflag:$0x0] =	sbarrier.arrive @!p0 $0xFFFF  }
0x4fd: {  	_ =	strace @!p0 $0x90000047  }
0x4fe: {  	s0 =	sadd.s32 @!p0 $0x100000, s0;
	[bflag:$0x2] =	sbarrier.arrive @!p0 $0xFFFF  }
0x4ff: {  	[sflag:s0] =	ssyncadd.tile.s32 @!p0 $0x1;
	_ =	shalt  }
.Lfunc_end2:
_tile_overlayer_lowered:
.L_overlay_start_2:
0x500: {  	(tag) =	ssettag $0x2  }
0x501: {  	s0 =	rddreg [dreg:$0x0];
	s2 =	stileid.u32  }
0x502: {  	s1 =	rddreg [dreg:$0x1];
	p0 =	sne.s32 s2, $0x0  }
0x503: {  	s3 =	rddreg [dreg:$0x2];
	[bflag:$0x3] =	sbarrier.arrive $0xFFFF;
	s2 =	simm.s32 @!p0 $0x1C03  }
0x504: {  	[timem:s3], [sflag:s2] =	dma.local @!p0 [hbm:s0], s1  }
0x505: {  	s0 =	simm.s32 @!p0 $0x3  }
0x506: {  	_ =	swait.ge @!p0 [sflag:s0], s1  }
0x507: {  	s1 =	ssub.s32 @!p0 $0x0, s1;
	[sflag:s0] =	ssyncset.done @!p0 $0x0  }
0x508: {  	[sflag:s0] =	ssyncadd.s32 @!p0 s1  }
0x509: {  	[bflag:$0x3] =	sbarrier.arrive $0xFFFF  }
0x50a: {  	_ =	shalt  }

</sc_bundles>
